<compile_context>
chip_gen: v7x
topology: tpu7x:2x2x1
jax: 0.10.2.dev20260603
libtpu: 0.0.44.dev20260713+nightly
codegen_flags: <defaults>
</compile_context>

<pallas_src>
import functools

import jax
import jax.numpy as jnp
from jax import lax
from jax.experimental import pallas as pl
from jax.experimental.pallas import tpu as pltpu
from jax.experimental.pallas import tpu_sc as plsc

_B = 1024
_M = 50
_D = 64
_LMEM = 7
_LQ = 19
_HOPS = 2

_NC = 2
_NS = 16
_NW = _NC * _NS

_N1 = _B * _M
_ROWS_W = _N1 // _NW
_CH = 80
_NCH = _ROWS_W // _CH
_TOK = _CH * _LMEM
_SUB = 40
_NSUB = _TOK // _SUB
_QROWS = _B // _NW
_QTOK = _QROWS * _LQ
_QNSUB = (_QTOK + _SUB - 1) // _SUB
_RBUF = _QNSUB * _SUB + 8


def _sc_body(tin, tout, tq, mem_pad, off_ext, q_pad, qoff_ext,
             sum_in, sum_out, sum_q,
             off_v, tok_v, rows_in, rows_out, res_in, res_out, res_q,
             sem_a, sem_b, sem_t):
    wid = lax.axis_index("s") * _NC + lax.axis_index("c")
    row0 = wid * _ROWS_W

    def chunk(ch, carry):
        base = pl.multiple_of(row0 + ch * _CH, 8)
        pltpu.sync_copy(off_ext.at[pl.ds(base, _CH + 8)], off_v.at[pl.ds(0, _CH + 8)])
        t0 = off_v[pl.ds(0, 16)][0]
        base_tok = pl.multiple_of((t0 // 8) * 8, 8)
        pltpu.sync_copy(mem_pad.at[pl.ds(base_tok, _RBUF)], tok_v)
        nrows = off_v[pl.ds(_CH - 8, 16)][8] - base_tok
        cps = [None] * (_NSUB + 1)
        for j in range(_NSUB + 1):
            @pl.when(j * _SUB < nrows)
            def _(j=j):
                cps[j] = (
                    pltpu.async_copy(
                        tin.at[tok_v.at[pl.ds(j * _SUB, _SUB)]],
                        rows_in.at[pl.ds(j * _SUB, _SUB)], sem_a),
                    pltpu.async_copy(
                        tout.at[tok_v.at[pl.ds(j * _SUB, _SUB)]],
                        rows_out.at[pl.ds(j * _SUB, _SUB)], sem_b),
                )
        for j in range(_NSUB + 1):
            @pl.when(j * _SUB < nrows)
            def _(j=j):
                cps[j][0].wait()
                cps[j][1].wait()

        def slot8(g, c2):
            va = off_v[pl.ds(g * 8, 16)]
            for i in range(8):
                s = va[i] - base_tok
                ln = va[i + 1] - va[i]
                r = g * 8 + i
                z = jnp.zeros((16,), jnp.float32)

                def tok(jj, a, s=s):
                    return (
                        tuple(a[c] + rows_in[s + jj, pl.ds(c * 16, 16)]
                              for c in range(_D // 16))
                        + tuple(a[_D // 16 + c] + rows_out[s + jj, pl.ds(c * 16, 16)]
                                for c in range(_D // 16))
                    )

                a = lax.fori_loop(0, ln, tok, (z,) * (2 * (_D // 16)))
                for c in range(_D // 16):
                    res_in[r, pl.ds(c * 16, 16)] = a[c]
                    res_out[r, pl.ds(c * 16, 16)] = a[_D // 16 + c]
            return c2

        lax.fori_loop(0, _CH // 8, slot8, 0)
        pltpu.sync_copy(res_in, sum_in.at[pl.ds(base, _CH)])
        pltpu.sync_copy(res_out, sum_out.at[pl.ds(base, _CH)])
        return carry

    lax.fori_loop(0, _NCH, chunk, 0)

    qbase = pl.multiple_of(wid * _QROWS, 8)
    pltpu.sync_copy(qoff_ext.at[pl.ds(qbase, _QROWS + 8)], off_v.at[pl.ds(0, _QROWS + 8)])
    qt0 = off_v[pl.ds(0, 16)][0]
    qbase_tok = pl.multiple_of((qt0 // 8) * 8, 8)
    pltpu.sync_copy(q_pad.at[pl.ds(qbase_tok, _RBUF)], tok_v)
    qnrows = off_v[pl.ds(_QROWS - 8, 16)][8] - qbase_tok
    qcps = [None] * _QNSUB
    for j in range(_QNSUB):
        @pl.when(j * _SUB < qnrows)
        def _(j=j):
            qcps[j] = pltpu.async_copy(
                tq.at[tok_v.at[pl.ds(j * _SUB, _SUB)]],
                rows_in.at[pl.ds(j * _SUB, _SUB)], sem_a)
    for j in range(_QNSUB):
        @pl.when(j * _SUB < qnrows)
        def _(j=j):
            qcps[j].wait()

    def qslot8(g, c2):
        va = off_v[pl.ds(g * 8, 16)]
        for i in range(8):
            s = va[i] - qbase_tok
            ln = va[i + 1] - va[i]
            r = g * 8 + i
            z = jnp.zeros((16,), jnp.float32)

            def qtok(jj, a, s=s):
                return tuple(a[c] + rows_in[s + jj, pl.ds(c * 16, 16)]
                             for c in range(_D // 16))

            a = lax.fori_loop(0, ln, qtok, (z,) * (_D // 16))
            for c in range(_D // 16):
                res_q[r, pl.ds(c * 16, 16)] = a[c]
        return c2

    lax.fori_loop(0, _QROWS // 8, qslot8, 0)
    pltpu.sync_copy(res_q, sum_q.at[pl.ds(qbase, _QROWS)])


def _sc_pool(T_in, T_out, T_query, mem_pad, off_ext, q_pad, qoff_ext):
    f = pl.kernel(
        _sc_body,
        out_type=(
            jax.ShapeDtypeStruct((_N1, _D), jnp.float32),
            jax.ShapeDtypeStruct((_N1, _D), jnp.float32),
            jax.ShapeDtypeStruct((_B, _D), jnp.float32),
        ),
        mesh=plsc.VectorSubcoreMesh(core_axis_name="c", subcore_axis_name="s"),
        scratch_types=[
            pltpu.VMEM((_CH + 24,), jnp.int32),
            pltpu.VMEM((_RBUF,), jnp.int32),
            pltpu.VMEM((_RBUF, _D), jnp.float32),
            pltpu.VMEM(((_NSUB + 1) * _SUB + 8, _D), jnp.float32),
            pltpu.VMEM((_CH, _D), jnp.float32),
            pltpu.VMEM((_CH, _D), jnp.float32),
            pltpu.VMEM((_QROWS, _D), jnp.float32),
            pltpu.SemaphoreType.DMA,
            pltpu.SemaphoreType.DMA,
            pltpu.SemaphoreType.DMA,
        ],
        compiler_params=pltpu.CompilerParams(use_tc_tiling_on_sc=False),
    )
    return f(T_in, T_out, T_query, mem_pad, off_ext, q_pad, qoff_ext)


def _hops_body(ml_ref, ql_ref, w_ref, sin_ref, sout_ref, sq_ref, out_ref):
    f32 = jnp.float32
    ml = ml_ref[...]
    inv_m = 1.0 / jnp.maximum(ml, 1).astype(f32)
    in_mem = sin_ref[...] * inv_m[:, :, None]
    out_mem = sout_ref[...] * inv_m[:, :, None]
    q = sq_ref[...] * (1.0 / jnp.maximum(ql_ref[...], 1).astype(f32))
    w = w_ref[...]
    valid = ml != 0
    neg = jnp.float32(-1e20)
    for _ in range(_HOPS):
        att = jnp.sum(in_mem * q[:, None, :], axis=2)
        att = jnp.where(valid, att, neg)
        att = att - jnp.max(att, axis=1, keepdims=True)
        p = jnp.exp(att)
        p = p / jnp.sum(p, axis=1, keepdims=True)
        mem_out = jnp.sum(p[:, :, None] * out_mem, axis=1)
        q = mem_out + lax.dot_general(q, w, (((1,), (1,)), ((), ())),
                                      preferred_element_type=f32)
    out_ref[...] = q


def _hops(memory_lengths, query_lengths2, W, sum_in, sum_out, sum_q):
    bb = 128
    return pl.pallas_call(
        _hops_body,
        grid=(_B // bb,),
        in_specs=[
            pl.BlockSpec((bb, _M), lambda i: (i, 0)),
            pl.BlockSpec((bb, 1), lambda i: (i, 0)),
            pl.BlockSpec((_D, _D), lambda i: (0, 0)),
            pl.BlockSpec((bb, _M, _D), lambda i: (i, 0, 0)),
            pl.BlockSpec((bb, _M, _D), lambda i: (i, 0, 0)),
            pl.BlockSpec((bb, _D), lambda i: (i, 0)),
        ],
        out_specs=pl.BlockSpec((bb, _D), lambda i: (i, 0)),
        out_shape=jax.ShapeDtypeStruct((_B, _D), jnp.float32),
    )(memory_lengths, query_lengths2, W, sum_in, sum_out, sum_q)


def kernel(memories, queries, memory_lengths, query_lengths, T_query, T_in, T_out, W):
    memories = memories.astype(jnp.int32)
    queries = queries.astype(jnp.int32)

    fl = memory_lengths.reshape(-1).astype(jnp.int32)
    csum = jnp.cumsum(fl)
    off_ext = jnp.concatenate([jnp.zeros((1,), jnp.int32), csum,
                               jnp.full((8,), csum[-1], jnp.int32)])
    mem_pad = jnp.concatenate([memories, jnp.zeros((_RBUF,), jnp.int32)])

    qfl = query_lengths.astype(jnp.int32)
    qcsum = jnp.cumsum(qfl)
    qoff_ext = jnp.concatenate([jnp.zeros((1,), jnp.int32), qcsum,
                                jnp.full((8,), qcsum[-1], jnp.int32)])
    q_pad = jnp.concatenate([queries, jnp.zeros((_RBUF,), jnp.int32)])

    sum_in, sum_out, sum_q = _sc_pool(T_in, T_out, T_query,
                                      mem_pad, off_ext, q_pad, qoff_ext)

    return _hops(
        memory_lengths.astype(jnp.int32),
        qfl[:, None],
        W,
        sum_in.reshape(_B, _M, _D),
        sum_out.reshape(_B, _M, _D),
        sum_q,
    )

# --- scband reference (transcript-rebuilt; emitter-appended) ---
"""Pipeline reference for scband-mem-nn-85744727097469 (READ-ONLY COPY).

The authoritative reference and input builder live on the scoring server;
editing this copy changes nothing except your own understanding.
"""

import jax, jax.numpy as jnp
import numpy as np

B = 1024
M = 50
D = 64
V = 100000
LMEM = 7
LQ = 19
HOPS = 2


def _embed(table, lengths, indices, Lmax):
    # lengths: [R, C] int; indices: flat int vector packed row-major by (r, c)
    R, C = lengths.shape
    fl = lengths.reshape(-1)
    off = jnp.cumsum(fl) - fl  # exclusive prefix sum (packing offsets)
    pos = off[:, None] + jnp.arange(Lmax)[None, :]
    mask = jnp.arange(Lmax)[None, :] < fl[:, None]
    idx = jnp.where(mask, indices[jnp.clip(pos, 0, indices.shape[0] - 1)], 0)
    emb = table[idx]  # [R*C, Lmax, D]  (row 0 of table is the zero padding row)
    emb = emb * mask[:, :, None].astype(table.dtype)
    s = emb.sum(axis=1) / jnp.maximum(fl, 1).astype(table.dtype)[:, None]
    return s.reshape(R, C, D)


def setup_inputs(seed: int = 0) -> dict:
    key = jax.random.key(seed)
    ks = jax.random.split(key, 8)
    memory_lengths = jax.random.randint(ks[0], (B, M), 0, LMEM + 1)
    query_lengths = jax.random.randint(ks[1], (B,), 0, LQ + 1)
    memories = jax.random.randint(ks[2], (B * M * LMEM,), 0, V)
    queries = jax.random.randint(ks[3], (B * (LQ + 1),), 0, V)
    T_query = (jax.random.normal(ks[4], (V, D), dtype=jnp.float32) * 0.02).at[0].set(0.0)
    T_in = (jax.random.normal(ks[5], (V, D), dtype=jnp.float32) * 0.02).at[0].set(0.0)
    T_out = (jax.random.normal(ks[6], (V, D), dtype=jnp.float32) * 0.02).at[0].set(0.0)
    W = jax.random.normal(ks[7], (D, D), dtype=jnp.float32) * 0.1
    return {
        "memories": memories,
        "queries": queries,
        "memory_lengths": memory_lengths,
        "query_lengths": query_lengths,
        "T_query": T_query,
        "T_in": T_in,
        "T_out": T_out,
        "W": W,
    }


def reference(memories, queries, memory_lengths, query_lengths, T_query, T_in, T_out, W):
    in_mem = _embed(T_in, memory_lengths, memories, LMEM)    # [B, M, D]
    out_mem = _embed(T_out, memory_lengths, memories, LMEM)  # [B, M, D]
    q = _embed(T_query, query_lengths[None, :], queries, LQ)[0]  # [B, D]
    mask = (memory_lengths != 0).astype(jnp.float32)  # [B, M]
    for _ in range(HOPS):
        att = jnp.einsum('bmd,bd->bm', in_mem, q)
        att = mask * att + (1.0 - mask) * (-1e20)
        probs = jax.nn.softmax(att, axis=1)
        mem_out = jnp.einsum('bm,bmd->bd', probs, out_mem)
        q = mem_out + q @ W.T
    return q

if __name__ == "__main__":
    import jax
    _d = setup_inputs()
    print(jax.jit(kernel)(*tuple(_d.values())))

</pallas_src>

<mosaic_0001>
#map = affine_map<(d0, d1) -> (0, 0)>
#map1 = affine_map<(d0, d1) -> (0)>
module attributes {stable_mosaic.version = 14 : i64} {
  func.func @_sc_body(%arg0: i32, %arg1: i32, %arg2: memref<100000x64xf32, #tpu.memory_space<hbm>>, %arg3: memref<100000x64xf32, #tpu.memory_space<hbm>>, %arg4: memref<100000x64xf32, #tpu.memory_space<hbm>>, %arg5: memref<359048xi32, #tpu.memory_space<hbm>>, %arg6: memref<51209xi32, #tpu.memory_space<hbm>>, %arg7: memref<21128xi32, #tpu.memory_space<hbm>>, %arg8: memref<1033xi32, #tpu.memory_space<hbm>>, %arg9: memref<51200x64xf32, #tpu.memory_space<hbm>>, %arg10: memref<51200x64xf32, #tpu.memory_space<hbm>>, %arg11: memref<1024x64xf32, #tpu.memory_space<hbm>>, %arg12: memref<104xi32, #tpu.memory_space<vmem>>, %arg13: memref<648xi32, #tpu.memory_space<vmem>>, %arg14: memref<648x64xf32, #tpu.memory_space<vmem>>, %arg15: memref<608x64xf32, #tpu.memory_space<vmem>>, %arg16: memref<80x64xf32, #tpu.memory_space<vmem>>, %arg17: memref<80x64xf32, #tpu.memory_space<vmem>>, %arg18: memref<32x64xf32, #tpu.memory_space<vmem>>, %arg19: memref<!tpu.dma_semaphore, #tpu.memory_space<semaphore_mem>>, %arg20: memref<!tpu.dma_semaphore, #tpu.memory_space<semaphore_mem>>, %arg21: memref<!tpu.dma_semaphore, #tpu.memory_space<semaphore_mem>>) attributes {dimension_semantics = [#tpu.dimension_semantics<core_parallel>, #tpu.dimension_semantics<subcore_parallel>], iteration_bounds = array<i64: 2, 16>, scalar_prefetch = 0 : i64, scratch_operands = 10 : i64, tpu.core_type = #tpu.core_type<sc_vector_subcore>, window_params = [{transform_indices = #map}, {transform_indices = #map}, {transform_indices = #map}, {transform_indices = #map1}, {transform_indices = #map1}, {transform_indices = #map1}, {transform_indices = #map1}, {transform_indices = #map}, {transform_indices = #map}, {transform_indices = #map}]} {
    %mul3A = arith.constant 2 : i32
    %mul3A_0 = arith.muli %arg1, %mul3A : i32
    %add3A = arith.addi %mul3A_0, %arg0 : i32
    %mul3A_1 = arith.constant 1600 : i32
    %mul3A_2 = arith.muli %add3A, %mul3A_1 : i32
    %scan3A = arith.constant 0 : i32
    %scan3A_3 = arith.constant 0 : i32
    %scan3A_4 = arith.constant 20 : i32
    %scan3A_5 = arith.addi %scan3A_3, %scan3A_4 : i32
    %scan3A_6 = arith.constant 1 : i32
    scf.for %scan3A_200 = %scan3A_3 to %scan3A_5 step %scan3A_6  : i32 {
      %mul3A_201 = arith.constant 80 : i32
      %mul3A_202 = arith.muli %scan3A_200, %mul3A_201 : i32
      %add3A_203 = arith.addi %mul3A_2, %mul3A_202 : i32
      %multiple_of3A_204 = tpu.assume_multiple %add3A_203, 8 : i32
      "tpu.region"() ({
        %run_scoped3A = tpu.sem_alloc : memref<!tpu.dma_semaphore, #tpu.memory_space<semaphore_mem>>
        %dma_start3A = arith.constant 0 : i32
        %dma_start3A_399 = tpu.memref_slice %arg12[%dma_start3A] : memref<104xi32, #tpu.memory_space<vmem>> -> memref<88xi32, #tpu.memory_space<vmem>>
        %dma_start3A_400 = tpu.memref_slice %arg6[%multiple_of3A_204] : memref<51209xi32, #tpu.memory_space<hbm>> -> memref<88xi32, #tpu.memory_space<hbm>>
        %dma_start3A_401 = arith.constant 0 : i32
        %dma_start3A_402 = tpu.memref_slice %arg12[%dma_start3A_401] : memref<104xi32, #tpu.memory_space<vmem>> -> memref<88xi32, #tpu.memory_space<vmem>>
        %dma_start3A_403 = tpu.memref_slice %arg6[%multiple_of3A_204] : memref<51209xi32, #tpu.memory_space<hbm>> -> memref<88xi32, #tpu.memory_space<hbm>>
        tpu.enqueue_dma source(%dma_start3A_403 : memref<88xi32, #tpu.memory_space<hbm>>) target(%dma_start3A_402 : memref<88xi32, #tpu.memory_space<vmem>>) target_semaphore(%run_scoped3A : memref<!tpu.dma_semaphore, #tpu.memory_space<semaphore_mem>>)
        %dma_wait3A = arith.constant 0 : i32
        %dma_wait3A_404 = tpu.memref_slice %arg12[%dma_wait3A] : memref<104xi32, #tpu.memory_space<vmem>> -> memref<88xi32, #tpu.memory_space<vmem>>
        %dma_wait3A_405 = tpu.memref_slice %arg6[%multiple_of3A_204] : memref<51209xi32, #tpu.memory_space<hbm>> -> memref<88xi32, #tpu.memory_space<hbm>>
        %dma_wait3A_406 = arith.constant 0 : i32
        %dma_wait3A_407 = tpu.memref_slice %arg12[%dma_wait3A_406] : memref<104xi32, #tpu.memory_space<vmem>> -> memref<88xi32, #tpu.memory_space<vmem>>
        %dma_wait3A_408 = tpu.memref_slice %arg6[%multiple_of3A_204] : memref<51209xi32, #tpu.memory_space<hbm>> -> memref<88xi32, #tpu.memory_space<hbm>>
        tpu.wait_dma2 semaphore(%run_scoped3A : memref<!tpu.dma_semaphore, #tpu.memory_space<semaphore_mem>>) src(%dma_wait3A_408 : memref<88xi32, #tpu.memory_space<hbm>>) dst(%dma_wait3A_407 : memref<88xi32, #tpu.memory_space<vmem>>)
        tpu.yield
      }) : () -> ()
      %get3A_205 = arith.constant 0 : index
      %get3A_206 = tpu.vector_load %arg12[%get3A_205] {strides = array<i32>} : memref<104xi32, #tpu.memory_space<vmem>>, vector<16xi32>,
      %get3A_207 = vector.shape_cast %get3A_206 : vector<16xi32> to vector<16xi32>
      %slice3A_208 = vector.extract_strided_slice %get3A_207 {offsets = [0], sizes = [1], strides = [1]} : vector<16xi32> to vector<1xi32>
      %squeeze3A_209 = vector.extract %slice3A_208[0] : i32 from vector<1xi32>
      %jit3A_210 = arith.constant 8 : i32
      %div3A_211 = arith.divsi %squeeze3A_209, %jit3A_210 : i32
      %sign3A_212 = arith.constant 0 : i32
      %sign3A_213 = arith.cmpi sgt, %squeeze3A_209, %sign3A_212 : i32
      %sign3A_214 = arith.extui %sign3A_213 : i1 to i32
      %sign3A_215 = arith.constant 0 : i32
      %sign3A_216 = arith.cmpi slt, %squeeze3A_209, %sign3A_215 : i32
      %sign3A_217 = arith.extui %sign3A_216 : i1 to i32
      %sign3A_218 = arith.subi %sign3A_214, %sign3A_217 : i32
      %sign3A_219 = arith.constant 0 : i32
      %sign3A_220 = arith.cmpi sgt, %jit3A_210, %sign3A_219 : i32
      %sign3A_221 = arith.extui %sign3A_220 : i1 to i32
      %sign3A_222 = arith.constant 0 : i32
      %sign3A_223 = arith.cmpi slt, %jit3A_210, %sign3A_222 : i32
      %sign3A_224 = arith.extui %sign3A_223 : i1 to i32
      %sign3A_225 = arith.subi %sign3A_221, %sign3A_224 : i32
      %ne3A_226 = arith.cmpi ne, %sign3A_218, %sign3A_225 : i32
      %rem3A_227 = arith.remsi %squeeze3A_209, %jit3A_210 : i32
      %ne3A_228 = arith.constant 0 : i32
      %ne3A_229 = arith.cmpi ne, %rem3A_227, %ne3A_228 : i32
      %and3A_230 = arith.andi %ne3A_226, %ne3A_229 : i1
      %sub3A_231 = arith.constant 1 : i32
      %sub3A_232 = arith.subi %div3A_211, %sub3A_231 : i32
      %select_n3A_233 = arith.select %and3A_230, %sub3A_232, %div3A_211 : i32
      %mul3A_234 = arith.constant 8 : i32
      %mul3A_235 = arith.muli %select_n3A_233, %mul3A_234 : i32
      %multiple_of3A_236 = tpu.assume_multiple %mul3A_235, 8 : i32
      "tpu.region"() ({
        %run_scoped3A = tpu.sem_alloc : memref<!tpu.dma_semaphore, #tpu.memory_space<semaphore_mem>>
        %dma_start3A = tpu.memref_slice %arg5[%multiple_of3A_236] : memref<359048xi32, #tpu.memory_space<hbm>> -> memref<648xi32, #tpu.memory_space<hbm>>
        %dma_start3A_399 = tpu.memref_slice %arg5[%multiple_of3A_236] : memref<359048xi32, #tpu.memory_space<hbm>> -> memref<648xi32, #tpu.memory_space<hbm>>
        tpu.enqueue_dma source(%dma_start3A_399 : memref<648xi32, #tpu.memory_space<hbm>>) target(%arg13 : memref<648xi32, #tpu.memory_space<vmem>>) target_semaphore(%run_scoped3A : memref<!tpu.dma_semaphore, #tpu.memory_space<semaphore_mem>>)
        %dma_wait3A = tpu.memref_slice %arg5[%multiple_of3A_236] : memref<359048xi32, #tpu.memory_space<hbm>> -> memref<648xi32, #tpu.memory_space<hbm>>
        %dma_wait3A_400 = tpu.memref_slice %arg5[%multiple_of3A_236] : memref<359048xi32, #tpu.memory_space<hbm>> -> memref<648xi32, #tpu.memory_space<hbm>>
        tpu.wait_dma2 semaphore(%run_scoped3A : memref<!tpu.dma_semaphore, #tpu.memory_space<semaphore_mem>>) src(%dma_wait3A_400 : memref<648xi32, #tpu.memory_space<hbm>>) dst(%arg13 : memref<648xi32, #tpu.memory_space<vmem>>)
        tpu.yield
      }) : () -> ()
      %get3A_237 = arith.constant 72 : index
      %get3A_238 = tpu.vector_load %arg12[%get3A_237] {strides = array<i32>} : memref<104xi32, #tpu.memory_space<vmem>>, vector<16xi32>,
      %get3A_239 = vector.shape_cast %get3A_238 : vector<16xi32> to vector<16xi32>
      %slice3A_240 = vector.extract_strided_slice %get3A_239 {offsets = [8], sizes = [1], strides = [1]} : vector<16xi32> to vector<1xi32>
      %squeeze3A_241 = vector.extract %slice3A_240[0] : i32 from vector<1xi32>
      %sub3A_242 = arith.subi %squeeze3A_241, %multiple_of3A_236 : i32
      %gt3A_243 = arith.constant 0 : i32
      %gt3A_244 = arith.cmpi sgt, %sub3A_242, %gt3A_243 : i32
      %convert_element_type3A_245 = arith.extui %gt3A_244 : i1 to i32
      %cond3A_246 = arith.constant 0 : i32
      %cond3A_247 = arith.cmpi ne, %convert_element_type3A_245, %cond3A_246 : i32
      scf.if %cond3A_247 {
        %dma_start3A = arith.constant 0 : i32
        %dma_start3A_399 = arith.constant 0 : i32
        %dma_start3A_400 = tpu.memref_slice %arg14[%dma_start3A, %dma_start3A_399] : memref<648x64xf32, #tpu.memory_space<vmem>> -> memref<40x64xf32, #tpu.memory_space<vmem>>
        %dma_start3A_401 = arith.constant 0 : i32
        %dma_start3A_402 = tpu.memref_slice %arg13[%dma_start3A_401] : memref<648xi32, #tpu.memory_space<vmem>> -> memref<40xi32, #tpu.memory_space<vmem>>
        %dma_start3A_403 = arith.constant 0 : i32
        %dma_start3A_404 = arith.constant 0 : i32
        %dma_start3A_405 = tpu.memref_slice %arg2[%dma_start3A_403, %dma_start3A_404] : memref<100000x64xf32, #tpu.memory_space<hbm>> -> memref<100000x64xf32, #tpu.memory_space<hbm>>
        tpu.enqueue_indirect_dma source(%dma_start3A_405 : memref<100000x64xf32, #tpu.memory_space<hbm>>) target(%dma_start3A_400 : memref<40x64xf32, #tpu.memory_space<vmem>>) offsets(%dma_start3A_402 : memref<40xi32, #tpu.memory_space<vmem>>) semaphore(%arg19 : memref<!tpu.dma_semaphore, #tpu.memory_space<semaphore_mem>>)
        %dma_start3A_406 = arith.constant 0 : i32
        %dma_start3A_407 = arith.constant 0 : i32
        %dma_start3A_408 = tpu.memref_slice %arg15[%dma_start3A_406, %dma_start3A_407] : memref<608x64xf32, #tpu.memory_space<vmem>> -> memref<40x64xf32, #tpu.memory_space<vmem>>
        %dma_start3A_409 = arith.constant 0 : i32
        %dma_start3A_410 = tpu.memref_slice %arg13[%dma_start3A_409] : memref<648xi32, #tpu.memory_space<vmem>> -> memref<40xi32, #tpu.memory_space<vmem>>
        %dma_start3A_411 = arith.constant 0 : i32
        %dma_start3A_412 = arith.constant 0 : i32
        %dma_start3A_413 = tpu.memref_slice %arg3[%dma_start3A_411, %dma_start3A_412] : memref<100000x64xf32, #tpu.memory_space<hbm>> -> memref<100000x64xf32, #tpu.memory_space<hbm>>
        tpu.enqueue_indirect_dma source(%dma_start3A_413 : memref<100000x64xf32, #tpu.memory_space<hbm>>) target(%dma_start3A_408 : memref<40x64xf32, #tpu.memory_space<vmem>>) offsets(%dma_start3A_410 : memref<40xi32, #tpu.memory_space<vmem>>) semaphore(%arg20 : memref<!tpu.dma_semaphore, #tpu.memory_space<semaphore_mem>>)
      } else {
      }
      %gt3A_248 = arith.constant 40 : i32
      %gt3A_249 = arith.cmpi sgt, %sub3A_242, %gt3A_248 : i32
      %convert_element_type3A_250 = arith.extui %gt3A_249 : i1 to i32
      %cond3A_251 = arith.constant 0 : i32
      %cond3A_252 = arith.cmpi ne, %convert_element_type3A_250, %cond3A_251 : i32
      scf.if %cond3A_252 {
        %dma_start3A = arith.constant 40 : i32
        %dma_start3A_399 = arith.constant 0 : i32
        %dma_start3A_400 = tpu.memref_slice %arg14[%dma_start3A, %dma_start3A_399] : memref<648x64xf32, #tpu.memory_space<vmem>> -> memref<40x64xf32, #tpu.memory_space<vmem>>
        %dma_start3A_401 = arith.constant 40 : i32
        %dma_start3A_402 = tpu.memref_slice %arg13[%dma_start3A_401] : memref<648xi32, #tpu.memory_space<vmem>> -> memref<40xi32, #tpu.memory_space<vmem>>
        %dma_start3A_403 = arith.constant 0 : i32
        %dma_start3A_404 = arith.constant 0 : i32
        %dma_start3A_405 = tpu.memref_slice %arg2[%dma_start3A_403, %dma_start3A_404] : memref<100000x64xf32, #tpu.memory_space<hbm>> -> memref<100000x64xf32, #tpu.memory_space<hbm>>
        tpu.enqueue_indirect_dma source(%dma_start3A_405 : memref<100000x64xf32, #tpu.memory_space<hbm>>) target(%dma_start3A_400 : memref<40x64xf32, #tpu.memory_space<vmem>>) offsets(%dma_start3A_402 : memref<40xi32, #tpu.memory_space<vmem>>) semaphore(%arg19 : memref<!tpu.dma_semaphore, #tpu.memory_space<semaphore_mem>>)
        %dma_start3A_406 = arith.constant 40 : i32
        %dma_start3A_407 = arith.constant 0 : i32
        %dma_start3A_408 = tpu.memref_slice %arg15[%dma_start3A_406, %dma_start3A_407] : memref<608x64xf32, #tpu.memory_space<vmem>> -> memref<40x64xf32, #tpu.memory_space<vmem>>
        %dma_start3A_409 = arith.constant 40 : i32
        %dma_start3A_410 = tpu.memref_slice %arg13[%dma_start3A_409] : memref<648xi32, #tpu.memory_space<vmem>> -> memref<40xi32, #tpu.memory_space<vmem>>
        %dma_start3A_411 = arith.constant 0 : i32
        %dma_start3A_412 = arith.constant 0 : i32
        %dma_start3A_413 = tpu.memref_slice %arg3[%dma_start3A_411, %dma_start3A_412] : memref<100000x64xf32, #tpu.memory_space<hbm>> -> memref<100000x64xf32, #tpu.memory_space<hbm>>
        tpu.enqueue_indirect_dma source(%dma_start3A_413 : memref<100000x64xf32, #tpu.memory_space<hbm>>) target(%dma_start3A_408 : memref<40x64xf32, #tpu.memory_space<vmem>>) offsets(%dma_start3A_410 : memref<40xi32, #tpu.memory_space<vmem>>) semaphore(%arg20 : memref<!tpu.dma_semaphore, #tpu.memory_space<semaphore_mem>>)
      } else {
      }
      %gt3A_253 = arith.constant 80 : i32
      %gt3A_254 = arith.cmpi sgt, %sub3A_242, %gt3A_253 : i32
      %convert_element_type3A_255 = arith.extui %gt3A_254 : i1 to i32
      %cond3A_256 = arith.constant 0 : i32
      %cond3A_257 = arith.cmpi ne, %convert_element_type3A_255, %cond3A_256 : i32
      scf.if %cond3A_257 {
        %dma_start3A = arith.constant 80 : i32
        %dma_start3A_399 = arith.constant 0 : i32
        %dma_start3A_400 = tpu.memref_slice %arg14[%dma_start3A, %dma_start3A_399] : memref<648x64xf32, #tpu.memory_space<vmem>> -> memref<40x64xf32, #tpu.memory_space<vmem>>
        %dma_start3A_401 = arith.constant 80 : i32
        %dma_start3A_402 = tpu.memref_slice %arg13[%dma_start3A_401] : memref<648xi32, #tpu.memory_space<vmem>> -> memref<40xi32, #tpu.memory_space<vmem>>
        %dma_start3A_403 = arith.constant 0 : i32
        %dma_start3A_404 = arith.constant 0 : i32
        %dma_start3A_405 = tpu.memref_slice %arg2[%dma_start3A_403, %dma_start3A_404] : memref<100000x64xf32, #tpu.memory_space<hbm>> -> memref<100000x64xf32, #tpu.memory_space<hbm>>
        tpu.enqueue_indirect_dma source(%dma_start3A_405 : memref<100000x64xf32, #tpu.memory_space<hbm>>) target(%dma_start3A_400 : memref<40x64xf32, #tpu.memory_space<vmem>>) offsets(%dma_start3A_402 : memref<40xi32, #tpu.memory_space<vmem>>) semaphore(%arg19 : memref<!tpu.dma_semaphore, #tpu.memory_space<semaphore_mem>>)
        %dma_start3A_406 = arith.constant 80 : i32
        %dma_start3A_407 = arith.constant 0 : i32
        %dma_start3A_408 = tpu.memref_slice %arg15[%dma_start3A_406, %dma_start3A_407] : memref<608x64xf32, #tpu.memory_space<vmem>> -> memref<40x64xf32, #tpu.memory_space<vmem>>
        %dma_start3A_409 = arith.constant 80 : i32
        %dma_start3A_410 = tpu.memref_slice %arg13[%dma_start3A_409] : memref<648xi32, #tpu.memory_space<vmem>> -> memref<40xi32, #tpu.memory_space<vmem>>
        %dma_start3A_411 = arith.constant 0 : i32
        %dma_start3A_412 = arith.constant 0 : i32
        %dma_start3A_413 = tpu.memref_slice %arg3[%dma_start3A_411, %dma_start3A_412] : memref<100000x64xf32, #tpu.memory_space<hbm>> -> memref<100000x64xf32, #tpu.memory_space<hbm>>
        tpu.enqueue_indirect_dma source(%dma_start3A_413 : memref<100000x64xf32, #tpu.memory_space<hbm>>) target(%dma_start3A_408 : memref<40x64xf32, #tpu.memory_space<vmem>>) offsets(%dma_start3A_410 : memref<40xi32, #tpu.memory_space<vmem>>) semaphore(%arg20 : memref<!tpu.dma_semaphore, #tpu.memory_space<semaphore_mem>>)
      } else {
      }
      %gt3A_258 = arith.constant 120 : i32
      %gt3A_259 = arith.cmpi sgt, %sub3A_242, %gt3A_258 : i32
      %convert_element_type3A_260 = arith.extui %gt3A_259 : i1 to i32
      %cond3A_261 = arith.constant 0 : i32
      %cond3A_262 = arith.cmpi ne, %convert_element_type3A_260, %cond3A_261 : i32
      scf.if %cond3A_262 {
        %dma_start3A = arith.constant 120 : i32
        %dma_start3A_399 = arith.constant 0 : i32
        %dma_start3A_400 = tpu.memref_slice %arg14[%dma_start3A, %dma_start3A_399] : memref<648x64xf32, #tpu.memory_space<vmem>> -> memref<40x64xf32, #tpu.memory_space<vmem>>
        %dma_start3A_401 = arith.constant 120 : i32
        %dma_start3A_402 = tpu.memref_slice %arg13[%dma_start3A_401] : memref<648xi32, #tpu.memory_space<vmem>> -> memref<40xi32, #tpu.memory_space<vmem>>
        %dma_start3A_403 = arith.constant 0 : i32
        %dma_start3A_404 = arith.constant 0 : i32
        %dma_start3A_405 = tpu.memref_slice %arg2[%dma_start3A_403, %dma_start3A_404] : memref<100000x64xf32, #tpu.memory_space<hbm>> -> memref<100000x64xf32, #tpu.memory_space<hbm>>
        tpu.enqueue_indirect_dma source(%dma_start3A_405 : memref<100000x64xf32, #tpu.memory_space<hbm>>) target(%dma_start3A_400 : memref<40x64xf32, #tpu.memory_space<vmem>>) offsets(%dma_start3A_402 : memref<40xi32, #tpu.memory_space<vmem>>) semaphore(%arg19 : memref<!tpu.dma_semaphore, #tpu.memory_space<semaphore_mem>>)
        %dma_start3A_406 = arith.constant 120 : i32
        %dma_start3A_407 = arith.constant 0 : i32
        %dma_start3A_408 = tpu.memref_slice %arg15[%dma_start3A_406, %dma_start3A_407] : memref<608x64xf32, #tpu.memory_space<vmem>> -> memref<40x64xf32, #tpu.memory_space<vmem>>
        %dma_start3A_409 = arith.constant 120 : i32
        %dma_start3A_410 = tpu.memref_slice %arg13[%dma_start3A_409] : memref<648xi32, #tpu.memory_space<vmem>> -> memref<40xi32, #tpu.memory_space<vmem>>
        %dma_start3A_411 = arith.constant 0 : i32
        %dma_start3A_412 = arith.constant 0 : i32
        %dma_start3A_413 = tpu.memref_slice %arg3[%dma_start3A_411, %dma_start3A_412] : memref<100000x64xf32, #tpu.memory_space<hbm>> -> memref<100000x64xf32, #tpu.memory_space<hbm>>
        tpu.enqueue_indirect_dma source(%dma_start3A_413 : memref<100000x64xf32, #tpu.memory_space<hbm>>) target(%dma_start3A_408 : memref<40x64xf32, #tpu.memory_space<vmem>>) offsets(%dma_start3A_410 : memref<40xi32, #tpu.memory_space<vmem>>) semaphore(%arg20 : memref<!tpu.dma_semaphore, #tpu.memory_space<semaphore_mem>>)
      } else {
      }
      %gt3A_263 = arith.constant 160 : i32
      %gt3A_264 = arith.cmpi sgt, %sub3A_242, %gt3A_263 : i32
      %convert_element_type3A_265 = arith.extui %gt3A_264 : i1 to i32
      %cond3A_266 = arith.constant 0 : i32
      %cond3A_267 = arith.cmpi ne, %convert_element_type3A_265, %cond3A_266 : i32
      scf.if %cond3A_267 {
        %dma_start3A = arith.constant 160 : i32
        %dma_start3A_399 = arith.constant 0 : i32
        %dma_start3A_400 = tpu.memref_slice %arg14[%dma_start3A, %dma_start3A_399] : memref<648x64xf32, #tpu.memory_space<vmem>> -> memref<40x64xf32, #tpu.memory_space<vmem>>
        %dma_start3A_401 = arith.constant 160 : i32
        %dma_start3A_402 = tpu.memref_slice %arg13[%dma_start3A_401] : memref<648xi32, #tpu.memory_space<vmem>> -> memref<40xi32, #tpu.memory_space<vmem>>
        %dma_start3A_403 = arith.constant 0 : i32
        %dma_start3A_404 = arith.constant 0 : i32
        %dma_start3A_405 = tpu.memref_slice %arg2[%dma_start3A_403, %dma_start3A_404] : memref<100000x64xf32, #tpu.memory_space<hbm>> -> memref<100000x64xf32, #tpu.memory_space<hbm>>
        tpu.enqueue_indirect_dma source(%dma_start3A_405 : memref<100000x64xf32, #tpu.memory_space<hbm>>) target(%dma_start3A_400 : memref<40x64xf32, #tpu.memory_space<vmem>>) offsets(%dma_start3A_402 : memref<40xi32, #tpu.memory_space<vmem>>) semaphore(%arg19 : memref<!tpu.dma_semaphore, #tpu.memory_space<semaphore_mem>>)
        %dma_start3A_406 = arith.constant 160 : i32
        %dma_start3A_407 = arith.constant 0 : i32
        %dma_start3A_408 = tpu.memref_slice %arg15[%dma_start3A_406, %dma_start3A_407] : memref<608x64xf32, #tpu.memory_space<vmem>> -> memref<40x64xf32, #tpu.memory_space<vmem>>
        %dma_start3A_409 = arith.constant 160 : i32
        %dma_start3A_410 = tpu.memref_slice %arg13[%dma_start3A_409] : memref<648xi32, #tpu.memory_space<vmem>> -> memref<40xi32, #tpu.memory_space<vmem>>
        %dma_start3A_411 = arith.constant 0 : i32
        %dma_start3A_412 = arith.constant 0 : i32
        %dma_start3A_413 = tpu.memref_slice %arg3[%dma_start3A_411, %dma_start3A_412] : memref<100000x64xf32, #tpu.memory_space<hbm>> -> memref<100000x64xf32, #tpu.memory_space<hbm>>
        tpu.enqueue_indirect_dma source(%dma_start3A_413 : memref<100000x64xf32, #tpu.memory_space<hbm>>) target(%dma_start3A_408 : memref<40x64xf32, #tpu.memory_space<vmem>>) offsets(%dma_start3A_410 : memref<40xi32, #tpu.memory_space<vmem>>) semaphore(%arg20 : memref<!tpu.dma_semaphore, #tpu.memory_space<semaphore_mem>>)
      } else {
      }
      %gt3A_268 = arith.constant 200 : i32
      %gt3A_269 = arith.cmpi sgt, %sub3A_242, %gt3A_268 : i32
      %convert_element_type3A_270 = arith.extui %gt3A_269 : i1 to i32
      %cond3A_271 = arith.constant 0 : i32
      %cond3A_272 = arith.cmpi ne, %convert_element_type3A_270, %cond3A_271 : i32
      scf.if %cond3A_272 {
        %dma_start3A = arith.constant 200 : i32
        %dma_start3A_399 = arith.constant 0 : i32
        %dma_start3A_400 = tpu.memref_slice %arg14[%dma_start3A, %dma_start3A_399] : memref<648x64xf32, #tpu.memory_space<vmem>> -> memref<40x64xf32, #tpu.memory_space<vmem>>
        %dma_start3A_401 = arith.constant 200 : i32
        %dma_start3A_402 = tpu.memref_slice %arg13[%dma_start3A_401] : memref<648xi32, #tpu.memory_space<vmem>> -> memref<40xi32, #tpu.memory_space<vmem>>
        %dma_start3A_403 = arith.constant 0 : i32
        %dma_start3A_404 = arith.constant 0 : i32
        %dma_start3A_405 = tpu.memref_slice %arg2[%dma_start3A_403, %dma_start3A_404] : memref<100000x64xf32, #tpu.memory_space<hbm>> -> memref<100000x64xf32, #tpu.memory_space<hbm>>
        tpu.enqueue_indirect_dma source(%dma_start3A_405 : memref<100000x64xf32, #tpu.memory_space<hbm>>) target(%dma_start3A_400 : memref<40x64xf32, #tpu.memory_space<vmem>>) offsets(%dma_start3A_402 : memref<40xi32, #tpu.memory_space<vmem>>) semaphore(%arg19 : memref<!tpu.dma_semaphore, #tpu.memory_space<semaphore_mem>>)
        %dma_start3A_406 = arith.constant 200 : i32
        %dma_start3A_407 = arith.constant 0 : i32
        %dma_start3A_408 = tpu.memref_slice %arg15[%dma_start3A_406, %dma_start3A_407] : memref<608x64xf32, #tpu.memory_space<vmem>> -> memref<40x64xf32, #tpu.memory_space<vmem>>
        %dma_start3A_409 = arith.constant 200 : i32
        %dma_start3A_410 = tpu.memref_slice %arg13[%dma_start3A_409] : memref<648xi32, #tpu.memory_space<vmem>> -> memref<40xi32, #tpu.memory_space<vmem>>
        %dma_start3A_411 = arith.constant 0 : i32
        %dma_start3A_412 = arith.constant 0 : i32
        %dma_start3A_413 = tpu.memref_slice %arg3[%dma_start3A_411, %dma_start3A_412] : memref<100000x64xf32, #tpu.memory_space<hbm>> -> memref<100000x64xf32, #tpu.memory_space<hbm>>
        tpu.enqueue_indirect_dma source(%dma_start3A_413 : memref<100000x64xf32, #tpu.memory_space<hbm>>) target(%dma_start3A_408 : memref<40x64xf32, #tpu.memory_space<vmem>>) offsets(%dma_start3A_410 : memref<40xi32, #tpu.memory_space<vmem>>) semaphore(%arg20 : memref<!tpu.dma_semaphore, #tpu.memory_space<semaphore_mem>>)
      } else {
      }
      %gt3A_273 = arith.constant 240 : i32
      %gt3A_274 = arith.cmpi sgt, %sub3A_242, %gt3A_273 : i32
      %convert_element_type3A_275 = arith.extui %gt3A_274 : i1 to i32
      %cond3A_276 = arith.constant 0 : i32
      %cond3A_277 = arith.cmpi ne, %convert_element_type3A_275, %cond3A_276 : i32
      scf.if %cond3A_277 {
        %dma_start3A = arith.constant 240 : i32
        %dma_start3A_399 = arith.constant 0 : i32
        %dma_start3A_400 = tpu.memref_slice %arg14[%dma_start3A, %dma_start3A_399] : memref<648x64xf32, #tpu.memory_space<vmem>> -> memref<40x64xf32, #tpu.memory_space<vmem>>
        %dma_start3A_401 = arith.constant 240 : i32
        %dma_start3A_402 = tpu.memref_slice %arg13[%dma_start3A_401] : memref<648xi32, #tpu.memory_space<vmem>> -> memref<40xi32, #tpu.memory_space<vmem>>
        %dma_start3A_403 = arith.constant 0 : i32
        %dma_start3A_404 = arith.constant 0 : i32
        %dma_start3A_405 = tpu.memref_slice %arg2[%dma_start3A_403, %dma_start3A_404] : memref<100000x64xf32, #tpu.memory_space<hbm>> -> memref<100000x64xf32, #tpu.memory_space<hbm>>
        tpu.enqueue_indirect_dma source(%dma_start3A_405 : memref<100000x64xf32, #tpu.memory_space<hbm>>) target(%dma_start3A_400 : memref<40x64xf32, #tpu.memory_space<vmem>>) offsets(%dma_start3A_402 : memref<40xi32, #tpu.memory_space<vmem>>) semaphore(%arg19 : memref<!tpu.dma_semaphore, #tpu.memory_space<semaphore_mem>>)
        %dma_start3A_406 = arith.constant 240 : i32
        %dma_start3A_407 = arith.constant 0 : i32
        %dma_start3A_408 = tpu.memref_slice %arg15[%dma_start3A_406, %dma_start3A_407] : memref<608x64xf32, #tpu.memory_space<vmem>> -> memref<40x64xf32, #tpu.memory_space<vmem>>
        %dma_start3A_409 = arith.constant 240 : i32
        %dma_start3A_410 = tpu.memref_slice %arg13[%dma_start3A_409] : memref<648xi32, #tpu.memory_space<vmem>> -> memref<40xi32, #tpu.memory_space<vmem>>
        %dma_start3A_411 = arith.constant 0 : i32
        %dma_start3A_412 = arith.constant 0 : i32
        %dma_start3A_413 = tpu.memref_slice %arg3[%dma_start3A_411, %dma_start3A_412] : memref<100000x64xf32, #tpu.memory_space<hbm>> -> memref<100000x64xf32, #tpu.memory_space<hbm>>
        tpu.enqueue_indirect_dma source(%dma_start3A_413 : memref<100000x64xf32, #tpu.memory_space<hbm>>) target(%dma_start3A_408 : memref<40x64xf32, #tpu.memory_space<vmem>>) offsets(%dma_start3A_410 : memref<40xi32, #tpu.memory_space<vmem>>) semaphore(%arg20 : memref<!tpu.dma_semaphore, #tpu.memory_space<semaphore_mem>>)
      } else {
      }
      %gt3A_278 = arith.constant 280 : i32
      %gt3A_279 = arith.cmpi sgt, %sub3A_242, %gt3A_278 : i32
      %convert_element_type3A_280 = arith.extui %gt3A_279 : i1 to i32
      %cond3A_281 = arith.constant 0 : i32
      %cond3A_282 = arith.cmpi ne, %convert_element_type3A_280, %cond3A_281 : i32
      scf.if %cond3A_282 {
        %dma_start3A = arith.constant 280 : i32
        %dma_start3A_399 = arith.constant 0 : i32
        %dma_start3A_400 = tpu.memref_slice %arg14[%dma_start3A, %dma_start3A_399] : memref<648x64xf32, #tpu.memory_space<vmem>> -> memref<40x64xf32, #tpu.memory_space<vmem>>
        %dma_start3A_401 = arith.constant 280 : i32
        %dma_start3A_402 = tpu.memref_slice %arg13[%dma_start3A_401] : memref<648xi32, #tpu.memory_space<vmem>> -> memref<40xi32, #tpu.memory_space<vmem>>
        %dma_start3A_403 = arith.constant 0 : i32
        %dma_start3A_404 = arith.constant 0 : i32
        %dma_start3A_405 = tpu.memref_slice %arg2[%dma_start3A_403, %dma_start3A_404] : memref<100000x64xf32, #tpu.memory_space<hbm>> -> memref<100000x64xf32, #tpu.memory_space<hbm>>
        tpu.enqueue_indirect_dma source(%dma_start3A_405 : memref<100000x64xf32, #tpu.memory_space<hbm>>) target(%dma_start3A_400 : memref<40x64xf32, #tpu.memory_space<vmem>>) offsets(%dma_start3A_402 : memref<40xi32, #tpu.memory_space<vmem>>) semaphore(%arg19 : memref<!tpu.dma_semaphore, #tpu.memory_space<semaphore_mem>>)
        %dma_start3A_406 = arith.constant 280 : i32
        %dma_start3A_407 = arith.constant 0 : i32
        %dma_start3A_408 = tpu.memref_slice %arg15[%dma_start3A_406, %dma_start3A_407] : memref<608x64xf32, #tpu.memory_space<vmem>> -> memref<40x64xf32, #tpu.memory_space<vmem>>
        %dma_start3A_409 = arith.constant 280 : i32
        %dma_start3A_410 = tpu.memref_slice %arg13[%dma_start3A_409] : memref<648xi32, #tpu.memory_space<vmem>> -> memref<40xi32, #tpu.memory_space<vmem>>
        %dma_start3A_411 = arith.constant 0 : i32
        %dma_start3A_412 = arith.constant 0 : i32
        %dma_start3A_413 = tpu.memref_slice %arg3[%dma_start3A_411, %dma_start3A_412] : memref<100000x64xf32, #tpu.memory_space<hbm>> -> memref<100000x64xf32, #tpu.memory_space<hbm>>
        tpu.enqueue_indirect_dma source(%dma_start3A_413 : memref<100000x64xf32, #tpu.memory_space<hbm>>) target(%dma_start3A_408 : memref<40x64xf32, #tpu.memory_space<vmem>>) offsets(%dma_start3A_410 : memref<40xi32, #tpu.memory_space<vmem>>) semaphore(%arg20 : memref<!tpu.dma_semaphore, #tpu.memory_space<semaphore_mem>>)
      } else {
      }
      %gt3A_283 = arith.constant 320 : i32
      %gt3A_284 = arith.cmpi sgt, %sub3A_242, %gt3A_283 : i32
      %convert_element_type3A_285 = arith.extui %gt3A_284 : i1 to i32
      %cond3A_286 = arith.constant 0 : i32
      %cond3A_287 = arith.cmpi ne, %convert_element_type3A_285, %cond3A_286 : i32
      scf.if %cond3A_287 {
        %dma_start3A = arith.constant 320 : i32
        %dma_start3A_399 = arith.constant 0 : i32
        %dma_start3A_400 = tpu.memref_slice %arg14[%dma_start3A, %dma_start3A_399] : memref<648x64xf32, #tpu.memory_space<vmem>> -> memref<40x64xf32, #tpu.memory_space<vmem>>
        %dma_start3A_401 = arith.constant 320 : i32
        %dma_start3A_402 = tpu.memref_slice %arg13[%dma_start3A_401] : memref<648xi32, #tpu.memory_space<vmem>> -> memref<40xi32, #tpu.memory_space<vmem>>
        %dma_start3A_403 = arith.constant 0 : i32
        %dma_start3A_404 = arith.constant 0 : i32
        %dma_start3A_405 = tpu.memref_slice %arg2[%dma_start3A_403, %dma_start3A_404] : memref<100000x64xf32, #tpu.memory_space<hbm>> -> memref<100000x64xf32, #tpu.memory_space<hbm>>
        tpu.enqueue_indirect_dma source(%dma_start3A_405 : memref<100000x64xf32, #tpu.memory_space<hbm>>) target(%dma_start3A_400 : memref<40x64xf32, #tpu.memory_space<vmem>>) offsets(%dma_start3A_402 : memref<40xi32, #tpu.memory_space<vmem>>) semaphore(%arg19 : memref<!tpu.dma_semaphore, #tpu.memory_space<semaphore_mem>>)
        %dma_start3A_406 = arith.constant 320 : i32
        %dma_start3A_407 = arith.constant 0 : i32
        %dma_start3A_408 = tpu.memref_slice %arg15[%dma_start3A_406, %dma_start3A_407] : memref<608x64xf32, #tpu.memory_space<vmem>> -> memref<40x64xf32, #tpu.memory_space<vmem>>
        %dma_start3A_409 = arith.constant 320 : i32
        %dma_start3A_410 = tpu.memref_slice %arg13[%dma_start3A_409] : memref<648xi32, #tpu.memory_space<vmem>> -> memref<40xi32, #tpu.memory_space<vmem>>
        %dma_start3A_411 = arith.constant 0 : i32
        %dma_start3A_412 = arith.constant 0 : i32
        %dma_start3A_413 = tpu.memref_slice %arg3[%dma_start3A_411, %dma_start3A_412] : memref<100000x64xf32, #tpu.memory_space<hbm>> -> memref<100000x64xf32, #tpu.memory_space<hbm>>
        tpu.enqueue_indirect_dma source(%dma_start3A_413 : memref<100000x64xf32, #tpu.memory_space<hbm>>) target(%dma_start3A_408 : memref<40x64xf32, #tpu.memory_space<vmem>>) offsets(%dma_start3A_410 : memref<40xi32, #tpu.memory_space<vmem>>) semaphore(%arg20 : memref<!tpu.dma_semaphore, #tpu.memory_space<semaphore_mem>>)
      } else {
      }
      %gt3A_288 = arith.constant 360 : i32
      %gt3A_289 = arith.cmpi sgt, %sub3A_242, %gt3A_288 : i32
      %convert_element_type3A_290 = arith.extui %gt3A_289 : i1 to i32
      %cond3A_291 = arith.constant 0 : i32
      %cond3A_292 = arith.cmpi ne, %convert_element_type3A_290, %cond3A_291 : i32
      scf.if %cond3A_292 {
        %dma_start3A = arith.constant 360 : i32
        %dma_start3A_399 = arith.constant 0 : i32
        %dma_start3A_400 = tpu.memref_slice %arg14[%dma_start3A, %dma_start3A_399] : memref<648x64xf32, #tpu.memory_space<vmem>> -> memref<40x64xf32, #tpu.memory_space<vmem>>
        %dma_start3A_401 = arith.constant 360 : i32
        %dma_start3A_402 = tpu.memref_slice %arg13[%dma_start3A_401] : memref<648xi32, #tpu.memory_space<vmem>> -> memref<40xi32, #tpu.memory_space<vmem>>
        %dma_start3A_403 = arith.constant 0 : i32
        %dma_start3A_404 = arith.constant 0 : i32
        %dma_start3A_405 = tpu.memref_slice %arg2[%dma_start3A_403, %dma_start3A_404] : memref<100000x64xf32, #tpu.memory_space<hbm>> -> memref<100000x64xf32, #tpu.memory_space<hbm>>
        tpu.enqueue_indirect_dma source(%dma_start3A_405 : memref<100000x64xf32, #tpu.memory_space<hbm>>) target(%dma_start3A_400 : memref<40x64xf32, #tpu.memory_space<vmem>>) offsets(%dma_start3A_402 : memref<40xi32, #tpu.memory_space<vmem>>) semaphore(%arg19 : memref<!tpu.dma_semaphore, #tpu.memory_space<semaphore_mem>>)
        %dma_start3A_406 = arith.constant 360 : i32
        %dma_start3A_407 = arith.constant 0 : i32
        %dma_start3A_408 = tpu.memref_slice %arg15[%dma_start3A_406, %dma_start3A_407] : memref<608x64xf32, #tpu.memory_space<vmem>> -> memref<40x64xf32, #tpu.memory_space<vmem>>
        %dma_start3A_409 = arith.constant 360 : i32
        %dma_start3A_410 = tpu.memref_slice %arg13[%dma_start3A_409] : memref<648xi32, #tpu.memory_space<vmem>> -> memref<40xi32, #tpu.memory_space<vmem>>
        %dma_start3A_411 = arith.constant 0 : i32
        %dma_start3A_412 = arith.constant 0 : i32
        %dma_start3A_413 = tpu.memref_slice %arg3[%dma_start3A_411, %dma_start3A_412] : memref<100000x64xf32, #tpu.memory_space<hbm>> -> memref<100000x64xf32, #tpu.memory_space<hbm>>
        tpu.enqueue_indirect_dma source(%dma_start3A_413 : memref<100000x64xf32, #tpu.memory_space<hbm>>) target(%dma_start3A_408 : memref<40x64xf32, #tpu.memory_space<vmem>>) offsets(%dma_start3A_410 : memref<40xi32, #tpu.memory_space<vmem>>) semaphore(%arg20 : memref<!tpu.dma_semaphore, #tpu.memory_space<semaphore_mem>>)
      } else {
      }
      %gt3A_293 = arith.constant 400 : i32
      %gt3A_294 = arith.cmpi sgt, %sub3A_242, %gt3A_293 : i32
      %convert_element_type3A_295 = arith.extui %gt3A_294 : i1 to i32
      %cond3A_296 = arith.constant 0 : i32
      %cond3A_297 = arith.cmpi ne, %convert_element_type3A_295, %cond3A_296 : i32
      scf.if %cond3A_297 {
        %dma_start3A = arith.constant 400 : i32
        %dma_start3A_399 = arith.constant 0 : i32
        %dma_start3A_400 = tpu.memref_slice %arg14[%dma_start3A, %dma_start3A_399] : memref<648x64xf32, #tpu.memory_space<vmem>> -> memref<40x64xf32, #tpu.memory_space<vmem>>
        %dma_start3A_401 = arith.constant 400 : i32
        %dma_start3A_402 = tpu.memref_slice %arg13[%dma_start3A_401] : memref<648xi32, #tpu.memory_space<vmem>> -> memref<40xi32, #tpu.memory_space<vmem>>
        %dma_start3A_403 = arith.constant 0 : i32
        %dma_start3A_404 = arith.constant 0 : i32
        %dma_start3A_405 = tpu.memref_slice %arg2[%dma_start3A_403, %dma_start3A_404] : memref<100000x64xf32, #tpu.memory_space<hbm>> -> memref<100000x64xf32, #tpu.memory_space<hbm>>
        tpu.enqueue_indirect_dma source(%dma_start3A_405 : memref<100000x64xf32, #tpu.memory_space<hbm>>) target(%dma_start3A_400 : memref<40x64xf32, #tpu.memory_space<vmem>>) offsets(%dma_start3A_402 : memref<40xi32, #tpu.memory_space<vmem>>) semaphore(%arg19 : memref<!tpu.dma_semaphore, #tpu.memory_space<semaphore_mem>>)
        %dma_start3A_406 = arith.constant 400 : i32
        %dma_start3A_407 = arith.constant 0 : i32
        %dma_start3A_408 = tpu.memref_slice %arg15[%dma_start3A_406, %dma_start3A_407] : memref<608x64xf32, #tpu.memory_space<vmem>> -> memref<40x64xf32, #tpu.memory_space<vmem>>
        %dma_start3A_409 = arith.constant 400 : i32
        %dma_start3A_410 = tpu.memref_slice %arg13[%dma_start3A_409] : memref<648xi32, #tpu.memory_space<vmem>> -> memref<40xi32, #tpu.memory_space<vmem>>
        %dma_start3A_411 = arith.constant 0 : i32
        %dma_start3A_412 = arith.constant 0 : i32
        %dma_start3A_413 = tpu.memref_slice %arg3[%dma_start3A_411, %dma_start3A_412] : memref<100000x64xf32, #tpu.memory_space<hbm>> -> memref<100000x64xf32, #tpu.memory_space<hbm>>
        tpu.enqueue_indirect_dma source(%dma_start3A_413 : memref<100000x64xf32, #tpu.memory_space<hbm>>) target(%dma_start3A_408 : memref<40x64xf32, #tpu.memory_space<vmem>>) offsets(%dma_start3A_410 : memref<40xi32, #tpu.memory_space<vmem>>) semaphore(%arg20 : memref<!tpu.dma_semaphore, #tpu.memory_space<semaphore_mem>>)
      } else {
      }
      %gt3A_298 = arith.constant 440 : i32
      %gt3A_299 = arith.cmpi sgt, %sub3A_242, %gt3A_298 : i32
      %convert_element_type3A_300 = arith.extui %gt3A_299 : i1 to i32
      %cond3A_301 = arith.constant 0 : i32
      %cond3A_302 = arith.cmpi ne, %convert_element_type3A_300, %cond3A_301 : i32
      scf.if %cond3A_302 {
        %dma_start3A = arith.constant 440 : i32
        %dma_start3A_399 = arith.constant 0 : i32
        %dma_start3A_400 = tpu.memref_slice %arg14[%dma_start3A, %dma_start3A_399] : memref<648x64xf32, #tpu.memory_space<vmem>> -> memref<40x64xf32, #tpu.memory_space<vmem>>
        %dma_start3A_401 = arith.constant 440 : i32
        %dma_start3A_402 = tpu.memref_slice %arg13[%dma_start3A_401] : memref<648xi32, #tpu.memory_space<vmem>> -> memref<40xi32, #tpu.memory_space<vmem>>
        %dma_start3A_403 = arith.constant 0 : i32
        %dma_start3A_404 = arith.constant 0 : i32
        %dma_start3A_405 = tpu.memref_slice %arg2[%dma_start3A_403, %dma_start3A_404] : memref<100000x64xf32, #tpu.memory_space<hbm>> -> memref<100000x64xf32, #tpu.memory_space<hbm>>
        tpu.enqueue_indirect_dma source(%dma_start3A_405 : memref<100000x64xf32, #tpu.memory_space<hbm>>) target(%dma_start3A_400 : memref<40x64xf32, #tpu.memory_space<vmem>>) offsets(%dma_start3A_402 : memref<40xi32, #tpu.memory_space<vmem>>) semaphore(%arg19 : memref<!tpu.dma_semaphore, #tpu.memory_space<semaphore_mem>>)
        %dma_start3A_406 = arith.constant 440 : i32
        %dma_start3A_407 = arith.constant 0 : i32
        %dma_start3A_408 = tpu.memref_slice %arg15[%dma_start3A_406, %dma_start3A_407] : memref<608x64xf32, #tpu.memory_space<vmem>> -> memref<40x64xf32, #tpu.memory_space<vmem>>
        %dma_start3A_409 = arith.constant 440 : i32
        %dma_start3A_410 = tpu.memref_slice %arg13[%dma_start3A_409] : memref<648xi32, #tpu.memory_space<vmem>> -> memref<40xi32, #tpu.memory_space<vmem>>
        %dma_start3A_411 = arith.constant 0 : i32
        %dma_start3A_412 = arith.constant 0 : i32
        %dma_start3A_413 = tpu.memref_slice %arg3[%dma_start3A_411, %dma_start3A_412] : memref<100000x64xf32, #tpu.memory_space<hbm>> -> memref<100000x64xf32, #tpu.memory_space<hbm>>
        tpu.enqueue_indirect_dma source(%dma_start3A_413 : memref<100000x64xf32, #tpu.memory_space<hbm>>) target(%dma_start3A_408 : memref<40x64xf32, #tpu.memory_space<vmem>>) offsets(%dma_start3A_410 : memref<40xi32, #tpu.memory_space<vmem>>) semaphore(%arg20 : memref<!tpu.dma_semaphore, #tpu.memory_space<semaphore_mem>>)
      } else {
      }
      %gt3A_303 = arith.constant 480 : i32
      %gt3A_304 = arith.cmpi sgt, %sub3A_242, %gt3A_303 : i32
      %convert_element_type3A_305 = arith.extui %gt3A_304 : i1 to i32
      %cond3A_306 = arith.constant 0 : i32
      %cond3A_307 = arith.cmpi ne, %convert_element_type3A_305, %cond3A_306 : i32
      scf.if %cond3A_307 {
        %dma_start3A = arith.constant 480 : i32
        %dma_start3A_399 = arith.constant 0 : i32
        %dma_start3A_400 = tpu.memref_slice %arg14[%dma_start3A, %dma_start3A_399] : memref<648x64xf32, #tpu.memory_space<vmem>> -> memref<40x64xf32, #tpu.memory_space<vmem>>
        %dma_start3A_401 = arith.constant 480 : i32
        %dma_start3A_402 = tpu.memref_slice %arg13[%dma_start3A_401] : memref<648xi32, #tpu.memory_space<vmem>> -> memref<40xi32, #tpu.memory_space<vmem>>
        %dma_start3A_403 = arith.constant 0 : i32
        %dma_start3A_404 = arith.constant 0 : i32
        %dma_start3A_405 = tpu.memref_slice %arg2[%dma_start3A_403, %dma_start3A_404] : memref<100000x64xf32, #tpu.memory_space<hbm>> -> memref<100000x64xf32, #tpu.memory_space<hbm>>
        tpu.enqueue_indirect_dma source(%dma_start3A_405 : memref<100000x64xf32, #tpu.memory_space<hbm>>) target(%dma_start3A_400 : memref<40x64xf32, #tpu.memory_space<vmem>>) offsets(%dma_start3A_402 : memref<40xi32, #tpu.memory_space<vmem>>) semaphore(%arg19 : memref<!tpu.dma_semaphore, #tpu.memory_space<semaphore_mem>>)
        %dma_start3A_406 = arith.constant 480 : i32
        %dma_start3A_407 = arith.constant 0 : i32
        %dma_start3A_408 = tpu.memref_slice %arg15[%dma_start3A_406, %dma_start3A_407] : memref<608x64xf32, #tpu.memory_space<vmem>> -> memref<40x64xf32, #tpu.memory_space<vmem>>
        %dma_start3A_409 = arith.constant 480 : i32
        %dma_start3A_410 = tpu.memref_slice %arg13[%dma_start3A_409] : memref<648xi32, #tpu.memory_space<vmem>> -> memref<40xi32, #tpu.memory_space<vmem>>
        %dma_start3A_411 = arith.constant 0 : i32
        %dma_start3A_412 = arith.constant 0 : i32
        %dma_start3A_413 = tpu.memref_slice %arg3[%dma_start3A_411, %dma_start3A_412] : memref<100000x64xf32, #tpu.memory_space<hbm>> -> memref<100000x64xf32, #tpu.memory_space<hbm>>
        tpu.enqueue_indirect_dma source(%dma_start3A_413 : memref<100000x64xf32, #tpu.memory_space<hbm>>) target(%dma_start3A_408 : memref<40x64xf32, #tpu.memory_space<vmem>>) offsets(%dma_start3A_410 : memref<40xi32, #tpu.memory_space<vmem>>) semaphore(%arg20 : memref<!tpu.dma_semaphore, #tpu.memory_space<semaphore_mem>>)
      } else {
      }
      %gt3A_308 = arith.constant 520 : i32
      %gt3A_309 = arith.cmpi sgt, %sub3A_242, %gt3A_308 : i32
      %convert_element_type3A_310 = arith.extui %gt3A_309 : i1 to i32
      %cond3A_311 = arith.constant 0 : i32
      %cond3A_312 = arith.cmpi ne, %convert_element_type3A_310, %cond3A_311 : i32
      scf.if %cond3A_312 {
        %dma_start3A = arith.constant 520 : i32
        %dma_start3A_399 = arith.constant 0 : i32
        %dma_start3A_400 = tpu.memref_slice %arg14[%dma_start3A, %dma_start3A_399] : memref<648x64xf32, #tpu.memory_space<vmem>> -> memref<40x64xf32, #tpu.memory_space<vmem>>
        %dma_start3A_401 = arith.constant 520 : i32
        %dma_start3A_402 = tpu.memref_slice %arg13[%dma_start3A_401] : memref<648xi32, #tpu.memory_space<vmem>> -> memref<40xi32, #tpu.memory_space<vmem>>
        %dma_start3A_403 = arith.constant 0 : i32
        %dma_start3A_404 = arith.constant 0 : i32
        %dma_start3A_405 = tpu.memref_slice %arg2[%dma_start3A_403, %dma_start3A_404] : memref<100000x64xf32, #tpu.memory_space<hbm>> -> memref<100000x64xf32, #tpu.memory_space<hbm>>
        tpu.enqueue_indirect_dma source(%dma_start3A_405 : memref<100000x64xf32, #tpu.memory_space<hbm>>) target(%dma_start3A_400 : memref<40x64xf32, #tpu.memory_space<vmem>>) offsets(%dma_start3A_402 : memref<40xi32, #tpu.memory_space<vmem>>) semaphore(%arg19 : memref<!tpu.dma_semaphore, #tpu.memory_space<semaphore_mem>>)
        %dma_start3A_406 = arith.constant 520 : i32
        %dma_start3A_407 = arith.constant 0 : i32
        %dma_start3A_408 = tpu.memref_slice %arg15[%dma_start3A_406, %dma_start3A_407] : memref<608x64xf32, #tpu.memory_space<vmem>> -> memref<40x64xf32, #tpu.memory_space<vmem>>
        %dma_start3A_409 = arith.constant 520 : i32
        %dma_start3A_410 = tpu.memref_slice %arg13[%dma_start3A_409] : memref<648xi32, #tpu.memory_space<vmem>> -> memref<40xi32, #tpu.memory_space<vmem>>
        %dma_start3A_411 = arith.constant 0 : i32
        %dma_start3A_412 = arith.constant 0 : i32
        %dma_start3A_413 = tpu.memref_slice %arg3[%dma_start3A_411, %dma_start3A_412] : memref<100000x64xf32, #tpu.memory_space<hbm>> -> memref<100000x64xf32, #tpu.memory_space<hbm>>
        tpu.enqueue_indirect_dma source(%dma_start3A_413 : memref<100000x64xf32, #tpu.memory_space<hbm>>) target(%dma_start3A_408 : memref<40x64xf32, #tpu.memory_space<vmem>>) offsets(%dma_start3A_410 : memref<40xi32, #tpu.memory_space<vmem>>) semaphore(%arg20 : memref<!tpu.dma_semaphore, #tpu.memory_space<semaphore_mem>>)
      } else {
      }
      %gt3A_313 = arith.constant 560 : i32
      %gt3A_314 = arith.cmpi sgt, %sub3A_242, %gt3A_313 : i32
      %convert_element_type3A_315 = arith.extui %gt3A_314 : i1 to i32
      %cond3A_316 = arith.constant 0 : i32
      %cond3A_317 = arith.cmpi ne, %convert_element_type3A_315, %cond3A_316 : i32
      scf.if %cond3A_317 {
        %dma_start3A = arith.constant 560 : i32
        %dma_start3A_399 = arith.constant 0 : i32
        %dma_start3A_400 = tpu.memref_slice %arg14[%dma_start3A, %dma_start3A_399] : memref<648x64xf32, #tpu.memory_space<vmem>> -> memref<40x64xf32, #tpu.memory_space<vmem>>
        %dma_start3A_401 = arith.constant 560 : i32
        %dma_start3A_402 = tpu.memref_slice %arg13[%dma_start3A_401] : memref<648xi32, #tpu.memory_space<vmem>> -> memref<40xi32, #tpu.memory_space<vmem>>
        %dma_start3A_403 = arith.constant 0 : i32
        %dma_start3A_404 = arith.constant 0 : i32
        %dma_start3A_405 = tpu.memref_slice %arg2[%dma_start3A_403, %dma_start3A_404] : memref<100000x64xf32, #tpu.memory_space<hbm>> -> memref<100000x64xf32, #tpu.memory_space<hbm>>
        tpu.enqueue_indirect_dma source(%dma_start3A_405 : memref<100000x64xf32, #tpu.memory_space<hbm>>) target(%dma_start3A_400 : memref<40x64xf32, #tpu.memory_space<vmem>>) offsets(%dma_start3A_402 : memref<40xi32, #tpu.memory_space<vmem>>) semaphore(%arg19 : memref<!tpu.dma_semaphore, #tpu.memory_space<semaphore_mem>>)
        %dma_start3A_406 = arith.constant 560 : i32
        %dma_start3A_407 = arith.constant 0 : i32
        %dma_start3A_408 = tpu.memref_slice %arg15[%dma_start3A_406, %dma_start3A_407] : memref<608x64xf32, #tpu.memory_space<vmem>> -> memref<40x64xf32, #tpu.memory_space<vmem>>
        %dma_start3A_409 = arith.constant 560 : i32
        %dma_start3A_410 = tpu.memref_slice %arg13[%dma_start3A_409] : memref<648xi32, #tpu.memory_space<vmem>> -> memref<40xi32, #tpu.memory_space<vmem>>
        %dma_start3A_411 = arith.constant 0 : i32
        %dma_start3A_412 = arith.constant 0 : i32
        %dma_start3A_413 = tpu.memref_slice %arg3[%dma_start3A_411, %dma_start3A_412] : memref<100000x64xf32, #tpu.memory_space<hbm>> -> memref<100000x64xf32, #tpu.memory_space<hbm>>
        tpu.enqueue_indirect_dma source(%dma_start3A_413 : memref<100000x64xf32, #tpu.memory_space<hbm>>) target(%dma_start3A_408 : memref<40x64xf32, #tpu.memory_space<vmem>>) offsets(%dma_start3A_410 : memref<40xi32, #tpu.memory_space<vmem>>) semaphore(%arg20 : memref<!tpu.dma_semaphore, #tpu.memory_space<semaphore_mem>>)
      } else {
      }
      %gt3A_318 = arith.constant 0 : i32
      %gt3A_319 = arith.cmpi sgt, %sub3A_242, %gt3A_318 : i32
      %convert_element_type3A_320 = arith.extui %gt3A_319 : i1 to i32
      %cond3A_321 = arith.constant 0 : i32
      %cond3A_322 = arith.cmpi ne, %convert_element_type3A_320, %cond3A_321 : i32
      scf.if %cond3A_322 {
        %dma_wait3A = arith.constant 0 : i32
        %dma_wait3A_399 = arith.constant 0 : i32
        %dma_wait3A_400 = tpu.memref_slice %arg14[%dma_wait3A, %dma_wait3A_399] : memref<648x64xf32, #tpu.memory_space<vmem>> -> memref<40x64xf32, #tpu.memory_space<vmem>>
        %dma_wait3A_401 = arith.constant 0 : i32
        %dma_wait3A_402 = tpu.memref_slice %arg13[%dma_wait3A_401] : memref<648xi32, #tpu.memory_space<vmem>> -> memref<40xi32, #tpu.memory_space<vmem>>
        %dma_wait3A_403 = arith.constant 0 : i32
        %dma_wait3A_404 = arith.constant 0 : i32
        %dma_wait3A_405 = tpu.memref_slice %arg2[%dma_wait3A_403, %dma_wait3A_404] : memref<100000x64xf32, #tpu.memory_space<hbm>> -> memref<100000x64xf32, #tpu.memory_space<hbm>>
        tpu.wait_indirect_dma semaphore(%arg19 : memref<!tpu.dma_semaphore, #tpu.memory_space<semaphore_mem>>) src(%dma_wait3A_405 : memref<100000x64xf32, #tpu.memory_space<hbm>>) dst(%dma_wait3A_400 : memref<40x64xf32, #tpu.memory_space<vmem>>)
        %dma_wait3A_406 = arith.constant 0 : i32
        %dma_wait3A_407 = arith.constant 0 : i32
        %dma_wait3A_408 = tpu.memref_slice %arg15[%dma_wait3A_406, %dma_wait3A_407] : memref<608x64xf32, #tpu.memory_space<vmem>> -> memref<40x64xf32, #tpu.memory_space<vmem>>
        %dma_wait3A_409 = arith.constant 0 : i32
        %dma_wait3A_410 = tpu.memref_slice %arg13[%dma_wait3A_409] : memref<648xi32, #tpu.memory_space<vmem>> -> memref<40xi32, #tpu.memory_space<vmem>>
        %dma_wait3A_411 = arith.constant 0 : i32
        %dma_wait3A_412 = arith.constant 0 : i32
        %dma_wait3A_413 = tpu.memref_slice %arg3[%dma_wait3A_411, %dma_wait3A_412] : memref<100000x64xf32, #tpu.memory_space<hbm>> -> memref<100000x64xf32, #tpu.memory_space<hbm>>
        tpu.wait_indirect_dma semaphore(%arg20 : memref<!tpu.dma_semaphore, #tpu.memory_space<semaphore_mem>>) src(%dma_wait3A_413 : memref<100000x64xf32, #tpu.memory_space<hbm>>) dst(%dma_wait3A_408 : memref<40x64xf32, #tpu.memory_space<vmem>>)
      } else {
      }
      %gt3A_323 = arith.constant 40 : i32
      %gt3A_324 = arith.cmpi sgt, %sub3A_242, %gt3A_323 : i32
      %convert_element_type3A_325 = arith.extui %gt3A_324 : i1 to i32
      %cond3A_326 = arith.constant 0 : i32
      %cond3A_327 = arith.cmpi ne, %convert_element_type3A_325, %cond3A_326 : i32
      scf.if %cond3A_327 {
        %dma_wait3A = arith.constant 40 : i32
        %dma_wait3A_399 = arith.constant 0 : i32
        %dma_wait3A_400 = tpu.memref_slice %arg14[%dma_wait3A, %dma_wait3A_399] : memref<648x64xf32, #tpu.memory_space<vmem>> -> memref<40x64xf32, #tpu.memory_space<vmem>>
        %dma_wait3A_401 = arith.constant 40 : i32
        %dma_wait3A_402 = tpu.memref_slice %arg13[%dma_wait3A_401] : memref<648xi32, #tpu.memory_space<vmem>> -> memref<40xi32, #tpu.memory_space<vmem>>
        %dma_wait3A_403 = arith.constant 0 : i32
        %dma_wait3A_404 = arith.constant 0 : i32
        %dma_wait3A_405 = tpu.memref_slice %arg2[%dma_wait3A_403, %dma_wait3A_404] : memref<100000x64xf32, #tpu.memory_space<hbm>> -> memref<100000x64xf32, #tpu.memory_space<hbm>>
        tpu.wait_indirect_dma semaphore(%arg19 : memref<!tpu.dma_semaphore, #tpu.memory_space<semaphore_mem>>) src(%dma_wait3A_405 : memref<100000x64xf32, #tpu.memory_space<hbm>>) dst(%dma_wait3A_400 : memref<40x64xf32, #tpu.memory_space<vmem>>)
        %dma_wait3A_406 = arith.constant 40 : i32
        %dma_wait3A_407 = arith.constant 0 : i32
        %dma_wait3A_408 = tpu.memref_slice %arg15[%dma_wait3A_406, %dma_wait3A_407] : memref<608x64xf32, #tpu.memory_space<vmem>> -> memref<40x64xf32, #tpu.memory_space<vmem>>
        %dma_wait3A_409 = arith.constant 40 : i32
        %dma_wait3A_410 = tpu.memref_slice %arg13[%dma_wait3A_409] : memref<648xi32, #tpu.memory_space<vmem>> -> memref<40xi32, #tpu.memory_space<vmem>>
        %dma_wait3A_411 = arith.constant 0 : i32
        %dma_wait3A_412 = arith.constant 0 : i32
        %dma_wait3A_413 = tpu.memref_slice %arg3[%dma_wait3A_411, %dma_wait3A_412] : memref<100000x64xf32, #tpu.memory_space<hbm>> -> memref<100000x64xf32, #tpu.memory_space<hbm>>
        tpu.wait_indirect_dma semaphore(%arg20 : memref<!tpu.dma_semaphore, #tpu.memory_space<semaphore_mem>>) src(%dma_wait3A_413 : memref<100000x64xf32, #tpu.memory_space<hbm>>) dst(%dma_wait3A_408 : memref<40x64xf32, #tpu.memory_space<vmem>>)
      } else {
      }
      %gt3A_328 = arith.constant 80 : i32
      %gt3A_329 = arith.cmpi sgt, %sub3A_242, %gt3A_328 : i32
      %convert_element_type3A_330 = arith.extui %gt3A_329 : i1 to i32
      %cond3A_331 = arith.constant 0 : i32
      %cond3A_332 = arith.cmpi ne, %convert_element_type3A_330, %cond3A_331 : i32
      scf.if %cond3A_332 {
        %dma_wait3A = arith.constant 80 : i32
        %dma_wait3A_399 = arith.constant 0 : i32
        %dma_wait3A_400 = tpu.memref_slice %arg14[%dma_wait3A, %dma_wait3A_399] : memref<648x64xf32, #tpu.memory_space<vmem>> -> memref<40x64xf32, #tpu.memory_space<vmem>>
        %dma_wait3A_401 = arith.constant 80 : i32
        %dma_wait3A_402 = tpu.memref_slice %arg13[%dma_wait3A_401] : memref<648xi32, #tpu.memory_space<vmem>> -> memref<40xi32, #tpu.memory_space<vmem>>
        %dma_wait3A_403 = arith.constant 0 : i32
        %dma_wait3A_404 = arith.constant 0 : i32
        %dma_wait3A_405 = tpu.memref_slice %arg2[%dma_wait3A_403, %dma_wait3A_404] : memref<100000x64xf32, #tpu.memory_space<hbm>> -> memref<100000x64xf32, #tpu.memory_space<hbm>>
        tpu.wait_indirect_dma semaphore(%arg19 : memref<!tpu.dma_semaphore, #tpu.memory_space<semaphore_mem>>) src(%dma_wait3A_405 : memref<100000x64xf32, #tpu.memory_space<hbm>>) dst(%dma_wait3A_400 : memref<40x64xf32, #tpu.memory_space<vmem>>)
        %dma_wait3A_406 = arith.constant 80 : i32
        %dma_wait3A_407 = arith.constant 0 : i32
        %dma_wait3A_408 = tpu.memref_slice %arg15[%dma_wait3A_406, %dma_wait3A_407] : memref<608x64xf32, #tpu.memory_space<vmem>> -> memref<40x64xf32, #tpu.memory_space<vmem>>
        %dma_wait3A_409 = arith.constant 80 : i32
        %dma_wait3A_410 = tpu.memref_slice %arg13[%dma_wait3A_409] : memref<648xi32, #tpu.memory_space<vmem>> -> memref<40xi32, #tpu.memory_space<vmem>>
        %dma_wait3A_411 = arith.constant 0 : i32
        %dma_wait3A_412 = arith.constant 0 : i32
        %dma_wait3A_413 = tpu.memref_slice %arg3[%dma_wait3A_411, %dma_wait3A_412] : memref<100000x64xf32, #tpu.memory_space<hbm>> -> memref<100000x64xf32, #tpu.memory_space<hbm>>
        tpu.wait_indirect_dma semaphore(%arg20 : memref<!tpu.dma_semaphore, #tpu.memory_space<semaphore_mem>>) src(%dma_wait3A_413 : memref<100000x64xf32, #tpu.memory_space<hbm>>) dst(%dma_wait3A_408 : memref<40x64xf32, #tpu.memory_space<vmem>>)
      } else {
      }
      %gt3A_333 = arith.constant 120 : i32
      %gt3A_334 = arith.cmpi sgt, %sub3A_242, %gt3A_333 : i32
      %convert_element_type3A_335 = arith.extui %gt3A_334 : i1 to i32
      %cond3A_336 = arith.constant 0 : i32
      %cond3A_337 = arith.cmpi ne, %convert_element_type3A_335, %cond3A_336 : i32
      scf.if %cond3A_337 {
        %dma_wait3A = arith.constant 120 : i32
        %dma_wait3A_399 = arith.constant 0 : i32
        %dma_wait3A_400 = tpu.memref_slice %arg14[%dma_wait3A, %dma_wait3A_399] : memref<648x64xf32, #tpu.memory_space<vmem>> -> memref<40x64xf32, #tpu.memory_space<vmem>>
        %dma_wait3A_401 = arith.constant 120 : i32
        %dma_wait3A_402 = tpu.memref_slice %arg13[%dma_wait3A_401] : memref<648xi32, #tpu.memory_space<vmem>> -> memref<40xi32, #tpu.memory_space<vmem>>
        %dma_wait3A_403 = arith.constant 0 : i32
        %dma_wait3A_404 = arith.constant 0 : i32
        %dma_wait3A_405 = tpu.memref_slice %arg2[%dma_wait3A_403, %dma_wait3A_404] : memref<100000x64xf32, #tpu.memory_space<hbm>> -> memref<100000x64xf32, #tpu.memory_space<hbm>>
        tpu.wait_indirect_dma semaphore(%arg19 : memref<!tpu.dma_semaphore, #tpu.memory_space<semaphore_mem>>) src(%dma_wait3A_405 : memref<100000x64xf32, #tpu.memory_space<hbm>>) dst(%dma_wait3A_400 : memref<40x64xf32, #tpu.memory_space<vmem>>)
        %dma_wait3A_406 = arith.constant 120 : i32
        %dma_wait3A_407 = arith.constant 0 : i32
        %dma_wait3A_408 = tpu.memref_slice %arg15[%dma_wait3A_406, %dma_wait3A_407] : memref<608x64xf32, #tpu.memory_space<vmem>> -> memref<40x64xf32, #tpu.memory_space<vmem>>
        %dma_wait3A_409 = arith.constant 120 : i32
        %dma_wait3A_410 = tpu.memref_slice %arg13[%dma_wait3A_409] : memref<648xi32, #tpu.memory_space<vmem>> -> memref<40xi32, #tpu.memory_space<vmem>>
        %dma_wait3A_411 = arith.constant 0 : i32
        %dma_wait3A_412 = arith.constant 0 : i32
        %dma_wait3A_413 = tpu.memref_slice %arg3[%dma_wait3A_411, %dma_wait3A_412] : memref<100000x64xf32, #tpu.memory_space<hbm>> -> memref<100000x64xf32, #tpu.memory_space<hbm>>
        tpu.wait_indirect_dma semaphore(%arg20 : memref<!tpu.dma_semaphore, #tpu.memory_space<semaphore_mem>>) src(%dma_wait3A_413 : memref<100000x64xf32, #tpu.memory_space<hbm>>) dst(%dma_wait3A_408 : memref<40x64xf32, #tpu.memory_space<vmem>>)
      } else {
      }
      %gt3A_338 = arith.constant 160 : i32
      %gt3A_339 = arith.cmpi sgt, %sub3A_242, %gt3A_338 : i32
      %convert_element_type3A_340 = arith.extui %gt3A_339 : i1 to i32
      %cond3A_341 = arith.constant 0 : i32
      %cond3A_342 = arith.cmpi ne, %convert_element_type3A_340, %cond3A_341 : i32
      scf.if %cond3A_342 {
        %dma_wait3A = arith.constant 160 : i32
        %dma_wait3A_399 = arith.constant 0 : i32
        %dma_wait3A_400 = tpu.memref_slice %arg14[%dma_wait3A, %dma_wait3A_399] : memref<648x64xf32, #tpu.memory_space<vmem>> -> memref<40x64xf32, #tpu.memory_space<vmem>>
        %dma_wait3A_401 = arith.constant 160 : i32
        %dma_wait3A_402 = tpu.memref_slice %arg13[%dma_wait3A_401] : memref<648xi32, #tpu.memory_space<vmem>> -> memref<40xi32, #tpu.memory_space<vmem>>
        %dma_wait3A_403 = arith.constant 0 : i32
        %dma_wait3A_404 = arith.constant 0 : i32
        %dma_wait3A_405 = tpu.memref_slice %arg2[%dma_wait3A_403, %dma_wait3A_404] : memref<100000x64xf32, #tpu.memory_space<hbm>> -> memref<100000x64xf32, #tpu.memory_space<hbm>>
        tpu.wait_indirect_dma semaphore(%arg19 : memref<!tpu.dma_semaphore, #tpu.memory_space<semaphore_mem>>) src(%dma_wait3A_405 : memref<100000x64xf32, #tpu.memory_space<hbm>>) dst(%dma_wait3A_400 : memref<40x64xf32, #tpu.memory_space<vmem>>)
        %dma_wait3A_406 = arith.constant 160 : i32
        %dma_wait3A_407 = arith.constant 0 : i32
        %dma_wait3A_408 = tpu.memref_slice %arg15[%dma_wait3A_406, %dma_wait3A_407] : memref<608x64xf32, #tpu.memory_space<vmem>> -> memref<40x64xf32, #tpu.memory_space<vmem>>
        %dma_wait3A_409 = arith.constant 160 : i32
        %dma_wait3A_410 = tpu.memref_slice %arg13[%dma_wait3A_409] : memref<648xi32, #tpu.memory_space<vmem>> -> memref<40xi32, #tpu.memory_space<vmem>>
        %dma_wait3A_411 = arith.constant 0 : i32
        %dma_wait3A_412 = arith.constant 0 : i32
        %dma_wait3A_413 = tpu.memref_slice %arg3[%dma_wait3A_411, %dma_wait3A_412] : memref<100000x64xf32, #tpu.memory_space<hbm>> -> memref<100000x64xf32, #tpu.memory_space<hbm>>
        tpu.wait_indirect_dma semaphore(%arg20 : memref<!tpu.dma_semaphore, #tpu.memory_space<semaphore_mem>>) src(%dma_wait3A_413 : memref<100000x64xf32, #tpu.memory_space<hbm>>) dst(%dma_wait3A_408 : memref<40x64xf32, #tpu.memory_space<vmem>>)
      } else {
      }
      %gt3A_343 = arith.constant 200 : i32
      %gt3A_344 = arith.cmpi sgt, %sub3A_242, %gt3A_343 : i32
      %convert_element_type3A_345 = arith.extui %gt3A_344 : i1 to i32
      %cond3A_346 = arith.constant 0 : i32
      %cond3A_347 = arith.cmpi ne, %convert_element_type3A_345, %cond3A_346 : i32
      scf.if %cond3A_347 {
        %dma_wait3A = arith.constant 200 : i32
        %dma_wait3A_399 = arith.constant 0 : i32
        %dma_wait3A_400 = tpu.memref_slice %arg14[%dma_wait3A, %dma_wait3A_399] : memref<648x64xf32, #tpu.memory_space<vmem>> -> memref<40x64xf32, #tpu.memory_space<vmem>>
        %dma_wait3A_401 = arith.constant 200 : i32
        %dma_wait3A_402 = tpu.memref_slice %arg13[%dma_wait3A_401] : memref<648xi32, #tpu.memory_space<vmem>> -> memref<40xi32, #tpu.memory_space<vmem>>
        %dma_wait3A_403 = arith.constant 0 : i32
        %dma_wait3A_404 = arith.constant 0 : i32
        %dma_wait3A_405 = tpu.memref_slice %arg2[%dma_wait3A_403, %dma_wait3A_404] : memref<100000x64xf32, #tpu.memory_space<hbm>> -> memref<100000x64xf32, #tpu.memory_space<hbm>>
        tpu.wait_indirect_dma semaphore(%arg19 : memref<!tpu.dma_semaphore, #tpu.memory_space<semaphore_mem>>) src(%dma_wait3A_405 : memref<100000x64xf32, #tpu.memory_space<hbm>>) dst(%dma_wait3A_400 : memref<40x64xf32, #tpu.memory_space<vmem>>)
        %dma_wait3A_406 = arith.constant 200 : i32
        %dma_wait3A_407 = arith.constant 0 : i32
        %dma_wait3A_408 = tpu.memref_slice %arg15[%dma_wait3A_406, %dma_wait3A_407] : memref<608x64xf32, #tpu.memory_space<vmem>> -> memref<40x64xf32, #tpu.memory_space<vmem>>
        %dma_wait3A_409 = arith.constant 200 : i32
        %dma_wait3A_410 = tpu.memref_slice %arg13[%dma_wait3A_409] : memref<648xi32, #tpu.memory_space<vmem>> -> memref<40xi32, #tpu.memory_space<vmem>>
        %dma_wait3A_411 = arith.constant 0 : i32
        %dma_wait3A_412 = arith.constant 0 : i32
        %dma_wait3A_413 = tpu.memref_slice %arg3[%dma_wait3A_411, %dma_wait3A_412] : memref<100000x64xf32, #tpu.memory_space<hbm>> -> memref<100000x64xf32, #tpu.memory_space<hbm>>
        tpu.wait_indirect_dma semaphore(%arg20 : memref<!tpu.dma_semaphore, #tpu.memory_space<semaphore_mem>>) src(%dma_wait3A_413 : memref<100000x64xf32, #tpu.memory_space<hbm>>) dst(%dma_wait3A_408 : memref<40x64xf32, #tpu.memory_space<vmem>>)
      } else {
      }
      %gt3A_348 = arith.constant 240 : i32
      %gt3A_349 = arith.cmpi sgt, %sub3A_242, %gt3A_348 : i32
      %convert_element_type3A_350 = arith.extui %gt3A_349 : i1 to i32
      %cond3A_351 = arith.constant 0 : i32
      %cond3A_352 = arith.cmpi ne, %convert_element_type3A_350, %cond3A_351 : i32
      scf.if %cond3A_352 {
        %dma_wait3A = arith.constant 240 : i32
        %dma_wait3A_399 = arith.constant 0 : i32
        %dma_wait3A_400 = tpu.memref_slice %arg14[%dma_wait3A, %dma_wait3A_399] : memref<648x64xf32, #tpu.memory_space<vmem>> -> memref<40x64xf32, #tpu.memory_space<vmem>>
        %dma_wait3A_401 = arith.constant 240 : i32
        %dma_wait3A_402 = tpu.memref_slice %arg13[%dma_wait3A_401] : memref<648xi32, #tpu.memory_space<vmem>> -> memref<40xi32, #tpu.memory_space<vmem>>
        %dma_wait3A_403 = arith.constant 0 : i32
        %dma_wait3A_404 = arith.constant 0 : i32
        %dma_wait3A_405 = tpu.memref_slice %arg2[%dma_wait3A_403, %dma_wait3A_404] : memref<100000x64xf32, #tpu.memory_space<hbm>> -> memref<100000x64xf32, #tpu.memory_space<hbm>>
        tpu.wait_indirect_dma semaphore(%arg19 : memref<!tpu.dma_semaphore, #tpu.memory_space<semaphore_mem>>) src(%dma_wait3A_405 : memref<100000x64xf32, #tpu.memory_space<hbm>>) dst(%dma_wait3A_400 : memref<40x64xf32, #tpu.memory_space<vmem>>)
        %dma_wait3A_406 = arith.constant 240 : i32
        %dma_wait3A_407 = arith.constant 0 : i32
        %dma_wait3A_408 = tpu.memref_slice %arg15[%dma_wait3A_406, %dma_wait3A_407] : memref<608x64xf32, #tpu.memory_space<vmem>> -> memref<40x64xf32, #tpu.memory_space<vmem>>
        %dma_wait3A_409 = arith.constant 240 : i32
        %dma_wait3A_410 = tpu.memref_slice %arg13[%dma_wait3A_409] : memref<648xi32, #tpu.memory_space<vmem>> -> memref<40xi32, #tpu.memory_space<vmem>>
        %dma_wait3A_411 = arith.constant 0 : i32
        %dma_wait3A_412 = arith.constant 0 : i32
        %dma_wait3A_413 = tpu.memref_slice %arg3[%dma_wait3A_411, %dma_wait3A_412] : memref<100000x64xf32, #tpu.memory_space<hbm>> -> memref<100000x64xf32, #tpu.memory_space<hbm>>
        tpu.wait_indirect_dma semaphore(%arg20 : memref<!tpu.dma_semaphore, #tpu.memory_space<semaphore_mem>>) src(%dma_wait3A_413 : memref<100000x64xf32, #tpu.memory_space<hbm>>) dst(%dma_wait3A_408 : memref<40x64xf32, #tpu.memory_space<vmem>>)
      } else {
      }
      %gt3A_353 = arith.constant 280 : i32
      %gt3A_354 = arith.cmpi sgt, %sub3A_242, %gt3A_353 : i32
      %convert_element_type3A_355 = arith.extui %gt3A_354 : i1 to i32
      %cond3A_356 = arith.constant 0 : i32
      %cond3A_357 = arith.cmpi ne, %convert_element_type3A_355, %cond3A_356 : i32
      scf.if %cond3A_357 {
        %dma_wait3A = arith.constant 280 : i32
        %dma_wait3A_399 = arith.constant 0 : i32
        %dma_wait3A_400 = tpu.memref_slice %arg14[%dma_wait3A, %dma_wait3A_399] : memref<648x64xf32, #tpu.memory_space<vmem>> -> memref<40x64xf32, #tpu.memory_space<vmem>>
        %dma_wait3A_401 = arith.constant 280 : i32
        %dma_wait3A_402 = tpu.memref_slice %arg13[%dma_wait3A_401] : memref<648xi32, #tpu.memory_space<vmem>> -> memref<40xi32, #tpu.memory_space<vmem>>
        %dma_wait3A_403 = arith.constant 0 : i32
        %dma_wait3A_404 = arith.constant 0 : i32
        %dma_wait3A_405 = tpu.memref_slice %arg2[%dma_wait3A_403, %dma_wait3A_404] : memref<100000x64xf32, #tpu.memory_space<hbm>> -> memref<100000x64xf32, #tpu.memory_space<hbm>>
        tpu.wait_indirect_dma semaphore(%arg19 : memref<!tpu.dma_semaphore, #tpu.memory_space<semaphore_mem>>) src(%dma_wait3A_405 : memref<100000x64xf32, #tpu.memory_space<hbm>>) dst(%dma_wait3A_400 : memref<40x64xf32, #tpu.memory_space<vmem>>)
        %dma_wait3A_406 = arith.constant 280 : i32
        %dma_wait3A_407 = arith.constant 0 : i32
        %dma_wait3A_408 = tpu.memref_slice %arg15[%dma_wait3A_406, %dma_wait3A_407] : memref<608x64xf32, #tpu.memory_space<vmem>> -> memref<40x64xf32, #tpu.memory_space<vmem>>
        %dma_wait3A_409 = arith.constant 280 : i32
        %dma_wait3A_410 = tpu.memref_slice %arg13[%dma_wait3A_409] : memref<648xi32, #tpu.memory_space<vmem>> -> memref<40xi32, #tpu.memory_space<vmem>>
        %dma_wait3A_411 = arith.constant 0 : i32
        %dma_wait3A_412 = arith.constant 0 : i32
        %dma_wait3A_413 = tpu.memref_slice %arg3[%dma_wait3A_411, %dma_wait3A_412] : memref<100000x64xf32, #tpu.memory_space<hbm>> -> memref<100000x64xf32, #tpu.memory_space<hbm>>
        tpu.wait_indirect_dma semaphore(%arg20 : memref<!tpu.dma_semaphore, #tpu.memory_space<semaphore_mem>>) src(%dma_wait3A_413 : memref<100000x64xf32, #tpu.memory_space<hbm>>) dst(%dma_wait3A_408 : memref<40x64xf32, #tpu.memory_space<vmem>>)
      } else {
      }
      %gt3A_358 = arith.constant 320 : i32
      %gt3A_359 = arith.cmpi sgt, %sub3A_242, %gt3A_358 : i32
      %convert_element_type3A_360 = arith.extui %gt3A_359 : i1 to i32
      %cond3A_361 = arith.constant 0 : i32
      %cond3A_362 = arith.cmpi ne, %convert_element_type3A_360, %cond3A_361 : i32
      scf.if %cond3A_362 {
        %dma_wait3A = arith.constant 320 : i32
        %dma_wait3A_399 = arith.constant 0 : i32
        %dma_wait3A_400 = tpu.memref_slice %arg14[%dma_wait3A, %dma_wait3A_399] : memref<648x64xf32, #tpu.memory_space<vmem>> -> memref<40x64xf32, #tpu.memory_space<vmem>>
        %dma_wait3A_401 = arith.constant 320 : i32
        %dma_wait3A_402 = tpu.memref_slice %arg13[%dma_wait3A_401] : memref<648xi32, #tpu.memory_space<vmem>> -> memref<40xi32, #tpu.memory_space<vmem>>
        %dma_wait3A_403 = arith.constant 0 : i32
        %dma_wait3A_404 = arith.constant 0 : i32
        %dma_wait3A_405 = tpu.memref_slice %arg2[%dma_wait3A_403, %dma_wait3A_404] : memref<100000x64xf32, #tpu.memory_space<hbm>> -> memref<100000x64xf32, #tpu.memory_space<hbm>>
        tpu.wait_indirect_dma semaphore(%arg19 : memref<!tpu.dma_semaphore, #tpu.memory_space<semaphore_mem>>) src(%dma_wait3A_405 : memref<100000x64xf32, #tpu.memory_space<hbm>>) dst(%dma_wait3A_400 : memref<40x64xf32, #tpu.memory_space<vmem>>)
        %dma_wait3A_406 = arith.constant 320 : i32
        %dma_wait3A_407 = arith.constant 0 : i32
        %dma_wait3A_408 = tpu.memref_slice %arg15[%dma_wait3A_406, %dma_wait3A_407] : memref<608x64xf32, #tpu.memory_space<vmem>> -> memref<40x64xf32, #tpu.memory_space<vmem>>
        %dma_wait3A_409 = arith.constant 320 : i32
        %dma_wait3A_410 = tpu.memref_slice %arg13[%dma_wait3A_409] : memref<648xi32, #tpu.memory_space<vmem>> -> memref<40xi32, #tpu.memory_space<vmem>>
        %dma_wait3A_411 = arith.constant 0 : i32
        %dma_wait3A_412 = arith.constant 0 : i32
        %dma_wait3A_413 = tpu.memref_slice %arg3[%dma_wait3A_411, %dma_wait3A_412] : memref<100000x64xf32, #tpu.memory_space<hbm>> -> memref<100000x64xf32, #tpu.memory_space<hbm>>
        tpu.wait_indirect_dma semaphore(%arg20 : memref<!tpu.dma_semaphore, #tpu.memory_space<semaphore_mem>>) src(%dma_wait3A_413 : memref<100000x64xf32, #tpu.memory_space<hbm>>) dst(%dma_wait3A_408 : memref<40x64xf32, #tpu.memory_space<vmem>>)
      } else {
      }
      %gt3A_363 = arith.constant 360 : i32
      %gt3A_364 = arith.cmpi sgt, %sub3A_242, %gt3A_363 : i32
      %convert_element_type3A_365 = arith.extui %gt3A_364 : i1 to i32
      %cond3A_366 = arith.constant 0 : i32
      %cond3A_367 = arith.cmpi ne, %convert_element_type3A_365, %cond3A_366 : i32
      scf.if %cond3A_367 {
        %dma_wait3A = arith.constant 360 : i32
        %dma_wait3A_399 = arith.constant 0 : i32
        %dma_wait3A_400 = tpu.memref_slice %arg14[%dma_wait3A, %dma_wait3A_399] : memref<648x64xf32, #tpu.memory_space<vmem>> -> memref<40x64xf32, #tpu.memory_space<vmem>>
        %dma_wait3A_401 = arith.constant 360 : i32
        %dma_wait3A_402 = tpu.memref_slice %arg13[%dma_wait3A_401] : memref<648xi32, #tpu.memory_space<vmem>> -> memref<40xi32, #tpu.memory_space<vmem>>
        %dma_wait3A_403 = arith.constant 0 : i32
        %dma_wait3A_404 = arith.constant 0 : i32
        %dma_wait3A_405 = tpu.memref_slice %arg2[%dma_wait3A_403, %dma_wait3A_404] : memref<100000x64xf32, #tpu.memory_space<hbm>> -> memref<100000x64xf32, #tpu.memory_space<hbm>>
        tpu.wait_indirect_dma semaphore(%arg19 : memref<!tpu.dma_semaphore, #tpu.memory_space<semaphore_mem>>) src(%dma_wait3A_405 : memref<100000x64xf32, #tpu.memory_space<hbm>>) dst(%dma_wait3A_400 : memref<40x64xf32, #tpu.memory_space<vmem>>)
        %dma_wait3A_406 = arith.constant 360 : i32
        %dma_wait3A_407 = arith.constant 0 : i32
        %dma_wait3A_408 = tpu.memref_slice %arg15[%dma_wait3A_406, %dma_wait3A_407] : memref<608x64xf32, #tpu.memory_space<vmem>> -> memref<40x64xf32, #tpu.memory_space<vmem>>
        %dma_wait3A_409 = arith.constant 360 : i32
        %dma_wait3A_410 = tpu.memref_slice %arg13[%dma_wait3A_409] : memref<648xi32, #tpu.memory_space<vmem>> -> memref<40xi32, #tpu.memory_space<vmem>>
        %dma_wait3A_411 = arith.constant 0 : i32
        %dma_wait3A_412 = arith.constant 0 : i32
        %dma_wait3A_413 = tpu.memref_slice %arg3[%dma_wait3A_411, %dma_wait3A_412] : memref<100000x64xf32, #tpu.memory_space<hbm>> -> memref<100000x64xf32, #tpu.memory_space<hbm>>
        tpu.wait_indirect_dma semaphore(%arg20 : memref<!tpu.dma_semaphore, #tpu.memory_space<semaphore_mem>>) src(%dma_wait3A_413 : memref<100000x64xf32, #tpu.memory_space<hbm>>) dst(%dma_wait3A_408 : memref<40x64xf32, #tpu.memory_space<vmem>>)
      } else {
      }
      %gt3A_368 = arith.constant 400 : i32
      %gt3A_369 = arith.cmpi sgt, %sub3A_242, %gt3A_368 : i32
      %convert_element_type3A_370 = arith.extui %gt3A_369 : i1 to i32
      %cond3A_371 = arith.constant 0 : i32
      %cond3A_372 = arith.cmpi ne, %convert_element_type3A_370, %cond3A_371 : i32
      scf.if %cond3A_372 {
        %dma_wait3A = arith.constant 400 : i32
        %dma_wait3A_399 = arith.constant 0 : i32
        %dma_wait3A_400 = tpu.memref_slice %arg14[%dma_wait3A, %dma_wait3A_399] : memref<648x64xf32, #tpu.memory_space<vmem>> -> memref<40x64xf32, #tpu.memory_space<vmem>>
        %dma_wait3A_401 = arith.constant 400 : i32
        %dma_wait3A_402 = tpu.memref_slice %arg13[%dma_wait3A_401] : memref<648xi32, #tpu.memory_space<vmem>> -> memref<40xi32, #tpu.memory_space<vmem>>
        %dma_wait3A_403 = arith.constant 0 : i32
        %dma_wait3A_404 = arith.constant 0 : i32
        %dma_wait3A_405 = tpu.memref_slice %arg2[%dma_wait3A_403, %dma_wait3A_404] : memref<100000x64xf32, #tpu.memory_space<hbm>> -> memref<100000x64xf32, #tpu.memory_space<hbm>>
        tpu.wait_indirect_dma semaphore(%arg19 : memref<!tpu.dma_semaphore, #tpu.memory_space<semaphore_mem>>) src(%dma_wait3A_405 : memref<100000x64xf32, #tpu.memory_space<hbm>>) dst(%dma_wait3A_400 : memref<40x64xf32, #tpu.memory_space<vmem>>)
        %dma_wait3A_406 = arith.constant 400 : i32
        %dma_wait3A_407 = arith.constant 0 : i32
        %dma_wait3A_408 = tpu.memref_slice %arg15[%dma_wait3A_406, %dma_wait3A_407] : memref<608x64xf32, #tpu.memory_space<vmem>> -> memref<40x64xf32, #tpu.memory_space<vmem>>
        %dma_wait3A_409 = arith.constant 400 : i32
        %dma_wait3A_410 = tpu.memref_slice %arg13[%dma_wait3A_409] : memref<648xi32, #tpu.memory_space<vmem>> -> memref<40xi32, #tpu.memory_space<vmem>>
        %dma_wait3A_411 = arith.constant 0 : i32
        %dma_wait3A_412 = arith.constant 0 : i32
        %dma_wait3A_413 = tpu.memref_slice %arg3[%dma_wait3A_411, %dma_wait3A_412] : memref<100000x64xf32, #tpu.memory_space<hbm>> -> memref<100000x64xf32, #tpu.memory_space<hbm>>
        tpu.wait_indirect_dma semaphore(%arg20 : memref<!tpu.dma_semaphore, #tpu.memory_space<semaphore_mem>>) src(%dma_wait3A_413 : memref<100000x64xf32, #tpu.memory_space<hbm>>) dst(%dma_wait3A_408 : memref<40x64xf32, #tpu.memory_space<vmem>>)
      } else {
      }
      %gt3A_373 = arith.constant 440 : i32
      %gt3A_374 = arith.cmpi sgt, %sub3A_242, %gt3A_373 : i32
      %convert_element_type3A_375 = arith.extui %gt3A_374 : i1 to i32
      %cond3A_376 = arith.constant 0 : i32
      %cond3A_377 = arith.cmpi ne, %convert_element_type3A_375, %cond3A_376 : i32
      scf.if %cond3A_377 {
        %dma_wait3A = arith.constant 440 : i32
        %dma_wait3A_399 = arith.constant 0 : i32
        %dma_wait3A_400 = tpu.memref_slice %arg14[%dma_wait3A, %dma_wait3A_399] : memref<648x64xf32, #tpu.memory_space<vmem>> -> memref<40x64xf32, #tpu.memory_space<vmem>>
        %dma_wait3A_401 = arith.constant 440 : i32
        %dma_wait3A_402 = tpu.memref_slice %arg13[%dma_wait3A_401] : memref<648xi32, #tpu.memory_space<vmem>> -> memref<40xi32, #tpu.memory_space<vmem>>
        %dma_wait3A_403 = arith.constant 0 : i32
        %dma_wait3A_404 = arith.constant 0 : i32
        %dma_wait3A_405 = tpu.memref_slice %arg2[%dma_wait3A_403, %dma_wait3A_404] : memref<100000x64xf32, #tpu.memory_space<hbm>> -> memref<100000x64xf32, #tpu.memory_space<hbm>>
        tpu.wait_indirect_dma semaphore(%arg19 : memref<!tpu.dma_semaphore, #tpu.memory_space<semaphore_mem>>) src(%dma_wait3A_405 : memref<100000x64xf32, #tpu.memory_space<hbm>>) dst(%dma_wait3A_400 : memref<40x64xf32, #tpu.memory_space<vmem>>)
        %dma_wait3A_406 = arith.constant 440 : i32
        %dma_wait3A_407 = arith.constant 0 : i32
        %dma_wait3A_408 = tpu.memref_slice %arg15[%dma_wait3A_406, %dma_wait3A_407] : memref<608x64xf32, #tpu.memory_space<vmem>> -> memref<40x64xf32, #tpu.memory_space<vmem>>
        %dma_wait3A_409 = arith.constant 440 : i32
        %dma_wait3A_410 = tpu.memref_slice %arg13[%dma_wait3A_409] : memref<648xi32, #tpu.memory_space<vmem>> -> memref<40xi32, #tpu.memory_space<vmem>>
        %dma_wait3A_411 = arith.constant 0 : i32
        %dma_wait3A_412 = arith.constant 0 : i32
        %dma_wait3A_413 = tpu.memref_slice %arg3[%dma_wait3A_411, %dma_wait3A_412] : memref<100000x64xf32, #tpu.memory_space<hbm>> -> memref<100000x64xf32, #tpu.memory_space<hbm>>
        tpu.wait_indirect_dma semaphore(%arg20 : memref<!tpu.dma_semaphore, #tpu.memory_space<semaphore_mem>>) src(%dma_wait3A_413 : memref<100000x64xf32, #tpu.memory_space<hbm>>) dst(%dma_wait3A_408 : memref<40x64xf32, #tpu.memory_space<vmem>>)
      } else {
      }
      %gt3A_378 = arith.constant 480 : i32
      %gt3A_379 = arith.cmpi sgt, %sub3A_242, %gt3A_378 : i32
      %convert_element_type3A_380 = arith.extui %gt3A_379 : i1 to i32
      %cond3A_381 = arith.constant 0 : i32
      %cond3A_382 = arith.cmpi ne, %convert_element_type3A_380, %cond3A_381 : i32
      scf.if %cond3A_382 {
        %dma_wait3A = arith.constant 480 : i32
        %dma_wait3A_399 = arith.constant 0 : i32
        %dma_wait3A_400 = tpu.memref_slice %arg14[%dma_wait3A, %dma_wait3A_399] : memref<648x64xf32, #tpu.memory_space<vmem>> -> memref<40x64xf32, #tpu.memory_space<vmem>>
        %dma_wait3A_401 = arith.constant 480 : i32
        %dma_wait3A_402 = tpu.memref_slice %arg13[%dma_wait3A_401] : memref<648xi32, #tpu.memory_space<vmem>> -> memref<40xi32, #tpu.memory_space<vmem>>
        %dma_wait3A_403 = arith.constant 0 : i32
        %dma_wait3A_404 = arith.constant 0 : i32
        %dma_wait3A_405 = tpu.memref_slice %arg2[%dma_wait3A_403, %dma_wait3A_404] : memref<100000x64xf32, #tpu.memory_space<hbm>> -> memref<100000x64xf32, #tpu.memory_space<hbm>>
        tpu.wait_indirect_dma semaphore(%arg19 : memref<!tpu.dma_semaphore, #tpu.memory_space<semaphore_mem>>) src(%dma_wait3A_405 : memref<100000x64xf32, #tpu.memory_space<hbm>>) dst(%dma_wait3A_400 : memref<40x64xf32, #tpu.memory_space<vmem>>)
        %dma_wait3A_406 = arith.constant 480 : i32
        %dma_wait3A_407 = arith.constant 0 : i32
        %dma_wait3A_408 = tpu.memref_slice %arg15[%dma_wait3A_406, %dma_wait3A_407] : memref<608x64xf32, #tpu.memory_space<vmem>> -> memref<40x64xf32, #tpu.memory_space<vmem>>
        %dma_wait3A_409 = arith.constant 480 : i32
        %dma_wait3A_410 = tpu.memref_slice %arg13[%dma_wait3A_409] : memref<648xi32, #tpu.memory_space<vmem>> -> memref<40xi32, #tpu.memory_space<vmem>>
        %dma_wait3A_411 = arith.constant 0 : i32
        %dma_wait3A_412 = arith.constant 0 : i32
        %dma_wait3A_413 = tpu.memref_slice %arg3[%dma_wait3A_411, %dma_wait3A_412] : memref<100000x64xf32, #tpu.memory_space<hbm>> -> memref<100000x64xf32, #tpu.memory_space<hbm>>
        tpu.wait_indirect_dma semaphore(%arg20 : memref<!tpu.dma_semaphore, #tpu.memory_space<semaphore_mem>>) src(%dma_wait3A_413 : memref<100000x64xf32, #tpu.memory_space<hbm>>) dst(%dma_wait3A_408 : memref<40x64xf32, #tpu.memory_space<vmem>>)
      } else {
      }
      %gt3A_383 = arith.constant 520 : i32
      %gt3A_384 = arith.cmpi sgt, %sub3A_242, %gt3A_383 : i32
      %convert_element_type3A_385 = arith.extui %gt3A_384 : i1 to i32
      %cond3A_386 = arith.constant 0 : i32
      %cond3A_387 = arith.cmpi ne, %convert_element_type3A_385, %cond3A_386 : i32
      scf.if %cond3A_387 {
        %dma_wait3A = arith.constant 520 : i32
        %dma_wait3A_399 = arith.constant 0 : i32
        %dma_wait3A_400 = tpu.memref_slice %arg14[%dma_wait3A, %dma_wait3A_399] : memref<648x64xf32, #tpu.memory_space<vmem>> -> memref<40x64xf32, #tpu.memory_space<vmem>>
        %dma_wait3A_401 = arith.constant 520 : i32
        %dma_wait3A_402 = tpu.memref_slice %arg13[%dma_wait3A_401] : memref<648xi32, #tpu.memory_space<vmem>> -> memref<40xi32, #tpu.memory_space<vmem>>
        %dma_wait3A_403 = arith.constant 0 : i32
        %dma_wait3A_404 = arith.constant 0 : i32
        %dma_wait3A_405 = tpu.memref_slice %arg2[%dma_wait3A_403, %dma_wait3A_404] : memref<100000x64xf32, #tpu.memory_space<hbm>> -> memref<100000x64xf32, #tpu.memory_space<hbm>>
        tpu.wait_indirect_dma semaphore(%arg19 : memref<!tpu.dma_semaphore, #tpu.memory_space<semaphore_mem>>) src(%dma_wait3A_405 : memref<100000x64xf32, #tpu.memory_space<hbm>>) dst(%dma_wait3A_400 : memref<40x64xf32, #tpu.memory_space<vmem>>)
        %dma_wait3A_406 = arith.constant 520 : i32
        %dma_wait3A_407 = arith.constant 0 : i32
        %dma_wait3A_408 = tpu.memref_slice %arg15[%dma_wait3A_406, %dma_wait3A_407] : memref<608x64xf32, #tpu.memory_space<vmem>> -> memref<40x64xf32, #tpu.memory_space<vmem>>
        %dma_wait3A_409 = arith.constant 520 : i32
        %dma_wait3A_410 = tpu.memref_slice %arg13[%dma_wait3A_409] : memref<648xi32, #tpu.memory_space<vmem>> -> memref<40xi32, #tpu.memory_space<vmem>>
        %dma_wait3A_411 = arith.constant 0 : i32
        %dma_wait3A_412 = arith.constant 0 : i32
        %dma_wait3A_413 = tpu.memref_slice %arg3[%dma_wait3A_411, %dma_wait3A_412] : memref<100000x64xf32, #tpu.memory_space<hbm>> -> memref<100000x64xf32, #tpu.memory_space<hbm>>
        tpu.wait_indirect_dma semaphore(%arg20 : memref<!tpu.dma_semaphore, #tpu.memory_space<semaphore_mem>>) src(%dma_wait3A_413 : memref<100000x64xf32, #tpu.memory_space<hbm>>) dst(%dma_wait3A_408 : memref<40x64xf32, #tpu.memory_space<vmem>>)
      } else {
      }
      %gt3A_388 = arith.constant 560 : i32
      %gt3A_389 = arith.cmpi sgt, %sub3A_242, %gt3A_388 : i32
      %convert_element_type3A_390 = arith.extui %gt3A_389 : i1 to i32
      %cond3A_391 = arith.constant 0 : i32
      %cond3A_392 = arith.cmpi ne, %convert_element_type3A_390, %cond3A_391 : i32
      scf.if %cond3A_392 {
        %dma_wait3A = arith.constant 560 : i32
        %dma_wait3A_399 = arith.constant 0 : i32
        %dma_wait3A_400 = tpu.memref_slice %arg14[%dma_wait3A, %dma_wait3A_399] : memref<648x64xf32, #tpu.memory_space<vmem>> -> memref<40x64xf32, #tpu.memory_space<vmem>>
        %dma_wait3A_401 = arith.constant 560 : i32
        %dma_wait3A_402 = tpu.memref_slice %arg13[%dma_wait3A_401] : memref<648xi32, #tpu.memory_space<vmem>> -> memref<40xi32, #tpu.memory_space<vmem>>
        %dma_wait3A_403 = arith.constant 0 : i32
        %dma_wait3A_404 = arith.constant 0 : i32
        %dma_wait3A_405 = tpu.memref_slice %arg2[%dma_wait3A_403, %dma_wait3A_404] : memref<100000x64xf32, #tpu.memory_space<hbm>> -> memref<100000x64xf32, #tpu.memory_space<hbm>>
        tpu.wait_indirect_dma semaphore(%arg19 : memref<!tpu.dma_semaphore, #tpu.memory_space<semaphore_mem>>) src(%dma_wait3A_405 : memref<100000x64xf32, #tpu.memory_space<hbm>>) dst(%dma_wait3A_400 : memref<40x64xf32, #tpu.memory_space<vmem>>)
        %dma_wait3A_406 = arith.constant 560 : i32
        %dma_wait3A_407 = arith.constant 0 : i32
        %dma_wait3A_408 = tpu.memref_slice %arg15[%dma_wait3A_406, %dma_wait3A_407] : memref<608x64xf32, #tpu.memory_space<vmem>> -> memref<40x64xf32, #tpu.memory_space<vmem>>
        %dma_wait3A_409 = arith.constant 560 : i32
        %dma_wait3A_410 = tpu.memref_slice %arg13[%dma_wait3A_409] : memref<648xi32, #tpu.memory_space<vmem>> -> memref<40xi32, #tpu.memory_space<vmem>>
        %dma_wait3A_411 = arith.constant 0 : i32
        %dma_wait3A_412 = arith.constant 0 : i32
        %dma_wait3A_413 = tpu.memref_slice %arg3[%dma_wait3A_411, %dma_wait3A_412] : memref<100000x64xf32, #tpu.memory_space<hbm>> -> memref<100000x64xf32, #tpu.memory_space<hbm>>
        tpu.wait_indirect_dma semaphore(%arg20 : memref<!tpu.dma_semaphore, #tpu.memory_space<semaphore_mem>>) src(%dma_wait3A_413 : memref<100000x64xf32, #tpu.memory_space<hbm>>) dst(%dma_wait3A_408 : memref<40x64xf32, #tpu.memory_space<vmem>>)
      } else {
      }
      %scan3A_393 = arith.constant 0 : i32
      %scan3A_394 = arith.constant 0 : i32
      %scan3A_395 = arith.constant 10 : i32
      %scan3A_396 = arith.addi %scan3A_394, %scan3A_395 : i32
      %scan3A_397 = arith.constant 1 : i32
      scf.for %scan3A_399 = %scan3A_394 to %scan3A_396 step %scan3A_397  : i32 {
        %mul3A_400 = arith.constant 8 : i32
        %mul3A_401 = arith.muli %scan3A_399, %mul3A_400 : i32
        %get3A_402 = arith.index_cast %mul3A_401 : i32 to index
        %get3A_403 = tpu.vector_load %arg12[%get3A_402] {strides = array<i32>} : memref<104xi32, #tpu.memory_space<vmem>>, vector<16xi32>,
        %get3A_404 = vector.shape_cast %get3A_403 : vector<16xi32> to vector<16xi32>
        %slice3A_405 = vector.extract_strided_slice %get3A_404 {offsets = [0], sizes = [1], strides = [1]} : vector<16xi32> to vector<1xi32>
        %squeeze3A_406 = vector.extract %slice3A_405[0] : i32 from vector<1xi32>
        %sub3A_407 = arith.subi %squeeze3A_406, %multiple_of3A_236 : i32
        %slice3A_408 = vector.extract_strided_slice %get3A_404 {offsets = [1], sizes = [1], strides = [1]} : vector<16xi32> to vector<1xi32>
        %squeeze3A_409 = vector.extract %slice3A_408[0] : i32 from vector<1xi32>
        %slice3A_410 = vector.extract_strided_slice %get3A_404 {offsets = [0], sizes = [1], strides = [1]} : vector<16xi32> to vector<1xi32>
        %squeeze3A_411 = vector.extract %slice3A_410[0] : i32 from vector<1xi32>
        %sub3A_412 = arith.subi %squeeze3A_409, %squeeze3A_411 : i32
        %mul3A_413 = arith.constant 8 : i32
        %mul3A_414 = arith.muli %scan3A_399, %mul3A_413 : i32
        %add3A_415 = arith.constant 0 : i32
        %add3A_416 = arith.addi %mul3A_414, %add3A_415 : i32
        %broadcast_in_dim3A = arith.constant 0.000000e+00 : f32
        %broadcast_in_dim3A_417 = vector.broadcast %broadcast_in_dim3A : f32 to vector<16xf32>
        %while3A = arith.constant 0 : i32
        %while3A_418 = arith.subi %sub3A_412, %while3A : i32
        %while3A_419 = arith.addi %while3A, %while3A_418 : i32
        %while3A_420 = arith.constant 1 : i32
        %while3A_421 = arith.divsi %while3A_418, %while3A_420 : i32
        %while3A_422 = arith.muli %while3A_421, %while3A_420 : i32
        %while3A_423 = arith.addi %while3A, %while3A_422 : i32
        %while3A_424 = arith.constant 1 : i32
        %while3A_425:8 = scf.for %while3A_922 = %while3A to %while3A_423 step %while3A_424 iter_args(%while3A_923 = %broadcast_in_dim3A_417, %while3A_924 = %broadcast_in_dim3A_417, %while3A_925 = %broadcast_in_dim3A_417, %while3A_926 = %broadcast_in_dim3A_417, %while3A_927 = %broadcast_in_dim3A_417, %while3A_928 = %broadcast_in_dim3A_417, %while3A_929 = %broadcast_in_dim3A_417, %while3A_930 = %broadcast_in_dim3A_417) -> (vector<16xf32>, vector<16xf32>, vector<16xf32>, vector<16xf32>, vector<16xf32>, vector<16xf32>, vector<16xf32>, vector<16xf32>)  : i32 {
          %add3A_931 = arith.addi %sub3A_407, %while3A_922 : i32
          %get3A_932 = arith.index_cast %add3A_931 : i32 to index
          %get3A_933 = arith.constant 0 : index
          %get3A_934 = tpu.vector_load %arg14[%get3A_932, %get3A_933] {strides = array<i32>} : memref<648x64xf32, #tpu.memory_space<vmem>>, vector<1x16xf32>,
          %get3A_935 = vector.shape_cast %get3A_934 : vector<1x16xf32> to vector<16xf32>
          %add3A_936 = arith.addf %while3A_923, %get3A_935 : vector<16xf32>
          %add3A_937 = arith.addi %sub3A_407, %while3A_922 : i32
          %get3A_938 = arith.index_cast %add3A_937 : i32 to index
          %get3A_939 = arith.constant 16 : index
          %get3A_940 = tpu.vector_load %arg14[%get3A_938, %get3A_939] {strides = array<i32>} : memref<648x64xf32, #tpu.memory_space<vmem>>, vector<1x16xf32>,
          %get3A_941 = vector.shape_cast %get3A_940 : vector<1x16xf32> to vector<16xf32>
          %add3A_942 = arith.addf %while3A_924, %get3A_941 : vector<16xf32>
          %add3A_943 = arith.addi %sub3A_407, %while3A_922 : i32
          %get3A_944 = arith.index_cast %add3A_943 : i32 to index
          %get3A_945 = arith.constant 32 : index
          %get3A_946 = tpu.vector_load %arg14[%get3A_944, %get3A_945] {strides = array<i32>} : memref<648x64xf32, #tpu.memory_space<vmem>>, vector<1x16xf32>,
          %get3A_947 = vector.shape_cast %get3A_946 : vector<1x16xf32> to vector<16xf32>
          %add3A_948 = arith.addf %while3A_925, %get3A_947 : vector<16xf32>
          %add3A_949 = arith.addi %sub3A_407, %while3A_922 : i32
          %get3A_950 = arith.index_cast %add3A_949 : i32 to index
          %get3A_951 = arith.constant 48 : index
          %get3A_952 = tpu.vector_load %arg14[%get3A_950, %get3A_951] {strides = array<i32>} : memref<648x64xf32, #tpu.memory_space<vmem>>, vector<1x16xf32>,
          %get3A_953 = vector.shape_cast %get3A_952 : vector<1x16xf32> to vector<16xf32>
          %add3A_954 = arith.addf %while3A_926, %get3A_953 : vector<16xf32>
          %add3A_955 = arith.addi %sub3A_407, %while3A_922 : i32
          %get3A_956 = arith.index_cast %add3A_955 : i32 to index
          %get3A_957 = arith.constant 0 : index
          %get3A_958 = tpu.vector_load %arg15[%get3A_956, %get3A_957] {strides = array<i32>} : memref<608x64xf32, #tpu.memory_space<vmem>>, vector<1x16xf32>,
          %get3A_959 = vector.shape_cast %get3A_958 : vector<1x16xf32> to vector<16xf32>
          %add3A_960 = arith.addf %while3A_927, %get3A_959 : vector<16xf32>
          %add3A_961 = arith.addi %sub3A_407, %while3A_922 : i32
          %get3A_962 = arith.index_cast %add3A_961 : i32 to index
          %get3A_963 = arith.constant 16 : index
          %get3A_964 = tpu.vector_load %arg15[%get3A_962, %get3A_963] {strides = array<i32>} : memref<608x64xf32, #tpu.memory_space<vmem>>, vector<1x16xf32>,
          %get3A_965 = vector.shape_cast %get3A_964 : vector<1x16xf32> to vector<16xf32>
          %add3A_966 = arith.addf %while3A_928, %get3A_965 : vector<16xf32>
          %add3A_967 = arith.addi %sub3A_407, %while3A_922 : i32
          %get3A_968 = arith.index_cast %add3A_967 : i32 to index
          %get3A_969 = arith.constant 32 : index
          %get3A_970 = tpu.vector_load %arg15[%get3A_968, %get3A_969] {strides = array<i32>} : memref<608x64xf32, #tpu.memory_space<vmem>>, vector<1x16xf32>,
          %get3A_971 = vector.shape_cast %get3A_970 : vector<1x16xf32> to vector<16xf32>
          %add3A_972 = arith.addf %while3A_929, %get3A_971 : vector<16xf32>
          %add3A_973 = arith.addi %sub3A_407, %while3A_922 : i32
          %get3A_974 = arith.index_cast %add3A_973 : i32 to index
          %get3A_975 = arith.constant 48 : index
          %get3A_976 = tpu.vector_load %arg15[%get3A_974, %get3A_975] {strides = array<i32>} : memref<608x64xf32, #tpu.memory_space<vmem>>, vector<1x16xf32>,
          %get3A_977 = vector.shape_cast %get3A_976 : vector<1x16xf32> to vector<16xf32>
          %add3A_978 = arith.addf %while3A_930, %get3A_977 : vector<16xf32>
          scf.yield %add3A_936, %add3A_942, %add3A_948, %add3A_954, %add3A_960, %add3A_966, %add3A_972, %add3A_978 : vector<16xf32>, vector<16xf32>, vector<16xf32>, vector<16xf32>, vector<16xf32>, vector<16xf32>, vector<16xf32>, vector<16xf32>
        }
        %while3A_426 = arith.constant 1 : i32
        %while3A_427:8 = scf.for %while3A_922 = %while3A_423 to %while3A_419 step %while3A_426 iter_args(%while3A_923 = %while3A_425#0, %while3A_924 = %while3A_425#1, %while3A_925 = %while3A_425#2, %while3A_926 = %while3A_425#3, %while3A_927 = %while3A_425#4, %while3A_928 = %while3A_425#5, %while3A_929 = %while3A_425#6, %while3A_930 = %while3A_425#7) -> (vector<16xf32>, vector<16xf32>, vector<16xf32>, vector<16xf32>, vector<16xf32>, vector<16xf32>, vector<16xf32>, vector<16xf32>)  : i32 {
          %add3A_931 = arith.addi %sub3A_407, %while3A_922 : i32
          %get3A_932 = arith.index_cast %add3A_931 : i32 to index
          %get3A_933 = arith.constant 0 : index
          %get3A_934 = tpu.vector_load %arg14[%get3A_932, %get3A_933] {strides = array<i32>} : memref<648x64xf32, #tpu.memory_space<vmem>>, vector<1x16xf32>,
          %get3A_935 = vector.shape_cast %get3A_934 : vector<1x16xf32> to vector<16xf32>
          %add3A_936 = arith.addf %while3A_923, %get3A_935 : vector<16xf32>
          %add3A_937 = arith.addi %sub3A_407, %while3A_922 : i32
          %get3A_938 = arith.index_cast %add3A_937 : i32 to index
          %get3A_939 = arith.constant 16 : index
          %get3A_940 = tpu.vector_load %arg14[%get3A_938, %get3A_939] {strides = array<i32>} : memref<648x64xf32, #tpu.memory_space<vmem>>, vector<1x16xf32>,
          %get3A_941 = vector.shape_cast %get3A_940 : vector<1x16xf32> to vector<16xf32>
          %add3A_942 = arith.addf %while3A_924, %get3A_941 : vector<16xf32>
          %add3A_943 = arith.addi %sub3A_407, %while3A_922 : i32
          %get3A_944 = arith.index_cast %add3A_943 : i32 to index
          %get3A_945 = arith.constant 32 : index
          %get3A_946 = tpu.vector_load %arg14[%get3A_944, %get3A_945] {strides = array<i32>} : memref<648x64xf32, #tpu.memory_space<vmem>>, vector<1x16xf32>,
          %get3A_947 = vector.shape_cast %get3A_946 : vector<1x16xf32> to vector<16xf32>
          %add3A_948 = arith.addf %while3A_925, %get3A_947 : vector<16xf32>
          %add3A_949 = arith.addi %sub3A_407, %while3A_922 : i32
          %get3A_950 = arith.index_cast %add3A_949 : i32 to index
          %get3A_951 = arith.constant 48 : index
          %get3A_952 = tpu.vector_load %arg14[%get3A_950, %get3A_951] {strides = array<i32>} : memref<648x64xf32, #tpu.memory_space<vmem>>, vector<1x16xf32>,
          %get3A_953 = vector.shape_cast %get3A_952 : vector<1x16xf32> to vector<16xf32>
          %add3A_954 = arith.addf %while3A_926, %get3A_953 : vector<16xf32>
          %add3A_955 = arith.addi %sub3A_407, %while3A_922 : i32
          %get3A_956 = arith.index_cast %add3A_955 : i32 to index
          %get3A_957 = arith.constant 0 : index
          %get3A_958 = tpu.vector_load %arg15[%get3A_956, %get3A_957] {strides = array<i32>} : memref<608x64xf32, #tpu.memory_space<vmem>>, vector<1x16xf32>,
          %get3A_959 = vector.shape_cast %get3A_958 : vector<1x16xf32> to vector<16xf32>
          %add3A_960 = arith.addf %while3A_927, %get3A_959 : vector<16xf32>
          %add3A_961 = arith.addi %sub3A_407, %while3A_922 : i32
          %get3A_962 = arith.index_cast %add3A_961 : i32 to index
          %get3A_963 = arith.constant 16 : index
          %get3A_964 = tpu.vector_load %arg15[%get3A_962, %get3A_963] {strides = array<i32>} : memref<608x64xf32, #tpu.memory_space<vmem>>, vector<1x16xf32>,
          %get3A_965 = vector.shape_cast %get3A_964 : vector<1x16xf32> to vector<16xf32>
          %add3A_966 = arith.addf %while3A_928, %get3A_965 : vector<16xf32>
          %add3A_967 = arith.addi %sub3A_407, %while3A_922 : i32
          %get3A_968 = arith.index_cast %add3A_967 : i32 to index
          %get3A_969 = arith.constant 32 : index
          %get3A_970 = tpu.vector_load %arg15[%get3A_968, %get3A_969] {strides = array<i32>} : memref<608x64xf32, #tpu.memory_space<vmem>>, vector<1x16xf32>,
          %get3A_971 = vector.shape_cast %get3A_970 : vector<1x16xf32> to vector<16xf32>
          %add3A_972 = arith.addf %while3A_929, %get3A_971 : vector<16xf32>
          %add3A_973 = arith.addi %sub3A_407, %while3A_922 : i32
          %get3A_974 = arith.index_cast %add3A_973 : i32 to index
          %get3A_975 = arith.constant 48 : index
          %get3A_976 = tpu.vector_load %arg15[%get3A_974, %get3A_975] {strides = array<i32>} : memref<608x64xf32, #tpu.memory_space<vmem>>, vector<1x16xf32>,
          %get3A_977 = vector.shape_cast %get3A_976 : vector<1x16xf32> to vector<16xf32>
          %add3A_978 = arith.addf %while3A_930, %get3A_977 : vector<16xf32>
          scf.yield %add3A_936, %add3A_942, %add3A_948, %add3A_954, %add3A_960, %add3A_966, %add3A_972, %add3A_978 : vector<16xf32>, vector<16xf32>, vector<16xf32>, vector<16xf32>, vector<16xf32>, vector<16xf32>, vector<16xf32>, vector<16xf32>
        }
        %swap3A = arith.index_cast %add3A_416 : i32 to index
        %swap3A_428 = arith.constant 0 : index
        %swap3A_429 = tpu.vector_load %arg16[%swap3A, %swap3A_428] {strides = array<i32>} : memref<80x64xf32, #tpu.memory_space<vmem>>, vector<1x16xf32>,
        %swap3A_430 = vector.shape_cast %swap3A_429 : vector<1x16xf32> to vector<16xf32>
        %swap3A_431 = vector.shape_cast %while3A_427#0 : vector<16xf32> to vector<1x16xf32>
        tpu.vector_store %arg16[%swap3A, %swap3A_428], %swap3A_431 {strides = array<i32>} : memref<80x64xf32, #tpu.memory_space<vmem>>, vector<1x16xf32>,
        %swap3A_432 = arith.index_cast %add3A_416 : i32 to index
        %swap3A_433 = arith.constant 0 : index
        %swap3A_434 = tpu.vector_load %arg17[%swap3A_432, %swap3A_433] {strides = array<i32>} : memref<80x64xf32, #tpu.memory_space<vmem>>, vector<1x16xf32>,
        %swap3A_435 = vector.shape_cast %swap3A_434 : vector<1x16xf32> to vector<16xf32>
        %swap3A_436 = vector.shape_cast %while3A_427#4 : vector<16xf32> to vector<1x16xf32>
        tpu.vector_store %arg17[%swap3A_432, %swap3A_433], %swap3A_436 {strides = array<i32>} : memref<80x64xf32, #tpu.memory_space<vmem>>, vector<1x16xf32>,
        %swap3A_437 = arith.index_cast %add3A_416 : i32 to index
        %swap3A_438 = arith.constant 16 : index
        %swap3A_439 = tpu.vector_load %arg16[%swap3A_437, %swap3A_438] {strides = array<i32>} : memref<80x64xf32, #tpu.memory_space<vmem>>, vector<1x16xf32>,
        %swap3A_440 = vector.shape_cast %swap3A_439 : vector<1x16xf32> to vector<16xf32>
        %swap3A_441 = vector.shape_cast %while3A_427#1 : vector<16xf32> to vector<1x16xf32>
        tpu.vector_store %arg16[%swap3A_437, %swap3A_438], %swap3A_441 {strides = array<i32>} : memref<80x64xf32, #tpu.memory_space<vmem>>, vector<1x16xf32>,
        %swap3A_442 = arith.index_cast %add3A_416 : i32 to index
        %swap3A_443 = arith.constant 16 : index
        %swap3A_444 = tpu.vector_load %arg17[%swap3A_442, %swap3A_443] {strides = array<i32>} : memref<80x64xf32, #tpu.memory_space<vmem>>, vector<1x16xf32>,
        %swap3A_445 = vector.shape_cast %swap3A_444 : vector<1x16xf32> to vector<16xf32>
        %swap3A_446 = vector.shape_cast %while3A_427#5 : vector<16xf32> to vector<1x16xf32>
        tpu.vector_store %arg17[%swap3A_442, %swap3A_443], %swap3A_446 {strides = array<i32>} : memref<80x64xf32, #tpu.memory_space<vmem>>, vector<1x16xf32>,
        %swap3A_447 = arith.index_cast %add3A_416 : i32 to index
        %swap3A_448 = arith.constant 32 : index
        %swap3A_449 = tpu.vector_load %arg16[%swap3A_447, %swap3A_448] {strides = array<i32>} : memref<80x64xf32, #tpu.memory_space<vmem>>, vector<1x16xf32>,
        %swap3A_450 = vector.shape_cast %swap3A_449 : vector<1x16xf32> to vector<16xf32>
        %swap3A_451 = vector.shape_cast %while3A_427#2 : vector<16xf32> to vector<1x16xf32>
        tpu.vector_store %arg16[%swap3A_447, %swap3A_448], %swap3A_451 {strides = array<i32>} : memref<80x64xf32, #tpu.memory_space<vmem>>, vector<1x16xf32>,
        %swap3A_452 = arith.index_cast %add3A_416 : i32 to index
        %swap3A_453 = arith.constant 32 : index
        %swap3A_454 = tpu.vector_load %arg17[%swap3A_452, %swap3A_453] {strides = array<i32>} : memref<80x64xf32, #tpu.memory_space<vmem>>, vector<1x16xf32>,
        %swap3A_455 = vector.shape_cast %swap3A_454 : vector<1x16xf32> to vector<16xf32>
        %swap3A_456 = vector.shape_cast %while3A_427#6 : vector<16xf32> to vector<1x16xf32>
        tpu.vector_store %arg17[%swap3A_452, %swap3A_453], %swap3A_456 {strides = array<i32>} : memref<80x64xf32, #tpu.memory_space<vmem>>, vector<1x16xf32>,
        %swap3A_457 = arith.index_cast %add3A_416 : i32 to index
        %swap3A_458 = arith.constant 48 : index
        %swap3A_459 = tpu.vector_load %arg16[%swap3A_457, %swap3A_458] {strides = array<i32>} : memref<80x64xf32, #tpu.memory_space<vmem>>, vector<1x16xf32>,
        %swap3A_460 = vector.shape_cast %swap3A_459 : vector<1x16xf32> to vector<16xf32>
        %swap3A_461 = vector.shape_cast %while3A_427#3 : vector<16xf32> to vector<1x16xf32>
        tpu.vector_store %arg16[%swap3A_457, %swap3A_458], %swap3A_461 {strides = array<i32>} : memref<80x64xf32, #tpu.memory_space<vmem>>, vector<1x16xf32>,
        %swap3A_462 = arith.index_cast %add3A_416 : i32 to index
        %swap3A_463 = arith.constant 48 : index
        %swap3A_464 = tpu.vector_load %arg17[%swap3A_462, %swap3A_463] {strides = array<i32>} : memref<80x64xf32, #tpu.memory_space<vmem>>, vector<1x16xf32>,
        %swap3A_465 = vector.shape_cast %swap3A_464 : vector<1x16xf32> to vector<16xf32>
        %swap3A_466 = vector.shape_cast %while3A_427#7 : vector<16xf32> to vector<1x16xf32>
        tpu.vector_store %arg17[%swap3A_462, %swap3A_463], %swap3A_466 {strides = array<i32>} : memref<80x64xf32, #tpu.memory_space<vmem>>, vector<1x16xf32>,
        %slice3A_467 = vector.extract_strided_slice %get3A_404 {offsets = [1], sizes = [1], strides = [1]} : vector<16xi32> to vector<1xi32>
        %squeeze3A_468 = vector.extract %slice3A_467[0] : i32 from vector<1xi32>
        %sub3A_469 = arith.subi %squeeze3A_468, %multiple_of3A_236 : i32
        %slice3A_470 = vector.extract_strided_slice %get3A_404 {offsets = [2], sizes = [1], strides = [1]} : vector<16xi32> to vector<1xi32>
        %squeeze3A_471 = vector.extract %slice3A_470[0] : i32 from vector<1xi32>
        %slice3A_472 = vector.extract_strided_slice %get3A_404 {offsets = [1], sizes = [1], strides = [1]} : vector<16xi32> to vector<1xi32>
        %squeeze3A_473 = vector.extract %slice3A_472[0] : i32 from vector<1xi32>
        %sub3A_474 = arith.subi %squeeze3A_471, %squeeze3A_473 : i32
        %mul3A_475 = arith.constant 8 : i32
        %mul3A_476 = arith.muli %scan3A_399, %mul3A_475 : i32
        %add3A_477 = arith.constant 1 : i32
        %add3A_478 = arith.addi %mul3A_476, %add3A_477 : i32
        %broadcast_in_dim3A_479 = arith.constant 0.000000e+00 : f32
        %broadcast_in_dim3A_480 = vector.broadcast %broadcast_in_dim3A_479 : f32 to vector<16xf32>
        %while3A_481 = arith.constant 0 : i32
        %while3A_482 = arith.subi %sub3A_474, %while3A_481 : i32
        %while3A_483 = arith.addi %while3A_481, %while3A_482 : i32
        %while3A_484 = arith.constant 1 : i32
        %while3A_485 = arith.divsi %while3A_482, %while3A_484 : i32
        %while3A_486 = arith.muli %while3A_485, %while3A_484 : i32
        %while3A_487 = arith.addi %while3A_481, %while3A_486 : i32
        %while3A_488 = arith.constant 1 : i32
        %while3A_489:8 = scf.for %while3A_922 = %while3A_481 to %while3A_487 step %while3A_488 iter_args(%while3A_923 = %broadcast_in_dim3A_480, %while3A_924 = %broadcast_in_dim3A_480, %while3A_925 = %broadcast_in_dim3A_480, %while3A_926 = %broadcast_in_dim3A_480, %while3A_927 = %broadcast_in_dim3A_480, %while3A_928 = %broadcast_in_dim3A_480, %while3A_929 = %broadcast_in_dim3A_480, %while3A_930 = %broadcast_in_dim3A_480) -> (vector<16xf32>, vector<16xf32>, vector<16xf32>, vector<16xf32>, vector<16xf32>, vector<16xf32>, vector<16xf32>, vector<16xf32>)  : i32 {
          %add3A_931 = arith.addi %sub3A_469, %while3A_922 : i32
          %get3A_932 = arith.index_cast %add3A_931 : i32 to index
          %get3A_933 = arith.constant 0 : index
          %get3A_934 = tpu.vector_load %arg14[%get3A_932, %get3A_933] {strides = array<i32>} : memref<648x64xf32, #tpu.memory_space<vmem>>, vector<1x16xf32>,
          %get3A_935 = vector.shape_cast %get3A_934 : vector<1x16xf32> to vector<16xf32>
          %add3A_936 = arith.addf %while3A_923, %get3A_935 : vector<16xf32>
          %add3A_937 = arith.addi %sub3A_469, %while3A_922 : i32
          %get3A_938 = arith.index_cast %add3A_937 : i32 to index
          %get3A_939 = arith.constant 16 : index
          %get3A_940 = tpu.vector_load %arg14[%get3A_938, %get3A_939] {strides = array<i32>} : memref<648x64xf32, #tpu.memory_space<vmem>>, vector<1x16xf32>,
          %get3A_941 = vector.shape_cast %get3A_940 : vector<1x16xf32> to vector<16xf32>
          %add3A_942 = arith.addf %while3A_924, %get3A_941 : vector<16xf32>
          %add3A_943 = arith.addi %sub3A_469, %while3A_922 : i32
          %get3A_944 = arith.index_cast %add3A_943 : i32 to index
          %get3A_945 = arith.constant 32 : index
          %get3A_946 = tpu.vector_load %arg14[%get3A_944, %get3A_945] {strides = array<i32>} : memref<648x64xf32, #tpu.memory_space<vmem>>, vector<1x16xf32>,
          %get3A_947 = vector.shape_cast %get3A_946 : vector<1x16xf32> to vector<16xf32>
          %add3A_948 = arith.addf %while3A_925, %get3A_947 : vector<16xf32>
          %add3A_949 = arith.addi %sub3A_469, %while3A_922 : i32
          %get3A_950 = arith.index_cast %add3A_949 : i32 to index
          %get3A_951 = arith.constant 48 : index
          %get3A_952 = tpu.vector_load %arg14[%get3A_950, %get3A_951] {strides = array<i32>} : memref<648x64xf32, #tpu.memory_space<vmem>>, vector<1x16xf32>,
          %get3A_953 = vector.shape_cast %get3A_952 : vector<1x16xf32> to vector<16xf32>
          %add3A_954 = arith.addf %while3A_926, %get3A_953 : vector<16xf32>
          %add3A_955 = arith.addi %sub3A_469, %while3A_922 : i32
          %get3A_956 = arith.index_cast %add3A_955 : i32 to index
          %get3A_957 = arith.constant 0 : index
          %get3A_958 = tpu.vector_load %arg15[%get3A_956, %get3A_957] {strides = array<i32>} : memref<608x64xf32, #tpu.memory_space<vmem>>, vector<1x16xf32>,
          %get3A_959 = vector.shape_cast %get3A_958 : vector<1x16xf32> to vector<16xf32>
          %add3A_960 = arith.addf %while3A_927, %get3A_959 : vector<16xf32>
          %add3A_961 = arith.addi %sub3A_469, %while3A_922 : i32
          %get3A_962 = arith.index_cast %add3A_961 : i32 to index
          %get3A_963 = arith.constant 16 : index
          %get3A_964 = tpu.vector_load %arg15[%get3A_962, %get3A_963] {strides = array<i32>} : memref<608x64xf32, #tpu.memory_space<vmem>>, vector<1x16xf32>,
          %get3A_965 = vector.shape_cast %get3A_964 : vector<1x16xf32> to vector<16xf32>
          %add3A_966 = arith.addf %while3A_928, %get3A_965 : vector<16xf32>
          %add3A_967 = arith.addi %sub3A_469, %while3A_922 : i32
          %get3A_968 = arith.index_cast %add3A_967 : i32 to index
          %get3A_969 = arith.constant 32 : index
          %get3A_970 = tpu.vector_load %arg15[%get3A_968, %get3A_969] {strides = array<i32>} : memref<608x64xf32, #tpu.memory_space<vmem>>, vector<1x16xf32>,
          %get3A_971 = vector.shape_cast %get3A_970 : vector<1x16xf32> to vector<16xf32>
          %add3A_972 = arith.addf %while3A_929, %get3A_971 : vector<16xf32>
          %add3A_973 = arith.addi %sub3A_469, %while3A_922 : i32
          %get3A_974 = arith.index_cast %add3A_973 : i32 to index
          %get3A_975 = arith.constant 48 : index
          %get3A_976 = tpu.vector_load %arg15[%get3A_974, %get3A_975] {strides = array<i32>} : memref<608x64xf32, #tpu.memory_space<vmem>>, vector<1x16xf32>,
          %get3A_977 = vector.shape_cast %get3A_976 : vector<1x16xf32> to vector<16xf32>
          %add3A_978 = arith.addf %while3A_930, %get3A_977 : vector<16xf32>
          scf.yield %add3A_936, %add3A_942, %add3A_948, %add3A_954, %add3A_960, %add3A_966, %add3A_972, %add3A_978 : vector<16xf32>, vector<16xf32>, vector<16xf32>, vector<16xf32>, vector<16xf32>, vector<16xf32>, vector<16xf32>, vector<16xf32>
        }
        %while3A_490 = arith.constant 1 : i32
        %while3A_491:8 = scf.for %while3A_922 = %while3A_487 to %while3A_483 step %while3A_490 iter_args(%while3A_923 = %while3A_489#0, %while3A_924 = %while3A_489#1, %while3A_925 = %while3A_489#2, %while3A_926 = %while3A_489#3, %while3A_927 = %while3A_489#4, %while3A_928 = %while3A_489#5, %while3A_929 = %while3A_489#6, %while3A_930 = %while3A_489#7) -> (vector<16xf32>, vector<16xf32>, vector<16xf32>, vector<16xf32>, vector<16xf32>, vector<16xf32>, vector<16xf32>, vector<16xf32>)  : i32 {
          %add3A_931 = arith.addi %sub3A_469, %while3A_922 : i32
          %get3A_932 = arith.index_cast %add3A_931 : i32 to index
          %get3A_933 = arith.constant 0 : index
          %get3A_934 = tpu.vector_load %arg14[%get3A_932, %get3A_933] {strides = array<i32>} : memref<648x64xf32, #tpu.memory_space<vmem>>, vector<1x16xf32>,
          %get3A_935 = vector.shape_cast %get3A_934 : vector<1x16xf32> to vector<16xf32>
          %add3A_936 = arith.addf %while3A_923, %get3A_935 : vector<16xf32>
          %add3A_937 = arith.addi %sub3A_469, %while3A_922 : i32
          %get3A_938 = arith.index_cast %add3A_937 : i32 to index
          %get3A_939 = arith.constant 16 : index
          %get3A_940 = tpu.vector_load %arg14[%get3A_938, %get3A_939] {strides = array<i32>} : memref<648x64xf32, #tpu.memory_space<vmem>>, vector<1x16xf32>,
          %get3A_941 = vector.shape_cast %get3A_940 : vector<1x16xf32> to vector<16xf32>
          %add3A_942 = arith.addf %while3A_924, %get3A_941 : vector<16xf32>
          %add3A_943 = arith.addi %sub3A_469, %while3A_922 : i32
          %get3A_944 = arith.index_cast %add3A_943 : i32 to index
          %get3A_945 = arith.constant 32 : index
          %get3A_946 = tpu.vector_load %arg14[%get3A_944, %get3A_945] {strides = array<i32>} : memref<648x64xf32, #tpu.memory_space<vmem>>, vector<1x16xf32>,
          %get3A_947 = vector.shape_cast %get3A_946 : vector<1x16xf32> to vector<16xf32>
          %add3A_948 = arith.addf %while3A_925, %get3A_947 : vector<16xf32>
          %add3A_949 = arith.addi %sub3A_469, %while3A_922 : i32
          %get3A_950 = arith.index_cast %add3A_949 : i32 to index
          %get3A_951 = arith.constant 48 : index
          %get3A_952 = tpu.vector_load %arg14[%get3A_950, %get3A_951] {strides = array<i32>} : memref<648x64xf32, #tpu.memory_space<vmem>>, vector<1x16xf32>,
          %get3A_953 = vector.shape_cast %get3A_952 : vector<1x16xf32> to vector<16xf32>
          %add3A_954 = arith.addf %while3A_926, %get3A_953 : vector<16xf32>
          %add3A_955 = arith.addi %sub3A_469, %while3A_922 : i32
          %get3A_956 = arith.index_cast %add3A_955 : i32 to index
          %get3A_957 = arith.constant 0 : index
          %get3A_958 = tpu.vector_load %arg15[%get3A_956, %get3A_957] {strides = array<i32>} : memref<608x64xf32, #tpu.memory_space<vmem>>, vector<1x16xf32>,
          %get3A_959 = vector.shape_cast %get3A_958 : vector<1x16xf32> to vector<16xf32>
          %add3A_960 = arith.addf %while3A_927, %get3A_959 : vector<16xf32>
          %add3A_961 = arith.addi %sub3A_469, %while3A_922 : i32
          %get3A_962 = arith.index_cast %add3A_961 : i32 to index
          %get3A_963 = arith.constant 16 : index
          %get3A_964 = tpu.vector_load %arg15[%get3A_962, %get3A_963] {strides = array<i32>} : memref<608x64xf32, #tpu.memory_space<vmem>>, vector<1x16xf32>,
          %get3A_965 = vector.shape_cast %get3A_964 : vector<1x16xf32> to vector<16xf32>
          %add3A_966 = arith.addf %while3A_928, %get3A_965 : vector<16xf32>
          %add3A_967 = arith.addi %sub3A_469, %while3A_922 : i32
          %get3A_968 = arith.index_cast %add3A_967 : i32 to index
          %get3A_969 = arith.constant 32 : index
          %get3A_970 = tpu.vector_load %arg15[%get3A_968, %get3A_969] {strides = array<i32>} : memref<608x64xf32, #tpu.memory_space<vmem>>, vector<1x16xf32>,
          %get3A_971 = vector.shape_cast %get3A_970 : vector<1x16xf32> to vector<16xf32>
          %add3A_972 = arith.addf %while3A_929, %get3A_971 : vector<16xf32>
          %add3A_973 = arith.addi %sub3A_469, %while3A_922 : i32
          %get3A_974 = arith.index_cast %add3A_973 : i32 to index
          %get3A_975 = arith.constant 48 : index
          %get3A_976 = tpu.vector_load %arg15[%get3A_974, %get3A_975] {strides = array<i32>} : memref<608x64xf32, #tpu.memory_space<vmem>>, vector<1x16xf32>,
          %get3A_977 = vector.shape_cast %get3A_976 : vector<1x16xf32> to vector<16xf32>
          %add3A_978 = arith.addf %while3A_930, %get3A_977 : vector<16xf32>
          scf.yield %add3A_936, %add3A_942, %add3A_948, %add3A_954, %add3A_960, %add3A_966, %add3A_972, %add3A_978 : vector<16xf32>, vector<16xf32>, vector<16xf32>, vector<16xf32>, vector<16xf32>, vector<16xf32>, vector<16xf32>, vector<16xf32>
        }
        %swap3A_492 = arith.index_cast %add3A_478 : i32 to index
        %swap3A_493 = arith.constant 0 : index
        %swap3A_494 = tpu.vector_load %arg16[%swap3A_492, %swap3A_493] {strides = array<i32>} : memref<80x64xf32, #tpu.memory_space<vmem>>, vector<1x16xf32>,
        %swap3A_495 = vector.shape_cast %swap3A_494 : vector<1x16xf32> to vector<16xf32>
        %swap3A_496 = vector.shape_cast %while3A_491#0 : vector<16xf32> to vector<1x16xf32>
        tpu.vector_store %arg16[%swap3A_492, %swap3A_493], %swap3A_496 {strides = array<i32>} : memref<80x64xf32, #tpu.memory_space<vmem>>, vector<1x16xf32>,
        %swap3A_497 = arith.index_cast %add3A_478 : i32 to index
        %swap3A_498 = arith.constant 0 : index
        %swap3A_499 = tpu.vector_load %arg17[%swap3A_497, %swap3A_498] {strides = array<i32>} : memref<80x64xf32, #tpu.memory_space<vmem>>, vector<1x16xf32>,
        %swap3A_500 = vector.shape_cast %swap3A_499 : vector<1x16xf32> to vector<16xf32>
        %swap3A_501 = vector.shape_cast %while3A_491#4 : vector<16xf32> to vector<1x16xf32>
        tpu.vector_store %arg17[%swap3A_497, %swap3A_498], %swap3A_501 {strides = array<i32>} : memref<80x64xf32, #tpu.memory_space<vmem>>, vector<1x16xf32>,
        %swap3A_502 = arith.index_cast %add3A_478 : i32 to index
        %swap3A_503 = arith.constant 16 : index
        %swap3A_504 = tpu.vector_load %arg16[%swap3A_502, %swap3A_503] {strides = array<i32>} : memref<80x64xf32, #tpu.memory_space<vmem>>, vector<1x16xf32>,
        %swap3A_505 = vector.shape_cast %swap3A_504 : vector<1x16xf32> to vector<16xf32>
        %swap3A_506 = vector.shape_cast %while3A_491#1 : vector<16xf32> to vector<1x16xf32>
        tpu.vector_store %arg16[%swap3A_502, %swap3A_503], %swap3A_506 {strides = array<i32>} : memref<80x64xf32, #tpu.memory_space<vmem>>, vector<1x16xf32>,
        %swap3A_507 = arith.index_cast %add3A_478 : i32 to index
        %swap3A_508 = arith.constant 16 : index
        %swap3A_509 = tpu.vector_load %arg17[%swap3A_507, %swap3A_508] {strides = array<i32>} : memref<80x64xf32, #tpu.memory_space<vmem>>, vector<1x16xf32>,
        %swap3A_510 = vector.shape_cast %swap3A_509 : vector<1x16xf32> to vector<16xf32>
        %swap3A_511 = vector.shape_cast %while3A_491#5 : vector<16xf32> to vector<1x16xf32>
        tpu.vector_store %arg17[%swap3A_507, %swap3A_508], %swap3A_511 {strides = array<i32>} : memref<80x64xf32, #tpu.memory_space<vmem>>, vector<1x16xf32>,
        %swap3A_512 = arith.index_cast %add3A_478 : i32 to index
        %swap3A_513 = arith.constant 32 : index
        %swap3A_514 = tpu.vector_load %arg16[%swap3A_512, %swap3A_513] {strides = array<i32>} : memref<80x64xf32, #tpu.memory_space<vmem>>, vector<1x16xf32>,
        %swap3A_515 = vector.shape_cast %swap3A_514 : vector<1x16xf32> to vector<16xf32>
        %swap3A_516 = vector.shape_cast %while3A_491#2 : vector<16xf32> to vector<1x16xf32>
        tpu.vector_store %arg16[%swap3A_512, %swap3A_513], %swap3A_516 {strides = array<i32>} : memref<80x64xf32, #tpu.memory_space<vmem>>, vector<1x16xf32>,
        %swap3A_517 = arith.index_cast %add3A_478 : i32 to index
        %swap3A_518 = arith.constant 32 : index
        %swap3A_519 = tpu.vector_load %arg17[%swap3A_517, %swap3A_518] {strides = array<i32>} : memref<80x64xf32, #tpu.memory_space<vmem>>, vector<1x16xf32>,
        %swap3A_520 = vector.shape_cast %swap3A_519 : vector<1x16xf32> to vector<16xf32>
        %swap3A_521 = vector.shape_cast %while3A_491#6 : vector<16xf32> to vector<1x16xf32>
        tpu.vector_store %arg17[%swap3A_517, %swap3A_518], %swap3A_521 {strides = array<i32>} : memref<80x64xf32, #tpu.memory_space<vmem>>, vector<1x16xf32>,
        %swap3A_522 = arith.index_cast %add3A_478 : i32 to index
        %swap3A_523 = arith.constant 48 : index
        %swap3A_524 = tpu.vector_load %arg16[%swap3A_522, %swap3A_523] {strides = array<i32>} : memref<80x64xf32, #tpu.memory_space<vmem>>, vector<1x16xf32>,
        %swap3A_525 = vector.shape_cast %swap3A_524 : vector<1x16xf32> to vector<16xf32>
        %swap3A_526 = vector.shape_cast %while3A_491#3 : vector<16xf32> to vector<1x16xf32>
        tpu.vector_store %arg16[%swap3A_522, %swap3A_523], %swap3A_526 {strides = array<i32>} : memref<80x64xf32, #tpu.memory_space<vmem>>, vector<1x16xf32>,
        %swap3A_527 = arith.index_cast %add3A_478 : i32 to index
        %swap3A_528 = arith.constant 48 : index
        %swap3A_529 = tpu.vector_load %arg17[%swap3A_527, %swap3A_528] {strides = array<i32>} : memref<80x64xf32, #tpu.memory_space<vmem>>, vector<1x16xf32>,
        %swap3A_530 = vector.shape_cast %swap3A_529 : vector<1x16xf32> to vector<16xf32>
        %swap3A_531 = vector.shape_cast %while3A_491#7 : vector<16xf32> to vector<1x16xf32>
        tpu.vector_store %arg17[%swap3A_527, %swap3A_528], %swap3A_531 {strides = array<i32>} : memref<80x64xf32, #tpu.memory_space<vmem>>, vector<1x16xf32>,
        %slice3A_532 = vector.extract_strided_slice %get3A_404 {offsets = [2], sizes = [1], strides = [1]} : vector<16xi32> to vector<1xi32>
        %squeeze3A_533 = vector.extract %slice3A_532[0] : i32 from vector<1xi32>
        %sub3A_534 = arith.subi %squeeze3A_533, %multiple_of3A_236 : i32
        %slice3A_535 = vector.extract_strided_slice %get3A_404 {offsets = [3], sizes = [1], strides = [1]} : vector<16xi32> to vector<1xi32>
        %squeeze3A_536 = vector.extract %slice3A_535[0] : i32 from vector<1xi32>
        %slice3A_537 = vector.extract_strided_slice %get3A_404 {offsets = [2], sizes = [1], strides = [1]} : vector<16xi32> to vector<1xi32>
        %squeeze3A_538 = vector.extract %slice3A_537[0] : i32 from vector<1xi32>
        %sub3A_539 = arith.subi %squeeze3A_536, %squeeze3A_538 : i32
        %mul3A_540 = arith.constant 8 : i32
        %mul3A_541 = arith.muli %scan3A_399, %mul3A_540 : i32
        %add3A_542 = arith.constant 2 : i32
        %add3A_543 = arith.addi %mul3A_541, %add3A_542 : i32
        %broadcast_in_dim3A_544 = arith.constant 0.000000e+00 : f32
        %broadcast_in_dim3A_545 = vector.broadcast %broadcast_in_dim3A_544 : f32 to vector<16xf32>
        %while3A_546 = arith.constant 0 : i32
        %while3A_547 = arith.subi %sub3A_539, %while3A_546 : i32
        %while3A_548 = arith.addi %while3A_546, %while3A_547 : i32
        %while3A_549 = arith.constant 1 : i32
        %while3A_550 = arith.divsi %while3A_547, %while3A_549 : i32
        %while3A_551 = arith.muli %while3A_550, %while3A_549 : i32
        %while3A_552 = arith.addi %while3A_546, %while3A_551 : i32
        %while3A_553 = arith.constant 1 : i32
        %while3A_554:8 = scf.for %while3A_922 = %while3A_546 to %while3A_552 step %while3A_553 iter_args(%while3A_923 = %broadcast_in_dim3A_545, %while3A_924 = %broadcast_in_dim3A_545, %while3A_925 = %broadcast_in_dim3A_545, %while3A_926 = %broadcast_in_dim3A_545, %while3A_927 = %broadcast_in_dim3A_545, %while3A_928 = %broadcast_in_dim3A_545, %while3A_929 = %broadcast_in_dim3A_545, %while3A_930 = %broadcast_in_dim3A_545) -> (vector<16xf32>, vector<16xf32>, vector<16xf32>, vector<16xf32>, vector<16xf32>, vector<16xf32>, vector<16xf32>, vector<16xf32>)  : i32 {
          %add3A_931 = arith.addi %sub3A_534, %while3A_922 : i32
          %get3A_932 = arith.index_cast %add3A_931 : i32 to index
          %get3A_933 = arith.constant 0 : index
          %get3A_934 = tpu.vector_load %arg14[%get3A_932, %get3A_933] {strides = array<i32>} : memref<648x64xf32, #tpu.memory_space<vmem>>, vector<1x16xf32>,
          %get3A_935 = vector.shape_cast %get3A_934 : vector<1x16xf32> to vector<16xf32>
          %add3A_936 = arith.addf %while3A_923, %get3A_935 : vector<16xf32>
          %add3A_937 = arith.addi %sub3A_534, %while3A_922 : i32
          %get3A_938 = arith.index_cast %add3A_937 : i32 to index
          %get3A_939 = arith.constant 16 : index
          %get3A_940 = tpu.vector_load %arg14[%get3A_938, %get3A_939] {strides = array<i32>} : memref<648x64xf32, #tpu.memory_space<vmem>>, vector<1x16xf32>,
          %get3A_941 = vector.shape_cast %get3A_940 : vector<1x16xf32> to vector<16xf32>
          %add3A_942 = arith.addf %while3A_924, %get3A_941 : vector<16xf32>
          %add3A_943 = arith.addi %sub3A_534, %while3A_922 : i32
          %get3A_944 = arith.index_cast %add3A_943 : i32 to index
          %get3A_945 = arith.constant 32 : index
          %get3A_946 = tpu.vector_load %arg14[%get3A_944, %get3A_945] {strides = array<i32>} : memref<648x64xf32, #tpu.memory_space<vmem>>, vector<1x16xf32>,
          %get3A_947 = vector.shape_cast %get3A_946 : vector<1x16xf32> to vector<16xf32>
          %add3A_948 = arith.addf %while3A_925, %get3A_947 : vector<16xf32>
          %add3A_949 = arith.addi %sub3A_534, %while3A_922 : i32
          %get3A_950 = arith.index_cast %add3A_949 : i32 to index
          %get3A_951 = arith.constant 48 : index
          %get3A_952 = tpu.vector_load %arg14[%get3A_950, %get3A_951] {strides = array<i32>} : memref<648x64xf32, #tpu.memory_space<vmem>>, vector<1x16xf32>,
          %get3A_953 = vector.shape_cast %get3A_952 : vector<1x16xf32> to vector<16xf32>
          %add3A_954 = arith.addf %while3A_926, %get3A_953 : vector<16xf32>
          %add3A_955 = arith.addi %sub3A_534, %while3A_922 : i32
          %get3A_956 = arith.index_cast %add3A_955 : i32 to index
          %get3A_957 = arith.constant 0 : index
          %get3A_958 = tpu.vector_load %arg15[%get3A_956, %get3A_957] {strides = array<i32>} : memref<608x64xf32, #tpu.memory_space<vmem>>, vector<1x16xf32>,
          %get3A_959 = vector.shape_cast %get3A_958 : vector<1x16xf32> to vector<16xf32>
          %add3A_960 = arith.addf %while3A_927, %get3A_959 : vector<16xf32>
          %add3A_961 = arith.addi %sub3A_534, %while3A_922 : i32
          %get3A_962 = arith.index_cast %add3A_961 : i32 to index
          %get3A_963 = arith.constant 16 : index
          %get3A_964 = tpu.vector_load %arg15[%get3A_962, %get3A_963] {strides = array<i32>} : memref<608x64xf32, #tpu.memory_space<vmem>>, vector<1x16xf32>,
          %get3A_965 = vector.shape_cast %get3A_964 : vector<1x16xf32> to vector<16xf32>
          %add3A_966 = arith.addf %while3A_928, %get3A_965 : vector<16xf32>
          %add3A_967 = arith.addi %sub3A_534, %while3A_922 : i32
          %get3A_968 = arith.index_cast %add3A_967 : i32 to index
          %get3A_969 = arith.constant 32 : index
          %get3A_970 = tpu.vector_load %arg15[%get3A_968, %get3A_969] {strides = array<i32>} : memref<608x64xf32, #tpu.memory_space<vmem>>, vector<1x16xf32>,
          %get3A_971 = vector.shape_cast %get3A_970 : vector<1x16xf32> to vector<16xf32>
          %add3A_972 = arith.addf %while3A_929, %get3A_971 : vector<16xf32>
          %add3A_973 = arith.addi %sub3A_534, %while3A_922 : i32
          %get3A_974 = arith.index_cast %add3A_973 : i32 to index
          %get3A_975 = arith.constant 48 : index
          %get3A_976 = tpu.vector_load %arg15[%get3A_974, %get3A_975] {strides = array<i32>} : memref<608x64xf32, #tpu.memory_space<vmem>>, vector<1x16xf32>,
          %get3A_977 = vector.shape_cast %get3A_976 : vector<1x16xf32> to vector<16xf32>
          %add3A_978 = arith.addf %while3A_930, %get3A_977 : vector<16xf32>
          scf.yield %add3A_936, %add3A_942, %add3A_948, %add3A_954, %add3A_960, %add3A_966, %add3A_972, %add3A_978 : vector<16xf32>, vector<16xf32>, vector<16xf32>, vector<16xf32>, vector<16xf32>, vector<16xf32>, vector<16xf32>, vector<16xf32>
        }
        %while3A_555 = arith.constant 1 : i32
        %while3A_556:8 = scf.for %while3A_922 = %while3A_552 to %while3A_548 step %while3A_555 iter_args(%while3A_923 = %while3A_554#0, %while3A_924 = %while3A_554#1, %while3A_925 = %while3A_554#2, %while3A_926 = %while3A_554#3, %while3A_927 = %while3A_554#4, %while3A_928 = %while3A_554#5, %while3A_929 = %while3A_554#6, %while3A_930 = %while3A_554#7) -> (vector<16xf32>, vector<16xf32>, vector<16xf32>, vector<16xf32>, vector<16xf32>, vector<16xf32>, vector<16xf32>, vector<16xf32>)  : i32 {
          %add3A_931 = arith.addi %sub3A_534, %while3A_922 : i32
          %get3A_932 = arith.index_cast %add3A_931 : i32 to index
          %get3A_933 = arith.constant 0 : index
          %get3A_934 = tpu.vector_load %arg14[%get3A_932, %get3A_933] {strides = array<i32>} : memref<648x64xf32, #tpu.memory_space<vmem>>, vector<1x16xf32>,
          %get3A_935 = vector.shape_cast %get3A_934 : vector<1x16xf32> to vector<16xf32>
          %add3A_936 = arith.addf %while3A_923, %get3A_935 : vector<16xf32>
          %add3A_937 = arith.addi %sub3A_534, %while3A_922 : i32
          %get3A_938 = arith.index_cast %add3A_937 : i32 to index
          %get3A_939 = arith.constant 16 : index
          %get3A_940 = tpu.vector_load %arg14[%get3A_938, %get3A_939] {strides = array<i32>} : memref<648x64xf32, #tpu.memory_space<vmem>>, vector<1x16xf32>,
          %get3A_941 = vector.shape_cast %get3A_940 : vector<1x16xf32> to vector<16xf32>
          %add3A_942 = arith.addf %while3A_924, %get3A_941 : vector<16xf32>
          %add3A_943 = arith.addi %sub3A_534, %while3A_922 : i32
          %get3A_944 = arith.index_cast %add3A_943 : i32 to index
          %get3A_945 = arith.constant 32 : index
          %get3A_946 = tpu.vector_load %arg14[%get3A_944, %get3A_945] {strides = array<i32>} : memref<648x64xf32, #tpu.memory_space<vmem>>, vector<1x16xf32>,
          %get3A_947 = vector.shape_cast %get3A_946 : vector<1x16xf32> to vector<16xf32>
          %add3A_948 = arith.addf %while3A_925, %get3A_947 : vector<16xf32>
          %add3A_949 = arith.addi %sub3A_534, %while3A_922 : i32
          %get3A_950 = arith.index_cast %add3A_949 : i32 to index
          %get3A_951 = arith.constant 48 : index
          %get3A_952 = tpu.vector_load %arg14[%get3A_950, %get3A_951] {strides = array<i32>} : memref<648x64xf32, #tpu.memory_space<vmem>>, vector<1x16xf32>,
          %get3A_953 = vector.shape_cast %get3A_952 : vector<1x16xf32> to vector<16xf32>
          %add3A_954 = arith.addf %while3A_926, %get3A_953 : vector<16xf32>
          %add3A_955 = arith.addi %sub3A_534, %while3A_922 : i32
          %get3A_956 = arith.index_cast %add3A_955 : i32 to index
          %get3A_957 = arith.constant 0 : index
          %get3A_958 = tpu.vector_load %arg15[%get3A_956, %get3A_957] {strides = array<i32>} : memref<608x64xf32, #tpu.memory_space<vmem>>, vector<1x16xf32>,
          %get3A_959 = vector.shape_cast %get3A_958 : vector<1x16xf32> to vector<16xf32>
          %add3A_960 = arith.addf %while3A_927, %get3A_959 : vector<16xf32>
          %add3A_961 = arith.addi %sub3A_534, %while3A_922 : i32
          %get3A_962 = arith.index_cast %add3A_961 : i32 to index
          %get3A_963 = arith.constant 16 : index
          %get3A_964 = tpu.vector_load %arg15[%get3A_962, %get3A_963] {strides = array<i32>} : memref<608x64xf32, #tpu.memory_space<vmem>>, vector<1x16xf32>,
          %get3A_965 = vector.shape_cast %get3A_964 : vector<1x16xf32> to vector<16xf32>
          %add3A_966 = arith.addf %while3A_928, %get3A_965 : vector<16xf32>
          %add3A_967 = arith.addi %sub3A_534, %while3A_922 : i32
          %get3A_968 = arith.index_cast %add3A_967 : i32 to index
          %get3A_969 = arith.constant 32 : index
          %get3A_970 = tpu.vector_load %arg15[%get3A_968, %get3A_969] {strides = array<i32>} : memref<608x64xf32, #tpu.memory_space<vmem>>, vector<1x16xf32>,
          %get3A_971 = vector.shape_cast %get3A_970 : vector<1x16xf32> to vector<16xf32>
          %add3A_972 = arith.addf %while3A_929, %get3A_971 : vector<16xf32>
          %add3A_973 = arith.addi %sub3A_534, %while3A_922 : i32
          %get3A_974 = arith.index_cast %add3A_973 : i32 to index
          %get3A_975 = arith.constant 48 : index
          %get3A_976 = tpu.vector_load %arg15[%get3A_974, %get3A_975] {strides = array<i32>} : memref<608x64xf32, #tpu.memory_space<vmem>>, vector<1x16xf32>,
          %get3A_977 = vector.shape_cast %get3A_976 : vector<1x16xf32> to vector<16xf32>
          %add3A_978 = arith.addf %while3A_930, %get3A_977 : vector<16xf32>
          scf.yield %add3A_936, %add3A_942, %add3A_948, %add3A_954, %add3A_960, %add3A_966, %add3A_972, %add3A_978 : vector<16xf32>, vector<16xf32>, vector<16xf32>, vector<16xf32>, vector<16xf32>, vector<16xf32>, vector<16xf32>, vector<16xf32>
        }
        %swap3A_557 = arith.index_cast %add3A_543 : i32 to index
        %swap3A_558 = arith.constant 0 : index
        %swap3A_559 = tpu.vector_load %arg16[%swap3A_557, %swap3A_558] {strides = array<i32>} : memref<80x64xf32, #tpu.memory_space<vmem>>, vector<1x16xf32>,
        %swap3A_560 = vector.shape_cast %swap3A_559 : vector<1x16xf32> to vector<16xf32>
        %swap3A_561 = vector.shape_cast %while3A_556#0 : vector<16xf32> to vector<1x16xf32>
        tpu.vector_store %arg16[%swap3A_557, %swap3A_558], %swap3A_561 {strides = array<i32>} : memref<80x64xf32, #tpu.memory_space<vmem>>, vector<1x16xf32>,
        %swap3A_562 = arith.index_cast %add3A_543 : i32 to index
        %swap3A_563 = arith.constant 0 : index
        %swap3A_564 = tpu.vector_load %arg17[%swap3A_562, %swap3A_563] {strides = array<i32>} : memref<80x64xf32, #tpu.memory_space<vmem>>, vector<1x16xf32>,
        %swap3A_565 = vector.shape_cast %swap3A_564 : vector<1x16xf32> to vector<16xf32>
        %swap3A_566 = vector.shape_cast %while3A_556#4 : vector<16xf32> to vector<1x16xf32>
        tpu.vector_store %arg17[%swap3A_562, %swap3A_563], %swap3A_566 {strides = array<i32>} : memref<80x64xf32, #tpu.memory_space<vmem>>, vector<1x16xf32>,
        %swap3A_567 = arith.index_cast %add3A_543 : i32 to index
        %swap3A_568 = arith.constant 16 : index
        %swap3A_569 = tpu.vector_load %arg16[%swap3A_567, %swap3A_568] {strides = array<i32>} : memref<80x64xf32, #tpu.memory_space<vmem>>, vector<1x16xf32>,
        %swap3A_570 = vector.shape_cast %swap3A_569 : vector<1x16xf32> to vector<16xf32>
        %swap3A_571 = vector.shape_cast %while3A_556#1 : vector<16xf32> to vector<1x16xf32>
        tpu.vector_store %arg16[%swap3A_567, %swap3A_568], %swap3A_571 {strides = array<i32>} : memref<80x64xf32, #tpu.memory_space<vmem>>, vector<1x16xf32>,
        %swap3A_572 = arith.index_cast %add3A_543 : i32 to index
        %swap3A_573 = arith.constant 16 : index
        %swap3A_574 = tpu.vector_load %arg17[%swap3A_572, %swap3A_573] {strides = array<i32>} : memref<80x64xf32, #tpu.memory_space<vmem>>, vector<1x16xf32>,
        %swap3A_575 = vector.shape_cast %swap3A_574 : vector<1x16xf32> to vector<16xf32>
        %swap3A_576 = vector.shape_cast %while3A_556#5 : vector<16xf32> to vector<1x16xf32>
        tpu.vector_store %arg17[%swap3A_572, %swap3A_573], %swap3A_576 {strides = array<i32>} : memref<80x64xf32, #tpu.memory_space<vmem>>, vector<1x16xf32>,
        %swap3A_577 = arith.index_cast %add3A_543 : i32 to index
        %swap3A_578 = arith.constant 32 : index
        %swap3A_579 = tpu.vector_load %arg16[%swap3A_577, %swap3A_578] {strides = array<i32>} : memref<80x64xf32, #tpu.memory_space<vmem>>, vector<1x16xf32>,
        %swap3A_580 = vector.shape_cast %swap3A_579 : vector<1x16xf32> to vector<16xf32>
        %swap3A_581 = vector.shape_cast %while3A_556#2 : vector<16xf32> to vector<1x16xf32>
        tpu.vector_store %arg16[%swap3A_577, %swap3A_578], %swap3A_581 {strides = array<i32>} : memref<80x64xf32, #tpu.memory_space<vmem>>, vector<1x16xf32>,
        %swap3A_582 = arith.index_cast %add3A_543 : i32 to index
        %swap3A_583 = arith.constant 32 : index
        %swap3A_584 = tpu.vector_load %arg17[%swap3A_582, %swap3A_583] {strides = array<i32>} : memref<80x64xf32, #tpu.memory_space<vmem>>, vector<1x16xf32>,
        %swap3A_585 = vector.shape_cast %swap3A_584 : vector<1x16xf32> to vector<16xf32>
        %swap3A_586 = vector.shape_cast %while3A_556#6 : vector<16xf32> to vector<1x16xf32>
        tpu.vector_store %arg17[%swap3A_582, %swap3A_583], %swap3A_586 {strides = array<i32>} : memref<80x64xf32, #tpu.memory_space<vmem>>, vector<1x16xf32>,
        %swap3A_587 = arith.index_cast %add3A_543 : i32 to index
        %swap3A_588 = arith.constant 48 : index
        %swap3A_589 = tpu.vector_load %arg16[%swap3A_587, %swap3A_588] {strides = array<i32>} : memref<80x64xf32, #tpu.memory_space<vmem>>, vector<1x16xf32>,
        %swap3A_590 = vector.shape_cast %swap3A_589 : vector<1x16xf32> to vector<16xf32>
        %swap3A_591 = vector.shape_cast %while3A_556#3 : vector<16xf32> to vector<1x16xf32>
        tpu.vector_store %arg16[%swap3A_587, %swap3A_588], %swap3A_591 {strides = array<i32>} : memref<80x64xf32, #tpu.memory_space<vmem>>, vector<1x16xf32>,
        %swap3A_592 = arith.index_cast %add3A_543 : i32 to index
        %swap3A_593 = arith.constant 48 : index
        %swap3A_594 = tpu.vector_load %arg17[%swap3A_592, %swap3A_593] {strides = array<i32>} : memref<80x64xf32, #tpu.memory_space<vmem>>, vector<1x16xf32>,
        %swap3A_595 = vector.shape_cast %swap3A_594 : vector<1x16xf32> to vector<16xf32>
        %swap3A_596 = vector.shape_cast %while3A_556#7 : vector<16xf32> to vector<1x16xf32>
        tpu.vector_store %arg17[%swap3A_592, %swap3A_593], %swap3A_596 {strides = array<i32>} : memref<80x64xf32, #tpu.memory_space<vmem>>, vector<1x16xf32>,
        %slice3A_597 = vector.extract_strided_slice %get3A_404 {offsets = [3], sizes = [1], strides = [1]} : vector<16xi32> to vector<1xi32>
        %squeeze3A_598 = vector.extract %slice3A_597[0] : i32 from vector<1xi32>
        %sub3A_599 = arith.subi %squeeze3A_598, %multiple_of3A_236 : i32
        %slice3A_600 = vector.extract_strided_slice %get3A_404 {offsets = [4], sizes = [1], strides = [1]} : vector<16xi32> to vector<1xi32>
        %squeeze3A_601 = vector.extract %slice3A_600[0] : i32 from vector<1xi32>
        %slice3A_602 = vector.extract_strided_slice %get3A_404 {offsets = [3], sizes = [1], strides = [1]} : vector<16xi32> to vector<1xi32>
        %squeeze3A_603 = vector.extract %slice3A_602[0] : i32 from vector<1xi32>
        %sub3A_604 = arith.subi %squeeze3A_601, %squeeze3A_603 : i32
        %mul3A_605 = arith.constant 8 : i32
        %mul3A_606 = arith.muli %scan3A_399, %mul3A_605 : i32
        %add3A_607 = arith.constant 3 : i32
        %add3A_608 = arith.addi %mul3A_606, %add3A_607 : i32
        %broadcast_in_dim3A_609 = arith.constant 0.000000e+00 : f32
        %broadcast_in_dim3A_610 = vector.broadcast %broadcast_in_dim3A_609 : f32 to vector<16xf32>
        %while3A_611 = arith.constant 0 : i32
        %while3A_612 = arith.subi %sub3A_604, %while3A_611 : i32
        %while3A_613 = arith.addi %while3A_611, %while3A_612 : i32
        %while3A_614 = arith.constant 1 : i32
        %while3A_615 = arith.divsi %while3A_612, %while3A_614 : i32
        %while3A_616 = arith.muli %while3A_615, %while3A_614 : i32
        %while3A_617 = arith.addi %while3A_611, %while3A_616 : i32
        %while3A_618 = arith.constant 1 : i32
        %while3A_619:8 = scf.for %while3A_922 = %while3A_611 to %while3A_617 step %while3A_618 iter_args(%while3A_923 = %broadcast_in_dim3A_610, %while3A_924 = %broadcast_in_dim3A_610, %while3A_925 = %broadcast_in_dim3A_610, %while3A_926 = %broadcast_in_dim3A_610, %while3A_927 = %broadcast_in_dim3A_610, %while3A_928 = %broadcast_in_dim3A_610, %while3A_929 = %broadcast_in_dim3A_610, %while3A_930 = %broadcast_in_dim3A_610) -> (vector<16xf32>, vector<16xf32>, vector<16xf32>, vector<16xf32>, vector<16xf32>, vector<16xf32>, vector<16xf32>, vector<16xf32>)  : i32 {
          %add3A_931 = arith.addi %sub3A_599, %while3A_922 : i32
          %get3A_932 = arith.index_cast %add3A_931 : i32 to index
          %get3A_933 = arith.constant 0 : index
          %get3A_934 = tpu.vector_load %arg14[%get3A_932, %get3A_933] {strides = array<i32>} : memref<648x64xf32, #tpu.memory_space<vmem>>, vector<1x16xf32>,
          %get3A_935 = vector.shape_cast %get3A_934 : vector<1x16xf32> to vector<16xf32>
          %add3A_936 = arith.addf %while3A_923, %get3A_935 : vector<16xf32>
          %add3A_937 = arith.addi %sub3A_599, %while3A_922 : i32
          %get3A_938 = arith.index_cast %add3A_937 : i32 to index
          %get3A_939 = arith.constant 16 : index
          %get3A_940 = tpu.vector_load %arg14[%get3A_938, %get3A_939] {strides = array<i32>} : memref<648x64xf32, #tpu.memory_space<vmem>>, vector<1x16xf32>,
          %get3A_941 = vector.shape_cast %get3A_940 : vector<1x16xf32> to vector<16xf32>
          %add3A_942 = arith.addf %while3A_924, %get3A_941 : vector<16xf32>
          %add3A_943 = arith.addi %sub3A_599, %while3A_922 : i32
          %get3A_944 = arith.index_cast %add3A_943 : i32 to index
          %get3A_945 = arith.constant 32 : index
          %get3A_946 = tpu.vector_load %arg14[%get3A_944, %get3A_945] {strides = array<i32>} : memref<648x64xf32, #tpu.memory_space<vmem>>, vector<1x16xf32>,
          %get3A_947 = vector.shape_cast %get3A_946 : vector<1x16xf32> to vector<16xf32>
          %add3A_948 = arith.addf %while3A_925, %get3A_947 : vector<16xf32>
          %add3A_949 = arith.addi %sub3A_599, %while3A_922 : i32
          %get3A_950 = arith.index_cast %add3A_949 : i32 to index
          %get3A_951 = arith.constant 48 : index
          %get3A_952 = tpu.vector_load %arg14[%get3A_950, %get3A_951] {strides = array<i32>} : memref<648x64xf32, #tpu.memory_space<vmem>>, vector<1x16xf32>,
          %get3A_953 = vector.shape_cast %get3A_952 : vector<1x16xf32> to vector<16xf32>
          %add3A_954 = arith.addf %while3A_926, %get3A_953 : vector<16xf32>
          %add3A_955 = arith.addi %sub3A_599, %while3A_922 : i32
          %get3A_956 = arith.index_cast %add3A_955 : i32 to index
          %get3A_957 = arith.constant 0 : index
          %get3A_958 = tpu.vector_load %arg15[%get3A_956, %get3A_957] {strides = array<i32>} : memref<608x64xf32, #tpu.memory_space<vmem>>, vector<1x16xf32>,
          %get3A_959 = vector.shape_cast %get3A_958 : vector<1x16xf32> to vector<16xf32>
          %add3A_960 = arith.addf %while3A_927, %get3A_959 : vector<16xf32>
          %add3A_961 = arith.addi %sub3A_599, %while3A_922 : i32
          %get3A_962 = arith.index_cast %add3A_961 : i32 to index
          %get3A_963 = arith.constant 16 : index
          %get3A_964 = tpu.vector_load %arg15[%get3A_962, %get3A_963] {strides = array<i32>} : memref<608x64xf32, #tpu.memory_space<vmem>>, vector<1x16xf32>,
          %get3A_965 = vector.shape_cast %get3A_964 : vector<1x16xf32> to vector<16xf32>
          %add3A_966 = arith.addf %while3A_928, %get3A_965 : vector<16xf32>
          %add3A_967 = arith.addi %sub3A_599, %while3A_922 : i32
          %get3A_968 = arith.index_cast %add3A_967 : i32 to index
          %get3A_969 = arith.constant 32 : index
          %get3A_970 = tpu.vector_load %arg15[%get3A_968, %get3A_969] {strides = array<i32>} : memref<608x64xf32, #tpu.memory_space<vmem>>, vector<1x16xf32>,
          %get3A_971 = vector.shape_cast %get3A_970 : vector<1x16xf32> to vector<16xf32>
          %add3A_972 = arith.addf %while3A_929, %get3A_971 : vector<16xf32>
          %add3A_973 = arith.addi %sub3A_599, %while3A_922 : i32
          %get3A_974 = arith.index_cast %add3A_973 : i32 to index
          %get3A_975 = arith.constant 48 : index
          %get3A_976 = tpu.vector_load %arg15[%get3A_974, %get3A_975] {strides = array<i32>} : memref<608x64xf32, #tpu.memory_space<vmem>>, vector<1x16xf32>,
          %get3A_977 = vector.shape_cast %get3A_976 : vector<1x16xf32> to vector<16xf32>
          %add3A_978 = arith.addf %while3A_930, %get3A_977 : vector<16xf32>
          scf.yield %add3A_936, %add3A_942, %add3A_948, %add3A_954, %add3A_960, %add3A_966, %add3A_972, %add3A_978 : vector<16xf32>, vector<16xf32>, vector<16xf32>, vector<16xf32>, vector<16xf32>, vector<16xf32>, vector<16xf32>, vector<16xf32>
        }
        %while3A_620 = arith.constant 1 : i32
        %while3A_621:8 = scf.for %while3A_922 = %while3A_617 to %while3A_613 step %while3A_620 iter_args(%while3A_923 = %while3A_619#0, %while3A_924 = %while3A_619#1, %while3A_925 = %while3A_619#2, %while3A_926 = %while3A_619#3, %while3A_927 = %while3A_619#4, %while3A_928 = %while3A_619#5, %while3A_929 = %while3A_619#6, %while3A_930 = %while3A_619#7) -> (vector<16xf32>, vector<16xf32>, vector<16xf32>, vector<16xf32>, vector<16xf32>, vector<16xf32>, vector<16xf32>, vector<16xf32>)  : i32 {
          %add3A_931 = arith.addi %sub3A_599, %while3A_922 : i32
          %get3A_932 = arith.index_cast %add3A_931 : i32 to index
          %get3A_933 = arith.constant 0 : index
          %get3A_934 = tpu.vector_load %arg14[%get3A_932, %get3A_933] {strides = array<i32>} : memref<648x64xf32, #tpu.memory_space<vmem>>, vector<1x16xf32>,
          %get3A_935 = vector.shape_cast %get3A_934 : vector<1x16xf32> to vector<16xf32>
          %add3A_936 = arith.addf %while3A_923, %get3A_935 : vector<16xf32>
          %add3A_937 = arith.addi %sub3A_599, %while3A_922 : i32
          %get3A_938 = arith.index_cast %add3A_937 : i32 to index
          %get3A_939 = arith.constant 16 : index
          %get3A_940 = tpu.vector_load %arg14[%get3A_938, %get3A_939] {strides = array<i32>} : memref<648x64xf32, #tpu.memory_space<vmem>>, vector<1x16xf32>,
          %get3A_941 = vector.shape_cast %get3A_940 : vector<1x16xf32> to vector<16xf32>
          %add3A_942 = arith.addf %while3A_924, %get3A_941 : vector<16xf32>
          %add3A_943 = arith.addi %sub3A_599, %while3A_922 : i32
          %get3A_944 = arith.index_cast %add3A_943 : i32 to index
          %get3A_945 = arith.constant 32 : index
          %get3A_946 = tpu.vector_load %arg14[%get3A_944, %get3A_945] {strides = array<i32>} : memref<648x64xf32, #tpu.memory_space<vmem>>, vector<1x16xf32>,
          %get3A_947 = vector.shape_cast %get3A_946 : vector<1x16xf32> to vector<16xf32>
          %add3A_948 = arith.addf %while3A_925, %get3A_947 : vector<16xf32>
          %add3A_949 = arith.addi %sub3A_599, %while3A_922 : i32
          %get3A_950 = arith.index_cast %add3A_949 : i32 to index
          %get3A_951 = arith.constant 48 : index
          %get3A_952 = tpu.vector_load %arg14[%get3A_950, %get3A_951] {strides = array<i32>} : memref<648x64xf32, #tpu.memory_space<vmem>>, vector<1x16xf32>,
          %get3A_953 = vector.shape_cast %get3A_952 : vector<1x16xf32> to vector<16xf32>
          %add3A_954 = arith.addf %while3A_926, %get3A_953 : vector<16xf32>
          %add3A_955 = arith.addi %sub3A_599, %while3A_922 : i32
          %get3A_956 = arith.index_cast %add3A_955 : i32 to index
          %get3A_957 = arith.constant 0 : index
          %get3A_958 = tpu.vector_load %arg15[%get3A_956, %get3A_957] {strides = array<i32>} : memref<608x64xf32, #tpu.memory_space<vmem>>, vector<1x16xf32>,
          %get3A_959 = vector.shape_cast %get3A_958 : vector<1x16xf32> to vector<16xf32>
          %add3A_960 = arith.addf %while3A_927, %get3A_959 : vector<16xf32>
          %add3A_961 = arith.addi %sub3A_599, %while3A_922 : i32
          %get3A_962 = arith.index_cast %add3A_961 : i32 to index
          %get3A_963 = arith.constant 16 : index
          %get3A_964 = tpu.vector_load %arg15[%get3A_962, %get3A_963] {strides = array<i32>} : memref<608x64xf32, #tpu.memory_space<vmem>>, vector<1x16xf32>,
          %get3A_965 = vector.shape_cast %get3A_964 : vector<1x16xf32> to vector<16xf32>
          %add3A_966 = arith.addf %while3A_928, %get3A_965 : vector<16xf32>
          %add3A_967 = arith.addi %sub3A_599, %while3A_922 : i32
          %get3A_968 = arith.index_cast %add3A_967 : i32 to index
          %get3A_969 = arith.constant 32 : index
          %get3A_970 = tpu.vector_load %arg15[%get3A_968, %get3A_969] {strides = array<i32>} : memref<608x64xf32, #tpu.memory_space<vmem>>, vector<1x16xf32>,
          %get3A_971 = vector.shape_cast %get3A_970 : vector<1x16xf32> to vector<16xf32>
          %add3A_972 = arith.addf %while3A_929, %get3A_971 : vector<16xf32>
          %add3A_973 = arith.addi %sub3A_599, %while3A_922 : i32
          %get3A_974 = arith.index_cast %add3A_973 : i32 to index
          %get3A_975 = arith.constant 48 : index
          %get3A_976 = tpu.vector_load %arg15[%get3A_974, %get3A_975] {strides = array<i32>} : memref<608x64xf32, #tpu.memory_space<vmem>>, vector<1x16xf32>,
          %get3A_977 = vector.shape_cast %get3A_976 : vector<1x16xf32> to vector<16xf32>
          %add3A_978 = arith.addf %while3A_930, %get3A_977 : vector<16xf32>
          scf.yield %add3A_936, %add3A_942, %add3A_948, %add3A_954, %add3A_960, %add3A_966, %add3A_972, %add3A_978 : vector<16xf32>, vector<16xf32>, vector<16xf32>, vector<16xf32>, vector<16xf32>, vector<16xf32>, vector<16xf32>, vector<16xf32>
        }
        %swap3A_622 = arith.index_cast %add3A_608 : i32 to index
        %swap3A_623 = arith.constant 0 : index
        %swap3A_624 = tpu.vector_load %arg16[%swap3A_622, %swap3A_623] {strides = array<i32>} : memref<80x64xf32, #tpu.memory_space<vmem>>, vector<1x16xf32>,
        %swap3A_625 = vector.shape_cast %swap3A_624 : vector<1x16xf32> to vector<16xf32>
        %swap3A_626 = vector.shape_cast %while3A_621#0 : vector<16xf32> to vector<1x16xf32>
        tpu.vector_store %arg16[%swap3A_622, %swap3A_623], %swap3A_626 {strides = array<i32>} : memref<80x64xf32, #tpu.memory_space<vmem>>, vector<1x16xf32>,
        %swap3A_627 = arith.index_cast %add3A_608 : i32 to index
        %swap3A_628 = arith.constant 0 : index
        %swap3A_629 = tpu.vector_load %arg17[%swap3A_627, %swap3A_628] {strides = array<i32>} : memref<80x64xf32, #tpu.memory_space<vmem>>, vector<1x16xf32>,
        %swap3A_630 = vector.shape_cast %swap3A_629 : vector<1x16xf32> to vector<16xf32>
        %swap3A_631 = vector.shape_cast %while3A_621#4 : vector<16xf32> to vector<1x16xf32>
        tpu.vector_store %arg17[%swap3A_627, %swap3A_628], %swap3A_631 {strides = array<i32>} : memref<80x64xf32, #tpu.memory_space<vmem>>, vector<1x16xf32>,
        %swap3A_632 = arith.index_cast %add3A_608 : i32 to index
        %swap3A_633 = arith.constant 16 : index
        %swap3A_634 = tpu.vector_load %arg16[%swap3A_632, %swap3A_633] {strides = array<i32>} : memref<80x64xf32, #tpu.memory_space<vmem>>, vector<1x16xf32>,
        %swap3A_635 = vector.shape_cast %swap3A_634 : vector<1x16xf32> to vector<16xf32>
        %swap3A_636 = vector.shape_cast %while3A_621#1 : vector<16xf32> to vector<1x16xf32>
        tpu.vector_store %arg16[%swap3A_632, %swap3A_633], %swap3A_636 {strides = array<i32>} : memref<80x64xf32, #tpu.memory_space<vmem>>, vector<1x16xf32>,
        %swap3A_637 = arith.index_cast %add3A_608 : i32 to index
        %swap3A_638 = arith.constant 16 : index
        %swap3A_639 = tpu.vector_load %arg17[%swap3A_637, %swap3A_638] {strides = array<i32>} : memref<80x64xf32, #tpu.memory_space<vmem>>, vector<1x16xf32>,
        %swap3A_640 = vector.shape_cast %swap3A_639 : vector<1x16xf32> to vector<16xf32>
        %swap3A_641 = vector.shape_cast %while3A_621#5 : vector<16xf32> to vector<1x16xf32>
        tpu.vector_store %arg17[%swap3A_637, %swap3A_638], %swap3A_641 {strides = array<i32>} : memref<80x64xf32, #tpu.memory_space<vmem>>, vector<1x16xf32>,
        %swap3A_642 = arith.index_cast %add3A_608 : i32 to index
        %swap3A_643 = arith.constant 32 : index
        %swap3A_644 = tpu.vector_load %arg16[%swap3A_642, %swap3A_643] {strides = array<i32>} : memref<80x64xf32, #tpu.memory_space<vmem>>, vector<1x16xf32>,
        %swap3A_645 = vector.shape_cast %swap3A_644 : vector<1x16xf32> to vector<16xf32>
        %swap3A_646 = vector.shape_cast %while3A_621#2 : vector<16xf32> to vector<1x16xf32>
        tpu.vector_store %arg16[%swap3A_642, %swap3A_643], %swap3A_646 {strides = array<i32>} : memref<80x64xf32, #tpu.memory_space<vmem>>, vector<1x16xf32>,
        %swap3A_647 = arith.index_cast %add3A_608 : i32 to index
        %swap3A_648 = arith.constant 32 : index
        %swap3A_649 = tpu.vector_load %arg17[%swap3A_647, %swap3A_648] {strides = array<i32>} : memref<80x64xf32, #tpu.memory_space<vmem>>, vector<1x16xf32>,
        %swap3A_650 = vector.shape_cast %swap3A_649 : vector<1x16xf32> to vector<16xf32>
        %swap3A_651 = vector.shape_cast %while3A_621#6 : vector<16xf32> to vector<1x16xf32>
        tpu.vector_store %arg17[%swap3A_647, %swap3A_648], %swap3A_651 {strides = array<i32>} : memref<80x64xf32, #tpu.memory_space<vmem>>, vector<1x16xf32>,
        %swap3A_652 = arith.index_cast %add3A_608 : i32 to index
        %swap3A_653 = arith.constant 48 : index
        %swap3A_654 = tpu.vector_load %arg16[%swap3A_652, %swap3A_653] {strides = array<i32>} : memref<80x64xf32, #tpu.memory_space<vmem>>, vector<1x16xf32>,
        %swap3A_655 = vector.shape_cast %swap3A_654 : vector<1x16xf32> to vector<16xf32>
        %swap3A_656 = vector.shape_cast %while3A_621#3 : vector<16xf32> to vector<1x16xf32>
        tpu.vector_store %arg16[%swap3A_652, %swap3A_653], %swap3A_656 {strides = array<i32>} : memref<80x64xf32, #tpu.memory_space<vmem>>, vector<1x16xf32>,
        %swap3A_657 = arith.index_cast %add3A_608 : i32 to index
        %swap3A_658 = arith.constant 48 : index
        %swap3A_659 = tpu.vector_load %arg17[%swap3A_657, %swap3A_658] {strides = array<i32>} : memref<80x64xf32, #tpu.memory_space<vmem>>, vector<1x16xf32>,
        %swap3A_660 = vector.shape_cast %swap3A_659 : vector<1x16xf32> to vector<16xf32>
        %swap3A_661 = vector.shape_cast %while3A_621#7 : vector<16xf32> to vector<1x16xf32>
        tpu.vector_store %arg17[%swap3A_657, %swap3A_658], %swap3A_661 {strides = array<i32>} : memref<80x64xf32, #tpu.memory_space<vmem>>, vector<1x16xf32>,
        %slice3A_662 = vector.extract_strided_slice %get3A_404 {offsets = [4], sizes = [1], strides = [1]} : vector<16xi32> to vector<1xi32>
        %squeeze3A_663 = vector.extract %slice3A_662[0] : i32 from vector<1xi32>
        %sub3A_664 = arith.subi %squeeze3A_663, %multiple_of3A_236 : i32
        %slice3A_665 = vector.extract_strided_slice %get3A_404 {offsets = [5], sizes = [1], strides = [1]} : vector<16xi32> to vector<1xi32>
        %squeeze3A_666 = vector.extract %slice3A_665[0] : i32 from vector<1xi32>
        %slice3A_667 = vector.extract_strided_slice %get3A_404 {offsets = [4], sizes = [1], strides = [1]} : vector<16xi32> to vector<1xi32>
        %squeeze3A_668 = vector.extract %slice3A_667[0] : i32 from vector<1xi32>
        %sub3A_669 = arith.subi %squeeze3A_666, %squeeze3A_668 : i32
        %mul3A_670 = arith.constant 8 : i32
        %mul3A_671 = arith.muli %scan3A_399, %mul3A_670 : i32
        %add3A_672 = arith.constant 4 : i32
        %add3A_673 = arith.addi %mul3A_671, %add3A_672 : i32
        %broadcast_in_dim3A_674 = arith.constant 0.000000e+00 : f32
        %broadcast_in_dim3A_675 = vector.broadcast %broadcast_in_dim3A_674 : f32 to vector<16xf32>
        %while3A_676 = arith.constant 0 : i32
        %while3A_677 = arith.subi %sub3A_669, %while3A_676 : i32
        %while3A_678 = arith.addi %while3A_676, %while3A_677 : i32
        %while3A_679 = arith.constant 1 : i32
        %while3A_680 = arith.divsi %while3A_677, %while3A_679 : i32
        %while3A_681 = arith.muli %while3A_680, %while3A_679 : i32
        %while3A_682 = arith.addi %while3A_676, %while3A_681 : i32
        %while3A_683 = arith.constant 1 : i32
        %while3A_684:8 = scf.for %while3A_922 = %while3A_676 to %while3A_682 step %while3A_683 iter_args(%while3A_923 = %broadcast_in_dim3A_675, %while3A_924 = %broadcast_in_dim3A_675, %while3A_925 = %broadcast_in_dim3A_675, %while3A_926 = %broadcast_in_dim3A_675, %while3A_927 = %broadcast_in_dim3A_675, %while3A_928 = %broadcast_in_dim3A_675, %while3A_929 = %broadcast_in_dim3A_675, %while3A_930 = %broadcast_in_dim3A_675) -> (vector<16xf32>, vector<16xf32>, vector<16xf32>, vector<16xf32>, vector<16xf32>, vector<16xf32>, vector<16xf32>, vector<16xf32>)  : i32 {
          %add3A_931 = arith.addi %sub3A_664, %while3A_922 : i32
          %get3A_932 = arith.index_cast %add3A_931 : i32 to index
          %get3A_933 = arith.constant 0 : index
          %get3A_934 = tpu.vector_load %arg14[%get3A_932, %get3A_933] {strides = array<i32>} : memref<648x64xf32, #tpu.memory_space<vmem>>, vector<1x16xf32>,
          %get3A_935 = vector.shape_cast %get3A_934 : vector<1x16xf32> to vector<16xf32>
          %add3A_936 = arith.addf %while3A_923, %get3A_935 : vector<16xf32>
          %add3A_937 = arith.addi %sub3A_664, %while3A_922 : i32
          %get3A_938 = arith.index_cast %add3A_937 : i32 to index
          %get3A_939 = arith.constant 16 : index
          %get3A_940 = tpu.vector_load %arg14[%get3A_938, %get3A_939] {strides = array<i32>} : memref<648x64xf32, #tpu.memory_space<vmem>>, vector<1x16xf32>,
          %get3A_941 = vector.shape_cast %get3A_940 : vector<1x16xf32> to vector<16xf32>
          %add3A_942 = arith.addf %while3A_924, %get3A_941 : vector<16xf32>
          %add3A_943 = arith.addi %sub3A_664, %while3A_922 : i32
          %get3A_944 = arith.index_cast %add3A_943 : i32 to index
          %get3A_945 = arith.constant 32 : index
          %get3A_946 = tpu.vector_load %arg14[%get3A_944, %get3A_945] {strides = array<i32>} : memref<648x64xf32, #tpu.memory_space<vmem>>, vector<1x16xf32>,
          %get3A_947 = vector.shape_cast %get3A_946 : vector<1x16xf32> to vector<16xf32>
          %add3A_948 = arith.addf %while3A_925, %get3A_947 : vector<16xf32>
          %add3A_949 = arith.addi %sub3A_664, %while3A_922 : i32
          %get3A_950 = arith.index_cast %add3A_949 : i32 to index
          %get3A_951 = arith.constant 48 : index
          %get3A_952 = tpu.vector_load %arg14[%get3A_950, %get3A_951] {strides = array<i32>} : memref<648x64xf32, #tpu.memory_space<vmem>>, vector<1x16xf32>,
          %get3A_953 = vector.shape_cast %get3A_952 : vector<1x16xf32> to vector<16xf32>
          %add3A_954 = arith.addf %while3A_926, %get3A_953 : vector<16xf32>
          %add3A_955 = arith.addi %sub3A_664, %while3A_922 : i32
          %get3A_956 = arith.index_cast %add3A_955 : i32 to index
          %get3A_957 = arith.constant 0 : index
          %get3A_958 = tpu.vector_load %arg15[%get3A_956, %get3A_957] {strides = array<i32>} : memref<608x64xf32, #tpu.memory_space<vmem>>, vector<1x16xf32>,
          %get3A_959 = vector.shape_cast %get3A_958 : vector<1x16xf32> to vector<16xf32>
          %add3A_960 = arith.addf %while3A_927, %get3A_959 : vector<16xf32>
          %add3A_961 = arith.addi %sub3A_664, %while3A_922 : i32
          %get3A_962 = arith.index_cast %add3A_961 : i32 to index
          %get3A_963 = arith.constant 16 : index
          %get3A_964 = tpu.vector_load %arg15[%get3A_962, %get3A_963] {strides = array<i32>} : memref<608x64xf32, #tpu.memory_space<vmem>>, vector<1x16xf32>,
          %get3A_965 = vector.shape_cast %get3A_964 : vector<1x16xf32> to vector<16xf32>
          %add3A_966 = arith.addf %while3A_928, %get3A_965 : vector<16xf32>
          %add3A_967 = arith.addi %sub3A_664, %while3A_922 : i32
          %get3A_968 = arith.index_cast %add3A_967 : i32 to index
          %get3A_969 = arith.constant 32 : index
          %get3A_970 = tpu.vector_load %arg15[%get3A_968, %get3A_969] {strides = array<i32>} : memref<608x64xf32, #tpu.memory_space<vmem>>, vector<1x16xf32>,
          %get3A_971 = vector.shape_cast %get3A_970 : vector<1x16xf32> to vector<16xf32>
          %add3A_972 = arith.addf %while3A_929, %get3A_971 : vector<16xf32>
          %add3A_973 = arith.addi %sub3A_664, %while3A_922 : i32
          %get3A_974 = arith.index_cast %add3A_973 : i32 to index
          %get3A_975 = arith.constant 48 : index
          %get3A_976 = tpu.vector_load %arg15[%get3A_974, %get3A_975] {strides = array<i32>} : memref<608x64xf32, #tpu.memory_space<vmem>>, vector<1x16xf32>,
          %get3A_977 = vector.shape_cast %get3A_976 : vector<1x16xf32> to vector<16xf32>
          %add3A_978 = arith.addf %while3A_930, %get3A_977 : vector<16xf32>
          scf.yield %add3A_936, %add3A_942, %add3A_948, %add3A_954, %add3A_960, %add3A_966, %add3A_972, %add3A_978 : vector<16xf32>, vector<16xf32>, vector<16xf32>, vector<16xf32>, vector<16xf32>, vector<16xf32>, vector<16xf32>, vector<16xf32>
        }
        %while3A_685 = arith.constant 1 : i32
        %while3A_686:8 = scf.for %while3A_922 = %while3A_682 to %while3A_678 step %while3A_685 iter_args(%while3A_923 = %while3A_684#0, %while3A_924 = %while3A_684#1, %while3A_925 = %while3A_684#2, %while3A_926 = %while3A_684#3, %while3A_927 = %while3A_684#4, %while3A_928 = %while3A_684#5, %while3A_929 = %while3A_684#6, %while3A_930 = %while3A_684#7) -> (vector<16xf32>, vector<16xf32>, vector<16xf32>, vector<16xf32>, vector<16xf32>, vector<16xf32>, vector<16xf32>, vector<16xf32>)  : i32 {
          %add3A_931 = arith.addi %sub3A_664, %while3A_922 : i32
          %get3A_932 = arith.index_cast %add3A_931 : i32 to index
          %get3A_933 = arith.constant 0 : index
          %get3A_934 = tpu.vector_load %arg14[%get3A_932, %get3A_933] {strides = array<i32>} : memref<648x64xf32, #tpu.memory_space<vmem>>, vector<1x16xf32>,
          %get3A_935 = vector.shape_cast %get3A_934 : vector<1x16xf32> to vector<16xf32>
          %add3A_936 = arith.addf %while3A_923, %get3A_935 : vector<16xf32>
          %add3A_937 = arith.addi %sub3A_664, %while3A_922 : i32
          %get3A_938 = arith.index_cast %add3A_937 : i32 to index
          %get3A_939 = arith.constant 16 : index
          %get3A_940 = tpu.vector_load %arg14[%get3A_938, %get3A_939] {strides = array<i32>} : memref<648x64xf32, #tpu.memory_space<vmem>>, vector<1x16xf32>,
          %get3A_941 = vector.shape_cast %get3A_940 : vector<1x16xf32> to vector<16xf32>
          %add3A_942 = arith.addf %while3A_924, %get3A_941 : vector<16xf32>
          %add3A_943 = arith.addi %sub3A_664, %while3A_922 : i32
          %get3A_944 = arith.index_cast %add3A_943 : i32 to index
          %get3A_945 = arith.constant 32 : index
          %get3A_946 = tpu.vector_load %arg14[%get3A_944, %get3A_945] {strides = array<i32>} : memref<648x64xf32, #tpu.memory_space<vmem>>, vector<1x16xf32>,
          %get3A_947 = vector.shape_cast %get3A_946 : vector<1x16xf32> to vector<16xf32>
          %add3A_948 = arith.addf %while3A_925, %get3A_947 : vector<16xf32>
          %add3A_949 = arith.addi %sub3A_664, %while3A_922 : i32
          %get3A_950 = arith.index_cast %add3A_949 : i32 to index
          %get3A_951 = arith.constant 48 : index
          %get3A_952 = tpu.vector_load %arg14[%get3A_950, %get3A_951] {strides = array<i32>} : memref<648x64xf32, #tpu.memory_space<vmem>>, vector<1x16xf32>,
          %get3A_953 = vector.shape_cast %get3A_952 : vector<1x16xf32> to vector<16xf32>
          %add3A_954 = arith.addf %while3A_926, %get3A_953 : vector<16xf32>
          %add3A_955 = arith.addi %sub3A_664, %while3A_922 : i32
          %get3A_956 = arith.index_cast %add3A_955 : i32 to index
          %get3A_957 = arith.constant 0 : index
          %get3A_958 = tpu.vector_load %arg15[%get3A_956, %get3A_957] {strides = array<i32>} : memref<608x64xf32, #tpu.memory_space<vmem>>, vector<1x16xf32>,
          %get3A_959 = vector.shape_cast %get3A_958 : vector<1x16xf32> to vector<16xf32>
          %add3A_960 = arith.addf %while3A_927, %get3A_959 : vector<16xf32>
          %add3A_961 = arith.addi %sub3A_664, %while3A_922 : i32
          %get3A_962 = arith.index_cast %add3A_961 : i32 to index
          %get3A_963 = arith.constant 16 : index
          %get3A_964 = tpu.vector_load %arg15[%get3A_962, %get3A_963] {strides = array<i32>} : memref<608x64xf32, #tpu.memory_space<vmem>>, vector<1x16xf32>,
          %get3A_965 = vector.shape_cast %get3A_964 : vector<1x16xf32> to vector<16xf32>
          %add3A_966 = arith.addf %while3A_928, %get3A_965 : vector<16xf32>
          %add3A_967 = arith.addi %sub3A_664, %while3A_922 : i32
          %get3A_968 = arith.index_cast %add3A_967 : i32 to index
          %get3A_969 = arith.constant 32 : index
          %get3A_970 = tpu.vector_load %arg15[%get3A_968, %get3A_969] {strides = array<i32>} : memref<608x64xf32, #tpu.memory_space<vmem>>, vector<1x16xf32>,
          %get3A_971 = vector.shape_cast %get3A_970 : vector<1x16xf32> to vector<16xf32>
          %add3A_972 = arith.addf %while3A_929, %get3A_971 : vector<16xf32>
          %add3A_973 = arith.addi %sub3A_664, %while3A_922 : i32
          %get3A_974 = arith.index_cast %add3A_973 : i32 to index
          %get3A_975 = arith.constant 48 : index
          %get3A_976 = tpu.vector_load %arg15[%get3A_974, %get3A_975] {strides = array<i32>} : memref<608x64xf32, #tpu.memory_space<vmem>>, vector<1x16xf32>,
          %get3A_977 = vector.shape_cast %get3A_976 : vector<1x16xf32> to vector<16xf32>
          %add3A_978 = arith.addf %while3A_930, %get3A_977 : vector<16xf32>
          scf.yield %add3A_936, %add3A_942, %add3A_948, %add3A_954, %add3A_960, %add3A_966, %add3A_972, %add3A_978 : vector<16xf32>, vector<16xf32>, vector<16xf32>, vector<16xf32>, vector<16xf32>, vector<16xf32>, vector<16xf32>, vector<16xf32>
        }
        %swap3A_687 = arith.index_cast %add3A_673 : i32 to index
        %swap3A_688 = arith.constant 0 : index
        %swap3A_689 = tpu.vector_load %arg16[%swap3A_687, %swap3A_688] {strides = array<i32>} : memref<80x64xf32, #tpu.memory_space<vmem>>, vector<1x16xf32>,
        %swap3A_690 = vector.shape_cast %swap3A_689 : vector<1x16xf32> to vector<16xf32>
        %swap3A_691 = vector.shape_cast %while3A_686#0 : vector<16xf32> to vector<1x16xf32>
        tpu.vector_store %arg16[%swap3A_687, %swap3A_688], %swap3A_691 {strides = array<i32>} : memref<80x64xf32, #tpu.memory_space<vmem>>, vector<1x16xf32>,
        %swap3A_692 = arith.index_cast %add3A_673 : i32 to index
        %swap3A_693 = arith.constant 0 : index
        %swap3A_694 = tpu.vector_load %arg17[%swap3A_692, %swap3A_693] {strides = array<i32>} : memref<80x64xf32, #tpu.memory_space<vmem>>, vector<1x16xf32>,
        %swap3A_695 = vector.shape_cast %swap3A_694 : vector<1x16xf32> to vector<16xf32>
        %swap3A_696 = vector.shape_cast %while3A_686#4 : vector<16xf32> to vector<1x16xf32>
        tpu.vector_store %arg17[%swap3A_692, %swap3A_693], %swap3A_696 {strides = array<i32>} : memref<80x64xf32, #tpu.memory_space<vmem>>, vector<1x16xf32>,
        %swap3A_697 = arith.index_cast %add3A_673 : i32 to index
        %swap3A_698 = arith.constant 16 : index
        %swap3A_699 = tpu.vector_load %arg16[%swap3A_697, %swap3A_698] {strides = array<i32>} : memref<80x64xf32, #tpu.memory_space<vmem>>, vector<1x16xf32>,
        %swap3A_700 = vector.shape_cast %swap3A_699 : vector<1x16xf32> to vector<16xf32>
        %swap3A_701 = vector.shape_cast %while3A_686#1 : vector<16xf32> to vector<1x16xf32>
        tpu.vector_store %arg16[%swap3A_697, %swap3A_698], %swap3A_701 {strides = array<i32>} : memref<80x64xf32, #tpu.memory_space<vmem>>, vector<1x16xf32>,
        %swap3A_702 = arith.index_cast %add3A_673 : i32 to index
        %swap3A_703 = arith.constant 16 : index
        %swap3A_704 = tpu.vector_load %arg17[%swap3A_702, %swap3A_703] {strides = array<i32>} : memref<80x64xf32, #tpu.memory_space<vmem>>, vector<1x16xf32>,
        %swap3A_705 = vector.shape_cast %swap3A_704 : vector<1x16xf32> to vector<16xf32>
        %swap3A_706 = vector.shape_cast %while3A_686#5 : vector<16xf32> to vector<1x16xf32>
        tpu.vector_store %arg17[%swap3A_702, %swap3A_703], %swap3A_706 {strides = array<i32>} : memref<80x64xf32, #tpu.memory_space<vmem>>, vector<1x16xf32>,
        %swap3A_707 = arith.index_cast %add3A_673 : i32 to index
        %swap3A_708 = arith.constant 32 : index
        %swap3A_709 = tpu.vector_load %arg16[%swap3A_707, %swap3A_708] {strides = array<i32>} : memref<80x64xf32, #tpu.memory_space<vmem>>, vector<1x16xf32>,
        %swap3A_710 = vector.shape_cast %swap3A_709 : vector<1x16xf32> to vector<16xf32>
        %swap3A_711 = vector.shape_cast %while3A_686#2 : vector<16xf32> to vector<1x16xf32>
        tpu.vector_store %arg16[%swap3A_707, %swap3A_708], %swap3A_711 {strides = array<i32>} : memref<80x64xf32, #tpu.memory_space<vmem>>, vector<1x16xf32>,
        %swap3A_712 = arith.index_cast %add3A_673 : i32 to index
        %swap3A_713 = arith.constant 32 : index
        %swap3A_714 = tpu.vector_load %arg17[%swap3A_712, %swap3A_713] {strides = array<i32>} : memref<80x64xf32, #tpu.memory_space<vmem>>, vector<1x16xf32>,
        %swap3A_715 = vector.shape_cast %swap3A_714 : vector<1x16xf32> to vector<16xf32>
        %swap3A_716 = vector.shape_cast %while3A_686#6 : vector<16xf32> to vector<1x16xf32>
        tpu.vector_store %arg17[%swap3A_712, %swap3A_713], %swap3A_716 {strides = array<i32>} : memref<80x64xf32, #tpu.memory_space<vmem>>, vector<1x16xf32>,
        %swap3A_717 = arith.index_cast %add3A_673 : i32 to index
        %swap3A_718 = arith.constant 48 : index
        %swap3A_719 = tpu.vector_load %arg16[%swap3A_717, %swap3A_718] {strides = array<i32>} : memref<80x64xf32, #tpu.memory_space<vmem>>, vector<1x16xf32>,
        %swap3A_720 = vector.shape_cast %swap3A_719 : vector<1x16xf32> to vector<16xf32>
        %swap3A_721 = vector.shape_cast %while3A_686#3 : vector<16xf32> to vector<1x16xf32>
        tpu.vector_store %arg16[%swap3A_717, %swap3A_718], %swap3A_721 {strides = array<i32>} : memref<80x64xf32, #tpu.memory_space<vmem>>, vector<1x16xf32>,
        %swap3A_722 = arith.index_cast %add3A_673 : i32 to index
        %swap3A_723 = arith.constant 48 : index
        %swap3A_724 = tpu.vector_load %arg17[%swap3A_722, %swap3A_723] {strides = array<i32>} : memref<80x64xf32, #tpu.memory_space<vmem>>, vector<1x16xf32>,
        %swap3A_725 = vector.shape_cast %swap3A_724 : vector<1x16xf32> to vector<16xf32>
        %swap3A_726 = vector.shape_cast %while3A_686#7 : vector<16xf32> to vector<1x16xf32>
        tpu.vector_store %arg17[%swap3A_722, %swap3A_723], %swap3A_726 {strides = array<i32>} : memref<80x64xf32, #tpu.memory_space<vmem>>, vector<1x16xf32>,
        %slice3A_727 = vector.extract_strided_slice %get3A_404 {offsets = [5], sizes = [1], strides = [1]} : vector<16xi32> to vector<1xi32>
        %squeeze3A_728 = vector.extract %slice3A_727[0] : i32 from vector<1xi32>
        %sub3A_729 = arith.subi %squeeze3A_728, %multiple_of3A_236 : i32
        %slice3A_730 = vector.extract_strided_slice %get3A_404 {offsets = [6], sizes = [1], strides = [1]} : vector<16xi32> to vector<1xi32>
        %squeeze3A_731 = vector.extract %slice3A_730[0] : i32 from vector<1xi32>
        %slice3A_732 = vector.extract_strided_slice %get3A_404 {offsets = [5], sizes = [1], strides = [1]} : vector<16xi32> to vector<1xi32>
        %squeeze3A_733 = vector.extract %slice3A_732[0] : i32 from vector<1xi32>
        %sub3A_734 = arith.subi %squeeze3A_731, %squeeze3A_733 : i32
        %mul3A_735 = arith.constant 8 : i32
        %mul3A_736 = arith.muli %scan3A_399, %mul3A_735 : i32
        %add3A_737 = arith.constant 5 : i32
        %add3A_738 = arith.addi %mul3A_736, %add3A_737 : i32
        %broadcast_in_dim3A_739 = arith.constant 0.000000e+00 : f32
        %broadcast_in_dim3A_740 = vector.broadcast %broadcast_in_dim3A_739 : f32 to vector<16xf32>
        %while3A_741 = arith.constant 0 : i32
        %while3A_742 = arith.subi %sub3A_734, %while3A_741 : i32
        %while3A_743 = arith.addi %while3A_741, %while3A_742 : i32
        %while3A_744 = arith.constant 1 : i32
        %while3A_745 = arith.divsi %while3A_742, %while3A_744 : i32
        %while3A_746 = arith.muli %while3A_745, %while3A_744 : i32
        %while3A_747 = arith.addi %while3A_741, %while3A_746 : i32
        %while3A_748 = arith.constant 1 : i32
        %while3A_749:8 = scf.for %while3A_922 = %while3A_741 to %while3A_747 step %while3A_748 iter_args(%while3A_923 = %broadcast_in_dim3A_740, %while3A_924 = %broadcast_in_dim3A_740, %while3A_925 = %broadcast_in_dim3A_740, %while3A_926 = %broadcast_in_dim3A_740, %while3A_927 = %broadcast_in_dim3A_740, %while3A_928 = %broadcast_in_dim3A_740, %while3A_929 = %broadcast_in_dim3A_740, %while3A_930 = %broadcast_in_dim3A_740) -> (vector<16xf32>, vector<16xf32>, vector<16xf32>, vector<16xf32>, vector<16xf32>, vector<16xf32>, vector<16xf32>, vector<16xf32>)  : i32 {
          %add3A_931 = arith.addi %sub3A_729, %while3A_922 : i32
          %get3A_932 = arith.index_cast %add3A_931 : i32 to index
          %get3A_933 = arith.constant 0 : index
          %get3A_934 = tpu.vector_load %arg14[%get3A_932, %get3A_933] {strides = array<i32>} : memref<648x64xf32, #tpu.memory_space<vmem>>, vector<1x16xf32>,
          %get3A_935 = vector.shape_cast %get3A_934 : vector<1x16xf32> to vector<16xf32>
          %add3A_936 = arith.addf %while3A_923, %get3A_935 : vector<16xf32>
          %add3A_937 = arith.addi %sub3A_729, %while3A_922 : i32
          %get3A_938 = arith.index_cast %add3A_937 : i32 to index
          %get3A_939 = arith.constant 16 : index
          %get3A_940 = tpu.vector_load %arg14[%get3A_938, %get3A_939] {strides = array<i32>} : memref<648x64xf32, #tpu.memory_space<vmem>>, vector<1x16xf32>,
          %get3A_941 = vector.shape_cast %get3A_940 : vector<1x16xf32> to vector<16xf32>
          %add3A_942 = arith.addf %while3A_924, %get3A_941 : vector<16xf32>
          %add3A_943 = arith.addi %sub3A_729, %while3A_922 : i32
          %get3A_944 = arith.index_cast %add3A_943 : i32 to index
          %get3A_945 = arith.constant 32 : index
          %get3A_946 = tpu.vector_load %arg14[%get3A_944, %get3A_945] {strides = array<i32>} : memref<648x64xf32, #tpu.memory_space<vmem>>, vector<1x16xf32>,
          %get3A_947 = vector.shape_cast %get3A_946 : vector<1x16xf32> to vector<16xf32>
          %add3A_948 = arith.addf %while3A_925, %get3A_947 : vector<16xf32>
          %add3A_949 = arith.addi %sub3A_729, %while3A_922 : i32
          %get3A_950 = arith.index_cast %add3A_949 : i32 to index
          %get3A_951 = arith.constant 48 : index
          %get3A_952 = tpu.vector_load %arg14[%get3A_950, %get3A_951] {strides = array<i32>} : memref<648x64xf32, #tpu.memory_space<vmem>>, vector<1x16xf32>,
          %get3A_953 = vector.shape_cast %get3A_952 : vector<1x16xf32> to vector<16xf32>
          %add3A_954 = arith.addf %while3A_926, %get3A_953 : vector<16xf32>
          %add3A_955 = arith.addi %sub3A_729, %while3A_922 : i32
          %get3A_956 = arith.index_cast %add3A_955 : i32 to index
          %get3A_957 = arith.constant 0 : index
          %get3A_958 = tpu.vector_load %arg15[%get3A_956, %get3A_957] {strides = array<i32>} : memref<608x64xf32, #tpu.memory_space<vmem>>, vector<1x16xf32>,
          %get3A_959 = vector.shape_cast %get3A_958 : vector<1x16xf32> to vector<16xf32>
          %add3A_960 = arith.addf %while3A_927, %get3A_959 : vector<16xf32>
          %add3A_961 = arith.addi %sub3A_729, %while3A_922 : i32
          %get3A_962 = arith.index_cast %add3A_961 : i32 to index
          %get3A_963 = arith.constant 16 : index
          %get3A_964 = tpu.vector_load %arg15[%get3A_962, %get3A_963] {strides = array<i32>} : memref<608x64xf32, #tpu.memory_space<vmem>>, vector<1x16xf32>,
          %get3A_965 = vector.shape_cast %get3A_964 : vector<1x16xf32> to vector<16xf32>
          %add3A_966 = arith.addf %while3A_928, %get3A_965 : vector<16xf32>
          %add3A_967 = arith.addi %sub3A_729, %while3A_922 : i32
          %get3A_968 = arith.index_cast %add3A_967 : i32 to index
          %get3A_969 = arith.constant 32 : index
          %get3A_970 = tpu.vector_load %arg15[%get3A_968, %get3A_969] {strides = array<i32>} : memref<608x64xf32, #tpu.memory_space<vmem>>, vector<1x16xf32>,
          %get3A_971 = vector.shape_cast %get3A_970 : vector<1x16xf32> to vector<16xf32>
          %add3A_972 = arith.addf %while3A_929, %get3A_971 : vector<16xf32>
          %add3A_973 = arith.addi %sub3A_729, %while3A_922 : i32
          %get3A_974 = arith.index_cast %add3A_973 : i32 to index
          %get3A_975 = arith.constant 48 : index
          %get3A_976 = tpu.vector_load %arg15[%get3A_974, %get3A_975] {strides = array<i32>} : memref<608x64xf32, #tpu.memory_space<vmem>>, vector<1x16xf32>,
          %get3A_977 = vector.shape_cast %get3A_976 : vector<1x16xf32> to vector<16xf32>
          %add3A_978 = arith.addf %while3A_930, %get3A_977 : vector<16xf32>
          scf.yield %add3A_936, %add3A_942, %add3A_948, %add3A_954, %add3A_960, %add3A_966, %add3A_972, %add3A_978 : vector<16xf32>, vector<16xf32>, vector<16xf32>, vector<16xf32>, vector<16xf32>, vector<16xf32>, vector<16xf32>, vector<16xf32>
        }
        %while3A_750 = arith.constant 1 : i32
        %while3A_751:8 = scf.for %while3A_922 = %while3A_747 to %while3A_743 step %while3A_750 iter_args(%while3A_923 = %while3A_749#0, %while3A_924 = %while3A_749#1, %while3A_925 = %while3A_749#2, %while3A_926 = %while3A_749#3, %while3A_927 = %while3A_749#4, %while3A_928 = %while3A_749#5, %while3A_929 = %while3A_749#6, %while3A_930 = %while3A_749#7) -> (vector<16xf32>, vector<16xf32>, vector<16xf32>, vector<16xf32>, vector<16xf32>, vector<16xf32>, vector<16xf32>, vector<16xf32>)  : i32 {
          %add3A_931 = arith.addi %sub3A_729, %while3A_922 : i32
          %get3A_932 = arith.index_cast %add3A_931 : i32 to index
          %get3A_933 = arith.constant 0 : index
          %get3A_934 = tpu.vector_load %arg14[%get3A_932, %get3A_933] {strides = array<i32>} : memref<648x64xf32, #tpu.memory_space<vmem>>, vector<1x16xf32>,
          %get3A_935 = vector.shape_cast %get3A_934 : vector<1x16xf32> to vector<16xf32>
          %add3A_936 = arith.addf %while3A_923, %get3A_935 : vector<16xf32>
          %add3A_937 = arith.addi %sub3A_729, %while3A_922 : i32
          %get3A_938 = arith.index_cast %add3A_937 : i32 to index
          %get3A_939 = arith.constant 16 : index
          %get3A_940 = tpu.vector_load %arg14[%get3A_938, %get3A_939] {strides = array<i32>} : memref<648x64xf32, #tpu.memory_space<vmem>>, vector<1x16xf32>,
          %get3A_941 = vector.shape_cast %get3A_940 : vector<1x16xf32> to vector<16xf32>
          %add3A_942 = arith.addf %while3A_924, %get3A_941 : vector<16xf32>
          %add3A_943 = arith.addi %sub3A_729, %while3A_922 : i32
          %get3A_944 = arith.index_cast %add3A_943 : i32 to index
          %get3A_945 = arith.constant 32 : index
          %get3A_946 = tpu.vector_load %arg14[%get3A_944, %get3A_945] {strides = array<i32>} : memref<648x64xf32, #tpu.memory_space<vmem>>, vector<1x16xf32>,
          %get3A_947 = vector.shape_cast %get3A_946 : vector<1x16xf32> to vector<16xf32>
          %add3A_948 = arith.addf %while3A_925, %get3A_947 : vector<16xf32>
          %add3A_949 = arith.addi %sub3A_729, %while3A_922 : i32
          %get3A_950 = arith.index_cast %add3A_949 : i32 to index
          %get3A_951 = arith.constant 48 : index
          %get3A_952 = tpu.vector_load %arg14[%get3A_950, %get3A_951] {strides = array<i32>} : memref<648x64xf32, #tpu.memory_space<vmem>>, vector<1x16xf32>,
          %get3A_953 = vector.shape_cast %get3A_952 : vector<1x16xf32> to vector<16xf32>
          %add3A_954 = arith.addf %while3A_926, %get3A_953 : vector<16xf32>
          %add3A_955 = arith.addi %sub3A_729, %while3A_922 : i32
          %get3A_956 = arith.index_cast %add3A_955 : i32 to index
          %get3A_957 = arith.constant 0 : index
          %get3A_958 = tpu.vector_load %arg15[%get3A_956, %get3A_957] {strides = array<i32>} : memref<608x64xf32, #tpu.memory_space<vmem>>, vector<1x16xf32>,
          %get3A_959 = vector.shape_cast %get3A_958 : vector<1x16xf32> to vector<16xf32>
          %add3A_960 = arith.addf %while3A_927, %get3A_959 : vector<16xf32>
          %add3A_961 = arith.addi %sub3A_729, %while3A_922 : i32
          %get3A_962 = arith.index_cast %add3A_961 : i32 to index
          %get3A_963 = arith.constant 16 : index
          %get3A_964 = tpu.vector_load %arg15[%get3A_962, %get3A_963] {strides = array<i32>} : memref<608x64xf32, #tpu.memory_space<vmem>>, vector<1x16xf32>,
          %get3A_965 = vector.shape_cast %get3A_964 : vector<1x16xf32> to vector<16xf32>
          %add3A_966 = arith.addf %while3A_928, %get3A_965 : vector<16xf32>
          %add3A_967 = arith.addi %sub3A_729, %while3A_922 : i32
          %get3A_968 = arith.index_cast %add3A_967 : i32 to index
          %get3A_969 = arith.constant 32 : index
          %get3A_970 = tpu.vector_load %arg15[%get3A_968, %get3A_969] {strides = array<i32>} : memref<608x64xf32, #tpu.memory_space<vmem>>, vector<1x16xf32>,
          %get3A_971 = vector.shape_cast %get3A_970 : vector<1x16xf32> to vector<16xf32>
          %add3A_972 = arith.addf %while3A_929, %get3A_971 : vector<16xf32>
          %add3A_973 = arith.addi %sub3A_729, %while3A_922 : i32
          %get3A_974 = arith.index_cast %add3A_973 : i32 to index
          %get3A_975 = arith.constant 48 : index
          %get3A_976 = tpu.vector_load %arg15[%get3A_974, %get3A_975] {strides = array<i32>} : memref<608x64xf32, #tpu.memory_space<vmem>>, vector<1x16xf32>,
          %get3A_977 = vector.shape_cast %get3A_976 : vector<1x16xf32> to vector<16xf32>
          %add3A_978 = arith.addf %while3A_930, %get3A_977 : vector<16xf32>
          scf.yield %add3A_936, %add3A_942, %add3A_948, %add3A_954, %add3A_960, %add3A_966, %add3A_972, %add3A_978 : vector<16xf32>, vector<16xf32>, vector<16xf32>, vector<16xf32>, vector<16xf32>, vector<16xf32>, vector<16xf32>, vector<16xf32>
        }
        %swap3A_752 = arith.index_cast %add3A_738 : i32 to index
        %swap3A_753 = arith.constant 0 : index
        %swap3A_754 = tpu.vector_load %arg16[%swap3A_752, %swap3A_753] {strides = array<i32>} : memref<80x64xf32, #tpu.memory_space<vmem>>, vector<1x16xf32>,
        %swap3A_755 = vector.shape_cast %swap3A_754 : vector<1x16xf32> to vector<16xf32>
        %swap3A_756 = vector.shape_cast %while3A_751#0 : vector<16xf32> to vector<1x16xf32>
        tpu.vector_store %arg16[%swap3A_752, %swap3A_753], %swap3A_756 {strides = array<i32>} : memref<80x64xf32, #tpu.memory_space<vmem>>, vector<1x16xf32>,
        %swap3A_757 = arith.index_cast %add3A_738 : i32 to index
        %swap3A_758 = arith.constant 0 : index
        %swap3A_759 = tpu.vector_load %arg17[%swap3A_757, %swap3A_758] {strides = array<i32>} : memref<80x64xf32, #tpu.memory_space<vmem>>, vector<1x16xf32>,
        %swap3A_760 = vector.shape_cast %swap3A_759 : vector<1x16xf32> to vector<16xf32>
        %swap3A_761 = vector.shape_cast %while3A_751#4 : vector<16xf32> to vector<1x16xf32>
        tpu.vector_store %arg17[%swap3A_757, %swap3A_758], %swap3A_761 {strides = array<i32>} : memref<80x64xf32, #tpu.memory_space<vmem>>, vector<1x16xf32>,
        %swap3A_762 = arith.index_cast %add3A_738 : i32 to index
        %swap3A_763 = arith.constant 16 : index
        %swap3A_764 = tpu.vector_load %arg16[%swap3A_762, %swap3A_763] {strides = array<i32>} : memref<80x64xf32, #tpu.memory_space<vmem>>, vector<1x16xf32>,
        %swap3A_765 = vector.shape_cast %swap3A_764 : vector<1x16xf32> to vector<16xf32>
        %swap3A_766 = vector.shape_cast %while3A_751#1 : vector<16xf32> to vector<1x16xf32>
        tpu.vector_store %arg16[%swap3A_762, %swap3A_763], %swap3A_766 {strides = array<i32>} : memref<80x64xf32, #tpu.memory_space<vmem>>, vector<1x16xf32>,
        %swap3A_767 = arith.index_cast %add3A_738 : i32 to index
        %swap3A_768 = arith.constant 16 : index
        %swap3A_769 = tpu.vector_load %arg17[%swap3A_767, %swap3A_768] {strides = array<i32>} : memref<80x64xf32, #tpu.memory_space<vmem>>, vector<1x16xf32>,
        %swap3A_770 = vector.shape_cast %swap3A_769 : vector<1x16xf32> to vector<16xf32>
        %swap3A_771 = vector.shape_cast %while3A_751#5 : vector<16xf32> to vector<1x16xf32>
        tpu.vector_store %arg17[%swap3A_767, %swap3A_768], %swap3A_771 {strides = array<i32>} : memref<80x64xf32, #tpu.memory_space<vmem>>, vector<1x16xf32>,
        %swap3A_772 = arith.index_cast %add3A_738 : i32 to index
        %swap3A_773 = arith.constant 32 : index
        %swap3A_774 = tpu.vector_load %arg16[%swap3A_772, %swap3A_773] {strides = array<i32>} : memref<80x64xf32, #tpu.memory_space<vmem>>, vector<1x16xf32>,
        %swap3A_775 = vector.shape_cast %swap3A_774 : vector<1x16xf32> to vector<16xf32>
        %swap3A_776 = vector.shape_cast %while3A_751#2 : vector<16xf32> to vector<1x16xf32>
        tpu.vector_store %arg16[%swap3A_772, %swap3A_773], %swap3A_776 {strides = array<i32>} : memref<80x64xf32, #tpu.memory_space<vmem>>, vector<1x16xf32>,
        %swap3A_777 = arith.index_cast %add3A_738 : i32 to index
        %swap3A_778 = arith.constant 32 : index
        %swap3A_779 = tpu.vector_load %arg17[%swap3A_777, %swap3A_778] {strides = array<i32>} : memref<80x64xf32, #tpu.memory_space<vmem>>, vector<1x16xf32>,
        %swap3A_780 = vector.shape_cast %swap3A_779 : vector<1x16xf32> to vector<16xf32>
        %swap3A_781 = vector.shape_cast %while3A_751#6 : vector<16xf32> to vector<1x16xf32>
        tpu.vector_store %arg17[%swap3A_777, %swap3A_778], %swap3A_781 {strides = array<i32>} : memref<80x64xf32, #tpu.memory_space<vmem>>, vector<1x16xf32>,
        %swap3A_782 = arith.index_cast %add3A_738 : i32 to index
        %swap3A_783 = arith.constant 48 : index
        %swap3A_784 = tpu.vector_load %arg16[%swap3A_782, %swap3A_783] {strides = array<i32>} : memref<80x64xf32, #tpu.memory_space<vmem>>, vector<1x16xf32>,
        %swap3A_785 = vector.shape_cast %swap3A_784 : vector<1x16xf32> to vector<16xf32>
        %swap3A_786 = vector.shape_cast %while3A_751#3 : vector<16xf32> to vector<1x16xf32>
        tpu.vector_store %arg16[%swap3A_782, %swap3A_783], %swap3A_786 {strides = array<i32>} : memref<80x64xf32, #tpu.memory_space<vmem>>, vector<1x16xf32>,
        %swap3A_787 = arith.index_cast %add3A_738 : i32 to index
        %swap3A_788 = arith.constant 48 : index
        %swap3A_789 = tpu.vector_load %arg17[%swap3A_787, %swap3A_788] {strides = array<i32>} : memref<80x64xf32, #tpu.memory_space<vmem>>, vector<1x16xf32>,
        %swap3A_790 = vector.shape_cast %swap3A_789 : vector<1x16xf32> to vector<16xf32>
        %swap3A_791 = vector.shape_cast %while3A_751#7 : vector<16xf32> to vector<1x16xf32>
        tpu.vector_store %arg17[%swap3A_787, %swap3A_788], %swap3A_791 {strides = array<i32>} : memref<80x64xf32, #tpu.memory_space<vmem>>, vector<1x16xf32>,
        %slice3A_792 = vector.extract_strided_slice %get3A_404 {offsets = [6], sizes = [1], strides = [1]} : vector<16xi32> to vector<1xi32>
        %squeeze3A_793 = vector.extract %slice3A_792[0] : i32 from vector<1xi32>
        %sub3A_794 = arith.subi %squeeze3A_793, %multiple_of3A_236 : i32
        %slice3A_795 = vector.extract_strided_slice %get3A_404 {offsets = [7], sizes = [1], strides = [1]} : vector<16xi32> to vector<1xi32>
        %squeeze3A_796 = vector.extract %slice3A_795[0] : i32 from vector<1xi32>
        %slice3A_797 = vector.extract_strided_slice %get3A_404 {offsets = [6], sizes = [1], strides = [1]} : vector<16xi32> to vector<1xi32>
        %squeeze3A_798 = vector.extract %slice3A_797[0] : i32 from vector<1xi32>
        %sub3A_799 = arith.subi %squeeze3A_796, %squeeze3A_798 : i32
        %mul3A_800 = arith.constant 8 : i32
        %mul3A_801 = arith.muli %scan3A_399, %mul3A_800 : i32
        %add3A_802 = arith.constant 6 : i32
        %add3A_803 = arith.addi %mul3A_801, %add3A_802 : i32
        %broadcast_in_dim3A_804 = arith.constant 0.000000e+00 : f32
        %broadcast_in_dim3A_805 = vector.broadcast %broadcast_in_dim3A_804 : f32 to vector<16xf32>
        %while3A_806 = arith.constant 0 : i32
        %while3A_807 = arith.subi %sub3A_799, %while3A_806 : i32
        %while3A_808 = arith.addi %while3A_806, %while3A_807 : i32
        %while3A_809 = arith.constant 1 : i32
        %while3A_810 = arith.divsi %while3A_807, %while3A_809 : i32
        %while3A_811 = arith.muli %while3A_810, %while3A_809 : i32
        %while3A_812 = arith.addi %while3A_806, %while3A_811 : i32
        %while3A_813 = arith.constant 1 : i32
        %while3A_814:8 = scf.for %while3A_922 = %while3A_806 to %while3A_812 step %while3A_813 iter_args(%while3A_923 = %broadcast_in_dim3A_805, %while3A_924 = %broadcast_in_dim3A_805, %while3A_925 = %broadcast_in_dim3A_805, %while3A_926 = %broadcast_in_dim3A_805, %while3A_927 = %broadcast_in_dim3A_805, %while3A_928 = %broadcast_in_dim3A_805, %while3A_929 = %broadcast_in_dim3A_805, %while3A_930 = %broadcast_in_dim3A_805) -> (vector<16xf32>, vector<16xf32>, vector<16xf32>, vector<16xf32>, vector<16xf32>, vector<16xf32>, vector<16xf32>, vector<16xf32>)  : i32 {
          %add3A_931 = arith.addi %sub3A_794, %while3A_922 : i32
          %get3A_932 = arith.index_cast %add3A_931 : i32 to index
          %get3A_933 = arith.constant 0 : index
          %get3A_934 = tpu.vector_load %arg14[%get3A_932, %get3A_933] {strides = array<i32>} : memref<648x64xf32, #tpu.memory_space<vmem>>, vector<1x16xf32>,
          %get3A_935 = vector.shape_cast %get3A_934 : vector<1x16xf32> to vector<16xf32>
          %add3A_936 = arith.addf %while3A_923, %get3A_935 : vector<16xf32>
          %add3A_937 = arith.addi %sub3A_794, %while3A_922 : i32
          %get3A_938 = arith.index_cast %add3A_937 : i32 to index
          %get3A_939 = arith.constant 16 : index
          %get3A_940 = tpu.vector_load %arg14[%get3A_938, %get3A_939] {strides = array<i32>} : memref<648x64xf32, #tpu.memory_space<vmem>>, vector<1x16xf32>,
          %get3A_941 = vector.shape_cast %get3A_940 : vector<1x16xf32> to vector<16xf32>
          %add3A_942 = arith.addf %while3A_924, %get3A_941 : vector<16xf32>
          %add3A_943 = arith.addi %sub3A_794, %while3A_922 : i32
          %get3A_944 = arith.index_cast %add3A_943 : i32 to index
          %get3A_945 = arith.constant 32 : index
          %get3A_946 = tpu.vector_load %arg14[%get3A_944, %get3A_945] {strides = array<i32>} : memref<648x64xf32, #tpu.memory_space<vmem>>, vector<1x16xf32>,
          %get3A_947 = vector.shape_cast %get3A_946 : vector<1x16xf32> to vector<16xf32>
          %add3A_948 = arith.addf %while3A_925, %get3A_947 : vector<16xf32>
          %add3A_949 = arith.addi %sub3A_794, %while3A_922 : i32
          %get3A_950 = arith.index_cast %add3A_949 : i32 to index
          %get3A_951 = arith.constant 48 : index
          %get3A_952 = tpu.vector_load %arg14[%get3A_950, %get3A_951] {strides = array<i32>} : memref<648x64xf32, #tpu.memory_space<vmem>>, vector<1x16xf32>,
          %get3A_953 = vector.shape_cast %get3A_952 : vector<1x16xf32> to vector<16xf32>
          %add3A_954 = arith.addf %while3A_926, %get3A_953 : vector<16xf32>
          %add3A_955 = arith.addi %sub3A_794, %while3A_922 : i32
          %get3A_956 = arith.index_cast %add3A_955 : i32 to index
          %get3A_957 = arith.constant 0 : index
          %get3A_958 = tpu.vector_load %arg15[%get3A_956, %get3A_957] {strides = array<i32>} : memref<608x64xf32, #tpu.memory_space<vmem>>, vector<1x16xf32>,
          %get3A_959 = vector.shape_cast %get3A_958 : vector<1x16xf32> to vector<16xf32>
          %add3A_960 = arith.addf %while3A_927, %get3A_959 : vector<16xf32>
          %add3A_961 = arith.addi %sub3A_794, %while3A_922 : i32
          %get3A_962 = arith.index_cast %add3A_961 : i32 to index
          %get3A_963 = arith.constant 16 : index
          %get3A_964 = tpu.vector_load %arg15[%get3A_962, %get3A_963] {strides = array<i32>} : memref<608x64xf32, #tpu.memory_space<vmem>>, vector<1x16xf32>,
          %get3A_965 = vector.shape_cast %get3A_964 : vector<1x16xf32> to vector<16xf32>
          %add3A_966 = arith.addf %while3A_928, %get3A_965 : vector<16xf32>
          %add3A_967 = arith.addi %sub3A_794, %while3A_922 : i32
          %get3A_968 = arith.index_cast %add3A_967 : i32 to index
          %get3A_969 = arith.constant 32 : index
          %get3A_970 = tpu.vector_load %arg15[%get3A_968, %get3A_969] {strides = array<i32>} : memref<608x64xf32, #tpu.memory_space<vmem>>, vector<1x16xf32>,
          %get3A_971 = vector.shape_cast %get3A_970 : vector<1x16xf32> to vector<16xf32>
          %add3A_972 = arith.addf %while3A_929, %get3A_971 : vector<16xf32>
          %add3A_973 = arith.addi %sub3A_794, %while3A_922 : i32
          %get3A_974 = arith.index_cast %add3A_973 : i32 to index
          %get3A_975 = arith.constant 48 : index
          %get3A_976 = tpu.vector_load %arg15[%get3A_974, %get3A_975] {strides = array<i32>} : memref<608x64xf32, #tpu.memory_space<vmem>>, vector<1x16xf32>,
          %get3A_977 = vector.shape_cast %get3A_976 : vector<1x16xf32> to vector<16xf32>
          %add3A_978 = arith.addf %while3A_930, %get3A_977 : vector<16xf32>
          scf.yield %add3A_936, %add3A_942, %add3A_948, %add3A_954, %add3A_960, %add3A_966, %add3A_972, %add3A_978 : vector<16xf32>, vector<16xf32>, vector<16xf32>, vector<16xf32>, vector<16xf32>, vector<16xf32>, vector<16xf32>, vector<16xf32>
        }
        %while3A_815 = arith.constant 1 : i32
        %while3A_816:8 = scf.for %while3A_922 = %while3A_812 to %while3A_808 step %while3A_815 iter_args(%while3A_923 = %while3A_814#0, %while3A_924 = %while3A_814#1, %while3A_925 = %while3A_814#2, %while3A_926 = %while3A_814#3, %while3A_927 = %while3A_814#4, %while3A_928 = %while3A_814#5, %while3A_929 = %while3A_814#6, %while3A_930 = %while3A_814#7) -> (vector<16xf32>, vector<16xf32>, vector<16xf32>, vector<16xf32>, vector<16xf32>, vector<16xf32>, vector<16xf32>, vector<16xf32>)  : i32 {
          %add3A_931 = arith.addi %sub3A_794, %while3A_922 : i32
          %get3A_932 = arith.index_cast %add3A_931 : i32 to index
          %get3A_933 = arith.constant 0 : index
          %get3A_934 = tpu.vector_load %arg14[%get3A_932, %get3A_933] {strides = array<i32>} : memref<648x64xf32, #tpu.memory_space<vmem>>, vector<1x16xf32>,
          %get3A_935 = vector.shape_cast %get3A_934 : vector<1x16xf32> to vector<16xf32>
          %add3A_936 = arith.addf %while3A_923, %get3A_935 : vector<16xf32>
          %add3A_937 = arith.addi %sub3A_794, %while3A_922 : i32
          %get3A_938 = arith.index_cast %add3A_937 : i32 to index
          %get3A_939 = arith.constant 16 : index
          %get3A_940 = tpu.vector_load %arg14[%get3A_938, %get3A_939] {strides = array<i32>} : memref<648x64xf32, #tpu.memory_space<vmem>>, vector<1x16xf32>,
          %get3A_941 = vector.shape_cast %get3A_940 : vector<1x16xf32> to vector<16xf32>
          %add3A_942 = arith.addf %while3A_924, %get3A_941 : vector<16xf32>
          %add3A_943 = arith.addi %sub3A_794, %while3A_922 : i32
          %get3A_944 = arith.index_cast %add3A_943 : i32 to index
          %get3A_945 = arith.constant 32 : index
          %get3A_946 = tpu.vector_load %arg14[%get3A_944, %get3A_945] {strides = array<i32>} : memref<648x64xf32, #tpu.memory_space<vmem>>, vector<1x16xf32>,
          %get3A_947 = vector.shape_cast %get3A_946 : vector<1x16xf32> to vector<16xf32>
          %add3A_948 = arith.addf %while3A_925, %get3A_947 : vector<16xf32>
          %add3A_949 = arith.addi %sub3A_794, %while3A_922 : i32
          %get3A_950 = arith.index_cast %add3A_949 : i32 to index
          %get3A_951 = arith.constant 48 : index
          %get3A_952 = tpu.vector_load %arg14[%get3A_950, %get3A_951] {strides = array<i32>} : memref<648x64xf32, #tpu.memory_space<vmem>>, vector<1x16xf32>,
          %get3A_953 = vector.shape_cast %get3A_952 : vector<1x16xf32> to vector<16xf32>
          %add3A_954 = arith.addf %while3A_926, %get3A_953 : vector<16xf32>
          %add3A_955 = arith.addi %sub3A_794, %while3A_922 : i32
          %get3A_956 = arith.index_cast %add3A_955 : i32 to index
          %get3A_957 = arith.constant 0 : index
          %get3A_958 = tpu.vector_load %arg15[%get3A_956, %get3A_957] {strides = array<i32>} : memref<608x64xf32, #tpu.memory_space<vmem>>, vector<1x16xf32>,
          %get3A_959 = vector.shape_cast %get3A_958 : vector<1x16xf32> to vector<16xf32>
          %add3A_960 = arith.addf %while3A_927, %get3A_959 : vector<16xf32>
          %add3A_961 = arith.addi %sub3A_794, %while3A_922 : i32
          %get3A_962 = arith.index_cast %add3A_961 : i32 to index
          %get3A_963 = arith.constant 16 : index
          %get3A_964 = tpu.vector_load %arg15[%get3A_962, %get3A_963] {strides = array<i32>} : memref<608x64xf32, #tpu.memory_space<vmem>>, vector<1x16xf32>,
          %get3A_965 = vector.shape_cast %get3A_964 : vector<1x16xf32> to vector<16xf32>
          %add3A_966 = arith.addf %while3A_928, %get3A_965 : vector<16xf32>
          %add3A_967 = arith.addi %sub3A_794, %while3A_922 : i32
          %get3A_968 = arith.index_cast %add3A_967 : i32 to index
          %get3A_969 = arith.constant 32 : index
          %get3A_970 = tpu.vector_load %arg15[%get3A_968, %get3A_969] {strides = array<i32>} : memref<608x64xf32, #tpu.memory_space<vmem>>, vector<1x16xf32>,
          %get3A_971 = vector.shape_cast %get3A_970 : vector<1x16xf32> to vector<16xf32>
          %add3A_972 = arith.addf %while3A_929, %get3A_971 : vector<16xf32>
          %add3A_973 = arith.addi %sub3A_794, %while3A_922 : i32
          %get3A_974 = arith.index_cast %add3A_973 : i32 to index
          %get3A_975 = arith.constant 48 : index
          %get3A_976 = tpu.vector_load %arg15[%get3A_974, %get3A_975] {strides = array<i32>} : memref<608x64xf32, #tpu.memory_space<vmem>>, vector<1x16xf32>,
          %get3A_977 = vector.shape_cast %get3A_976 : vector<1x16xf32> to vector<16xf32>
          %add3A_978 = arith.addf %while3A_930, %get3A_977 : vector<16xf32>
          scf.yield %add3A_936, %add3A_942, %add3A_948, %add3A_954, %add3A_960, %add3A_966, %add3A_972, %add3A_978 : vector<16xf32>, vector<16xf32>, vector<16xf32>, vector<16xf32>, vector<16xf32>, vector<16xf32>, vector<16xf32>, vector<16xf32>
        }
        %swap3A_817 = arith.index_cast %add3A_803 : i32 to index
        %swap3A_818 = arith.constant 0 : index
        %swap3A_819 = tpu.vector_load %arg16[%swap3A_817, %swap3A_818] {strides = array<i32>} : memref<80x64xf32, #tpu.memory_space<vmem>>, vector<1x16xf32>,
        %swap3A_820 = vector.shape_cast %swap3A_819 : vector<1x16xf32> to vector<16xf32>
        %swap3A_821 = vector.shape_cast %while3A_816#0 : vector<16xf32> to vector<1x16xf32>
        tpu.vector_store %arg16[%swap3A_817, %swap3A_818], %swap3A_821 {strides = array<i32>} : memref<80x64xf32, #tpu.memory_space<vmem>>, vector<1x16xf32>,
        %swap3A_822 = arith.index_cast %add3A_803 : i32 to index
        %swap3A_823 = arith.constant 0 : index
        %swap3A_824 = tpu.vector_load %arg17[%swap3A_822, %swap3A_823] {strides = array<i32>} : memref<80x64xf32, #tpu.memory_space<vmem>>, vector<1x16xf32>,
        %swap3A_825 = vector.shape_cast %swap3A_824 : vector<1x16xf32> to vector<16xf32>
        %swap3A_826 = vector.shape_cast %while3A_816#4 : vector<16xf32> to vector<1x16xf32>
        tpu.vector_store %arg17[%swap3A_822, %swap3A_823], %swap3A_826 {strides = array<i32>} : memref<80x64xf32, #tpu.memory_space<vmem>>, vector<1x16xf32>,
        %swap3A_827 = arith.index_cast %add3A_803 : i32 to index
        %swap3A_828 = arith.constant 16 : index
        %swap3A_829 = tpu.vector_load %arg16[%swap3A_827, %swap3A_828] {strides = array<i32>} : memref<80x64xf32, #tpu.memory_space<vmem>>, vector<1x16xf32>,
        %swap3A_830 = vector.shape_cast %swap3A_829 : vector<1x16xf32> to vector<16xf32>
        %swap3A_831 = vector.shape_cast %while3A_816#1 : vector<16xf32> to vector<1x16xf32>
        tpu.vector_store %arg16[%swap3A_827, %swap3A_828], %swap3A_831 {strides = array<i32>} : memref<80x64xf32, #tpu.memory_space<vmem>>, vector<1x16xf32>,
        %swap3A_832 = arith.index_cast %add3A_803 : i32 to index
        %swap3A_833 = arith.constant 16 : index
        %swap3A_834 = tpu.vector_load %arg17[%swap3A_832, %swap3A_833] {strides = array<i32>} : memref<80x64xf32, #tpu.memory_space<vmem>>, vector<1x16xf32>,
        %swap3A_835 = vector.shape_cast %swap3A_834 : vector<1x16xf32> to vector<16xf32>
        %swap3A_836 = vector.shape_cast %while3A_816#5 : vector<16xf32> to vector<1x16xf32>
        tpu.vector_store %arg17[%swap3A_832, %swap3A_833], %swap3A_836 {strides = array<i32>} : memref<80x64xf32, #tpu.memory_space<vmem>>, vector<1x16xf32>,
        %swap3A_837 = arith.index_cast %add3A_803 : i32 to index
        %swap3A_838 = arith.constant 32 : index
        %swap3A_839 = tpu.vector_load %arg16[%swap3A_837, %swap3A_838] {strides = array<i32>} : memref<80x64xf32, #tpu.memory_space<vmem>>, vector<1x16xf32>,
        %swap3A_840 = vector.shape_cast %swap3A_839 : vector<1x16xf32> to vector<16xf32>
        %swap3A_841 = vector.shape_cast %while3A_816#2 : vector<16xf32> to vector<1x16xf32>
        tpu.vector_store %arg16[%swap3A_837, %swap3A_838], %swap3A_841 {strides = array<i32>} : memref<80x64xf32, #tpu.memory_space<vmem>>, vector<1x16xf32>,
        %swap3A_842 = arith.index_cast %add3A_803 : i32 to index
        %swap3A_843 = arith.constant 32 : index
        %swap3A_844 = tpu.vector_load %arg17[%swap3A_842, %swap3A_843] {strides = array<i32>} : memref<80x64xf32, #tpu.memory_space<vmem>>, vector<1x16xf32>,
        %swap3A_845 = vector.shape_cast %swap3A_844 : vector<1x16xf32> to vector<16xf32>
        %swap3A_846 = vector.shape_cast %while3A_816#6 : vector<16xf32> to vector<1x16xf32>
        tpu.vector_store %arg17[%swap3A_842, %swap3A_843], %swap3A_846 {strides = array<i32>} : memref<80x64xf32, #tpu.memory_space<vmem>>, vector<1x16xf32>,
        %swap3A_847 = arith.index_cast %add3A_803 : i32 to index
        %swap3A_848 = arith.constant 48 : index
        %swap3A_849 = tpu.vector_load %arg16[%swap3A_847, %swap3A_848] {strides = array<i32>} : memref<80x64xf32, #tpu.memory_space<vmem>>, vector<1x16xf32>,
        %swap3A_850 = vector.shape_cast %swap3A_849 : vector<1x16xf32> to vector<16xf32>
        %swap3A_851 = vector.shape_cast %while3A_816#3 : vector<16xf32> to vector<1x16xf32>
        tpu.vector_store %arg16[%swap3A_847, %swap3A_848], %swap3A_851 {strides = array<i32>} : memref<80x64xf32, #tpu.memory_space<vmem>>, vector<1x16xf32>,
        %swap3A_852 = arith.index_cast %add3A_803 : i32 to index
        %swap3A_853 = arith.constant 48 : index
        %swap3A_854 = tpu.vector_load %arg17[%swap3A_852, %swap3A_853] {strides = array<i32>} : memref<80x64xf32, #tpu.memory_space<vmem>>, vector<1x16xf32>,
        %swap3A_855 = vector.shape_cast %swap3A_854 : vector<1x16xf32> to vector<16xf32>
        %swap3A_856 = vector.shape_cast %while3A_816#7 : vector<16xf32> to vector<1x16xf32>
        tpu.vector_store %arg17[%swap3A_852, %swap3A_853], %swap3A_856 {strides = array<i32>} : memref<80x64xf32, #tpu.memory_space<vmem>>, vector<1x16xf32>,
        %slice3A_857 = vector.extract_strided_slice %get3A_404 {offsets = [7], sizes = [1], strides = [1]} : vector<16xi32> to vector<1xi32>
        %squeeze3A_858 = vector.extract %slice3A_857[0] : i32 from vector<1xi32>
        %sub3A_859 = arith.subi %squeeze3A_858, %multiple_of3A_236 : i32
        %slice3A_860 = vector.extract_strided_slice %get3A_404 {offsets = [8], sizes = [1], strides = [1]} : vector<16xi32> to vector<1xi32>
        %squeeze3A_861 = vector.extract %slice3A_860[0] : i32 from vector<1xi32>
        %slice3A_862 = vector.extract_strided_slice %get3A_404 {offsets = [7], sizes = [1], strides = [1]} : vector<16xi32> to vector<1xi32>
        %squeeze3A_863 = vector.extract %slice3A_862[0] : i32 from vector<1xi32>
        %sub3A_864 = arith.subi %squeeze3A_861, %squeeze3A_863 : i32
        %mul3A_865 = arith.constant 8 : i32
        %mul3A_866 = arith.muli %scan3A_399, %mul3A_865 : i32
        %add3A_867 = arith.constant 7 : i32
        %add3A_868 = arith.addi %mul3A_866, %add3A_867 : i32
        %broadcast_in_dim3A_869 = arith.constant 0.000000e+00 : f32
        %broadcast_in_dim3A_870 = vector.broadcast %broadcast_in_dim3A_869 : f32 to vector<16xf32>
        %while3A_871 = arith.constant 0 : i32
        %while3A_872 = arith.subi %sub3A_864, %while3A_871 : i32
        %while3A_873 = arith.addi %while3A_871, %while3A_872 : i32
        %while3A_874 = arith.constant 1 : i32
        %while3A_875 = arith.divsi %while3A_872, %while3A_874 : i32
        %while3A_876 = arith.muli %while3A_875, %while3A_874 : i32
        %while3A_877 = arith.addi %while3A_871, %while3A_876 : i32
        %while3A_878 = arith.constant 1 : i32
        %while3A_879:8 = scf.for %while3A_922 = %while3A_871 to %while3A_877 step %while3A_878 iter_args(%while3A_923 = %broadcast_in_dim3A_870, %while3A_924 = %broadcast_in_dim3A_870, %while3A_925 = %broadcast_in_dim3A_870, %while3A_926 = %broadcast_in_dim3A_870, %while3A_927 = %broadcast_in_dim3A_870, %while3A_928 = %broadcast_in_dim3A_870, %while3A_929 = %broadcast_in_dim3A_870, %while3A_930 = %broadcast_in_dim3A_870) -> (vector<16xf32>, vector<16xf32>, vector<16xf32>, vector<16xf32>, vector<16xf32>, vector<16xf32>, vector<16xf32>, vector<16xf32>)  : i32 {
          %add3A_931 = arith.addi %sub3A_859, %while3A_922 : i32
          %get3A_932 = arith.index_cast %add3A_931 : i32 to index
          %get3A_933 = arith.constant 0 : index
          %get3A_934 = tpu.vector_load %arg14[%get3A_932, %get3A_933] {strides = array<i32>} : memref<648x64xf32, #tpu.memory_space<vmem>>, vector<1x16xf32>,
          %get3A_935 = vector.shape_cast %get3A_934 : vector<1x16xf32> to vector<16xf32>
          %add3A_936 = arith.addf %while3A_923, %get3A_935 : vector<16xf32>
          %add3A_937 = arith.addi %sub3A_859, %while3A_922 : i32
          %get3A_938 = arith.index_cast %add3A_937 : i32 to index
          %get3A_939 = arith.constant 16 : index
          %get3A_940 = tpu.vector_load %arg14[%get3A_938, %get3A_939] {strides = array<i32>} : memref<648x64xf32, #tpu.memory_space<vmem>>, vector<1x16xf32>,
          %get3A_941 = vector.shape_cast %get3A_940 : vector<1x16xf32> to vector<16xf32>
          %add3A_942 = arith.addf %while3A_924, %get3A_941 : vector<16xf32>
          %add3A_943 = arith.addi %sub3A_859, %while3A_922 : i32
          %get3A_944 = arith.index_cast %add3A_943 : i32 to index
          %get3A_945 = arith.constant 32 : index
          %get3A_946 = tpu.vector_load %arg14[%get3A_944, %get3A_945] {strides = array<i32>} : memref<648x64xf32, #tpu.memory_space<vmem>>, vector<1x16xf32>,
          %get3A_947 = vector.shape_cast %get3A_946 : vector<1x16xf32> to vector<16xf32>
          %add3A_948 = arith.addf %while3A_925, %get3A_947 : vector<16xf32>
          %add3A_949 = arith.addi %sub3A_859, %while3A_922 : i32
          %get3A_950 = arith.index_cast %add3A_949 : i32 to index
          %get3A_951 = arith.constant 48 : index
          %get3A_952 = tpu.vector_load %arg14[%get3A_950, %get3A_951] {strides = array<i32>} : memref<648x64xf32, #tpu.memory_space<vmem>>, vector<1x16xf32>,
          %get3A_953 = vector.shape_cast %get3A_952 : vector<1x16xf32> to vector<16xf32>
          %add3A_954 = arith.addf %while3A_926, %get3A_953 : vector<16xf32>
          %add3A_955 = arith.addi %sub3A_859, %while3A_922 : i32
          %get3A_956 = arith.index_cast %add3A_955 : i32 to index
          %get3A_957 = arith.constant 0 : index
          %get3A_958 = tpu.vector_load %arg15[%get3A_956, %get3A_957] {strides = array<i32>} : memref<608x64xf32, #tpu.memory_space<vmem>>, vector<1x16xf32>,
          %get3A_959 = vector.shape_cast %get3A_958 : vector<1x16xf32> to vector<16xf32>
          %add3A_960 = arith.addf %while3A_927, %get3A_959 : vector<16xf32>
          %add3A_961 = arith.addi %sub3A_859, %while3A_922 : i32
          %get3A_962 = arith.index_cast %add3A_961 : i32 to index
          %get3A_963 = arith.constant 16 : index
          %get3A_964 = tpu.vector_load %arg15[%get3A_962, %get3A_963] {strides = array<i32>} : memref<608x64xf32, #tpu.memory_space<vmem>>, vector<1x16xf32>,
          %get3A_965 = vector.shape_cast %get3A_964 : vector<1x16xf32> to vector<16xf32>
          %add3A_966 = arith.addf %while3A_928, %get3A_965 : vector<16xf32>
          %add3A_967 = arith.addi %sub3A_859, %while3A_922 : i32
          %get3A_968 = arith.index_cast %add3A_967 : i32 to index
          %get3A_969 = arith.constant 32 : index
          %get3A_970 = tpu.vector_load %arg15[%get3A_968, %get3A_969] {strides = array<i32>} : memref<608x64xf32, #tpu.memory_space<vmem>>, vector<1x16xf32>,
          %get3A_971 = vector.shape_cast %get3A_970 : vector<1x16xf32> to vector<16xf32>
          %add3A_972 = arith.addf %while3A_929, %get3A_971 : vector<16xf32>
          %add3A_973 = arith.addi %sub3A_859, %while3A_922 : i32
          %get3A_974 = arith.index_cast %add3A_973 : i32 to index
          %get3A_975 = arith.constant 48 : index
          %get3A_976 = tpu.vector_load %arg15[%get3A_974, %get3A_975] {strides = array<i32>} : memref<608x64xf32, #tpu.memory_space<vmem>>, vector<1x16xf32>,
          %get3A_977 = vector.shape_cast %get3A_976 : vector<1x16xf32> to vector<16xf32>
          %add3A_978 = arith.addf %while3A_930, %get3A_977 : vector<16xf32>
          scf.yield %add3A_936, %add3A_942, %add3A_948, %add3A_954, %add3A_960, %add3A_966, %add3A_972, %add3A_978 : vector<16xf32>, vector<16xf32>, vector<16xf32>, vector<16xf32>, vector<16xf32>, vector<16xf32>, vector<16xf32>, vector<16xf32>
        }
        %while3A_880 = arith.constant 1 : i32
        %while3A_881:8 = scf.for %while3A_922 = %while3A_877 to %while3A_873 step %while3A_880 iter_args(%while3A_923 = %while3A_879#0, %while3A_924 = %while3A_879#1, %while3A_925 = %while3A_879#2, %while3A_926 = %while3A_879#3, %while3A_927 = %while3A_879#4, %while3A_928 = %while3A_879#5, %while3A_929 = %while3A_879#6, %while3A_930 = %while3A_879#7) -> (vector<16xf32>, vector<16xf32>, vector<16xf32>, vector<16xf32>, vector<16xf32>, vector<16xf32>, vector<16xf32>, vector<16xf32>)  : i32 {
          %add3A_931 = arith.addi %sub3A_859, %while3A_922 : i32
          %get3A_932 = arith.index_cast %add3A_931 : i32 to index
          %get3A_933 = arith.constant 0 : index
          %get3A_934 = tpu.vector_load %arg14[%get3A_932, %get3A_933] {strides = array<i32>} : memref<648x64xf32, #tpu.memory_space<vmem>>, vector<1x16xf32>,
          %get3A_935 = vector.shape_cast %get3A_934 : vector<1x16xf32> to vector<16xf32>
          %add3A_936 = arith.addf %while3A_923, %get3A_935 : vector<16xf32>
          %add3A_937 = arith.addi %sub3A_859, %while3A_922 : i32
          %get3A_938 = arith.index_cast %add3A_937 : i32 to index
          %get3A_939 = arith.constant 16 : index
          %get3A_940 = tpu.vector_load %arg14[%get3A_938, %get3A_939] {strides = array<i32>} : memref<648x64xf32, #tpu.memory_space<vmem>>, vector<1x16xf32>,
          %get3A_941 = vector.shape_cast %get3A_940 : vector<1x16xf32> to vector<16xf32>
          %add3A_942 = arith.addf %while3A_924, %get3A_941 : vector<16xf32>
          %add3A_943 = arith.addi %sub3A_859, %while3A_922 : i32
          %get3A_944 = arith.index_cast %add3A_943 : i32 to index
          %get3A_945 = arith.constant 32 : index
          %get3A_946 = tpu.vector_load %arg14[%get3A_944, %get3A_945] {strides = array<i32>} : memref<648x64xf32, #tpu.memory_space<vmem>>, vector<1x16xf32>,
          %get3A_947 = vector.shape_cast %get3A_946 : vector<1x16xf32> to vector<16xf32>
          %add3A_948 = arith.addf %while3A_925, %get3A_947 : vector<16xf32>
          %add3A_949 = arith.addi %sub3A_859, %while3A_922 : i32
          %get3A_950 = arith.index_cast %add3A_949 : i32 to index
          %get3A_951 = arith.constant 48 : index
          %get3A_952 = tpu.vector_load %arg14[%get3A_950, %get3A_951] {strides = array<i32>} : memref<648x64xf32, #tpu.memory_space<vmem>>, vector<1x16xf32>,
          %get3A_953 = vector.shape_cast %get3A_952 : vector<1x16xf32> to vector<16xf32>
          %add3A_954 = arith.addf %while3A_926, %get3A_953 : vector<16xf32>
          %add3A_955 = arith.addi %sub3A_859, %while3A_922 : i32
          %get3A_956 = arith.index_cast %add3A_955 : i32 to index
          %get3A_957 = arith.constant 0 : index
          %get3A_958 = tpu.vector_load %arg15[%get3A_956, %get3A_957] {strides = array<i32>} : memref<608x64xf32, #tpu.memory_space<vmem>>, vector<1x16xf32>,
          %get3A_959 = vector.shape_cast %get3A_958 : vector<1x16xf32> to vector<16xf32>
          %add3A_960 = arith.addf %while3A_927, %get3A_959 : vector<16xf32>
          %add3A_961 = arith.addi %sub3A_859, %while3A_922 : i32
          %get3A_962 = arith.index_cast %add3A_961 : i32 to index
          %get3A_963 = arith.constant 16 : index
          %get3A_964 = tpu.vector_load %arg15[%get3A_962, %get3A_963] {strides = array<i32>} : memref<608x64xf32, #tpu.memory_space<vmem>>, vector<1x16xf32>,
          %get3A_965 = vector.shape_cast %get3A_964 : vector<1x16xf32> to vector<16xf32>
          %add3A_966 = arith.addf %while3A_928, %get3A_965 : vector<16xf32>
          %add3A_967 = arith.addi %sub3A_859, %while3A_922 : i32
          %get3A_968 = arith.index_cast %add3A_967 : i32 to index
          %get3A_969 = arith.constant 32 : index
          %get3A_970 = tpu.vector_load %arg15[%get3A_968, %get3A_969] {strides = array<i32>} : memref<608x64xf32, #tpu.memory_space<vmem>>, vector<1x16xf32>,
          %get3A_971 = vector.shape_cast %get3A_970 : vector<1x16xf32> to vector<16xf32>
          %add3A_972 = arith.addf %while3A_929, %get3A_971 : vector<16xf32>
          %add3A_973 = arith.addi %sub3A_859, %while3A_922 : i32
          %get3A_974 = arith.index_cast %add3A_973 : i32 to index
          %get3A_975 = arith.constant 48 : index
          %get3A_976 = tpu.vector_load %arg15[%get3A_974, %get3A_975] {strides = array<i32>} : memref<608x64xf32, #tpu.memory_space<vmem>>, vector<1x16xf32>,
          %get3A_977 = vector.shape_cast %get3A_976 : vector<1x16xf32> to vector<16xf32>
          %add3A_978 = arith.addf %while3A_930, %get3A_977 : vector<16xf32>
          scf.yield %add3A_936, %add3A_942, %add3A_948, %add3A_954, %add3A_960, %add3A_966, %add3A_972, %add3A_978 : vector<16xf32>, vector<16xf32>, vector<16xf32>, vector<16xf32>, vector<16xf32>, vector<16xf32>, vector<16xf32>, vector<16xf32>
        }
        %swap3A_882 = arith.index_cast %add3A_868 : i32 to index
        %swap3A_883 = arith.constant 0 : index
        %swap3A_884 = tpu.vector_load %arg16[%swap3A_882, %swap3A_883] {strides = array<i32>} : memref<80x64xf32, #tpu.memory_space<vmem>>, vector<1x16xf32>,
        %swap3A_885 = vector.shape_cast %swap3A_884 : vector<1x16xf32> to vector<16xf32>
        %swap3A_886 = vector.shape_cast %while3A_881#0 : vector<16xf32> to vector<1x16xf32>
        tpu.vector_store %arg16[%swap3A_882, %swap3A_883], %swap3A_886 {strides = array<i32>} : memref<80x64xf32, #tpu.memory_space<vmem>>, vector<1x16xf32>,
        %swap3A_887 = arith.index_cast %add3A_868 : i32 to index
        %swap3A_888 = arith.constant 0 : index
        %swap3A_889 = tpu.vector_load %arg17[%swap3A_887, %swap3A_888] {strides = array<i32>} : memref<80x64xf32, #tpu.memory_space<vmem>>, vector<1x16xf32>,
        %swap3A_890 = vector.shape_cast %swap3A_889 : vector<1x16xf32> to vector<16xf32>
        %swap3A_891 = vector.shape_cast %while3A_881#4 : vector<16xf32> to vector<1x16xf32>
        tpu.vector_store %arg17[%swap3A_887, %swap3A_888], %swap3A_891 {strides = array<i32>} : memref<80x64xf32, #tpu.memory_space<vmem>>, vector<1x16xf32>,
        %swap3A_892 = arith.index_cast %add3A_868 : i32 to index
        %swap3A_893 = arith.constant 16 : index
        %swap3A_894 = tpu.vector_load %arg16[%swap3A_892, %swap3A_893] {strides = array<i32>} : memref<80x64xf32, #tpu.memory_space<vmem>>, vector<1x16xf32>,
        %swap3A_895 = vector.shape_cast %swap3A_894 : vector<1x16xf32> to vector<16xf32>
        %swap3A_896 = vector.shape_cast %while3A_881#1 : vector<16xf32> to vector<1x16xf32>
        tpu.vector_store %arg16[%swap3A_892, %swap3A_893], %swap3A_896 {strides = array<i32>} : memref<80x64xf32, #tpu.memory_space<vmem>>, vector<1x16xf32>,
        %swap3A_897 = arith.index_cast %add3A_868 : i32 to index
        %swap3A_898 = arith.constant 16 : index
        %swap3A_899 = tpu.vector_load %arg17[%swap3A_897, %swap3A_898] {strides = array<i32>} : memref<80x64xf32, #tpu.memory_space<vmem>>, vector<1x16xf32>,
        %swap3A_900 = vector.shape_cast %swap3A_899 : vector<1x16xf32> to vector<16xf32>
        %swap3A_901 = vector.shape_cast %while3A_881#5 : vector<16xf32> to vector<1x16xf32>
        tpu.vector_store %arg17[%swap3A_897, %swap3A_898], %swap3A_901 {strides = array<i32>} : memref<80x64xf32, #tpu.memory_space<vmem>>, vector<1x16xf32>,
        %swap3A_902 = arith.index_cast %add3A_868 : i32 to index
        %swap3A_903 = arith.constant 32 : index
        %swap3A_904 = tpu.vector_load %arg16[%swap3A_902, %swap3A_903] {strides = array<i32>} : memref<80x64xf32, #tpu.memory_space<vmem>>, vector<1x16xf32>,
        %swap3A_905 = vector.shape_cast %swap3A_904 : vector<1x16xf32> to vector<16xf32>
        %swap3A_906 = vector.shape_cast %while3A_881#2 : vector<16xf32> to vector<1x16xf32>
        tpu.vector_store %arg16[%swap3A_902, %swap3A_903], %swap3A_906 {strides = array<i32>} : memref<80x64xf32, #tpu.memory_space<vmem>>, vector<1x16xf32>,
        %swap3A_907 = arith.index_cast %add3A_868 : i32 to index
        %swap3A_908 = arith.constant 32 : index
        %swap3A_909 = tpu.vector_load %arg17[%swap3A_907, %swap3A_908] {strides = array<i32>} : memref<80x64xf32, #tpu.memory_space<vmem>>, vector<1x16xf32>,
        %swap3A_910 = vector.shape_cast %swap3A_909 : vector<1x16xf32> to vector<16xf32>
        %swap3A_911 = vector.shape_cast %while3A_881#6 : vector<16xf32> to vector<1x16xf32>
        tpu.vector_store %arg17[%swap3A_907, %swap3A_908], %swap3A_911 {strides = array<i32>} : memref<80x64xf32, #tpu.memory_space<vmem>>, vector<1x16xf32>,
        %swap3A_912 = arith.index_cast %add3A_868 : i32 to index
        %swap3A_913 = arith.constant 48 : index
        %swap3A_914 = tpu.vector_load %arg16[%swap3A_912, %swap3A_913] {strides = array<i32>} : memref<80x64xf32, #tpu.memory_space<vmem>>, vector<1x16xf32>,
        %swap3A_915 = vector.shape_cast %swap3A_914 : vector<1x16xf32> to vector<16xf32>
        %swap3A_916 = vector.shape_cast %while3A_881#3 : vector<16xf32> to vector<1x16xf32>
        tpu.vector_store %arg16[%swap3A_912, %swap3A_913], %swap3A_916 {strides = array<i32>} : memref<80x64xf32, #tpu.memory_space<vmem>>, vector<1x16xf32>,
        %swap3A_917 = arith.index_cast %add3A_868 : i32 to index
        %swap3A_918 = arith.constant 48 : index
        %swap3A_919 = tpu.vector_load %arg17[%swap3A_917, %swap3A_918] {strides = array<i32>} : memref<80x64xf32, #tpu.memory_space<vmem>>, vector<1x16xf32>,
        %swap3A_920 = vector.shape_cast %swap3A_919 : vector<1x16xf32> to vector<16xf32>
        %swap3A_921 = vector.shape_cast %while3A_881#7 : vector<16xf32> to vector<1x16xf32>
        tpu.vector_store %arg17[%swap3A_917, %swap3A_918], %swap3A_921 {strides = array<i32>} : memref<80x64xf32, #tpu.memory_space<vmem>>, vector<1x16xf32>,
      }
      %scan3A_398 = arith.constant 10 : i32
      "tpu.region"() ({
        %run_scoped3A = tpu.sem_alloc : memref<!tpu.dma_semaphore, #tpu.memory_space<semaphore_mem>>
        %dma_start3A = arith.constant 0 : i32
        %dma_start3A_399 = tpu.memref_slice %arg9[%multiple_of3A_204, %dma_start3A] : memref<51200x64xf32, #tpu.memory_space<hbm>> -> memref<80x64xf32, #tpu.memory_space<hbm>>
        %dma_start3A_400 = arith.constant 0 : i32
        %dma_start3A_401 = tpu.memref_slice %arg9[%multiple_of3A_204, %dma_start3A_400] : memref<51200x64xf32, #tpu.memory_space<hbm>> -> memref<80x64xf32, #tpu.memory_space<hbm>>
        tpu.enqueue_dma source(%arg16 : memref<80x64xf32, #tpu.memory_space<vmem>>) target(%dma_start3A_401 : memref<80x64xf32, #tpu.memory_space<hbm>>) target_semaphore(%run_scoped3A : memref<!tpu.dma_semaphore, #tpu.memory_space<semaphore_mem>>)
        %dma_wait3A = arith.constant 0 : i32
        %dma_wait3A_402 = tpu.memref_slice %arg9[%multiple_of3A_204, %dma_wait3A] : memref<51200x64xf32, #tpu.memory_space<hbm>> -> memref<80x64xf32, #tpu.memory_space<hbm>>
        %dma_wait3A_403 = arith.constant 0 : i32
        %dma_wait3A_404 = tpu.memref_slice %arg9[%multiple_of3A_204, %dma_wait3A_403] : memref<51200x64xf32, #tpu.memory_space<hbm>> -> memref<80x64xf32, #tpu.memory_space<hbm>>
        tpu.wait_dma2 semaphore(%run_scoped3A : memref<!tpu.dma_semaphore, #tpu.memory_space<semaphore_mem>>) src(%arg16 : memref<80x64xf32, #tpu.memory_space<vmem>>) dst(%dma_wait3A_404 : memref<80x64xf32, #tpu.memory_space<hbm>>)
        tpu.yield
      }) : () -> ()
      "tpu.region"() ({
        %run_scoped3A = tpu.sem_alloc : memref<!tpu.dma_semaphore, #tpu.memory_space<semaphore_mem>>
        %dma_start3A = arith.constant 0 : i32
        %dma_start3A_399 = tpu.memref_slice %arg10[%multiple_of3A_204, %dma_start3A] : memref<51200x64xf32, #tpu.memory_space<hbm>> -> memref<80x64xf32, #tpu.memory_space<hbm>>
        %dma_start3A_400 = arith.constant 0 : i32
        %dma_start3A_401 = tpu.memref_slice %arg10[%multiple_of3A_204, %dma_start3A_400] : memref<51200x64xf32, #tpu.memory_space<hbm>> -> memref<80x64xf32, #tpu.memory_space<hbm>>
        tpu.enqueue_dma source(%arg17 : memref<80x64xf32, #tpu.memory_space<vmem>>) target(%dma_start3A_401 : memref<80x64xf32, #tpu.memory_space<hbm>>) target_semaphore(%run_scoped3A : memref<!tpu.dma_semaphore, #tpu.memory_space<semaphore_mem>>)
        %dma_wait3A = arith.constant 0 : i32
        %dma_wait3A_402 = tpu.memref_slice %arg10[%multiple_of3A_204, %dma_wait3A] : memref<51200x64xf32, #tpu.memory_space<hbm>> -> memref<80x64xf32, #tpu.memory_space<hbm>>
        %dma_wait3A_403 = arith.constant 0 : i32
        %dma_wait3A_404 = tpu.memref_slice %arg10[%multiple_of3A_204, %dma_wait3A_403] : memref<51200x64xf32, #tpu.memory_space<hbm>> -> memref<80x64xf32, #tpu.memory_space<hbm>>
        tpu.wait_dma2 semaphore(%run_scoped3A : memref<!tpu.dma_semaphore, #tpu.memory_space<semaphore_mem>>) src(%arg17 : memref<80x64xf32, #tpu.memory_space<vmem>>) dst(%dma_wait3A_404 : memref<80x64xf32, #tpu.memory_space<hbm>>)
        tpu.yield
      }) : () -> ()
    }
    %scan3A_7 = arith.constant 20 : i32
    %mul3A_8 = arith.constant 32 : i32
    %mul3A_9 = arith.muli %add3A, %mul3A_8 : i32
    %multiple_of3A = tpu.assume_multiple %mul3A_9, 8 : i32
    "tpu.region"() ({
      %run_scoped3A = tpu.sem_alloc : memref<!tpu.dma_semaphore, #tpu.memory_space<semaphore_mem>>
      %dma_start3A = arith.constant 0 : i32
      %dma_start3A_200 = tpu.memref_slice %arg12[%dma_start3A] : memref<104xi32, #tpu.memory_space<vmem>> -> memref<40xi32, #tpu.memory_space<vmem>>
      %dma_start3A_201 = tpu.memref_slice %arg8[%multiple_of3A] : memref<1033xi32, #tpu.memory_space<hbm>> -> memref<40xi32, #tpu.memory_space<hbm>>
      %dma_start3A_202 = arith.constant 0 : i32
      %dma_start3A_203 = tpu.memref_slice %arg12[%dma_start3A_202] : memref<104xi32, #tpu.memory_space<vmem>> -> memref<40xi32, #tpu.memory_space<vmem>>
      %dma_start3A_204 = tpu.memref_slice %arg8[%multiple_of3A] : memref<1033xi32, #tpu.memory_space<hbm>> -> memref<40xi32, #tpu.memory_space<hbm>>
      tpu.enqueue_dma source(%dma_start3A_204 : memref<40xi32, #tpu.memory_space<hbm>>) target(%dma_start3A_203 : memref<40xi32, #tpu.memory_space<vmem>>) target_semaphore(%run_scoped3A : memref<!tpu.dma_semaphore, #tpu.memory_space<semaphore_mem>>)
      %dma_wait3A = arith.constant 0 : i32
      %dma_wait3A_205 = tpu.memref_slice %arg12[%dma_wait3A] : memref<104xi32, #tpu.memory_space<vmem>> -> memref<40xi32, #tpu.memory_space<vmem>>
      %dma_wait3A_206 = tpu.memref_slice %arg8[%multiple_of3A] : memref<1033xi32, #tpu.memory_space<hbm>> -> memref<40xi32, #tpu.memory_space<hbm>>
      %dma_wait3A_207 = arith.constant 0 : i32
      %dma_wait3A_208 = tpu.memref_slice %arg12[%dma_wait3A_207] : memref<104xi32, #tpu.memory_space<vmem>> -> memref<40xi32, #tpu.memory_space<vmem>>
      %dma_wait3A_209 = tpu.memref_slice %arg8[%multiple_of3A] : memref<1033xi32, #tpu.memory_space<hbm>> -> memref<40xi32, #tpu.memory_space<hbm>>
      tpu.wait_dma2 semaphore(%run_scoped3A : memref<!tpu.dma_semaphore, #tpu.memory_space<semaphore_mem>>) src(%dma_wait3A_209 : memref<40xi32, #tpu.memory_space<hbm>>) dst(%dma_wait3A_208 : memref<40xi32, #tpu.memory_space<vmem>>)
      tpu.yield
    }) : () -> ()
    %get3A = arith.constant 0 : index
    %get3A_10 = tpu.vector_load %arg12[%get3A] {strides = array<i32>} : memref<104xi32, #tpu.memory_space<vmem>>, vector<16xi32>,
    %get3A_11 = vector.shape_cast %get3A_10 : vector<16xi32> to vector<16xi32>
    %slice3A = vector.extract_strided_slice %get3A_11 {offsets = [0], sizes = [1], strides = [1]} : vector<16xi32> to vector<1xi32>
    %squeeze3A = vector.extract %slice3A[0] : i32 from vector<1xi32>
    %jit3A = arith.constant 8 : i32
    %div3A = arith.divsi %squeeze3A, %jit3A : i32
    %sign3A = arith.constant 0 : i32
    %sign3A_12 = arith.cmpi sgt, %squeeze3A, %sign3A : i32
    %sign3A_13 = arith.extui %sign3A_12 : i1 to i32
    %sign3A_14 = arith.constant 0 : i32
    %sign3A_15 = arith.cmpi slt, %squeeze3A, %sign3A_14 : i32
    %sign3A_16 = arith.extui %sign3A_15 : i1 to i32
    %sign3A_17 = arith.subi %sign3A_13, %sign3A_16 : i32
    %sign3A_18 = arith.constant 0 : i32
    %sign3A_19 = arith.cmpi sgt, %jit3A, %sign3A_18 : i32
    %sign3A_20 = arith.extui %sign3A_19 : i1 to i32
    %sign3A_21 = arith.constant 0 : i32
    %sign3A_22 = arith.cmpi slt, %jit3A, %sign3A_21 : i32
    %sign3A_23 = arith.extui %sign3A_22 : i1 to i32
    %sign3A_24 = arith.subi %sign3A_20, %sign3A_23 : i32
    %ne3A = arith.cmpi ne, %sign3A_17, %sign3A_24 : i32
    %rem3A = arith.remsi %squeeze3A, %jit3A : i32
    %ne3A_25 = arith.constant 0 : i32
    %ne3A_26 = arith.cmpi ne, %rem3A, %ne3A_25 : i32
    %and3A = arith.andi %ne3A, %ne3A_26 : i1
    %sub3A = arith.constant 1 : i32
    %sub3A_27 = arith.subi %div3A, %sub3A : i32
    %select_n3A = arith.select %and3A, %sub3A_27, %div3A : i32
    %mul3A_28 = arith.constant 8 : i32
    %mul3A_29 = arith.muli %select_n3A, %mul3A_28 : i32
    %multiple_of3A_30 = tpu.assume_multiple %mul3A_29, 8 : i32
    "tpu.region"() ({
      %run_scoped3A = tpu.sem_alloc : memref<!tpu.dma_semaphore, #tpu.memory_space<semaphore_mem>>
      %dma_start3A = tpu.memref_slice %arg7[%multiple_of3A_30] : memref<21128xi32, #tpu.memory_space<hbm>> -> memref<648xi32, #tpu.memory_space<hbm>>
      %dma_start3A_200 = tpu.memref_slice %arg7[%multiple_of3A_30] : memref<21128xi32, #tpu.memory_space<hbm>> -> memref<648xi32, #tpu.memory_space<hbm>>
      tpu.enqueue_dma source(%dma_start3A_200 : memref<648xi32, #tpu.memory_space<hbm>>) target(%arg13 : memref<648xi32, #tpu.memory_space<vmem>>) target_semaphore(%run_scoped3A : memref<!tpu.dma_semaphore, #tpu.memory_space<semaphore_mem>>)
      %dma_wait3A = tpu.memref_slice %arg7[%multiple_of3A_30] : memref<21128xi32, #tpu.memory_space<hbm>> -> memref<648xi32, #tpu.memory_space<hbm>>
      %dma_wait3A_201 = tpu.memref_slice %arg7[%multiple_of3A_30] : memref<21128xi32, #tpu.memory_space<hbm>> -> memref<648xi32, #tpu.memory_space<hbm>>
      tpu.wait_dma2 semaphore(%run_scoped3A : memref<!tpu.dma_semaphore, #tpu.memory_space<semaphore_mem>>) src(%dma_wait3A_201 : memref<648xi32, #tpu.memory_space<hbm>>) dst(%arg13 : memref<648xi32, #tpu.memory_space<vmem>>)
      tpu.yield
    }) : () -> ()
    %get3A_31 = arith.constant 24 : index
    %get3A_32 = tpu.vector_load %arg12[%get3A_31] {strides = array<i32>} : memref<104xi32, #tpu.memory_space<vmem>>, vector<16xi32>,
    %get3A_33 = vector.shape_cast %get3A_32 : vector<16xi32> to vector<16xi32>
    %slice3A_34 = vector.extract_strided_slice %get3A_33 {offsets = [8], sizes = [1], strides = [1]} : vector<16xi32> to vector<1xi32>
    %squeeze3A_35 = vector.extract %slice3A_34[0] : i32 from vector<1xi32>
    %sub3A_36 = arith.subi %squeeze3A_35, %multiple_of3A_30 : i32
    %gt3A = arith.constant 0 : i32
    %gt3A_37 = arith.cmpi sgt, %sub3A_36, %gt3A : i32
    %convert_element_type3A = arith.extui %gt3A_37 : i1 to i32
    %cond3A = arith.constant 0 : i32
    %cond3A_38 = arith.cmpi ne, %convert_element_type3A, %cond3A : i32
    scf.if %cond3A_38 {
      %dma_start3A = arith.constant 0 : i32
      %dma_start3A_200 = arith.constant 0 : i32
      %dma_start3A_201 = tpu.memref_slice %arg14[%dma_start3A, %dma_start3A_200] : memref<648x64xf32, #tpu.memory_space<vmem>> -> memref<40x64xf32, #tpu.memory_space<vmem>>
      %dma_start3A_202 = arith.constant 0 : i32
      %dma_start3A_203 = tpu.memref_slice %arg13[%dma_start3A_202] : memref<648xi32, #tpu.memory_space<vmem>> -> memref<40xi32, #tpu.memory_space<vmem>>
      %dma_start3A_204 = arith.constant 0 : i32
      %dma_start3A_205 = arith.constant 0 : i32
      %dma_start3A_206 = tpu.memref_slice %arg4[%dma_start3A_204, %dma_start3A_205] : memref<100000x64xf32, #tpu.memory_space<hbm>> -> memref<100000x64xf32, #tpu.memory_space<hbm>>
      tpu.enqueue_indirect_dma source(%dma_start3A_206 : memref<100000x64xf32, #tpu.memory_space<hbm>>) target(%dma_start3A_201 : memref<40x64xf32, #tpu.memory_space<vmem>>) offsets(%dma_start3A_203 : memref<40xi32, #tpu.memory_space<vmem>>) semaphore(%arg19 : memref<!tpu.dma_semaphore, #tpu.memory_space<semaphore_mem>>)
    } else {
    }
    %gt3A_39 = arith.constant 40 : i32
    %gt3A_40 = arith.cmpi sgt, %sub3A_36, %gt3A_39 : i32
    %convert_element_type3A_41 = arith.extui %gt3A_40 : i1 to i32
    %cond3A_42 = arith.constant 0 : i32
    %cond3A_43 = arith.cmpi ne, %convert_element_type3A_41, %cond3A_42 : i32
    scf.if %cond3A_43 {
      %dma_start3A = arith.constant 40 : i32
      %dma_start3A_200 = arith.constant 0 : i32
      %dma_start3A_201 = tpu.memref_slice %arg14[%dma_start3A, %dma_start3A_200] : memref<648x64xf32, #tpu.memory_space<vmem>> -> memref<40x64xf32, #tpu.memory_space<vmem>>
      %dma_start3A_202 = arith.constant 40 : i32
      %dma_start3A_203 = tpu.memref_slice %arg13[%dma_start3A_202] : memref<648xi32, #tpu.memory_space<vmem>> -> memref<40xi32, #tpu.memory_space<vmem>>
      %dma_start3A_204 = arith.constant 0 : i32
      %dma_start3A_205 = arith.constant 0 : i32
      %dma_start3A_206 = tpu.memref_slice %arg4[%dma_start3A_204, %dma_start3A_205] : memref<100000x64xf32, #tpu.memory_space<hbm>> -> memref<100000x64xf32, #tpu.memory_space<hbm>>
      tpu.enqueue_indirect_dma source(%dma_start3A_206 : memref<100000x64xf32, #tpu.memory_space<hbm>>) target(%dma_start3A_201 : memref<40x64xf32, #tpu.memory_space<vmem>>) offsets(%dma_start3A_203 : memref<40xi32, #tpu.memory_space<vmem>>) semaphore(%arg19 : memref<!tpu.dma_semaphore, #tpu.memory_space<semaphore_mem>>)
    } else {
    }
    %gt3A_44 = arith.constant 80 : i32
    %gt3A_45 = arith.cmpi sgt, %sub3A_36, %gt3A_44 : i32
    %convert_element_type3A_46 = arith.extui %gt3A_45 : i1 to i32
    %cond3A_47 = arith.constant 0 : i32
    %cond3A_48 = arith.cmpi ne, %convert_element_type3A_46, %cond3A_47 : i32
    scf.if %cond3A_48 {
      %dma_start3A = arith.constant 80 : i32
      %dma_start3A_200 = arith.constant 0 : i32
      %dma_start3A_201 = tpu.memref_slice %arg14[%dma_start3A, %dma_start3A_200] : memref<648x64xf32, #tpu.memory_space<vmem>> -> memref<40x64xf32, #tpu.memory_space<vmem>>
      %dma_start3A_202 = arith.constant 80 : i32
      %dma_start3A_203 = tpu.memref_slice %arg13[%dma_start3A_202] : memref<648xi32, #tpu.memory_space<vmem>> -> memref<40xi32, #tpu.memory_space<vmem>>
      %dma_start3A_204 = arith.constant 0 : i32
      %dma_start3A_205 = arith.constant 0 : i32
      %dma_start3A_206 = tpu.memref_slice %arg4[%dma_start3A_204, %dma_start3A_205] : memref<100000x64xf32, #tpu.memory_space<hbm>> -> memref<100000x64xf32, #tpu.memory_space<hbm>>
      tpu.enqueue_indirect_dma source(%dma_start3A_206 : memref<100000x64xf32, #tpu.memory_space<hbm>>) target(%dma_start3A_201 : memref<40x64xf32, #tpu.memory_space<vmem>>) offsets(%dma_start3A_203 : memref<40xi32, #tpu.memory_space<vmem>>) semaphore(%arg19 : memref<!tpu.dma_semaphore, #tpu.memory_space<semaphore_mem>>)
    } else {
    }
    %gt3A_49 = arith.constant 120 : i32
    %gt3A_50 = arith.cmpi sgt, %sub3A_36, %gt3A_49 : i32
    %convert_element_type3A_51 = arith.extui %gt3A_50 : i1 to i32
    %cond3A_52 = arith.constant 0 : i32
    %cond3A_53 = arith.cmpi ne, %convert_element_type3A_51, %cond3A_52 : i32
    scf.if %cond3A_53 {
      %dma_start3A = arith.constant 120 : i32
      %dma_start3A_200 = arith.constant 0 : i32
      %dma_start3A_201 = tpu.memref_slice %arg14[%dma_start3A, %dma_start3A_200] : memref<648x64xf32, #tpu.memory_space<vmem>> -> memref<40x64xf32, #tpu.memory_space<vmem>>
      %dma_start3A_202 = arith.constant 120 : i32
      %dma_start3A_203 = tpu.memref_slice %arg13[%dma_start3A_202] : memref<648xi32, #tpu.memory_space<vmem>> -> memref<40xi32, #tpu.memory_space<vmem>>
      %dma_start3A_204 = arith.constant 0 : i32
      %dma_start3A_205 = arith.constant 0 : i32
      %dma_start3A_206 = tpu.memref_slice %arg4[%dma_start3A_204, %dma_start3A_205] : memref<100000x64xf32, #tpu.memory_space<hbm>> -> memref<100000x64xf32, #tpu.memory_space<hbm>>
      tpu.enqueue_indirect_dma source(%dma_start3A_206 : memref<100000x64xf32, #tpu.memory_space<hbm>>) target(%dma_start3A_201 : memref<40x64xf32, #tpu.memory_space<vmem>>) offsets(%dma_start3A_203 : memref<40xi32, #tpu.memory_space<vmem>>) semaphore(%arg19 : memref<!tpu.dma_semaphore, #tpu.memory_space<semaphore_mem>>)
    } else {
    }
    %gt3A_54 = arith.constant 160 : i32
    %gt3A_55 = arith.cmpi sgt, %sub3A_36, %gt3A_54 : i32
    %convert_element_type3A_56 = arith.extui %gt3A_55 : i1 to i32
    %cond3A_57 = arith.constant 0 : i32
    %cond3A_58 = arith.cmpi ne, %convert_element_type3A_56, %cond3A_57 : i32
    scf.if %cond3A_58 {
      %dma_start3A = arith.constant 160 : i32
      %dma_start3A_200 = arith.constant 0 : i32
      %dma_start3A_201 = tpu.memref_slice %arg14[%dma_start3A, %dma_start3A_200] : memref<648x64xf32, #tpu.memory_space<vmem>> -> memref<40x64xf32, #tpu.memory_space<vmem>>
      %dma_start3A_202 = arith.constant 160 : i32
      %dma_start3A_203 = tpu.memref_slice %arg13[%dma_start3A_202] : memref<648xi32, #tpu.memory_space<vmem>> -> memref<40xi32, #tpu.memory_space<vmem>>
      %dma_start3A_204 = arith.constant 0 : i32
      %dma_start3A_205 = arith.constant 0 : i32
      %dma_start3A_206 = tpu.memref_slice %arg4[%dma_start3A_204, %dma_start3A_205] : memref<100000x64xf32, #tpu.memory_space<hbm>> -> memref<100000x64xf32, #tpu.memory_space<hbm>>
      tpu.enqueue_indirect_dma source(%dma_start3A_206 : memref<100000x64xf32, #tpu.memory_space<hbm>>) target(%dma_start3A_201 : memref<40x64xf32, #tpu.memory_space<vmem>>) offsets(%dma_start3A_203 : memref<40xi32, #tpu.memory_space<vmem>>) semaphore(%arg19 : memref<!tpu.dma_semaphore, #tpu.memory_space<semaphore_mem>>)
    } else {
    }
    %gt3A_59 = arith.constant 200 : i32
    %gt3A_60 = arith.cmpi sgt, %sub3A_36, %gt3A_59 : i32
    %convert_element_type3A_61 = arith.extui %gt3A_60 : i1 to i32
    %cond3A_62 = arith.constant 0 : i32
    %cond3A_63 = arith.cmpi ne, %convert_element_type3A_61, %cond3A_62 : i32
    scf.if %cond3A_63 {
      %dma_start3A = arith.constant 200 : i32
      %dma_start3A_200 = arith.constant 0 : i32
      %dma_start3A_201 = tpu.memref_slice %arg14[%dma_start3A, %dma_start3A_200] : memref<648x64xf32, #tpu.memory_space<vmem>> -> memref<40x64xf32, #tpu.memory_space<vmem>>
      %dma_start3A_202 = arith.constant 200 : i32
      %dma_start3A_203 = tpu.memref_slice %arg13[%dma_start3A_202] : memref<648xi32, #tpu.memory_space<vmem>> -> memref<40xi32, #tpu.memory_space<vmem>>
      %dma_start3A_204 = arith.constant 0 : i32
      %dma_start3A_205 = arith.constant 0 : i32
      %dma_start3A_206 = tpu.memref_slice %arg4[%dma_start3A_204, %dma_start3A_205] : memref<100000x64xf32, #tpu.memory_space<hbm>> -> memref<100000x64xf32, #tpu.memory_space<hbm>>
      tpu.enqueue_indirect_dma source(%dma_start3A_206 : memref<100000x64xf32, #tpu.memory_space<hbm>>) target(%dma_start3A_201 : memref<40x64xf32, #tpu.memory_space<vmem>>) offsets(%dma_start3A_203 : memref<40xi32, #tpu.memory_space<vmem>>) semaphore(%arg19 : memref<!tpu.dma_semaphore, #tpu.memory_space<semaphore_mem>>)
    } else {
    }
    %gt3A_64 = arith.constant 240 : i32
    %gt3A_65 = arith.cmpi sgt, %sub3A_36, %gt3A_64 : i32
    %convert_element_type3A_66 = arith.extui %gt3A_65 : i1 to i32
    %cond3A_67 = arith.constant 0 : i32
    %cond3A_68 = arith.cmpi ne, %convert_element_type3A_66, %cond3A_67 : i32
    scf.if %cond3A_68 {
      %dma_start3A = arith.constant 240 : i32
      %dma_start3A_200 = arith.constant 0 : i32
      %dma_start3A_201 = tpu.memref_slice %arg14[%dma_start3A, %dma_start3A_200] : memref<648x64xf32, #tpu.memory_space<vmem>> -> memref<40x64xf32, #tpu.memory_space<vmem>>
      %dma_start3A_202 = arith.constant 240 : i32
      %dma_start3A_203 = tpu.memref_slice %arg13[%dma_start3A_202] : memref<648xi32, #tpu.memory_space<vmem>> -> memref<40xi32, #tpu.memory_space<vmem>>
      %dma_start3A_204 = arith.constant 0 : i32
      %dma_start3A_205 = arith.constant 0 : i32
      %dma_start3A_206 = tpu.memref_slice %arg4[%dma_start3A_204, %dma_start3A_205] : memref<100000x64xf32, #tpu.memory_space<hbm>> -> memref<100000x64xf32, #tpu.memory_space<hbm>>
      tpu.enqueue_indirect_dma source(%dma_start3A_206 : memref<100000x64xf32, #tpu.memory_space<hbm>>) target(%dma_start3A_201 : memref<40x64xf32, #tpu.memory_space<vmem>>) offsets(%dma_start3A_203 : memref<40xi32, #tpu.memory_space<vmem>>) semaphore(%arg19 : memref<!tpu.dma_semaphore, #tpu.memory_space<semaphore_mem>>)
    } else {
    }
    %gt3A_69 = arith.constant 280 : i32
    %gt3A_70 = arith.cmpi sgt, %sub3A_36, %gt3A_69 : i32
    %convert_element_type3A_71 = arith.extui %gt3A_70 : i1 to i32
    %cond3A_72 = arith.constant 0 : i32
    %cond3A_73 = arith.cmpi ne, %convert_element_type3A_71, %cond3A_72 : i32
    scf.if %cond3A_73 {
      %dma_start3A = arith.constant 280 : i32
      %dma_start3A_200 = arith.constant 0 : i32
      %dma_start3A_201 = tpu.memref_slice %arg14[%dma_start3A, %dma_start3A_200] : memref<648x64xf32, #tpu.memory_space<vmem>> -> memref<40x64xf32, #tpu.memory_space<vmem>>
      %dma_start3A_202 = arith.constant 280 : i32
      %dma_start3A_203 = tpu.memref_slice %arg13[%dma_start3A_202] : memref<648xi32, #tpu.memory_space<vmem>> -> memref<40xi32, #tpu.memory_space<vmem>>
      %dma_start3A_204 = arith.constant 0 : i32
      %dma_start3A_205 = arith.constant 0 : i32
      %dma_start3A_206 = tpu.memref_slice %arg4[%dma_start3A_204, %dma_start3A_205] : memref<100000x64xf32, #tpu.memory_space<hbm>> -> memref<100000x64xf32, #tpu.memory_space<hbm>>
      tpu.enqueue_indirect_dma source(%dma_start3A_206 : memref<100000x64xf32, #tpu.memory_space<hbm>>) target(%dma_start3A_201 : memref<40x64xf32, #tpu.memory_space<vmem>>) offsets(%dma_start3A_203 : memref<40xi32, #tpu.memory_space<vmem>>) semaphore(%arg19 : memref<!tpu.dma_semaphore, #tpu.memory_space<semaphore_mem>>)
    } else {
    }
    %gt3A_74 = arith.constant 320 : i32
    %gt3A_75 = arith.cmpi sgt, %sub3A_36, %gt3A_74 : i32
    %convert_element_type3A_76 = arith.extui %gt3A_75 : i1 to i32
    %cond3A_77 = arith.constant 0 : i32
    %cond3A_78 = arith.cmpi ne, %convert_element_type3A_76, %cond3A_77 : i32
    scf.if %cond3A_78 {
      %dma_start3A = arith.constant 320 : i32
      %dma_start3A_200 = arith.constant 0 : i32
      %dma_start3A_201 = tpu.memref_slice %arg14[%dma_start3A, %dma_start3A_200] : memref<648x64xf32, #tpu.memory_space<vmem>> -> memref<40x64xf32, #tpu.memory_space<vmem>>
      %dma_start3A_202 = arith.constant 320 : i32
      %dma_start3A_203 = tpu.memref_slice %arg13[%dma_start3A_202] : memref<648xi32, #tpu.memory_space<vmem>> -> memref<40xi32, #tpu.memory_space<vmem>>
      %dma_start3A_204 = arith.constant 0 : i32
      %dma_start3A_205 = arith.constant 0 : i32
      %dma_start3A_206 = tpu.memref_slice %arg4[%dma_start3A_204, %dma_start3A_205] : memref<100000x64xf32, #tpu.memory_space<hbm>> -> memref<100000x64xf32, #tpu.memory_space<hbm>>
      tpu.enqueue_indirect_dma source(%dma_start3A_206 : memref<100000x64xf32, #tpu.memory_space<hbm>>) target(%dma_start3A_201 : memref<40x64xf32, #tpu.memory_space<vmem>>) offsets(%dma_start3A_203 : memref<40xi32, #tpu.memory_space<vmem>>) semaphore(%arg19 : memref<!tpu.dma_semaphore, #tpu.memory_space<semaphore_mem>>)
    } else {
    }
    %gt3A_79 = arith.constant 360 : i32
    %gt3A_80 = arith.cmpi sgt, %sub3A_36, %gt3A_79 : i32
    %convert_element_type3A_81 = arith.extui %gt3A_80 : i1 to i32
    %cond3A_82 = arith.constant 0 : i32
    %cond3A_83 = arith.cmpi ne, %convert_element_type3A_81, %cond3A_82 : i32
    scf.if %cond3A_83 {
      %dma_start3A = arith.constant 360 : i32
      %dma_start3A_200 = arith.constant 0 : i32
      %dma_start3A_201 = tpu.memref_slice %arg14[%dma_start3A, %dma_start3A_200] : memref<648x64xf32, #tpu.memory_space<vmem>> -> memref<40x64xf32, #tpu.memory_space<vmem>>
      %dma_start3A_202 = arith.constant 360 : i32
      %dma_start3A_203 = tpu.memref_slice %arg13[%dma_start3A_202] : memref<648xi32, #tpu.memory_space<vmem>> -> memref<40xi32, #tpu.memory_space<vmem>>
      %dma_start3A_204 = arith.constant 0 : i32
      %dma_start3A_205 = arith.constant 0 : i32
      %dma_start3A_206 = tpu.memref_slice %arg4[%dma_start3A_204, %dma_start3A_205] : memref<100000x64xf32, #tpu.memory_space<hbm>> -> memref<100000x64xf32, #tpu.memory_space<hbm>>
      tpu.enqueue_indirect_dma source(%dma_start3A_206 : memref<100000x64xf32, #tpu.memory_space<hbm>>) target(%dma_start3A_201 : memref<40x64xf32, #tpu.memory_space<vmem>>) offsets(%dma_start3A_203 : memref<40xi32, #tpu.memory_space<vmem>>) semaphore(%arg19 : memref<!tpu.dma_semaphore, #tpu.memory_space<semaphore_mem>>)
    } else {
    }
    %gt3A_84 = arith.constant 400 : i32
    %gt3A_85 = arith.cmpi sgt, %sub3A_36, %gt3A_84 : i32
    %convert_element_type3A_86 = arith.extui %gt3A_85 : i1 to i32
    %cond3A_87 = arith.constant 0 : i32
    %cond3A_88 = arith.cmpi ne, %convert_element_type3A_86, %cond3A_87 : i32
    scf.if %cond3A_88 {
      %dma_start3A = arith.constant 400 : i32
      %dma_start3A_200 = arith.constant 0 : i32
      %dma_start3A_201 = tpu.memref_slice %arg14[%dma_start3A, %dma_start3A_200] : memref<648x64xf32, #tpu.memory_space<vmem>> -> memref<40x64xf32, #tpu.memory_space<vmem>>
      %dma_start3A_202 = arith.constant 400 : i32
      %dma_start3A_203 = tpu.memref_slice %arg13[%dma_start3A_202] : memref<648xi32, #tpu.memory_space<vmem>> -> memref<40xi32, #tpu.memory_space<vmem>>
      %dma_start3A_204 = arith.constant 0 : i32
      %dma_start3A_205 = arith.constant 0 : i32
      %dma_start3A_206 = tpu.memref_slice %arg4[%dma_start3A_204, %dma_start3A_205] : memref<100000x64xf32, #tpu.memory_space<hbm>> -> memref<100000x64xf32, #tpu.memory_space<hbm>>
      tpu.enqueue_indirect_dma source(%dma_start3A_206 : memref<100000x64xf32, #tpu.memory_space<hbm>>) target(%dma_start3A_201 : memref<40x64xf32, #tpu.memory_space<vmem>>) offsets(%dma_start3A_203 : memref<40xi32, #tpu.memory_space<vmem>>) semaphore(%arg19 : memref<!tpu.dma_semaphore, #tpu.memory_space<semaphore_mem>>)
    } else {
    }
    %gt3A_89 = arith.constant 440 : i32
    %gt3A_90 = arith.cmpi sgt, %sub3A_36, %gt3A_89 : i32
    %convert_element_type3A_91 = arith.extui %gt3A_90 : i1 to i32
    %cond3A_92 = arith.constant 0 : i32
    %cond3A_93 = arith.cmpi ne, %convert_element_type3A_91, %cond3A_92 : i32
    scf.if %cond3A_93 {
      %dma_start3A = arith.constant 440 : i32
      %dma_start3A_200 = arith.constant 0 : i32
      %dma_start3A_201 = tpu.memref_slice %arg14[%dma_start3A, %dma_start3A_200] : memref<648x64xf32, #tpu.memory_space<vmem>> -> memref<40x64xf32, #tpu.memory_space<vmem>>
      %dma_start3A_202 = arith.constant 440 : i32
      %dma_start3A_203 = tpu.memref_slice %arg13[%dma_start3A_202] : memref<648xi32, #tpu.memory_space<vmem>> -> memref<40xi32, #tpu.memory_space<vmem>>
      %dma_start3A_204 = arith.constant 0 : i32
      %dma_start3A_205 = arith.constant 0 : i32
      %dma_start3A_206 = tpu.memref_slice %arg4[%dma_start3A_204, %dma_start3A_205] : memref<100000x64xf32, #tpu.memory_space<hbm>> -> memref<100000x64xf32, #tpu.memory_space<hbm>>
      tpu.enqueue_indirect_dma source(%dma_start3A_206 : memref<100000x64xf32, #tpu.memory_space<hbm>>) target(%dma_start3A_201 : memref<40x64xf32, #tpu.memory_space<vmem>>) offsets(%dma_start3A_203 : memref<40xi32, #tpu.memory_space<vmem>>) semaphore(%arg19 : memref<!tpu.dma_semaphore, #tpu.memory_space<semaphore_mem>>)
    } else {
    }
    %gt3A_94 = arith.constant 480 : i32
    %gt3A_95 = arith.cmpi sgt, %sub3A_36, %gt3A_94 : i32
    %convert_element_type3A_96 = arith.extui %gt3A_95 : i1 to i32
    %cond3A_97 = arith.constant 0 : i32
    %cond3A_98 = arith.cmpi ne, %convert_element_type3A_96, %cond3A_97 : i32
    scf.if %cond3A_98 {
      %dma_start3A = arith.constant 480 : i32
      %dma_start3A_200 = arith.constant 0 : i32
      %dma_start3A_201 = tpu.memref_slice %arg14[%dma_start3A, %dma_start3A_200] : memref<648x64xf32, #tpu.memory_space<vmem>> -> memref<40x64xf32, #tpu.memory_space<vmem>>
      %dma_start3A_202 = arith.constant 480 : i32
      %dma_start3A_203 = tpu.memref_slice %arg13[%dma_start3A_202] : memref<648xi32, #tpu.memory_space<vmem>> -> memref<40xi32, #tpu.memory_space<vmem>>
      %dma_start3A_204 = arith.constant 0 : i32
      %dma_start3A_205 = arith.constant 0 : i32
      %dma_start3A_206 = tpu.memref_slice %arg4[%dma_start3A_204, %dma_start3A_205] : memref<100000x64xf32, #tpu.memory_space<hbm>> -> memref<100000x64xf32, #tpu.memory_space<hbm>>
      tpu.enqueue_indirect_dma source(%dma_start3A_206 : memref<100000x64xf32, #tpu.memory_space<hbm>>) target(%dma_start3A_201 : memref<40x64xf32, #tpu.memory_space<vmem>>) offsets(%dma_start3A_203 : memref<40xi32, #tpu.memory_space<vmem>>) semaphore(%arg19 : memref<!tpu.dma_semaphore, #tpu.memory_space<semaphore_mem>>)
    } else {
    }
    %gt3A_99 = arith.constant 520 : i32
    %gt3A_100 = arith.cmpi sgt, %sub3A_36, %gt3A_99 : i32
    %convert_element_type3A_101 = arith.extui %gt3A_100 : i1 to i32
    %cond3A_102 = arith.constant 0 : i32
    %cond3A_103 = arith.cmpi ne, %convert_element_type3A_101, %cond3A_102 : i32
    scf.if %cond3A_103 {
      %dma_start3A = arith.constant 520 : i32
      %dma_start3A_200 = arith.constant 0 : i32
      %dma_start3A_201 = tpu.memref_slice %arg14[%dma_start3A, %dma_start3A_200] : memref<648x64xf32, #tpu.memory_space<vmem>> -> memref<40x64xf32, #tpu.memory_space<vmem>>
      %dma_start3A_202 = arith.constant 520 : i32
      %dma_start3A_203 = tpu.memref_slice %arg13[%dma_start3A_202] : memref<648xi32, #tpu.memory_space<vmem>> -> memref<40xi32, #tpu.memory_space<vmem>>
      %dma_start3A_204 = arith.constant 0 : i32
      %dma_start3A_205 = arith.constant 0 : i32
      %dma_start3A_206 = tpu.memref_slice %arg4[%dma_start3A_204, %dma_start3A_205] : memref<100000x64xf32, #tpu.memory_space<hbm>> -> memref<100000x64xf32, #tpu.memory_space<hbm>>
      tpu.enqueue_indirect_dma source(%dma_start3A_206 : memref<100000x64xf32, #tpu.memory_space<hbm>>) target(%dma_start3A_201 : memref<40x64xf32, #tpu.memory_space<vmem>>) offsets(%dma_start3A_203 : memref<40xi32, #tpu.memory_space<vmem>>) semaphore(%arg19 : memref<!tpu.dma_semaphore, #tpu.memory_space<semaphore_mem>>)
    } else {
    }
    %gt3A_104 = arith.constant 560 : i32
    %gt3A_105 = arith.cmpi sgt, %sub3A_36, %gt3A_104 : i32
    %convert_element_type3A_106 = arith.extui %gt3A_105 : i1 to i32
    %cond3A_107 = arith.constant 0 : i32
    %cond3A_108 = arith.cmpi ne, %convert_element_type3A_106, %cond3A_107 : i32
    scf.if %cond3A_108 {
      %dma_start3A = arith.constant 560 : i32
      %dma_start3A_200 = arith.constant 0 : i32
      %dma_start3A_201 = tpu.memref_slice %arg14[%dma_start3A, %dma_start3A_200] : memref<648x64xf32, #tpu.memory_space<vmem>> -> memref<40x64xf32, #tpu.memory_space<vmem>>
      %dma_start3A_202 = arith.constant 560 : i32
      %dma_start3A_203 = tpu.memref_slice %arg13[%dma_start3A_202] : memref<648xi32, #tpu.memory_space<vmem>> -> memref<40xi32, #tpu.memory_space<vmem>>
      %dma_start3A_204 = arith.constant 0 : i32
      %dma_start3A_205 = arith.constant 0 : i32
      %dma_start3A_206 = tpu.memref_slice %arg4[%dma_start3A_204, %dma_start3A_205] : memref<100000x64xf32, #tpu.memory_space<hbm>> -> memref<100000x64xf32, #tpu.memory_space<hbm>>
      tpu.enqueue_indirect_dma source(%dma_start3A_206 : memref<100000x64xf32, #tpu.memory_space<hbm>>) target(%dma_start3A_201 : memref<40x64xf32, #tpu.memory_space<vmem>>) offsets(%dma_start3A_203 : memref<40xi32, #tpu.memory_space<vmem>>) semaphore(%arg19 : memref<!tpu.dma_semaphore, #tpu.memory_space<semaphore_mem>>)
    } else {
    }
    %gt3A_109 = arith.constant 600 : i32
    %gt3A_110 = arith.cmpi sgt, %sub3A_36, %gt3A_109 : i32
    %convert_element_type3A_111 = arith.extui %gt3A_110 : i1 to i32
    %cond3A_112 = arith.constant 0 : i32
    %cond3A_113 = arith.cmpi ne, %convert_element_type3A_111, %cond3A_112 : i32
    scf.if %cond3A_113 {
      %dma_start3A = arith.constant 600 : i32
      %dma_start3A_200 = arith.constant 0 : i32
      %dma_start3A_201 = tpu.memref_slice %arg14[%dma_start3A, %dma_start3A_200] : memref<648x64xf32, #tpu.memory_space<vmem>> -> memref<40x64xf32, #tpu.memory_space<vmem>>
      %dma_start3A_202 = arith.constant 600 : i32
      %dma_start3A_203 = tpu.memref_slice %arg13[%dma_start3A_202] : memref<648xi32, #tpu.memory_space<vmem>> -> memref<40xi32, #tpu.memory_space<vmem>>
      %dma_start3A_204 = arith.constant 0 : i32
      %dma_start3A_205 = arith.constant 0 : i32
      %dma_start3A_206 = tpu.memref_slice %arg4[%dma_start3A_204, %dma_start3A_205] : memref<100000x64xf32, #tpu.memory_space<hbm>> -> memref<100000x64xf32, #tpu.memory_space<hbm>>
      tpu.enqueue_indirect_dma source(%dma_start3A_206 : memref<100000x64xf32, #tpu.memory_space<hbm>>) target(%dma_start3A_201 : memref<40x64xf32, #tpu.memory_space<vmem>>) offsets(%dma_start3A_203 : memref<40xi32, #tpu.memory_space<vmem>>) semaphore(%arg19 : memref<!tpu.dma_semaphore, #tpu.memory_space<semaphore_mem>>)
    } else {
    }
    %gt3A_114 = arith.constant 0 : i32
    %gt3A_115 = arith.cmpi sgt, %sub3A_36, %gt3A_114 : i32
    %convert_element_type3A_116 = arith.extui %gt3A_115 : i1 to i32
    %cond3A_117 = arith.constant 0 : i32
    %cond3A_118 = arith.cmpi ne, %convert_element_type3A_116, %cond3A_117 : i32
    scf.if %cond3A_118 {
      %dma_wait3A = arith.constant 0 : i32
      %dma_wait3A_200 = arith.constant 0 : i32
      %dma_wait3A_201 = tpu.memref_slice %arg14[%dma_wait3A, %dma_wait3A_200] : memref<648x64xf32, #tpu.memory_space<vmem>> -> memref<40x64xf32, #tpu.memory_space<vmem>>
      %dma_wait3A_202 = arith.constant 0 : i32
      %dma_wait3A_203 = tpu.memref_slice %arg13[%dma_wait3A_202] : memref<648xi32, #tpu.memory_space<vmem>> -> memref<40xi32, #tpu.memory_space<vmem>>
      %dma_wait3A_204 = arith.constant 0 : i32
      %dma_wait3A_205 = arith.constant 0 : i32
      %dma_wait3A_206 = tpu.memref_slice %arg4[%dma_wait3A_204, %dma_wait3A_205] : memref<100000x64xf32, #tpu.memory_space<hbm>> -> memref<100000x64xf32, #tpu.memory_space<hbm>>
      tpu.wait_indirect_dma semaphore(%arg19 : memref<!tpu.dma_semaphore, #tpu.memory_space<semaphore_mem>>) src(%dma_wait3A_206 : memref<100000x64xf32, #tpu.memory_space<hbm>>) dst(%dma_wait3A_201 : memref<40x64xf32, #tpu.memory_space<vmem>>)
    } else {
    }
    %gt3A_119 = arith.constant 40 : i32
    %gt3A_120 = arith.cmpi sgt, %sub3A_36, %gt3A_119 : i32
    %convert_element_type3A_121 = arith.extui %gt3A_120 : i1 to i32
    %cond3A_122 = arith.constant 0 : i32
    %cond3A_123 = arith.cmpi ne, %convert_element_type3A_121, %cond3A_122 : i32
    scf.if %cond3A_123 {
      %dma_wait3A = arith.constant 40 : i32
      %dma_wait3A_200 = arith.constant 0 : i32
      %dma_wait3A_201 = tpu.memref_slice %arg14[%dma_wait3A, %dma_wait3A_200] : memref<648x64xf32, #tpu.memory_space<vmem>> -> memref<40x64xf32, #tpu.memory_space<vmem>>
      %dma_wait3A_202 = arith.constant 40 : i32
      %dma_wait3A_203 = tpu.memref_slice %arg13[%dma_wait3A_202] : memref<648xi32, #tpu.memory_space<vmem>> -> memref<40xi32, #tpu.memory_space<vmem>>
      %dma_wait3A_204 = arith.constant 0 : i32
      %dma_wait3A_205 = arith.constant 0 : i32
      %dma_wait3A_206 = tpu.memref_slice %arg4[%dma_wait3A_204, %dma_wait3A_205] : memref<100000x64xf32, #tpu.memory_space<hbm>> -> memref<100000x64xf32, #tpu.memory_space<hbm>>
      tpu.wait_indirect_dma semaphore(%arg19 : memref<!tpu.dma_semaphore, #tpu.memory_space<semaphore_mem>>) src(%dma_wait3A_206 : memref<100000x64xf32, #tpu.memory_space<hbm>>) dst(%dma_wait3A_201 : memref<40x64xf32, #tpu.memory_space<vmem>>)
    } else {
    }
    %gt3A_124 = arith.constant 80 : i32
    %gt3A_125 = arith.cmpi sgt, %sub3A_36, %gt3A_124 : i32
    %convert_element_type3A_126 = arith.extui %gt3A_125 : i1 to i32
    %cond3A_127 = arith.constant 0 : i32
    %cond3A_128 = arith.cmpi ne, %convert_element_type3A_126, %cond3A_127 : i32
    scf.if %cond3A_128 {
      %dma_wait3A = arith.constant 80 : i32
      %dma_wait3A_200 = arith.constant 0 : i32
      %dma_wait3A_201 = tpu.memref_slice %arg14[%dma_wait3A, %dma_wait3A_200] : memref<648x64xf32, #tpu.memory_space<vmem>> -> memref<40x64xf32, #tpu.memory_space<vmem>>
      %dma_wait3A_202 = arith.constant 80 : i32
      %dma_wait3A_203 = tpu.memref_slice %arg13[%dma_wait3A_202] : memref<648xi32, #tpu.memory_space<vmem>> -> memref<40xi32, #tpu.memory_space<vmem>>
      %dma_wait3A_204 = arith.constant 0 : i32
      %dma_wait3A_205 = arith.constant 0 : i32
      %dma_wait3A_206 = tpu.memref_slice %arg4[%dma_wait3A_204, %dma_wait3A_205] : memref<100000x64xf32, #tpu.memory_space<hbm>> -> memref<100000x64xf32, #tpu.memory_space<hbm>>
      tpu.wait_indirect_dma semaphore(%arg19 : memref<!tpu.dma_semaphore, #tpu.memory_space<semaphore_mem>>) src(%dma_wait3A_206 : memref<100000x64xf32, #tpu.memory_space<hbm>>) dst(%dma_wait3A_201 : memref<40x64xf32, #tpu.memory_space<vmem>>)
    } else {
    }
    %gt3A_129 = arith.constant 120 : i32
    %gt3A_130 = arith.cmpi sgt, %sub3A_36, %gt3A_129 : i32
    %convert_element_type3A_131 = arith.extui %gt3A_130 : i1 to i32
    %cond3A_132 = arith.constant 0 : i32
    %cond3A_133 = arith.cmpi ne, %convert_element_type3A_131, %cond3A_132 : i32
    scf.if %cond3A_133 {
      %dma_wait3A = arith.constant 120 : i32
      %dma_wait3A_200 = arith.constant 0 : i32
      %dma_wait3A_201 = tpu.memref_slice %arg14[%dma_wait3A, %dma_wait3A_200] : memref<648x64xf32, #tpu.memory_space<vmem>> -> memref<40x64xf32, #tpu.memory_space<vmem>>
      %dma_wait3A_202 = arith.constant 120 : i32
      %dma_wait3A_203 = tpu.memref_slice %arg13[%dma_wait3A_202] : memref<648xi32, #tpu.memory_space<vmem>> -> memref<40xi32, #tpu.memory_space<vmem>>
      %dma_wait3A_204 = arith.constant 0 : i32
      %dma_wait3A_205 = arith.constant 0 : i32
      %dma_wait3A_206 = tpu.memref_slice %arg4[%dma_wait3A_204, %dma_wait3A_205] : memref<100000x64xf32, #tpu.memory_space<hbm>> -> memref<100000x64xf32, #tpu.memory_space<hbm>>
      tpu.wait_indirect_dma semaphore(%arg19 : memref<!tpu.dma_semaphore, #tpu.memory_space<semaphore_mem>>) src(%dma_wait3A_206 : memref<100000x64xf32, #tpu.memory_space<hbm>>) dst(%dma_wait3A_201 : memref<40x64xf32, #tpu.memory_space<vmem>>)
    } else {
    }
    %gt3A_134 = arith.constant 160 : i32
    %gt3A_135 = arith.cmpi sgt, %sub3A_36, %gt3A_134 : i32
    %convert_element_type3A_136 = arith.extui %gt3A_135 : i1 to i32
    %cond3A_137 = arith.constant 0 : i32
    %cond3A_138 = arith.cmpi ne, %convert_element_type3A_136, %cond3A_137 : i32
    scf.if %cond3A_138 {
      %dma_wait3A = arith.constant 160 : i32
      %dma_wait3A_200 = arith.constant 0 : i32
      %dma_wait3A_201 = tpu.memref_slice %arg14[%dma_wait3A, %dma_wait3A_200] : memref<648x64xf32, #tpu.memory_space<vmem>> -> memref<40x64xf32, #tpu.memory_space<vmem>>
      %dma_wait3A_202 = arith.constant 160 : i32
      %dma_wait3A_203 = tpu.memref_slice %arg13[%dma_wait3A_202] : memref<648xi32, #tpu.memory_space<vmem>> -> memref<40xi32, #tpu.memory_space<vmem>>
      %dma_wait3A_204 = arith.constant 0 : i32
      %dma_wait3A_205 = arith.constant 0 : i32
      %dma_wait3A_206 = tpu.memref_slice %arg4[%dma_wait3A_204, %dma_wait3A_205] : memref<100000x64xf32, #tpu.memory_space<hbm>> -> memref<100000x64xf32, #tpu.memory_space<hbm>>
      tpu.wait_indirect_dma semaphore(%arg19 : memref<!tpu.dma_semaphore, #tpu.memory_space<semaphore_mem>>) src(%dma_wait3A_206 : memref<100000x64xf32, #tpu.memory_space<hbm>>) dst(%dma_wait3A_201 : memref<40x64xf32, #tpu.memory_space<vmem>>)
    } else {
    }
    %gt3A_139 = arith.constant 200 : i32
    %gt3A_140 = arith.cmpi sgt, %sub3A_36, %gt3A_139 : i32
    %convert_element_type3A_141 = arith.extui %gt3A_140 : i1 to i32
    %cond3A_142 = arith.constant 0 : i32
    %cond3A_143 = arith.cmpi ne, %convert_element_type3A_141, %cond3A_142 : i32
    scf.if %cond3A_143 {
      %dma_wait3A = arith.constant 200 : i32
      %dma_wait3A_200 = arith.constant 0 : i32
      %dma_wait3A_201 = tpu.memref_slice %arg14[%dma_wait3A, %dma_wait3A_200] : memref<648x64xf32, #tpu.memory_space<vmem>> -> memref<40x64xf32, #tpu.memory_space<vmem>>
      %dma_wait3A_202 = arith.constant 200 : i32
      %dma_wait3A_203 = tpu.memref_slice %arg13[%dma_wait3A_202] : memref<648xi32, #tpu.memory_space<vmem>> -> memref<40xi32, #tpu.memory_space<vmem>>
      %dma_wait3A_204 = arith.constant 0 : i32
      %dma_wait3A_205 = arith.constant 0 : i32
      %dma_wait3A_206 = tpu.memref_slice %arg4[%dma_wait3A_204, %dma_wait3A_205] : memref<100000x64xf32, #tpu.memory_space<hbm>> -> memref<100000x64xf32, #tpu.memory_space<hbm>>
      tpu.wait_indirect_dma semaphore(%arg19 : memref<!tpu.dma_semaphore, #tpu.memory_space<semaphore_mem>>) src(%dma_wait3A_206 : memref<100000x64xf32, #tpu.memory_space<hbm>>) dst(%dma_wait3A_201 : memref<40x64xf32, #tpu.memory_space<vmem>>)
    } else {
    }
    %gt3A_144 = arith.constant 240 : i32
    %gt3A_145 = arith.cmpi sgt, %sub3A_36, %gt3A_144 : i32
    %convert_element_type3A_146 = arith.extui %gt3A_145 : i1 to i32
    %cond3A_147 = arith.constant 0 : i32
    %cond3A_148 = arith.cmpi ne, %convert_element_type3A_146, %cond3A_147 : i32
    scf.if %cond3A_148 {
      %dma_wait3A = arith.constant 240 : i32
      %dma_wait3A_200 = arith.constant 0 : i32
      %dma_wait3A_201 = tpu.memref_slice %arg14[%dma_wait3A, %dma_wait3A_200] : memref<648x64xf32, #tpu.memory_space<vmem>> -> memref<40x64xf32, #tpu.memory_space<vmem>>
      %dma_wait3A_202 = arith.constant 240 : i32
      %dma_wait3A_203 = tpu.memref_slice %arg13[%dma_wait3A_202] : memref<648xi32, #tpu.memory_space<vmem>> -> memref<40xi32, #tpu.memory_space<vmem>>
      %dma_wait3A_204 = arith.constant 0 : i32
      %dma_wait3A_205 = arith.constant 0 : i32
      %dma_wait3A_206 = tpu.memref_slice %arg4[%dma_wait3A_204, %dma_wait3A_205] : memref<100000x64xf32, #tpu.memory_space<hbm>> -> memref<100000x64xf32, #tpu.memory_space<hbm>>
      tpu.wait_indirect_dma semaphore(%arg19 : memref<!tpu.dma_semaphore, #tpu.memory_space<semaphore_mem>>) src(%dma_wait3A_206 : memref<100000x64xf32, #tpu.memory_space<hbm>>) dst(%dma_wait3A_201 : memref<40x64xf32, #tpu.memory_space<vmem>>)
    } else {
    }
    %gt3A_149 = arith.constant 280 : i32
    %gt3A_150 = arith.cmpi sgt, %sub3A_36, %gt3A_149 : i32
    %convert_element_type3A_151 = arith.extui %gt3A_150 : i1 to i32
    %cond3A_152 = arith.constant 0 : i32
    %cond3A_153 = arith.cmpi ne, %convert_element_type3A_151, %cond3A_152 : i32
    scf.if %cond3A_153 {
      %dma_wait3A = arith.constant 280 : i32
      %dma_wait3A_200 = arith.constant 0 : i32
      %dma_wait3A_201 = tpu.memref_slice %arg14[%dma_wait3A, %dma_wait3A_200] : memref<648x64xf32, #tpu.memory_space<vmem>> -> memref<40x64xf32, #tpu.memory_space<vmem>>
      %dma_wait3A_202 = arith.constant 280 : i32
      %dma_wait3A_203 = tpu.memref_slice %arg13[%dma_wait3A_202] : memref<648xi32, #tpu.memory_space<vmem>> -> memref<40xi32, #tpu.memory_space<vmem>>
      %dma_wait3A_204 = arith.constant 0 : i32
      %dma_wait3A_205 = arith.constant 0 : i32
      %dma_wait3A_206 = tpu.memref_slice %arg4[%dma_wait3A_204, %dma_wait3A_205] : memref<100000x64xf32, #tpu.memory_space<hbm>> -> memref<100000x64xf32, #tpu.memory_space<hbm>>
      tpu.wait_indirect_dma semaphore(%arg19 : memref<!tpu.dma_semaphore, #tpu.memory_space<semaphore_mem>>) src(%dma_wait3A_206 : memref<100000x64xf32, #tpu.memory_space<hbm>>) dst(%dma_wait3A_201 : memref<40x64xf32, #tpu.memory_space<vmem>>)
    } else {
    }
    %gt3A_154 = arith.constant 320 : i32
    %gt3A_155 = arith.cmpi sgt, %sub3A_36, %gt3A_154 : i32
    %convert_element_type3A_156 = arith.extui %gt3A_155 : i1 to i32
    %cond3A_157 = arith.constant 0 : i32
    %cond3A_158 = arith.cmpi ne, %convert_element_type3A_156, %cond3A_157 : i32
    scf.if %cond3A_158 {
      %dma_wait3A = arith.constant 320 : i32
      %dma_wait3A_200 = arith.constant 0 : i32
      %dma_wait3A_201 = tpu.memref_slice %arg14[%dma_wait3A, %dma_wait3A_200] : memref<648x64xf32, #tpu.memory_space<vmem>> -> memref<40x64xf32, #tpu.memory_space<vmem>>
      %dma_wait3A_202 = arith.constant 320 : i32
      %dma_wait3A_203 = tpu.memref_slice %arg13[%dma_wait3A_202] : memref<648xi32, #tpu.memory_space<vmem>> -> memref<40xi32, #tpu.memory_space<vmem>>
      %dma_wait3A_204 = arith.constant 0 : i32
      %dma_wait3A_205 = arith.constant 0 : i32
      %dma_wait3A_206 = tpu.memref_slice %arg4[%dma_wait3A_204, %dma_wait3A_205] : memref<100000x64xf32, #tpu.memory_space<hbm>> -> memref<100000x64xf32, #tpu.memory_space<hbm>>
      tpu.wait_indirect_dma semaphore(%arg19 : memref<!tpu.dma_semaphore, #tpu.memory_space<semaphore_mem>>) src(%dma_wait3A_206 : memref<100000x64xf32, #tpu.memory_space<hbm>>) dst(%dma_wait3A_201 : memref<40x64xf32, #tpu.memory_space<vmem>>)
    } else {
    }
    %gt3A_159 = arith.constant 360 : i32
    %gt3A_160 = arith.cmpi sgt, %sub3A_36, %gt3A_159 : i32
    %convert_element_type3A_161 = arith.extui %gt3A_160 : i1 to i32
    %cond3A_162 = arith.constant 0 : i32
    %cond3A_163 = arith.cmpi ne, %convert_element_type3A_161, %cond3A_162 : i32
    scf.if %cond3A_163 {
      %dma_wait3A = arith.constant 360 : i32
      %dma_wait3A_200 = arith.constant 0 : i32
      %dma_wait3A_201 = tpu.memref_slice %arg14[%dma_wait3A, %dma_wait3A_200] : memref<648x64xf32, #tpu.memory_space<vmem>> -> memref<40x64xf32, #tpu.memory_space<vmem>>
      %dma_wait3A_202 = arith.constant 360 : i32
      %dma_wait3A_203 = tpu.memref_slice %arg13[%dma_wait3A_202] : memref<648xi32, #tpu.memory_space<vmem>> -> memref<40xi32, #tpu.memory_space<vmem>>
      %dma_wait3A_204 = arith.constant 0 : i32
      %dma_wait3A_205 = arith.constant 0 : i32
      %dma_wait3A_206 = tpu.memref_slice %arg4[%dma_wait3A_204, %dma_wait3A_205] : memref<100000x64xf32, #tpu.memory_space<hbm>> -> memref<100000x64xf32, #tpu.memory_space<hbm>>
      tpu.wait_indirect_dma semaphore(%arg19 : memref<!tpu.dma_semaphore, #tpu.memory_space<semaphore_mem>>) src(%dma_wait3A_206 : memref<100000x64xf32, #tpu.memory_space<hbm>>) dst(%dma_wait3A_201 : memref<40x64xf32, #tpu.memory_space<vmem>>)
    } else {
    }
    %gt3A_164 = arith.constant 400 : i32
    %gt3A_165 = arith.cmpi sgt, %sub3A_36, %gt3A_164 : i32
    %convert_element_type3A_166 = arith.extui %gt3A_165 : i1 to i32
    %cond3A_167 = arith.constant 0 : i32
    %cond3A_168 = arith.cmpi ne, %convert_element_type3A_166, %cond3A_167 : i32
    scf.if %cond3A_168 {
      %dma_wait3A = arith.constant 400 : i32
      %dma_wait3A_200 = arith.constant 0 : i32
      %dma_wait3A_201 = tpu.memref_slice %arg14[%dma_wait3A, %dma_wait3A_200] : memref<648x64xf32, #tpu.memory_space<vmem>> -> memref<40x64xf32, #tpu.memory_space<vmem>>
      %dma_wait3A_202 = arith.constant 400 : i32
      %dma_wait3A_203 = tpu.memref_slice %arg13[%dma_wait3A_202] : memref<648xi32, #tpu.memory_space<vmem>> -> memref<40xi32, #tpu.memory_space<vmem>>
      %dma_wait3A_204 = arith.constant 0 : i32
      %dma_wait3A_205 = arith.constant 0 : i32
      %dma_wait3A_206 = tpu.memref_slice %arg4[%dma_wait3A_204, %dma_wait3A_205] : memref<100000x64xf32, #tpu.memory_space<hbm>> -> memref<100000x64xf32, #tpu.memory_space<hbm>>
      tpu.wait_indirect_dma semaphore(%arg19 : memref<!tpu.dma_semaphore, #tpu.memory_space<semaphore_mem>>) src(%dma_wait3A_206 : memref<100000x64xf32, #tpu.memory_space<hbm>>) dst(%dma_wait3A_201 : memref<40x64xf32, #tpu.memory_space<vmem>>)
    } else {
    }
    %gt3A_169 = arith.constant 440 : i32
    %gt3A_170 = arith.cmpi sgt, %sub3A_36, %gt3A_169 : i32
    %convert_element_type3A_171 = arith.extui %gt3A_170 : i1 to i32
    %cond3A_172 = arith.constant 0 : i32
    %cond3A_173 = arith.cmpi ne, %convert_element_type3A_171, %cond3A_172 : i32
    scf.if %cond3A_173 {
      %dma_wait3A = arith.constant 440 : i32
      %dma_wait3A_200 = arith.constant 0 : i32
      %dma_wait3A_201 = tpu.memref_slice %arg14[%dma_wait3A, %dma_wait3A_200] : memref<648x64xf32, #tpu.memory_space<vmem>> -> memref<40x64xf32, #tpu.memory_space<vmem>>
      %dma_wait3A_202 = arith.constant 440 : i32
      %dma_wait3A_203 = tpu.memref_slice %arg13[%dma_wait3A_202] : memref<648xi32, #tpu.memory_space<vmem>> -> memref<40xi32, #tpu.memory_space<vmem>>
      %dma_wait3A_204 = arith.constant 0 : i32
      %dma_wait3A_205 = arith.constant 0 : i32
      %dma_wait3A_206 = tpu.memref_slice %arg4[%dma_wait3A_204, %dma_wait3A_205] : memref<100000x64xf32, #tpu.memory_space<hbm>> -> memref<100000x64xf32, #tpu.memory_space<hbm>>
      tpu.wait_indirect_dma semaphore(%arg19 : memref<!tpu.dma_semaphore, #tpu.memory_space<semaphore_mem>>) src(%dma_wait3A_206 : memref<100000x64xf32, #tpu.memory_space<hbm>>) dst(%dma_wait3A_201 : memref<40x64xf32, #tpu.memory_space<vmem>>)
    } else {
    }
    %gt3A_174 = arith.constant 480 : i32
    %gt3A_175 = arith.cmpi sgt, %sub3A_36, %gt3A_174 : i32
    %convert_element_type3A_176 = arith.extui %gt3A_175 : i1 to i32
    %cond3A_177 = arith.constant 0 : i32
    %cond3A_178 = arith.cmpi ne, %convert_element_type3A_176, %cond3A_177 : i32
    scf.if %cond3A_178 {
      %dma_wait3A = arith.constant 480 : i32
      %dma_wait3A_200 = arith.constant 0 : i32
      %dma_wait3A_201 = tpu.memref_slice %arg14[%dma_wait3A, %dma_wait3A_200] : memref<648x64xf32, #tpu.memory_space<vmem>> -> memref<40x64xf32, #tpu.memory_space<vmem>>
      %dma_wait3A_202 = arith.constant 480 : i32
      %dma_wait3A_203 = tpu.memref_slice %arg13[%dma_wait3A_202] : memref<648xi32, #tpu.memory_space<vmem>> -> memref<40xi32, #tpu.memory_space<vmem>>
      %dma_wait3A_204 = arith.constant 0 : i32
      %dma_wait3A_205 = arith.constant 0 : i32
      %dma_wait3A_206 = tpu.memref_slice %arg4[%dma_wait3A_204, %dma_wait3A_205] : memref<100000x64xf32, #tpu.memory_space<hbm>> -> memref<100000x64xf32, #tpu.memory_space<hbm>>
      tpu.wait_indirect_dma semaphore(%arg19 : memref<!tpu.dma_semaphore, #tpu.memory_space<semaphore_mem>>) src(%dma_wait3A_206 : memref<100000x64xf32, #tpu.memory_space<hbm>>) dst(%dma_wait3A_201 : memref<40x64xf32, #tpu.memory_space<vmem>>)
    } else {
    }
    %gt3A_179 = arith.constant 520 : i32
    %gt3A_180 = arith.cmpi sgt, %sub3A_36, %gt3A_179 : i32
    %convert_element_type3A_181 = arith.extui %gt3A_180 : i1 to i32
    %cond3A_182 = arith.constant 0 : i32
    %cond3A_183 = arith.cmpi ne, %convert_element_type3A_181, %cond3A_182 : i32
    scf.if %cond3A_183 {
      %dma_wait3A = arith.constant 520 : i32
      %dma_wait3A_200 = arith.constant 0 : i32
      %dma_wait3A_201 = tpu.memref_slice %arg14[%dma_wait3A, %dma_wait3A_200] : memref<648x64xf32, #tpu.memory_space<vmem>> -> memref<40x64xf32, #tpu.memory_space<vmem>>
      %dma_wait3A_202 = arith.constant 520 : i32
      %dma_wait3A_203 = tpu.memref_slice %arg13[%dma_wait3A_202] : memref<648xi32, #tpu.memory_space<vmem>> -> memref<40xi32, #tpu.memory_space<vmem>>
      %dma_wait3A_204 = arith.constant 0 : i32
      %dma_wait3A_205 = arith.constant 0 : i32
      %dma_wait3A_206 = tpu.memref_slice %arg4[%dma_wait3A_204, %dma_wait3A_205] : memref<100000x64xf32, #tpu.memory_space<hbm>> -> memref<100000x64xf32, #tpu.memory_space<hbm>>
      tpu.wait_indirect_dma semaphore(%arg19 : memref<!tpu.dma_semaphore, #tpu.memory_space<semaphore_mem>>) src(%dma_wait3A_206 : memref<100000x64xf32, #tpu.memory_space<hbm>>) dst(%dma_wait3A_201 : memref<40x64xf32, #tpu.memory_space<vmem>>)
    } else {
    }
    %gt3A_184 = arith.constant 560 : i32
    %gt3A_185 = arith.cmpi sgt, %sub3A_36, %gt3A_184 : i32
    %convert_element_type3A_186 = arith.extui %gt3A_185 : i1 to i32
    %cond3A_187 = arith.constant 0 : i32
    %cond3A_188 = arith.cmpi ne, %convert_element_type3A_186, %cond3A_187 : i32
    scf.if %cond3A_188 {
      %dma_wait3A = arith.constant 560 : i32
      %dma_wait3A_200 = arith.constant 0 : i32
      %dma_wait3A_201 = tpu.memref_slice %arg14[%dma_wait3A, %dma_wait3A_200] : memref<648x64xf32, #tpu.memory_space<vmem>> -> memref<40x64xf32, #tpu.memory_space<vmem>>
      %dma_wait3A_202 = arith.constant 560 : i32
      %dma_wait3A_203 = tpu.memref_slice %arg13[%dma_wait3A_202] : memref<648xi32, #tpu.memory_space<vmem>> -> memref<40xi32, #tpu.memory_space<vmem>>
      %dma_wait3A_204 = arith.constant 0 : i32
      %dma_wait3A_205 = arith.constant 0 : i32
      %dma_wait3A_206 = tpu.memref_slice %arg4[%dma_wait3A_204, %dma_wait3A_205] : memref<100000x64xf32, #tpu.memory_space<hbm>> -> memref<100000x64xf32, #tpu.memory_space<hbm>>
      tpu.wait_indirect_dma semaphore(%arg19 : memref<!tpu.dma_semaphore, #tpu.memory_space<semaphore_mem>>) src(%dma_wait3A_206 : memref<100000x64xf32, #tpu.memory_space<hbm>>) dst(%dma_wait3A_201 : memref<40x64xf32, #tpu.memory_space<vmem>>)
    } else {
    }
    %gt3A_189 = arith.constant 600 : i32
    %gt3A_190 = arith.cmpi sgt, %sub3A_36, %gt3A_189 : i32
    %convert_element_type3A_191 = arith.extui %gt3A_190 : i1 to i32
    %cond3A_192 = arith.constant 0 : i32
    %cond3A_193 = arith.cmpi ne, %convert_element_type3A_191, %cond3A_192 : i32
    scf.if %cond3A_193 {
      %dma_wait3A = arith.constant 600 : i32
      %dma_wait3A_200 = arith.constant 0 : i32
      %dma_wait3A_201 = tpu.memref_slice %arg14[%dma_wait3A, %dma_wait3A_200] : memref<648x64xf32, #tpu.memory_space<vmem>> -> memref<40x64xf32, #tpu.memory_space<vmem>>
      %dma_wait3A_202 = arith.constant 600 : i32
      %dma_wait3A_203 = tpu.memref_slice %arg13[%dma_wait3A_202] : memref<648xi32, #tpu.memory_space<vmem>> -> memref<40xi32, #tpu.memory_space<vmem>>
      %dma_wait3A_204 = arith.constant 0 : i32
      %dma_wait3A_205 = arith.constant 0 : i32
      %dma_wait3A_206 = tpu.memref_slice %arg4[%dma_wait3A_204, %dma_wait3A_205] : memref<100000x64xf32, #tpu.memory_space<hbm>> -> memref<100000x64xf32, #tpu.memory_space<hbm>>
      tpu.wait_indirect_dma semaphore(%arg19 : memref<!tpu.dma_semaphore, #tpu.memory_space<semaphore_mem>>) src(%dma_wait3A_206 : memref<100000x64xf32, #tpu.memory_space<hbm>>) dst(%dma_wait3A_201 : memref<40x64xf32, #tpu.memory_space<vmem>>)
    } else {
    }
    %scan3A_194 = arith.constant 0 : i32
    %scan3A_195 = arith.constant 0 : i32
    %scan3A_196 = arith.constant 4 : i32
    %scan3A_197 = arith.addi %scan3A_195, %scan3A_196 : i32
    %scan3A_198 = arith.constant 1 : i32
    scf.for %scan3A_200 = %scan3A_195 to %scan3A_197 step %scan3A_198  : i32 {
      %mul3A_201 = arith.constant 8 : i32
      %mul3A_202 = arith.muli %scan3A_200, %mul3A_201 : i32
      %get3A_203 = arith.index_cast %mul3A_202 : i32 to index
      %get3A_204 = tpu.vector_load %arg12[%get3A_203] {strides = array<i32>} : memref<104xi32, #tpu.memory_space<vmem>>, vector<16xi32>,
      %get3A_205 = vector.shape_cast %get3A_204 : vector<16xi32> to vector<16xi32>
      %slice3A_206 = vector.extract_strided_slice %get3A_205 {offsets = [0], sizes = [1], strides = [1]} : vector<16xi32> to vector<1xi32>
      %squeeze3A_207 = vector.extract %slice3A_206[0] : i32 from vector<1xi32>
      %sub3A_208 = arith.subi %squeeze3A_207, %multiple_of3A_30 : i32
      %slice3A_209 = vector.extract_strided_slice %get3A_205 {offsets = [1], sizes = [1], strides = [1]} : vector<16xi32> to vector<1xi32>
      %squeeze3A_210 = vector.extract %slice3A_209[0] : i32 from vector<1xi32>
      %slice3A_211 = vector.extract_strided_slice %get3A_205 {offsets = [0], sizes = [1], strides = [1]} : vector<16xi32> to vector<1xi32>
      %squeeze3A_212 = vector.extract %slice3A_211[0] : i32 from vector<1xi32>
      %sub3A_213 = arith.subi %squeeze3A_210, %squeeze3A_212 : i32
      %mul3A_214 = arith.constant 8 : i32
      %mul3A_215 = arith.muli %scan3A_200, %mul3A_214 : i32
      %add3A_216 = arith.constant 0 : i32
      %add3A_217 = arith.addi %mul3A_215, %add3A_216 : i32
      %broadcast_in_dim3A = arith.constant 0.000000e+00 : f32
      %broadcast_in_dim3A_218 = vector.broadcast %broadcast_in_dim3A : f32 to vector<16xf32>
      %while3A = arith.constant 0 : i32
      %while3A_219 = arith.subi %sub3A_213, %while3A : i32
      %while3A_220 = arith.addi %while3A, %while3A_219 : i32
      %while3A_221 = arith.constant 1 : i32
      %while3A_222 = arith.divsi %while3A_219, %while3A_221 : i32
      %while3A_223 = arith.muli %while3A_222, %while3A_221 : i32
      %while3A_224 = arith.addi %while3A, %while3A_223 : i32
      %while3A_225 = arith.constant 1 : i32
      %while3A_226:4 = scf.for %while3A_563 = %while3A to %while3A_224 step %while3A_225 iter_args(%while3A_564 = %broadcast_in_dim3A_218, %while3A_565 = %broadcast_in_dim3A_218, %while3A_566 = %broadcast_in_dim3A_218, %while3A_567 = %broadcast_in_dim3A_218) -> (vector<16xf32>, vector<16xf32>, vector<16xf32>, vector<16xf32>)  : i32 {
        %add3A_568 = arith.addi %sub3A_208, %while3A_563 : i32
        %get3A_569 = arith.index_cast %add3A_568 : i32 to index
        %get3A_570 = arith.constant 0 : index
        %get3A_571 = tpu.vector_load %arg14[%get3A_569, %get3A_570] {strides = array<i32>} : memref<648x64xf32, #tpu.memory_space<vmem>>, vector<1x16xf32>,
        %get3A_572 = vector.shape_cast %get3A_571 : vector<1x16xf32> to vector<16xf32>
        %add3A_573 = arith.addf %while3A_564, %get3A_572 : vector<16xf32>
        %add3A_574 = arith.addi %sub3A_208, %while3A_563 : i32
        %get3A_575 = arith.index_cast %add3A_574 : i32 to index
        %get3A_576 = arith.constant 16 : index
        %get3A_577 = tpu.vector_load %arg14[%get3A_575, %get3A_576] {strides = array<i32>} : memref<648x64xf32, #tpu.memory_space<vmem>>, vector<1x16xf32>,
        %get3A_578 = vector.shape_cast %get3A_577 : vector<1x16xf32> to vector<16xf32>
        %add3A_579 = arith.addf %while3A_565, %get3A_578 : vector<16xf32>
        %add3A_580 = arith.addi %sub3A_208, %while3A_563 : i32
        %get3A_581 = arith.index_cast %add3A_580 : i32 to index
        %get3A_582 = arith.constant 32 : index
        %get3A_583 = tpu.vector_load %arg14[%get3A_581, %get3A_582] {strides = array<i32>} : memref<648x64xf32, #tpu.memory_space<vmem>>, vector<1x16xf32>,
        %get3A_584 = vector.shape_cast %get3A_583 : vector<1x16xf32> to vector<16xf32>
        %add3A_585 = arith.addf %while3A_566, %get3A_584 : vector<16xf32>
        %add3A_586 = arith.addi %sub3A_208, %while3A_563 : i32
        %get3A_587 = arith.index_cast %add3A_586 : i32 to index
        %get3A_588 = arith.constant 48 : index
        %get3A_589 = tpu.vector_load %arg14[%get3A_587, %get3A_588] {strides = array<i32>} : memref<648x64xf32, #tpu.memory_space<vmem>>, vector<1x16xf32>,
        %get3A_590 = vector.shape_cast %get3A_589 : vector<1x16xf32> to vector<16xf32>
        %add3A_591 = arith.addf %while3A_567, %get3A_590 : vector<16xf32>
        scf.yield %add3A_573, %add3A_579, %add3A_585, %add3A_591 : vector<16xf32>, vector<16xf32>, vector<16xf32>, vector<16xf32>
      }
      %while3A_227 = arith.constant 1 : i32
      %while3A_228:4 = scf.for %while3A_563 = %while3A_224 to %while3A_220 step %while3A_227 iter_args(%while3A_564 = %while3A_226#0, %while3A_565 = %while3A_226#1, %while3A_566 = %while3A_226#2, %while3A_567 = %while3A_226#3) -> (vector<16xf32>, vector<16xf32>, vector<16xf32>, vector<16xf32>)  : i32 {
        %add3A_568 = arith.addi %sub3A_208, %while3A_563 : i32
        %get3A_569 = arith.index_cast %add3A_568 : i32 to index
        %get3A_570 = arith.constant 0 : index
        %get3A_571 = tpu.vector_load %arg14[%get3A_569, %get3A_570] {strides = array<i32>} : memref<648x64xf32, #tpu.memory_space<vmem>>, vector<1x16xf32>,
        %get3A_572 = vector.shape_cast %get3A_571 : vector<1x16xf32> to vector<16xf32>
        %add3A_573 = arith.addf %while3A_564, %get3A_572 : vector<16xf32>
        %add3A_574 = arith.addi %sub3A_208, %while3A_563 : i32
        %get3A_575 = arith.index_cast %add3A_574 : i32 to index
        %get3A_576 = arith.constant 16 : index
        %get3A_577 = tpu.vector_load %arg14[%get3A_575, %get3A_576] {strides = array<i32>} : memref<648x64xf32, #tpu.memory_space<vmem>>, vector<1x16xf32>,
        %get3A_578 = vector.shape_cast %get3A_577 : vector<1x16xf32> to vector<16xf32>
        %add3A_579 = arith.addf %while3A_565, %get3A_578 : vector<16xf32>
        %add3A_580 = arith.addi %sub3A_208, %while3A_563 : i32
        %get3A_581 = arith.index_cast %add3A_580 : i32 to index
        %get3A_582 = arith.constant 32 : index
        %get3A_583 = tpu.vector_load %arg14[%get3A_581, %get3A_582] {strides = array<i32>} : memref<648x64xf32, #tpu.memory_space<vmem>>, vector<1x16xf32>,
        %get3A_584 = vector.shape_cast %get3A_583 : vector<1x16xf32> to vector<16xf32>
        %add3A_585 = arith.addf %while3A_566, %get3A_584 : vector<16xf32>
        %add3A_586 = arith.addi %sub3A_208, %while3A_563 : i32
        %get3A_587 = arith.index_cast %add3A_586 : i32 to index
        %get3A_588 = arith.constant 48 : index
        %get3A_589 = tpu.vector_load %arg14[%get3A_587, %get3A_588] {strides = array<i32>} : memref<648x64xf32, #tpu.memory_space<vmem>>, vector<1x16xf32>,
        %get3A_590 = vector.shape_cast %get3A_589 : vector<1x16xf32> to vector<16xf32>
        %add3A_591 = arith.addf %while3A_567, %get3A_590 : vector<16xf32>
        scf.yield %add3A_573, %add3A_579, %add3A_585, %add3A_591 : vector<16xf32>, vector<16xf32>, vector<16xf32>, vector<16xf32>
      }
      %swap3A = arith.index_cast %add3A_217 : i32 to index
      %swap3A_229 = arith.constant 0 : index
      %swap3A_230 = tpu.vector_load %arg18[%swap3A, %swap3A_229] {strides = array<i32>} : memref<32x64xf32, #tpu.memory_space<vmem>>, vector<1x16xf32>,
      %swap3A_231 = vector.shape_cast %swap3A_230 : vector<1x16xf32> to vector<16xf32>
      %swap3A_232 = vector.shape_cast %while3A_228#0 : vector<16xf32> to vector<1x16xf32>
      tpu.vector_store %arg18[%swap3A, %swap3A_229], %swap3A_232 {strides = array<i32>} : memref<32x64xf32, #tpu.memory_space<vmem>>, vector<1x16xf32>,
      %swap3A_233 = arith.index_cast %add3A_217 : i32 to index
      %swap3A_234 = arith.constant 16 : index
      %swap3A_235 = tpu.vector_load %arg18[%swap3A_233, %swap3A_234] {strides = array<i32>} : memref<32x64xf32, #tpu.memory_space<vmem>>, vector<1x16xf32>,
      %swap3A_236 = vector.shape_cast %swap3A_235 : vector<1x16xf32> to vector<16xf32>
      %swap3A_237 = vector.shape_cast %while3A_228#1 : vector<16xf32> to vector<1x16xf32>
      tpu.vector_store %arg18[%swap3A_233, %swap3A_234], %swap3A_237 {strides = array<i32>} : memref<32x64xf32, #tpu.memory_space<vmem>>, vector<1x16xf32>,
      %swap3A_238 = arith.index_cast %add3A_217 : i32 to index
      %swap3A_239 = arith.constant 32 : index
      %swap3A_240 = tpu.vector_load %arg18[%swap3A_238, %swap3A_239] {strides = array<i32>} : memref<32x64xf32, #tpu.memory_space<vmem>>, vector<1x16xf32>,
      %swap3A_241 = vector.shape_cast %swap3A_240 : vector<1x16xf32> to vector<16xf32>
      %swap3A_242 = vector.shape_cast %while3A_228#2 : vector<16xf32> to vector<1x16xf32>
      tpu.vector_store %arg18[%swap3A_238, %swap3A_239], %swap3A_242 {strides = array<i32>} : memref<32x64xf32, #tpu.memory_space<vmem>>, vector<1x16xf32>,
      %swap3A_243 = arith.index_cast %add3A_217 : i32 to index
      %swap3A_244 = arith.constant 48 : index
      %swap3A_245 = tpu.vector_load %arg18[%swap3A_243, %swap3A_244] {strides = array<i32>} : memref<32x64xf32, #tpu.memory_space<vmem>>, vector<1x16xf32>,
      %swap3A_246 = vector.shape_cast %swap3A_245 : vector<1x16xf32> to vector<16xf32>
      %swap3A_247 = vector.shape_cast %while3A_228#3 : vector<16xf32> to vector<1x16xf32>
      tpu.vector_store %arg18[%swap3A_243, %swap3A_244], %swap3A_247 {strides = array<i32>} : memref<32x64xf32, #tpu.memory_space<vmem>>, vector<1x16xf32>,
      %slice3A_248 = vector.extract_strided_slice %get3A_205 {offsets = [1], sizes = [1], strides = [1]} : vector<16xi32> to vector<1xi32>
      %squeeze3A_249 = vector.extract %slice3A_248[0] : i32 from vector<1xi32>
      %sub3A_250 = arith.subi %squeeze3A_249, %multiple_of3A_30 : i32
      %slice3A_251 = vector.extract_strided_slice %get3A_205 {offsets = [2], sizes = [1], strides = [1]} : vector<16xi32> to vector<1xi32>
      %squeeze3A_252 = vector.extract %slice3A_251[0] : i32 from vector<1xi32>
      %slice3A_253 = vector.extract_strided_slice %get3A_205 {offsets = [1], sizes = [1], strides = [1]} : vector<16xi32> to vector<1xi32>
      %squeeze3A_254 = vector.extract %slice3A_253[0] : i32 from vector<1xi32>
      %sub3A_255 = arith.subi %squeeze3A_252, %squeeze3A_254 : i32
      %mul3A_256 = arith.constant 8 : i32
      %mul3A_257 = arith.muli %scan3A_200, %mul3A_256 : i32
      %add3A_258 = arith.constant 1 : i32
      %add3A_259 = arith.addi %mul3A_257, %add3A_258 : i32
      %broadcast_in_dim3A_260 = arith.constant 0.000000e+00 : f32
      %broadcast_in_dim3A_261 = vector.broadcast %broadcast_in_dim3A_260 : f32 to vector<16xf32>
      %while3A_262 = arith.constant 0 : i32
      %while3A_263 = arith.subi %sub3A_255, %while3A_262 : i32
      %while3A_264 = arith.addi %while3A_262, %while3A_263 : i32
      %while3A_265 = arith.constant 1 : i32
      %while3A_266 = arith.divsi %while3A_263, %while3A_265 : i32
      %while3A_267 = arith.muli %while3A_266, %while3A_265 : i32
      %while3A_268 = arith.addi %while3A_262, %while3A_267 : i32
      %while3A_269 = arith.constant 1 : i32
      %while3A_270:4 = scf.for %while3A_563 = %while3A_262 to %while3A_268 step %while3A_269 iter_args(%while3A_564 = %broadcast_in_dim3A_261, %while3A_565 = %broadcast_in_dim3A_261, %while3A_566 = %broadcast_in_dim3A_261, %while3A_567 = %broadcast_in_dim3A_261) -> (vector<16xf32>, vector<16xf32>, vector<16xf32>, vector<16xf32>)  : i32 {
        %add3A_568 = arith.addi %sub3A_250, %while3A_563 : i32
        %get3A_569 = arith.index_cast %add3A_568 : i32 to index
        %get3A_570 = arith.constant 0 : index
        %get3A_571 = tpu.vector_load %arg14[%get3A_569, %get3A_570] {strides = array<i32>} : memref<648x64xf32, #tpu.memory_space<vmem>>, vector<1x16xf32>,
        %get3A_572 = vector.shape_cast %get3A_571 : vector<1x16xf32> to vector<16xf32>
        %add3A_573 = arith.addf %while3A_564, %get3A_572 : vector<16xf32>
        %add3A_574 = arith.addi %sub3A_250, %while3A_563 : i32
        %get3A_575 = arith.index_cast %add3A_574 : i32 to index
        %get3A_576 = arith.constant 16 : index
        %get3A_577 = tpu.vector_load %arg14[%get3A_575, %get3A_576] {strides = array<i32>} : memref<648x64xf32, #tpu.memory_space<vmem>>, vector<1x16xf32>,
        %get3A_578 = vector.shape_cast %get3A_577 : vector<1x16xf32> to vector<16xf32>
        %add3A_579 = arith.addf %while3A_565, %get3A_578 : vector<16xf32>
        %add3A_580 = arith.addi %sub3A_250, %while3A_563 : i32
        %get3A_581 = arith.index_cast %add3A_580 : i32 to index
        %get3A_582 = arith.constant 32 : index
        %get3A_583 = tpu.vector_load %arg14[%get3A_581, %get3A_582] {strides = array<i32>} : memref<648x64xf32, #tpu.memory_space<vmem>>, vector<1x16xf32>,
        %get3A_584 = vector.shape_cast %get3A_583 : vector<1x16xf32> to vector<16xf32>
        %add3A_585 = arith.addf %while3A_566, %get3A_584 : vector<16xf32>
        %add3A_586 = arith.addi %sub3A_250, %while3A_563 : i32
        %get3A_587 = arith.index_cast %add3A_586 : i32 to index
        %get3A_588 = arith.constant 48 : index
        %get3A_589 = tpu.vector_load %arg14[%get3A_587, %get3A_588] {strides = array<i32>} : memref<648x64xf32, #tpu.memory_space<vmem>>, vector<1x16xf32>,
        %get3A_590 = vector.shape_cast %get3A_589 : vector<1x16xf32> to vector<16xf32>
        %add3A_591 = arith.addf %while3A_567, %get3A_590 : vector<16xf32>
        scf.yield %add3A_573, %add3A_579, %add3A_585, %add3A_591 : vector<16xf32>, vector<16xf32>, vector<16xf32>, vector<16xf32>
      }
      %while3A_271 = arith.constant 1 : i32
      %while3A_272:4 = scf.for %while3A_563 = %while3A_268 to %while3A_264 step %while3A_271 iter_args(%while3A_564 = %while3A_270#0, %while3A_565 = %while3A_270#1, %while3A_566 = %while3A_270#2, %while3A_567 = %while3A_270#3) -> (vector<16xf32>, vector<16xf32>, vector<16xf32>, vector<16xf32>)  : i32 {
        %add3A_568 = arith.addi %sub3A_250, %while3A_563 : i32
        %get3A_569 = arith.index_cast %add3A_568 : i32 to index
        %get3A_570 = arith.constant 0 : index
        %get3A_571 = tpu.vector_load %arg14[%get3A_569, %get3A_570] {strides = array<i32>} : memref<648x64xf32, #tpu.memory_space<vmem>>, vector<1x16xf32>,
        %get3A_572 = vector.shape_cast %get3A_571 : vector<1x16xf32> to vector<16xf32>
        %add3A_573 = arith.addf %while3A_564, %get3A_572 : vector<16xf32>
        %add3A_574 = arith.addi %sub3A_250, %while3A_563 : i32
        %get3A_575 = arith.index_cast %add3A_574 : i32 to index
        %get3A_576 = arith.constant 16 : index
        %get3A_577 = tpu.vector_load %arg14[%get3A_575, %get3A_576] {strides = array<i32>} : memref<648x64xf32, #tpu.memory_space<vmem>>, vector<1x16xf32>,
        %get3A_578 = vector.shape_cast %get3A_577 : vector<1x16xf32> to vector<16xf32>
        %add3A_579 = arith.addf %while3A_565, %get3A_578 : vector<16xf32>
        %add3A_580 = arith.addi %sub3A_250, %while3A_563 : i32
        %get3A_581 = arith.index_cast %add3A_580 : i32 to index
        %get3A_582 = arith.constant 32 : index
        %get3A_583 = tpu.vector_load %arg14[%get3A_581, %get3A_582] {strides = array<i32>} : memref<648x64xf32, #tpu.memory_space<vmem>>, vector<1x16xf32>,
        %get3A_584 = vector.shape_cast %get3A_583 : vector<1x16xf32> to vector<16xf32>
        %add3A_585 = arith.addf %while3A_566, %get3A_584 : vector<16xf32>
        %add3A_586 = arith.addi %sub3A_250, %while3A_563 : i32
        %get3A_587 = arith.index_cast %add3A_586 : i32 to index
        %get3A_588 = arith.constant 48 : index
        %get3A_589 = tpu.vector_load %arg14[%get3A_587, %get3A_588] {strides = array<i32>} : memref<648x64xf32, #tpu.memory_space<vmem>>, vector<1x16xf32>,
        %get3A_590 = vector.shape_cast %get3A_589 : vector<1x16xf32> to vector<16xf32>
        %add3A_591 = arith.addf %while3A_567, %get3A_590 : vector<16xf32>
        scf.yield %add3A_573, %add3A_579, %add3A_585, %add3A_591 : vector<16xf32>, vector<16xf32>, vector<16xf32>, vector<16xf32>
      }
      %swap3A_273 = arith.index_cast %add3A_259 : i32 to index
      %swap3A_274 = arith.constant 0 : index
      %swap3A_275 = tpu.vector_load %arg18[%swap3A_273, %swap3A_274] {strides = array<i32>} : memref<32x64xf32, #tpu.memory_space<vmem>>, vector<1x16xf32>,
      %swap3A_276 = vector.shape_cast %swap3A_275 : vector<1x16xf32> to vector<16xf32>
      %swap3A_277 = vector.shape_cast %while3A_272#0 : vector<16xf32> to vector<1x16xf32>
      tpu.vector_store %arg18[%swap3A_273, %swap3A_274], %swap3A_277 {strides = array<i32>} : memref<32x64xf32, #tpu.memory_space<vmem>>, vector<1x16xf32>,
      %swap3A_278 = arith.index_cast %add3A_259 : i32 to index
      %swap3A_279 = arith.constant 16 : index
      %swap3A_280 = tpu.vector_load %arg18[%swap3A_278, %swap3A_279] {strides = array<i32>} : memref<32x64xf32, #tpu.memory_space<vmem>>, vector<1x16xf32>,
      %swap3A_281 = vector.shape_cast %swap3A_280 : vector<1x16xf32> to vector<16xf32>
      %swap3A_282 = vector.shape_cast %while3A_272#1 : vector<16xf32> to vector<1x16xf32>
      tpu.vector_store %arg18[%swap3A_278, %swap3A_279], %swap3A_282 {strides = array<i32>} : memref<32x64xf32, #tpu.memory_space<vmem>>, vector<1x16xf32>,
      %swap3A_283 = arith.index_cast %add3A_259 : i32 to index
      %swap3A_284 = arith.constant 32 : index
      %swap3A_285 = tpu.vector_load %arg18[%swap3A_283, %swap3A_284] {strides = array<i32>} : memref<32x64xf32, #tpu.memory_space<vmem>>, vector<1x16xf32>,
      %swap3A_286 = vector.shape_cast %swap3A_285 : vector<1x16xf32> to vector<16xf32>
      %swap3A_287 = vector.shape_cast %while3A_272#2 : vector<16xf32> to vector<1x16xf32>
      tpu.vector_store %arg18[%swap3A_283, %swap3A_284], %swap3A_287 {strides = array<i32>} : memref<32x64xf32, #tpu.memory_space<vmem>>, vector<1x16xf32>,
      %swap3A_288 = arith.index_cast %add3A_259 : i32 to index
      %swap3A_289 = arith.constant 48 : index
      %swap3A_290 = tpu.vector_load %arg18[%swap3A_288, %swap3A_289] {strides = array<i32>} : memref<32x64xf32, #tpu.memory_space<vmem>>, vector<1x16xf32>,
      %swap3A_291 = vector.shape_cast %swap3A_290 : vector<1x16xf32> to vector<16xf32>
      %swap3A_292 = vector.shape_cast %while3A_272#3 : vector<16xf32> to vector<1x16xf32>
      tpu.vector_store %arg18[%swap3A_288, %swap3A_289], %swap3A_292 {strides = array<i32>} : memref<32x64xf32, #tpu.memory_space<vmem>>, vector<1x16xf32>,
      %slice3A_293 = vector.extract_strided_slice %get3A_205 {offsets = [2], sizes = [1], strides = [1]} : vector<16xi32> to vector<1xi32>
      %squeeze3A_294 = vector.extract %slice3A_293[0] : i32 from vector<1xi32>
      %sub3A_295 = arith.subi %squeeze3A_294, %multiple_of3A_30 : i32
      %slice3A_296 = vector.extract_strided_slice %get3A_205 {offsets = [3], sizes = [1], strides = [1]} : vector<16xi32> to vector<1xi32>
      %squeeze3A_297 = vector.extract %slice3A_296[0] : i32 from vector<1xi32>
      %slice3A_298 = vector.extract_strided_slice %get3A_205 {offsets = [2], sizes = [1], strides = [1]} : vector<16xi32> to vector<1xi32>
      %squeeze3A_299 = vector.extract %slice3A_298[0] : i32 from vector<1xi32>
      %sub3A_300 = arith.subi %squeeze3A_297, %squeeze3A_299 : i32
      %mul3A_301 = arith.constant 8 : i32
      %mul3A_302 = arith.muli %scan3A_200, %mul3A_301 : i32
      %add3A_303 = arith.constant 2 : i32
      %add3A_304 = arith.addi %mul3A_302, %add3A_303 : i32
      %broadcast_in_dim3A_305 = arith.constant 0.000000e+00 : f32
      %broadcast_in_dim3A_306 = vector.broadcast %broadcast_in_dim3A_305 : f32 to vector<16xf32>
      %while3A_307 = arith.constant 0 : i32
      %while3A_308 = arith.subi %sub3A_300, %while3A_307 : i32
      %while3A_309 = arith.addi %while3A_307, %while3A_308 : i32
      %while3A_310 = arith.constant 1 : i32
      %while3A_311 = arith.divsi %while3A_308, %while3A_310 : i32
      %while3A_312 = arith.muli %while3A_311, %while3A_310 : i32
      %while3A_313 = arith.addi %while3A_307, %while3A_312 : i32
      %while3A_314 = arith.constant 1 : i32
      %while3A_315:4 = scf.for %while3A_563 = %while3A_307 to %while3A_313 step %while3A_314 iter_args(%while3A_564 = %broadcast_in_dim3A_306, %while3A_565 = %broadcast_in_dim3A_306, %while3A_566 = %broadcast_in_dim3A_306, %while3A_567 = %broadcast_in_dim3A_306) -> (vector<16xf32>, vector<16xf32>, vector<16xf32>, vector<16xf32>)  : i32 {
        %add3A_568 = arith.addi %sub3A_295, %while3A_563 : i32
        %get3A_569 = arith.index_cast %add3A_568 : i32 to index
        %get3A_570 = arith.constant 0 : index
        %get3A_571 = tpu.vector_load %arg14[%get3A_569, %get3A_570] {strides = array<i32>} : memref<648x64xf32, #tpu.memory_space<vmem>>, vector<1x16xf32>,
        %get3A_572 = vector.shape_cast %get3A_571 : vector<1x16xf32> to vector<16xf32>
        %add3A_573 = arith.addf %while3A_564, %get3A_572 : vector<16xf32>
        %add3A_574 = arith.addi %sub3A_295, %while3A_563 : i32
        %get3A_575 = arith.index_cast %add3A_574 : i32 to index
        %get3A_576 = arith.constant 16 : index
        %get3A_577 = tpu.vector_load %arg14[%get3A_575, %get3A_576] {strides = array<i32>} : memref<648x64xf32, #tpu.memory_space<vmem>>, vector<1x16xf32>,
        %get3A_578 = vector.shape_cast %get3A_577 : vector<1x16xf32> to vector<16xf32>
        %add3A_579 = arith.addf %while3A_565, %get3A_578 : vector<16xf32>
        %add3A_580 = arith.addi %sub3A_295, %while3A_563 : i32
        %get3A_581 = arith.index_cast %add3A_580 : i32 to index
        %get3A_582 = arith.constant 32 : index
        %get3A_583 = tpu.vector_load %arg14[%get3A_581, %get3A_582] {strides = array<i32>} : memref<648x64xf32, #tpu.memory_space<vmem>>, vector<1x16xf32>,
        %get3A_584 = vector.shape_cast %get3A_583 : vector<1x16xf32> to vector<16xf32>
        %add3A_585 = arith.addf %while3A_566, %get3A_584 : vector<16xf32>
        %add3A_586 = arith.addi %sub3A_295, %while3A_563 : i32
        %get3A_587 = arith.index_cast %add3A_586 : i32 to index
        %get3A_588 = arith.constant 48 : index
        %get3A_589 = tpu.vector_load %arg14[%get3A_587, %get3A_588] {strides = array<i32>} : memref<648x64xf32, #tpu.memory_space<vmem>>, vector<1x16xf32>,
        %get3A_590 = vector.shape_cast %get3A_589 : vector<1x16xf32> to vector<16xf32>
        %add3A_591 = arith.addf %while3A_567, %get3A_590 : vector<16xf32>
        scf.yield %add3A_573, %add3A_579, %add3A_585, %add3A_591 : vector<16xf32>, vector<16xf32>, vector<16xf32>, vector<16xf32>
      }
      %while3A_316 = arith.constant 1 : i32
      %while3A_317:4 = scf.for %while3A_563 = %while3A_313 to %while3A_309 step %while3A_316 iter_args(%while3A_564 = %while3A_315#0, %while3A_565 = %while3A_315#1, %while3A_566 = %while3A_315#2, %while3A_567 = %while3A_315#3) -> (vector<16xf32>, vector<16xf32>, vector<16xf32>, vector<16xf32>)  : i32 {
        %add3A_568 = arith.addi %sub3A_295, %while3A_563 : i32
        %get3A_569 = arith.index_cast %add3A_568 : i32 to index
        %get3A_570 = arith.constant 0 : index
        %get3A_571 = tpu.vector_load %arg14[%get3A_569, %get3A_570] {strides = array<i32>} : memref<648x64xf32, #tpu.memory_space<vmem>>, vector<1x16xf32>,
        %get3A_572 = vector.shape_cast %get3A_571 : vector<1x16xf32> to vector<16xf32>
        %add3A_573 = arith.addf %while3A_564, %get3A_572 : vector<16xf32>
        %add3A_574 = arith.addi %sub3A_295, %while3A_563 : i32
        %get3A_575 = arith.index_cast %add3A_574 : i32 to index
        %get3A_576 = arith.constant 16 : index
        %get3A_577 = tpu.vector_load %arg14[%get3A_575, %get3A_576] {strides = array<i32>} : memref<648x64xf32, #tpu.memory_space<vmem>>, vector<1x16xf32>,
        %get3A_578 = vector.shape_cast %get3A_577 : vector<1x16xf32> to vector<16xf32>
        %add3A_579 = arith.addf %while3A_565, %get3A_578 : vector<16xf32>
        %add3A_580 = arith.addi %sub3A_295, %while3A_563 : i32
        %get3A_581 = arith.index_cast %add3A_580 : i32 to index
        %get3A_582 = arith.constant 32 : index
        %get3A_583 = tpu.vector_load %arg14[%get3A_581, %get3A_582] {strides = array<i32>} : memref<648x64xf32, #tpu.memory_space<vmem>>, vector<1x16xf32>,
        %get3A_584 = vector.shape_cast %get3A_583 : vector<1x16xf32> to vector<16xf32>
        %add3A_585 = arith.addf %while3A_566, %get3A_584 : vector<16xf32>
        %add3A_586 = arith.addi %sub3A_295, %while3A_563 : i32
        %get3A_587 = arith.index_cast %add3A_586 : i32 to index
        %get3A_588 = arith.constant 48 : index
        %get3A_589 = tpu.vector_load %arg14[%get3A_587, %get3A_588] {strides = array<i32>} : memref<648x64xf32, #tpu.memory_space<vmem>>, vector<1x16xf32>,
        %get3A_590 = vector.shape_cast %get3A_589 : vector<1x16xf32> to vector<16xf32>
        %add3A_591 = arith.addf %while3A_567, %get3A_590 : vector<16xf32>
        scf.yield %add3A_573, %add3A_579, %add3A_585, %add3A_591 : vector<16xf32>, vector<16xf32>, vector<16xf32>, vector<16xf32>
      }
      %swap3A_318 = arith.index_cast %add3A_304 : i32 to index
      %swap3A_319 = arith.constant 0 : index
      %swap3A_320 = tpu.vector_load %arg18[%swap3A_318, %swap3A_319] {strides = array<i32>} : memref<32x64xf32, #tpu.memory_space<vmem>>, vector<1x16xf32>,
      %swap3A_321 = vector.shape_cast %swap3A_320 : vector<1x16xf32> to vector<16xf32>
      %swap3A_322 = vector.shape_cast %while3A_317#0 : vector<16xf32> to vector<1x16xf32>
      tpu.vector_store %arg18[%swap3A_318, %swap3A_319], %swap3A_322 {strides = array<i32>} : memref<32x64xf32, #tpu.memory_space<vmem>>, vector<1x16xf32>,
      %swap3A_323 = arith.index_cast %add3A_304 : i32 to index
      %swap3A_324 = arith.constant 16 : index
      %swap3A_325 = tpu.vector_load %arg18[%swap3A_323, %swap3A_324] {strides = array<i32>} : memref<32x64xf32, #tpu.memory_space<vmem>>, vector<1x16xf32>,
      %swap3A_326 = vector.shape_cast %swap3A_325 : vector<1x16xf32> to vector<16xf32>
      %swap3A_327 = vector.shape_cast %while3A_317#1 : vector<16xf32> to vector<1x16xf32>
      tpu.vector_store %arg18[%swap3A_323, %swap3A_324], %swap3A_327 {strides = array<i32>} : memref<32x64xf32, #tpu.memory_space<vmem>>, vector<1x16xf32>,
      %swap3A_328 = arith.index_cast %add3A_304 : i32 to index
      %swap3A_329 = arith.constant 32 : index
      %swap3A_330 = tpu.vector_load %arg18[%swap3A_328, %swap3A_329] {strides = array<i32>} : memref<32x64xf32, #tpu.memory_space<vmem>>, vector<1x16xf32>,
      %swap3A_331 = vector.shape_cast %swap3A_330 : vector<1x16xf32> to vector<16xf32>
      %swap3A_332 = vector.shape_cast %while3A_317#2 : vector<16xf32> to vector<1x16xf32>
      tpu.vector_store %arg18[%swap3A_328, %swap3A_329], %swap3A_332 {strides = array<i32>} : memref<32x64xf32, #tpu.memory_space<vmem>>, vector<1x16xf32>,
      %swap3A_333 = arith.index_cast %add3A_304 : i32 to index
      %swap3A_334 = arith.constant 48 : index
      %swap3A_335 = tpu.vector_load %arg18[%swap3A_333, %swap3A_334] {strides = array<i32>} : memref<32x64xf32, #tpu.memory_space<vmem>>, vector<1x16xf32>,
      %swap3A_336 = vector.shape_cast %swap3A_335 : vector<1x16xf32> to vector<16xf32>
      %swap3A_337 = vector.shape_cast %while3A_317#3 : vector<16xf32> to vector<1x16xf32>
      tpu.vector_store %arg18[%swap3A_333, %swap3A_334], %swap3A_337 {strides = array<i32>} : memref<32x64xf32, #tpu.memory_space<vmem>>, vector<1x16xf32>,
      %slice3A_338 = vector.extract_strided_slice %get3A_205 {offsets = [3], sizes = [1], strides = [1]} : vector<16xi32> to vector<1xi32>
      %squeeze3A_339 = vector.extract %slice3A_338[0] : i32 from vector<1xi32>
      %sub3A_340 = arith.subi %squeeze3A_339, %multiple_of3A_30 : i32
      %slice3A_341 = vector.extract_strided_slice %get3A_205 {offsets = [4], sizes = [1], strides = [1]} : vector<16xi32> to vector<1xi32>
      %squeeze3A_342 = vector.extract %slice3A_341[0] : i32 from vector<1xi32>
      %slice3A_343 = vector.extract_strided_slice %get3A_205 {offsets = [3], sizes = [1], strides = [1]} : vector<16xi32> to vector<1xi32>
      %squeeze3A_344 = vector.extract %slice3A_343[0] : i32 from vector<1xi32>
      %sub3A_345 = arith.subi %squeeze3A_342, %squeeze3A_344 : i32
      %mul3A_346 = arith.constant 8 : i32
      %mul3A_347 = arith.muli %scan3A_200, %mul3A_346 : i32
      %add3A_348 = arith.constant 3 : i32
      %add3A_349 = arith.addi %mul3A_347, %add3A_348 : i32
      %broadcast_in_dim3A_350 = arith.constant 0.000000e+00 : f32
      %broadcast_in_dim3A_351 = vector.broadcast %broadcast_in_dim3A_350 : f32 to vector<16xf32>
      %while3A_352 = arith.constant 0 : i32
      %while3A_353 = arith.subi %sub3A_345, %while3A_352 : i32
      %while3A_354 = arith.addi %while3A_352, %while3A_353 : i32
      %while3A_355 = arith.constant 1 : i32
      %while3A_356 = arith.divsi %while3A_353, %while3A_355 : i32
      %while3A_357 = arith.muli %while3A_356, %while3A_355 : i32
      %while3A_358 = arith.addi %while3A_352, %while3A_357 : i32
      %while3A_359 = arith.constant 1 : i32
      %while3A_360:4 = scf.for %while3A_563 = %while3A_352 to %while3A_358 step %while3A_359 iter_args(%while3A_564 = %broadcast_in_dim3A_351, %while3A_565 = %broadcast_in_dim3A_351, %while3A_566 = %broadcast_in_dim3A_351, %while3A_567 = %broadcast_in_dim3A_351) -> (vector<16xf32>, vector<16xf32>, vector<16xf32>, vector<16xf32>)  : i32 {
        %add3A_568 = arith.addi %sub3A_340, %while3A_563 : i32
        %get3A_569 = arith.index_cast %add3A_568 : i32 to index
        %get3A_570 = arith.constant 0 : index
        %get3A_571 = tpu.vector_load %arg14[%get3A_569, %get3A_570] {strides = array<i32>} : memref<648x64xf32, #tpu.memory_space<vmem>>, vector<1x16xf32>,
        %get3A_572 = vector.shape_cast %get3A_571 : vector<1x16xf32> to vector<16xf32>
        %add3A_573 = arith.addf %while3A_564, %get3A_572 : vector<16xf32>
        %add3A_574 = arith.addi %sub3A_340, %while3A_563 : i32
        %get3A_575 = arith.index_cast %add3A_574 : i32 to index
        %get3A_576 = arith.constant 16 : index
        %get3A_577 = tpu.vector_load %arg14[%get3A_575, %get3A_576] {strides = array<i32>} : memref<648x64xf32, #tpu.memory_space<vmem>>, vector<1x16xf32>,
        %get3A_578 = vector.shape_cast %get3A_577 : vector<1x16xf32> to vector<16xf32>
        %add3A_579 = arith.addf %while3A_565, %get3A_578 : vector<16xf32>
        %add3A_580 = arith.addi %sub3A_340, %while3A_563 : i32
        %get3A_581 = arith.index_cast %add3A_580 : i32 to index
        %get3A_582 = arith.constant 32 : index
        %get3A_583 = tpu.vector_load %arg14[%get3A_581, %get3A_582] {strides = array<i32>} : memref<648x64xf32, #tpu.memory_space<vmem>>, vector<1x16xf32>,
        %get3A_584 = vector.shape_cast %get3A_583 : vector<1x16xf32> to vector<16xf32>
        %add3A_585 = arith.addf %while3A_566, %get3A_584 : vector<16xf32>
        %add3A_586 = arith.addi %sub3A_340, %while3A_563 : i32
        %get3A_587 = arith.index_cast %add3A_586 : i32 to index
        %get3A_588 = arith.constant 48 : index
        %get3A_589 = tpu.vector_load %arg14[%get3A_587, %get3A_588] {strides = array<i32>} : memref<648x64xf32, #tpu.memory_space<vmem>>, vector<1x16xf32>,
        %get3A_590 = vector.shape_cast %get3A_589 : vector<1x16xf32> to vector<16xf32>
        %add3A_591 = arith.addf %while3A_567, %get3A_590 : vector<16xf32>
        scf.yield %add3A_573, %add3A_579, %add3A_585, %add3A_591 : vector<16xf32>, vector<16xf32>, vector<16xf32>, vector<16xf32>
      }
      %while3A_361 = arith.constant 1 : i32
      %while3A_362:4 = scf.for %while3A_563 = %while3A_358 to %while3A_354 step %while3A_361 iter_args(%while3A_564 = %while3A_360#0, %while3A_565 = %while3A_360#1, %while3A_566 = %while3A_360#2, %while3A_567 = %while3A_360#3) -> (vector<16xf32>, vector<16xf32>, vector<16xf32>, vector<16xf32>)  : i32 {
        %add3A_568 = arith.addi %sub3A_340, %while3A_563 : i32
        %get3A_569 = arith.index_cast %add3A_568 : i32 to index
        %get3A_570 = arith.constant 0 : index
        %get3A_571 = tpu.vector_load %arg14[%get3A_569, %get3A_570] {strides = array<i32>} : memref<648x64xf32, #tpu.memory_space<vmem>>, vector<1x16xf32>,
        %get3A_572 = vector.shape_cast %get3A_571 : vector<1x16xf32> to vector<16xf32>
        %add3A_573 = arith.addf %while3A_564, %get3A_572 : vector<16xf32>
        %add3A_574 = arith.addi %sub3A_340, %while3A_563 : i32
        %get3A_575 = arith.index_cast %add3A_574 : i32 to index
        %get3A_576 = arith.constant 16 : index
        %get3A_577 = tpu.vector_load %arg14[%get3A_575, %get3A_576] {strides = array<i32>} : memref<648x64xf32, #tpu.memory_space<vmem>>, vector<1x16xf32>,
        %get3A_578 = vector.shape_cast %get3A_577 : vector<1x16xf32> to vector<16xf32>
        %add3A_579 = arith.addf %while3A_565, %get3A_578 : vector<16xf32>
        %add3A_580 = arith.addi %sub3A_340, %while3A_563 : i32
        %get3A_581 = arith.index_cast %add3A_580 : i32 to index
        %get3A_582 = arith.constant 32 : index
        %get3A_583 = tpu.vector_load %arg14[%get3A_581, %get3A_582] {strides = array<i32>} : memref<648x64xf32, #tpu.memory_space<vmem>>, vector<1x16xf32>,
        %get3A_584 = vector.shape_cast %get3A_583 : vector<1x16xf32> to vector<16xf32>
        %add3A_585 = arith.addf %while3A_566, %get3A_584 : vector<16xf32>
        %add3A_586 = arith.addi %sub3A_340, %while3A_563 : i32
        %get3A_587 = arith.index_cast %add3A_586 : i32 to index
        %get3A_588 = arith.constant 48 : index
        %get3A_589 = tpu.vector_load %arg14[%get3A_587, %get3A_588] {strides = array<i32>} : memref<648x64xf32, #tpu.memory_space<vmem>>, vector<1x16xf32>,
        %get3A_590 = vector.shape_cast %get3A_589 : vector<1x16xf32> to vector<16xf32>
        %add3A_591 = arith.addf %while3A_567, %get3A_590 : vector<16xf32>
        scf.yield %add3A_573, %add3A_579, %add3A_585, %add3A_591 : vector<16xf32>, vector<16xf32>, vector<16xf32>, vector<16xf32>
      }
      %swap3A_363 = arith.index_cast %add3A_349 : i32 to index
      %swap3A_364 = arith.constant 0 : index
      %swap3A_365 = tpu.vector_load %arg18[%swap3A_363, %swap3A_364] {strides = array<i32>} : memref<32x64xf32, #tpu.memory_space<vmem>>, vector<1x16xf32>,
      %swap3A_366 = vector.shape_cast %swap3A_365 : vector<1x16xf32> to vector<16xf32>
      %swap3A_367 = vector.shape_cast %while3A_362#0 : vector<16xf32> to vector<1x16xf32>
      tpu.vector_store %arg18[%swap3A_363, %swap3A_364], %swap3A_367 {strides = array<i32>} : memref<32x64xf32, #tpu.memory_space<vmem>>, vector<1x16xf32>,
      %swap3A_368 = arith.index_cast %add3A_349 : i32 to index
      %swap3A_369 = arith.constant 16 : index
      %swap3A_370 = tpu.vector_load %arg18[%swap3A_368, %swap3A_369] {strides = array<i32>} : memref<32x64xf32, #tpu.memory_space<vmem>>, vector<1x16xf32>,
      %swap3A_371 = vector.shape_cast %swap3A_370 : vector<1x16xf32> to vector<16xf32>
      %swap3A_372 = vector.shape_cast %while3A_362#1 : vector<16xf32> to vector<1x16xf32>
      tpu.vector_store %arg18[%swap3A_368, %swap3A_369], %swap3A_372 {strides = array<i32>} : memref<32x64xf32, #tpu.memory_space<vmem>>, vector<1x16xf32>,
      %swap3A_373 = arith.index_cast %add3A_349 : i32 to index
      %swap3A_374 = arith.constant 32 : index
      %swap3A_375 = tpu.vector_load %arg18[%swap3A_373, %swap3A_374] {strides = array<i32>} : memref<32x64xf32, #tpu.memory_space<vmem>>, vector<1x16xf32>,
      %swap3A_376 = vector.shape_cast %swap3A_375 : vector<1x16xf32> to vector<16xf32>
      %swap3A_377 = vector.shape_cast %while3A_362#2 : vector<16xf32> to vector<1x16xf32>
      tpu.vector_store %arg18[%swap3A_373, %swap3A_374], %swap3A_377 {strides = array<i32>} : memref<32x64xf32, #tpu.memory_space<vmem>>, vector<1x16xf32>,
      %swap3A_378 = arith.index_cast %add3A_349 : i32 to index
      %swap3A_379 = arith.constant 48 : index
      %swap3A_380 = tpu.vector_load %arg18[%swap3A_378, %swap3A_379] {strides = array<i32>} : memref<32x64xf32, #tpu.memory_space<vmem>>, vector<1x16xf32>,
      %swap3A_381 = vector.shape_cast %swap3A_380 : vector<1x16xf32> to vector<16xf32>
      %swap3A_382 = vector.shape_cast %while3A_362#3 : vector<16xf32> to vector<1x16xf32>
      tpu.vector_store %arg18[%swap3A_378, %swap3A_379], %swap3A_382 {strides = array<i32>} : memref<32x64xf32, #tpu.memory_space<vmem>>, vector<1x16xf32>,
      %slice3A_383 = vector.extract_strided_slice %get3A_205 {offsets = [4], sizes = [1], strides = [1]} : vector<16xi32> to vector<1xi32>
      %squeeze3A_384 = vector.extract %slice3A_383[0] : i32 from vector<1xi32>
      %sub3A_385 = arith.subi %squeeze3A_384, %multiple_of3A_30 : i32
      %slice3A_386 = vector.extract_strided_slice %get3A_205 {offsets = [5], sizes = [1], strides = [1]} : vector<16xi32> to vector<1xi32>
      %squeeze3A_387 = vector.extract %slice3A_386[0] : i32 from vector<1xi32>
      %slice3A_388 = vector.extract_strided_slice %get3A_205 {offsets = [4], sizes = [1], strides = [1]} : vector<16xi32> to vector<1xi32>
      %squeeze3A_389 = vector.extract %slice3A_388[0] : i32 from vector<1xi32>
      %sub3A_390 = arith.subi %squeeze3A_387, %squeeze3A_389 : i32
      %mul3A_391 = arith.constant 8 : i32
      %mul3A_392 = arith.muli %scan3A_200, %mul3A_391 : i32
      %add3A_393 = arith.constant 4 : i32
      %add3A_394 = arith.addi %mul3A_392, %add3A_393 : i32
      %broadcast_in_dim3A_395 = arith.constant 0.000000e+00 : f32
      %broadcast_in_dim3A_396 = vector.broadcast %broadcast_in_dim3A_395 : f32 to vector<16xf32>
      %while3A_397 = arith.constant 0 : i32
      %while3A_398 = arith.subi %sub3A_390, %while3A_397 : i32
      %while3A_399 = arith.addi %while3A_397, %while3A_398 : i32
      %while3A_400 = arith.constant 1 : i32
      %while3A_401 = arith.divsi %while3A_398, %while3A_400 : i32
      %while3A_402 = arith.muli %while3A_401, %while3A_400 : i32
      %while3A_403 = arith.addi %while3A_397, %while3A_402 : i32
      %while3A_404 = arith.constant 1 : i32
      %while3A_405:4 = scf.for %while3A_563 = %while3A_397 to %while3A_403 step %while3A_404 iter_args(%while3A_564 = %broadcast_in_dim3A_396, %while3A_565 = %broadcast_in_dim3A_396, %while3A_566 = %broadcast_in_dim3A_396, %while3A_567 = %broadcast_in_dim3A_396) -> (vector<16xf32>, vector<16xf32>, vector<16xf32>, vector<16xf32>)  : i32 {
        %add3A_568 = arith.addi %sub3A_385, %while3A_563 : i32
        %get3A_569 = arith.index_cast %add3A_568 : i32 to index
        %get3A_570 = arith.constant 0 : index
        %get3A_571 = tpu.vector_load %arg14[%get3A_569, %get3A_570] {strides = array<i32>} : memref<648x64xf32, #tpu.memory_space<vmem>>, vector<1x16xf32>,
        %get3A_572 = vector.shape_cast %get3A_571 : vector<1x16xf32> to vector<16xf32>
        %add3A_573 = arith.addf %while3A_564, %get3A_572 : vector<16xf32>
        %add3A_574 = arith.addi %sub3A_385, %while3A_563 : i32
        %get3A_575 = arith.index_cast %add3A_574 : i32 to index
        %get3A_576 = arith.constant 16 : index
        %get3A_577 = tpu.vector_load %arg14[%get3A_575, %get3A_576] {strides = array<i32>} : memref<648x64xf32, #tpu.memory_space<vmem>>, vector<1x16xf32>,
        %get3A_578 = vector.shape_cast %get3A_577 : vector<1x16xf32> to vector<16xf32>
        %add3A_579 = arith.addf %while3A_565, %get3A_578 : vector<16xf32>
        %add3A_580 = arith.addi %sub3A_385, %while3A_563 : i32
        %get3A_581 = arith.index_cast %add3A_580 : i32 to index
        %get3A_582 = arith.constant 32 : index
        %get3A_583 = tpu.vector_load %arg14[%get3A_581, %get3A_582] {strides = array<i32>} : memref<648x64xf32, #tpu.memory_space<vmem>>, vector<1x16xf32>,
        %get3A_584 = vector.shape_cast %get3A_583 : vector<1x16xf32> to vector<16xf32>
        %add3A_585 = arith.addf %while3A_566, %get3A_584 : vector<16xf32>
        %add3A_586 = arith.addi %sub3A_385, %while3A_563 : i32
        %get3A_587 = arith.index_cast %add3A_586 : i32 to index
        %get3A_588 = arith.constant 48 : index
        %get3A_589 = tpu.vector_load %arg14[%get3A_587, %get3A_588] {strides = array<i32>} : memref<648x64xf32, #tpu.memory_space<vmem>>, vector<1x16xf32>,
        %get3A_590 = vector.shape_cast %get3A_589 : vector<1x16xf32> to vector<16xf32>
        %add3A_591 = arith.addf %while3A_567, %get3A_590 : vector<16xf32>
        scf.yield %add3A_573, %add3A_579, %add3A_585, %add3A_591 : vector<16xf32>, vector<16xf32>, vector<16xf32>, vector<16xf32>
      }
      %while3A_406 = arith.constant 1 : i32
      %while3A_407:4 = scf.for %while3A_563 = %while3A_403 to %while3A_399 step %while3A_406 iter_args(%while3A_564 = %while3A_405#0, %while3A_565 = %while3A_405#1, %while3A_566 = %while3A_405#2, %while3A_567 = %while3A_405#3) -> (vector<16xf32>, vector<16xf32>, vector<16xf32>, vector<16xf32>)  : i32 {
        %add3A_568 = arith.addi %sub3A_385, %while3A_563 : i32
        %get3A_569 = arith.index_cast %add3A_568 : i32 to index
        %get3A_570 = arith.constant 0 : index
        %get3A_571 = tpu.vector_load %arg14[%get3A_569, %get3A_570] {strides = array<i32>} : memref<648x64xf32, #tpu.memory_space<vmem>>, vector<1x16xf32>,
        %get3A_572 = vector.shape_cast %get3A_571 : vector<1x16xf32> to vector<16xf32>
        %add3A_573 = arith.addf %while3A_564, %get3A_572 : vector<16xf32>
        %add3A_574 = arith.addi %sub3A_385, %while3A_563 : i32
        %get3A_575 = arith.index_cast %add3A_574 : i32 to index
        %get3A_576 = arith.constant 16 : index
        %get3A_577 = tpu.vector_load %arg14[%get3A_575, %get3A_576] {strides = array<i32>} : memref<648x64xf32, #tpu.memory_space<vmem>>, vector<1x16xf32>,
        %get3A_578 = vector.shape_cast %get3A_577 : vector<1x16xf32> to vector<16xf32>
        %add3A_579 = arith.addf %while3A_565, %get3A_578 : vector<16xf32>
        %add3A_580 = arith.addi %sub3A_385, %while3A_563 : i32
        %get3A_581 = arith.index_cast %add3A_580 : i32 to index
        %get3A_582 = arith.constant 32 : index
        %get3A_583 = tpu.vector_load %arg14[%get3A_581, %get3A_582] {strides = array<i32>} : memref<648x64xf32, #tpu.memory_space<vmem>>, vector<1x16xf32>,
        %get3A_584 = vector.shape_cast %get3A_583 : vector<1x16xf32> to vector<16xf32>
        %add3A_585 = arith.addf %while3A_566, %get3A_584 : vector<16xf32>
        %add3A_586 = arith.addi %sub3A_385, %while3A_563 : i32
        %get3A_587 = arith.index_cast %add3A_586 : i32 to index
        %get3A_588 = arith.constant 48 : index
        %get3A_589 = tpu.vector_load %arg14[%get3A_587, %get3A_588] {strides = array<i32>} : memref<648x64xf32, #tpu.memory_space<vmem>>, vector<1x16xf32>,
        %get3A_590 = vector.shape_cast %get3A_589 : vector<1x16xf32> to vector<16xf32>
        %add3A_591 = arith.addf %while3A_567, %get3A_590 : vector<16xf32>
        scf.yield %add3A_573, %add3A_579, %add3A_585, %add3A_591 : vector<16xf32>, vector<16xf32>, vector<16xf32>, vector<16xf32>
      }
      %swap3A_408 = arith.index_cast %add3A_394 : i32 to index
      %swap3A_409 = arith.constant 0 : index
      %swap3A_410 = tpu.vector_load %arg18[%swap3A_408, %swap3A_409] {strides = array<i32>} : memref<32x64xf32, #tpu.memory_space<vmem>>, vector<1x16xf32>,
      %swap3A_411 = vector.shape_cast %swap3A_410 : vector<1x16xf32> to vector<16xf32>
      %swap3A_412 = vector.shape_cast %while3A_407#0 : vector<16xf32> to vector<1x16xf32>
      tpu.vector_store %arg18[%swap3A_408, %swap3A_409], %swap3A_412 {strides = array<i32>} : memref<32x64xf32, #tpu.memory_space<vmem>>, vector<1x16xf32>,
      %swap3A_413 = arith.index_cast %add3A_394 : i32 to index
      %swap3A_414 = arith.constant 16 : index
      %swap3A_415 = tpu.vector_load %arg18[%swap3A_413, %swap3A_414] {strides = array<i32>} : memref<32x64xf32, #tpu.memory_space<vmem>>, vector<1x16xf32>,
      %swap3A_416 = vector.shape_cast %swap3A_415 : vector<1x16xf32> to vector<16xf32>
      %swap3A_417 = vector.shape_cast %while3A_407#1 : vector<16xf32> to vector<1x16xf32>
      tpu.vector_store %arg18[%swap3A_413, %swap3A_414], %swap3A_417 {strides = array<i32>} : memref<32x64xf32, #tpu.memory_space<vmem>>, vector<1x16xf32>,
      %swap3A_418 = arith.index_cast %add3A_394 : i32 to index
      %swap3A_419 = arith.constant 32 : index
      %swap3A_420 = tpu.vector_load %arg18[%swap3A_418, %swap3A_419] {strides = array<i32>} : memref<32x64xf32, #tpu.memory_space<vmem>>, vector<1x16xf32>,
      %swap3A_421 = vector.shape_cast %swap3A_420 : vector<1x16xf32> to vector<16xf32>
      %swap3A_422 = vector.shape_cast %while3A_407#2 : vector<16xf32> to vector<1x16xf32>
      tpu.vector_store %arg18[%swap3A_418, %swap3A_419], %swap3A_422 {strides = array<i32>} : memref<32x64xf32, #tpu.memory_space<vmem>>, vector<1x16xf32>,
      %swap3A_423 = arith.index_cast %add3A_394 : i32 to index
      %swap3A_424 = arith.constant 48 : index
      %swap3A_425 = tpu.vector_load %arg18[%swap3A_423, %swap3A_424] {strides = array<i32>} : memref<32x64xf32, #tpu.memory_space<vmem>>, vector<1x16xf32>,
      %swap3A_426 = vector.shape_cast %swap3A_425 : vector<1x16xf32> to vector<16xf32>
      %swap3A_427 = vector.shape_cast %while3A_407#3 : vector<16xf32> to vector<1x16xf32>
      tpu.vector_store %arg18[%swap3A_423, %swap3A_424], %swap3A_427 {strides = array<i32>} : memref<32x64xf32, #tpu.memory_space<vmem>>, vector<1x16xf32>,
      %slice3A_428 = vector.extract_strided_slice %get3A_205 {offsets = [5], sizes = [1], strides = [1]} : vector<16xi32> to vector<1xi32>
      %squeeze3A_429 = vector.extract %slice3A_428[0] : i32 from vector<1xi32>
      %sub3A_430 = arith.subi %squeeze3A_429, %multiple_of3A_30 : i32
      %slice3A_431 = vector.extract_strided_slice %get3A_205 {offsets = [6], sizes = [1], strides = [1]} : vector<16xi32> to vector<1xi32>
      %squeeze3A_432 = vector.extract %slice3A_431[0] : i32 from vector<1xi32>
      %slice3A_433 = vector.extract_strided_slice %get3A_205 {offsets = [5], sizes = [1], strides = [1]} : vector<16xi32> to vector<1xi32>
      %squeeze3A_434 = vector.extract %slice3A_433[0] : i32 from vector<1xi32>
      %sub3A_435 = arith.subi %squeeze3A_432, %squeeze3A_434 : i32
      %mul3A_436 = arith.constant 8 : i32
      %mul3A_437 = arith.muli %scan3A_200, %mul3A_436 : i32
      %add3A_438 = arith.constant 5 : i32
      %add3A_439 = arith.addi %mul3A_437, %add3A_438 : i32
      %broadcast_in_dim3A_440 = arith.constant 0.000000e+00 : f32
      %broadcast_in_dim3A_441 = vector.broadcast %broadcast_in_dim3A_440 : f32 to vector<16xf32>
      %while3A_442 = arith.constant 0 : i32
      %while3A_443 = arith.subi %sub3A_435, %while3A_442 : i32
      %while3A_444 = arith.addi %while3A_442, %while3A_443 : i32
      %while3A_445 = arith.constant 1 : i32
      %while3A_446 = arith.divsi %while3A_443, %while3A_445 : i32
      %while3A_447 = arith.muli %while3A_446, %while3A_445 : i32
      %while3A_448 = arith.addi %while3A_442, %while3A_447 : i32
      %while3A_449 = arith.constant 1 : i32
      %while3A_450:4 = scf.for %while3A_563 = %while3A_442 to %while3A_448 step %while3A_449 iter_args(%while3A_564 = %broadcast_in_dim3A_441, %while3A_565 = %broadcast_in_dim3A_441, %while3A_566 = %broadcast_in_dim3A_441, %while3A_567 = %broadcast_in_dim3A_441) -> (vector<16xf32>, vector<16xf32>, vector<16xf32>, vector<16xf32>)  : i32 {
        %add3A_568 = arith.addi %sub3A_430, %while3A_563 : i32
        %get3A_569 = arith.index_cast %add3A_568 : i32 to index
        %get3A_570 = arith.constant 0 : index
        %get3A_571 = tpu.vector_load %arg14[%get3A_569, %get3A_570] {strides = array<i32>} : memref<648x64xf32, #tpu.memory_space<vmem>>, vector<1x16xf32>,
        %get3A_572 = vector.shape_cast %get3A_571 : vector<1x16xf32> to vector<16xf32>
        %add3A_573 = arith.addf %while3A_564, %get3A_572 : vector<16xf32>
        %add3A_574 = arith.addi %sub3A_430, %while3A_563 : i32
        %get3A_575 = arith.index_cast %add3A_574 : i32 to index
        %get3A_576 = arith.constant 16 : index
        %get3A_577 = tpu.vector_load %arg14[%get3A_575, %get3A_576] {strides = array<i32>} : memref<648x64xf32, #tpu.memory_space<vmem>>, vector<1x16xf32>,
        %get3A_578 = vector.shape_cast %get3A_577 : vector<1x16xf32> to vector<16xf32>
        %add3A_579 = arith.addf %while3A_565, %get3A_578 : vector<16xf32>
        %add3A_580 = arith.addi %sub3A_430, %while3A_563 : i32
        %get3A_581 = arith.index_cast %add3A_580 : i32 to index
        %get3A_582 = arith.constant 32 : index
        %get3A_583 = tpu.vector_load %arg14[%get3A_581, %get3A_582] {strides = array<i32>} : memref<648x64xf32, #tpu.memory_space<vmem>>, vector<1x16xf32>,
        %get3A_584 = vector.shape_cast %get3A_583 : vector<1x16xf32> to vector<16xf32>
        %add3A_585 = arith.addf %while3A_566, %get3A_584 : vector<16xf32>
        %add3A_586 = arith.addi %sub3A_430, %while3A_563 : i32
        %get3A_587 = arith.index_cast %add3A_586 : i32 to index
        %get3A_588 = arith.constant 48 : index
        %get3A_589 = tpu.vector_load %arg14[%get3A_587, %get3A_588] {strides = array<i32>} : memref<648x64xf32, #tpu.memory_space<vmem>>, vector<1x16xf32>,
        %get3A_590 = vector.shape_cast %get3A_589 : vector<1x16xf32> to vector<16xf32>
        %add3A_591 = arith.addf %while3A_567, %get3A_590 : vector<16xf32>
        scf.yield %add3A_573, %add3A_579, %add3A_585, %add3A_591 : vector<16xf32>, vector<16xf32>, vector<16xf32>, vector<16xf32>
      }
      %while3A_451 = arith.constant 1 : i32
      %while3A_452:4 = scf.for %while3A_563 = %while3A_448 to %while3A_444 step %while3A_451 iter_args(%while3A_564 = %while3A_450#0, %while3A_565 = %while3A_450#1, %while3A_566 = %while3A_450#2, %while3A_567 = %while3A_450#3) -> (vector<16xf32>, vector<16xf32>, vector<16xf32>, vector<16xf32>)  : i32 {
        %add3A_568 = arith.addi %sub3A_430, %while3A_563 : i32
        %get3A_569 = arith.index_cast %add3A_568 : i32 to index
        %get3A_570 = arith.constant 0 : index
        %get3A_571 = tpu.vector_load %arg14[%get3A_569, %get3A_570] {strides = array<i32>} : memref<648x64xf32, #tpu.memory_space<vmem>>, vector<1x16xf32>,
        %get3A_572 = vector.shape_cast %get3A_571 : vector<1x16xf32> to vector<16xf32>
        %add3A_573 = arith.addf %while3A_564, %get3A_572 : vector<16xf32>
        %add3A_574 = arith.addi %sub3A_430, %while3A_563 : i32
        %get3A_575 = arith.index_cast %add3A_574 : i32 to index
        %get3A_576 = arith.constant 16 : index
        %get3A_577 = tpu.vector_load %arg14[%get3A_575, %get3A_576] {strides = array<i32>} : memref<648x64xf32, #tpu.memory_space<vmem>>, vector<1x16xf32>,
        %get3A_578 = vector.shape_cast %get3A_577 : vector<1x16xf32> to vector<16xf32>
        %add3A_579 = arith.addf %while3A_565, %get3A_578 : vector<16xf32>
        %add3A_580 = arith.addi %sub3A_430, %while3A_563 : i32
        %get3A_581 = arith.index_cast %add3A_580 : i32 to index
        %get3A_582 = arith.constant 32 : index
        %get3A_583 = tpu.vector_load %arg14[%get3A_581, %get3A_582] {strides = array<i32>} : memref<648x64xf32, #tpu.memory_space<vmem>>, vector<1x16xf32>,
        %get3A_584 = vector.shape_cast %get3A_583 : vector<1x16xf32> to vector<16xf32>
        %add3A_585 = arith.addf %while3A_566, %get3A_584 : vector<16xf32>
        %add3A_586 = arith.addi %sub3A_430, %while3A_563 : i32
        %get3A_587 = arith.index_cast %add3A_586 : i32 to index
        %get3A_588 = arith.constant 48 : index
        %get3A_589 = tpu.vector_load %arg14[%get3A_587, %get3A_588] {strides = array<i32>} : memref<648x64xf32, #tpu.memory_space<vmem>>, vector<1x16xf32>,
        %get3A_590 = vector.shape_cast %get3A_589 : vector<1x16xf32> to vector<16xf32>
        %add3A_591 = arith.addf %while3A_567, %get3A_590 : vector<16xf32>
        scf.yield %add3A_573, %add3A_579, %add3A_585, %add3A_591 : vector<16xf32>, vector<16xf32>, vector<16xf32>, vector<16xf32>
      }
      %swap3A_453 = arith.index_cast %add3A_439 : i32 to index
      %swap3A_454 = arith.constant 0 : index
      %swap3A_455 = tpu.vector_load %arg18[%swap3A_453, %swap3A_454] {strides = array<i32>} : memref<32x64xf32, #tpu.memory_space<vmem>>, vector<1x16xf32>,
      %swap3A_456 = vector.shape_cast %swap3A_455 : vector<1x16xf32> to vector<16xf32>
      %swap3A_457 = vector.shape_cast %while3A_452#0 : vector<16xf32> to vector<1x16xf32>
      tpu.vector_store %arg18[%swap3A_453, %swap3A_454], %swap3A_457 {strides = array<i32>} : memref<32x64xf32, #tpu.memory_space<vmem>>, vector<1x16xf32>,
      %swap3A_458 = arith.index_cast %add3A_439 : i32 to index
      %swap3A_459 = arith.constant 16 : index
      %swap3A_460 = tpu.vector_load %arg18[%swap3A_458, %swap3A_459] {strides = array<i32>} : memref<32x64xf32, #tpu.memory_space<vmem>>, vector<1x16xf32>,
      %swap3A_461 = vector.shape_cast %swap3A_460 : vector<1x16xf32> to vector<16xf32>
      %swap3A_462 = vector.shape_cast %while3A_452#1 : vector<16xf32> to vector<1x16xf32>
      tpu.vector_store %arg18[%swap3A_458, %swap3A_459], %swap3A_462 {strides = array<i32>} : memref<32x64xf32, #tpu.memory_space<vmem>>, vector<1x16xf32>,
      %swap3A_463 = arith.index_cast %add3A_439 : i32 to index
      %swap3A_464 = arith.constant 32 : index
      %swap3A_465 = tpu.vector_load %arg18[%swap3A_463, %swap3A_464] {strides = array<i32>} : memref<32x64xf32, #tpu.memory_space<vmem>>, vector<1x16xf32>,
      %swap3A_466 = vector.shape_cast %swap3A_465 : vector<1x16xf32> to vector<16xf32>
      %swap3A_467 = vector.shape_cast %while3A_452#2 : vector<16xf32> to vector<1x16xf32>
      tpu.vector_store %arg18[%swap3A_463, %swap3A_464], %swap3A_467 {strides = array<i32>} : memref<32x64xf32, #tpu.memory_space<vmem>>, vector<1x16xf32>,
      %swap3A_468 = arith.index_cast %add3A_439 : i32 to index
      %swap3A_469 = arith.constant 48 : index
      %swap3A_470 = tpu.vector_load %arg18[%swap3A_468, %swap3A_469] {strides = array<i32>} : memref<32x64xf32, #tpu.memory_space<vmem>>, vector<1x16xf32>,
      %swap3A_471 = vector.shape_cast %swap3A_470 : vector<1x16xf32> to vector<16xf32>
      %swap3A_472 = vector.shape_cast %while3A_452#3 : vector<16xf32> to vector<1x16xf32>
      tpu.vector_store %arg18[%swap3A_468, %swap3A_469], %swap3A_472 {strides = array<i32>} : memref<32x64xf32, #tpu.memory_space<vmem>>, vector<1x16xf32>,
      %slice3A_473 = vector.extract_strided_slice %get3A_205 {offsets = [6], sizes = [1], strides = [1]} : vector<16xi32> to vector<1xi32>
      %squeeze3A_474 = vector.extract %slice3A_473[0] : i32 from vector<1xi32>
      %sub3A_475 = arith.subi %squeeze3A_474, %multiple_of3A_30 : i32
      %slice3A_476 = vector.extract_strided_slice %get3A_205 {offsets = [7], sizes = [1], strides = [1]} : vector<16xi32> to vector<1xi32>
      %squeeze3A_477 = vector.extract %slice3A_476[0] : i32 from vector<1xi32>
      %slice3A_478 = vector.extract_strided_slice %get3A_205 {offsets = [6], sizes = [1], strides = [1]} : vector<16xi32> to vector<1xi32>
      %squeeze3A_479 = vector.extract %slice3A_478[0] : i32 from vector<1xi32>
      %sub3A_480 = arith.subi %squeeze3A_477, %squeeze3A_479 : i32
      %mul3A_481 = arith.constant 8 : i32
      %mul3A_482 = arith.muli %scan3A_200, %mul3A_481 : i32
      %add3A_483 = arith.constant 6 : i32
      %add3A_484 = arith.addi %mul3A_482, %add3A_483 : i32
      %broadcast_in_dim3A_485 = arith.constant 0.000000e+00 : f32
      %broadcast_in_dim3A_486 = vector.broadcast %broadcast_in_dim3A_485 : f32 to vector<16xf32>
      %while3A_487 = arith.constant 0 : i32
      %while3A_488 = arith.subi %sub3A_480, %while3A_487 : i32
      %while3A_489 = arith.addi %while3A_487, %while3A_488 : i32
      %while3A_490 = arith.constant 1 : i32
      %while3A_491 = arith.divsi %while3A_488, %while3A_490 : i32
      %while3A_492 = arith.muli %while3A_491, %while3A_490 : i32
      %while3A_493 = arith.addi %while3A_487, %while3A_492 : i32
      %while3A_494 = arith.constant 1 : i32
      %while3A_495:4 = scf.for %while3A_563 = %while3A_487 to %while3A_493 step %while3A_494 iter_args(%while3A_564 = %broadcast_in_dim3A_486, %while3A_565 = %broadcast_in_dim3A_486, %while3A_566 = %broadcast_in_dim3A_486, %while3A_567 = %broadcast_in_dim3A_486) -> (vector<16xf32>, vector<16xf32>, vector<16xf32>, vector<16xf32>)  : i32 {
        %add3A_568 = arith.addi %sub3A_475, %while3A_563 : i32
        %get3A_569 = arith.index_cast %add3A_568 : i32 to index
        %get3A_570 = arith.constant 0 : index
        %get3A_571 = tpu.vector_load %arg14[%get3A_569, %get3A_570] {strides = array<i32>} : memref<648x64xf32, #tpu.memory_space<vmem>>, vector<1x16xf32>,
        %get3A_572 = vector.shape_cast %get3A_571 : vector<1x16xf32> to vector<16xf32>
        %add3A_573 = arith.addf %while3A_564, %get3A_572 : vector<16xf32>
        %add3A_574 = arith.addi %sub3A_475, %while3A_563 : i32
        %get3A_575 = arith.index_cast %add3A_574 : i32 to index
        %get3A_576 = arith.constant 16 : index
        %get3A_577 = tpu.vector_load %arg14[%get3A_575, %get3A_576] {strides = array<i32>} : memref<648x64xf32, #tpu.memory_space<vmem>>, vector<1x16xf32>,
        %get3A_578 = vector.shape_cast %get3A_577 : vector<1x16xf32> to vector<16xf32>
        %add3A_579 = arith.addf %while3A_565, %get3A_578 : vector<16xf32>
        %add3A_580 = arith.addi %sub3A_475, %while3A_563 : i32
        %get3A_581 = arith.index_cast %add3A_580 : i32 to index
        %get3A_582 = arith.constant 32 : index
        %get3A_583 = tpu.vector_load %arg14[%get3A_581, %get3A_582] {strides = array<i32>} : memref<648x64xf32, #tpu.memory_space<vmem>>, vector<1x16xf32>,
        %get3A_584 = vector.shape_cast %get3A_583 : vector<1x16xf32> to vector<16xf32>
        %add3A_585 = arith.addf %while3A_566, %get3A_584 : vector<16xf32>
        %add3A_586 = arith.addi %sub3A_475, %while3A_563 : i32
        %get3A_587 = arith.index_cast %add3A_586 : i32 to index
        %get3A_588 = arith.constant 48 : index
        %get3A_589 = tpu.vector_load %arg14[%get3A_587, %get3A_588] {strides = array<i32>} : memref<648x64xf32, #tpu.memory_space<vmem>>, vector<1x16xf32>,
        %get3A_590 = vector.shape_cast %get3A_589 : vector<1x16xf32> to vector<16xf32>
        %add3A_591 = arith.addf %while3A_567, %get3A_590 : vector<16xf32>
        scf.yield %add3A_573, %add3A_579, %add3A_585, %add3A_591 : vector<16xf32>, vector<16xf32>, vector<16xf32>, vector<16xf32>
      }
      %while3A_496 = arith.constant 1 : i32
      %while3A_497:4 = scf.for %while3A_563 = %while3A_493 to %while3A_489 step %while3A_496 iter_args(%while3A_564 = %while3A_495#0, %while3A_565 = %while3A_495#1, %while3A_566 = %while3A_495#2, %while3A_567 = %while3A_495#3) -> (vector<16xf32>, vector<16xf32>, vector<16xf32>, vector<16xf32>)  : i32 {
        %add3A_568 = arith.addi %sub3A_475, %while3A_563 : i32
        %get3A_569 = arith.index_cast %add3A_568 : i32 to index
        %get3A_570 = arith.constant 0 : index
        %get3A_571 = tpu.vector_load %arg14[%get3A_569, %get3A_570] {strides = array<i32>} : memref<648x64xf32, #tpu.memory_space<vmem>>, vector<1x16xf32>,
        %get3A_572 = vector.shape_cast %get3A_571 : vector<1x16xf32> to vector<16xf32>
        %add3A_573 = arith.addf %while3A_564, %get3A_572 : vector<16xf32>
        %add3A_574 = arith.addi %sub3A_475, %while3A_563 : i32
        %get3A_575 = arith.index_cast %add3A_574 : i32 to index
        %get3A_576 = arith.constant 16 : index
        %get3A_577 = tpu.vector_load %arg14[%get3A_575, %get3A_576] {strides = array<i32>} : memref<648x64xf32, #tpu.memory_space<vmem>>, vector<1x16xf32>,
        %get3A_578 = vector.shape_cast %get3A_577 : vector<1x16xf32> to vector<16xf32>
        %add3A_579 = arith.addf %while3A_565, %get3A_578 : vector<16xf32>
        %add3A_580 = arith.addi %sub3A_475, %while3A_563 : i32
        %get3A_581 = arith.index_cast %add3A_580 : i32 to index
        %get3A_582 = arith.constant 32 : index
        %get3A_583 = tpu.vector_load %arg14[%get3A_581, %get3A_582] {strides = array<i32>} : memref<648x64xf32, #tpu.memory_space<vmem>>, vector<1x16xf32>,
        %get3A_584 = vector.shape_cast %get3A_583 : vector<1x16xf32> to vector<16xf32>
        %add3A_585 = arith.addf %while3A_566, %get3A_584 : vector<16xf32>
        %add3A_586 = arith.addi %sub3A_475, %while3A_563 : i32
        %get3A_587 = arith.index_cast %add3A_586 : i32 to index
        %get3A_588 = arith.constant 48 : index
        %get3A_589 = tpu.vector_load %arg14[%get3A_587, %get3A_588] {strides = array<i32>} : memref<648x64xf32, #tpu.memory_space<vmem>>, vector<1x16xf32>,
        %get3A_590 = vector.shape_cast %get3A_589 : vector<1x16xf32> to vector<16xf32>
        %add3A_591 = arith.addf %while3A_567, %get3A_590 : vector<16xf32>
        scf.yield %add3A_573, %add3A_579, %add3A_585, %add3A_591 : vector<16xf32>, vector<16xf32>, vector<16xf32>, vector<16xf32>
      }
      %swap3A_498 = arith.index_cast %add3A_484 : i32 to index
      %swap3A_499 = arith.constant 0 : index
      %swap3A_500 = tpu.vector_load %arg18[%swap3A_498, %swap3A_499] {strides = array<i32>} : memref<32x64xf32, #tpu.memory_space<vmem>>, vector<1x16xf32>,
      %swap3A_501 = vector.shape_cast %swap3A_500 : vector<1x16xf32> to vector<16xf32>
      %swap3A_502 = vector.shape_cast %while3A_497#0 : vector<16xf32> to vector<1x16xf32>
      tpu.vector_store %arg18[%swap3A_498, %swap3A_499], %swap3A_502 {strides = array<i32>} : memref<32x64xf32, #tpu.memory_space<vmem>>, vector<1x16xf32>,
      %swap3A_503 = arith.index_cast %add3A_484 : i32 to index
      %swap3A_504 = arith.constant 16 : index
      %swap3A_505 = tpu.vector_load %arg18[%swap3A_503, %swap3A_504] {strides = array<i32>} : memref<32x64xf32, #tpu.memory_space<vmem>>, vector<1x16xf32>,
      %swap3A_506 = vector.shape_cast %swap3A_505 : vector<1x16xf32> to vector<16xf32>
      %swap3A_507 = vector.shape_cast %while3A_497#1 : vector<16xf32> to vector<1x16xf32>
      tpu.vector_store %arg18[%swap3A_503, %swap3A_504], %swap3A_507 {strides = array<i32>} : memref<32x64xf32, #tpu.memory_space<vmem>>, vector<1x16xf32>,
      %swap3A_508 = arith.index_cast %add3A_484 : i32 to index
      %swap3A_509 = arith.constant 32 : index
      %swap3A_510 = tpu.vector_load %arg18[%swap3A_508, %swap3A_509] {strides = array<i32>} : memref<32x64xf32, #tpu.memory_space<vmem>>, vector<1x16xf32>,
      %swap3A_511 = vector.shape_cast %swap3A_510 : vector<1x16xf32> to vector<16xf32>
      %swap3A_512 = vector.shape_cast %while3A_497#2 : vector<16xf32> to vector<1x16xf32>
      tpu.vector_store %arg18[%swap3A_508, %swap3A_509], %swap3A_512 {strides = array<i32>} : memref<32x64xf32, #tpu.memory_space<vmem>>, vector<1x16xf32>,
      %swap3A_513 = arith.index_cast %add3A_484 : i32 to index
      %swap3A_514 = arith.constant 48 : index
      %swap3A_515 = tpu.vector_load %arg18[%swap3A_513, %swap3A_514] {strides = array<i32>} : memref<32x64xf32, #tpu.memory_space<vmem>>, vector<1x16xf32>,
      %swap3A_516 = vector.shape_cast %swap3A_515 : vector<1x16xf32> to vector<16xf32>
      %swap3A_517 = vector.shape_cast %while3A_497#3 : vector<16xf32> to vector<1x16xf32>
      tpu.vector_store %arg18[%swap3A_513, %swap3A_514], %swap3A_517 {strides = array<i32>} : memref<32x64xf32, #tpu.memory_space<vmem>>, vector<1x16xf32>,
      %slice3A_518 = vector.extract_strided_slice %get3A_205 {offsets = [7], sizes = [1], strides = [1]} : vector<16xi32> to vector<1xi32>
      %squeeze3A_519 = vector.extract %slice3A_518[0] : i32 from vector<1xi32>
      %sub3A_520 = arith.subi %squeeze3A_519, %multiple_of3A_30 : i32
      %slice3A_521 = vector.extract_strided_slice %get3A_205 {offsets = [8], sizes = [1], strides = [1]} : vector<16xi32> to vector<1xi32>
      %squeeze3A_522 = vector.extract %slice3A_521[0] : i32 from vector<1xi32>
      %slice3A_523 = vector.extract_strided_slice %get3A_205 {offsets = [7], sizes = [1], strides = [1]} : vector<16xi32> to vector<1xi32>
      %squeeze3A_524 = vector.extract %slice3A_523[0] : i32 from vector<1xi32>
      %sub3A_525 = arith.subi %squeeze3A_522, %squeeze3A_524 : i32
      %mul3A_526 = arith.constant 8 : i32
      %mul3A_527 = arith.muli %scan3A_200, %mul3A_526 : i32
      %add3A_528 = arith.constant 7 : i32
      %add3A_529 = arith.addi %mul3A_527, %add3A_528 : i32
      %broadcast_in_dim3A_530 = arith.constant 0.000000e+00 : f32
      %broadcast_in_dim3A_531 = vector.broadcast %broadcast_in_dim3A_530 : f32 to vector<16xf32>
      %while3A_532 = arith.constant 0 : i32
      %while3A_533 = arith.subi %sub3A_525, %while3A_532 : i32
      %while3A_534 = arith.addi %while3A_532, %while3A_533 : i32
      %while3A_535 = arith.constant 1 : i32
      %while3A_536 = arith.divsi %while3A_533, %while3A_535 : i32
      %while3A_537 = arith.muli %while3A_536, %while3A_535 : i32
      %while3A_538 = arith.addi %while3A_532, %while3A_537 : i32
      %while3A_539 = arith.constant 1 : i32
      %while3A_540:4 = scf.for %while3A_563 = %while3A_532 to %while3A_538 step %while3A_539 iter_args(%while3A_564 = %broadcast_in_dim3A_531, %while3A_565 = %broadcast_in_dim3A_531, %while3A_566 = %broadcast_in_dim3A_531, %while3A_567 = %broadcast_in_dim3A_531) -> (vector<16xf32>, vector<16xf32>, vector<16xf32>, vector<16xf32>)  : i32 {
        %add3A_568 = arith.addi %sub3A_520, %while3A_563 : i32
        %get3A_569 = arith.index_cast %add3A_568 : i32 to index
        %get3A_570 = arith.constant 0 : index
        %get3A_571 = tpu.vector_load %arg14[%get3A_569, %get3A_570] {strides = array<i32>} : memref<648x64xf32, #tpu.memory_space<vmem>>, vector<1x16xf32>,
        %get3A_572 = vector.shape_cast %get3A_571 : vector<1x16xf32> to vector<16xf32>
        %add3A_573 = arith.addf %while3A_564, %get3A_572 : vector<16xf32>
        %add3A_574 = arith.addi %sub3A_520, %while3A_563 : i32
        %get3A_575 = arith.index_cast %add3A_574 : i32 to index
        %get3A_576 = arith.constant 16 : index
        %get3A_577 = tpu.vector_load %arg14[%get3A_575, %get3A_576] {strides = array<i32>} : memref<648x64xf32, #tpu.memory_space<vmem>>, vector<1x16xf32>,
        %get3A_578 = vector.shape_cast %get3A_577 : vector<1x16xf32> to vector<16xf32>
        %add3A_579 = arith.addf %while3A_565, %get3A_578 : vector<16xf32>
        %add3A_580 = arith.addi %sub3A_520, %while3A_563 : i32
        %get3A_581 = arith.index_cast %add3A_580 : i32 to index
        %get3A_582 = arith.constant 32 : index
        %get3A_583 = tpu.vector_load %arg14[%get3A_581, %get3A_582] {strides = array<i32>} : memref<648x64xf32, #tpu.memory_space<vmem>>, vector<1x16xf32>,
        %get3A_584 = vector.shape_cast %get3A_583 : vector<1x16xf32> to vector<16xf32>
        %add3A_585 = arith.addf %while3A_566, %get3A_584 : vector<16xf32>
        %add3A_586 = arith.addi %sub3A_520, %while3A_563 : i32
        %get3A_587 = arith.index_cast %add3A_586 : i32 to index
        %get3A_588 = arith.constant 48 : index
        %get3A_589 = tpu.vector_load %arg14[%get3A_587, %get3A_588] {strides = array<i32>} : memref<648x64xf32, #tpu.memory_space<vmem>>, vector<1x16xf32>,
        %get3A_590 = vector.shape_cast %get3A_589 : vector<1x16xf32> to vector<16xf32>
        %add3A_591 = arith.addf %while3A_567, %get3A_590 : vector<16xf32>
        scf.yield %add3A_573, %add3A_579, %add3A_585, %add3A_591 : vector<16xf32>, vector<16xf32>, vector<16xf32>, vector<16xf32>
      }
      %while3A_541 = arith.constant 1 : i32
      %while3A_542:4 = scf.for %while3A_563 = %while3A_538 to %while3A_534 step %while3A_541 iter_args(%while3A_564 = %while3A_540#0, %while3A_565 = %while3A_540#1, %while3A_566 = %while3A_540#2, %while3A_567 = %while3A_540#3) -> (vector<16xf32>, vector<16xf32>, vector<16xf32>, vector<16xf32>)  : i32 {
        %add3A_568 = arith.addi %sub3A_520, %while3A_563 : i32
        %get3A_569 = arith.index_cast %add3A_568 : i32 to index
        %get3A_570 = arith.constant 0 : index
        %get3A_571 = tpu.vector_load %arg14[%get3A_569, %get3A_570] {strides = array<i32>} : memref<648x64xf32, #tpu.memory_space<vmem>>, vector<1x16xf32>,
        %get3A_572 = vector.shape_cast %get3A_571 : vector<1x16xf32> to vector<16xf32>
        %add3A_573 = arith.addf %while3A_564, %get3A_572 : vector<16xf32>
        %add3A_574 = arith.addi %sub3A_520, %while3A_563 : i32
        %get3A_575 = arith.index_cast %add3A_574 : i32 to index
        %get3A_576 = arith.constant 16 : index
        %get3A_577 = tpu.vector_load %arg14[%get3A_575, %get3A_576] {strides = array<i32>} : memref<648x64xf32, #tpu.memory_space<vmem>>, vector<1x16xf32>,
        %get3A_578 = vector.shape_cast %get3A_577 : vector<1x16xf32> to vector<16xf32>
        %add3A_579 = arith.addf %while3A_565, %get3A_578 : vector<16xf32>
        %add3A_580 = arith.addi %sub3A_520, %while3A_563 : i32
        %get3A_581 = arith.index_cast %add3A_580 : i32 to index
        %get3A_582 = arith.constant 32 : index
        %get3A_583 = tpu.vector_load %arg14[%get3A_581, %get3A_582] {strides = array<i32>} : memref<648x64xf32, #tpu.memory_space<vmem>>, vector<1x16xf32>,
        %get3A_584 = vector.shape_cast %get3A_583 : vector<1x16xf32> to vector<16xf32>
        %add3A_585 = arith.addf %while3A_566, %get3A_584 : vector<16xf32>
        %add3A_586 = arith.addi %sub3A_520, %while3A_563 : i32
        %get3A_587 = arith.index_cast %add3A_586 : i32 to index
        %get3A_588 = arith.constant 48 : index
        %get3A_589 = tpu.vector_load %arg14[%get3A_587, %get3A_588] {strides = array<i32>} : memref<648x64xf32, #tpu.memory_space<vmem>>, vector<1x16xf32>,
        %get3A_590 = vector.shape_cast %get3A_589 : vector<1x16xf32> to vector<16xf32>
        %add3A_591 = arith.addf %while3A_567, %get3A_590 : vector<16xf32>
        scf.yield %add3A_573, %add3A_579, %add3A_585, %add3A_591 : vector<16xf32>, vector<16xf32>, vector<16xf32>, vector<16xf32>
      }
      %swap3A_543 = arith.index_cast %add3A_529 : i32 to index
      %swap3A_544 = arith.constant 0 : index
      %swap3A_545 = tpu.vector_load %arg18[%swap3A_543, %swap3A_544] {strides = array<i32>} : memref<32x64xf32, #tpu.memory_space<vmem>>, vector<1x16xf32>,
      %swap3A_546 = vector.shape_cast %swap3A_545 : vector<1x16xf32> to vector<16xf32>
      %swap3A_547 = vector.shape_cast %while3A_542#0 : vector<16xf32> to vector<1x16xf32>
      tpu.vector_store %arg18[%swap3A_543, %swap3A_544], %swap3A_547 {strides = array<i32>} : memref<32x64xf32, #tpu.memory_space<vmem>>, vector<1x16xf32>,
      %swap3A_548 = arith.index_cast %add3A_529 : i32 to index
      %swap3A_549 = arith.constant 16 : index
      %swap3A_550 = tpu.vector_load %arg18[%swap3A_548, %swap3A_549] {strides = array<i32>} : memref<32x64xf32, #tpu.memory_space<vmem>>, vector<1x16xf32>,
      %swap3A_551 = vector.shape_cast %swap3A_550 : vector<1x16xf32> to vector<16xf32>
      %swap3A_552 = vector.shape_cast %while3A_542#1 : vector<16xf32> to vector<1x16xf32>
      tpu.vector_store %arg18[%swap3A_548, %swap3A_549], %swap3A_552 {strides = array<i32>} : memref<32x64xf32, #tpu.memory_space<vmem>>, vector<1x16xf32>,
      %swap3A_553 = arith.index_cast %add3A_529 : i32 to index
      %swap3A_554 = arith.constant 32 : index
      %swap3A_555 = tpu.vector_load %arg18[%swap3A_553, %swap3A_554] {strides = array<i32>} : memref<32x64xf32, #tpu.memory_space<vmem>>, vector<1x16xf32>,
      %swap3A_556 = vector.shape_cast %swap3A_555 : vector<1x16xf32> to vector<16xf32>
      %swap3A_557 = vector.shape_cast %while3A_542#2 : vector<16xf32> to vector<1x16xf32>
      tpu.vector_store %arg18[%swap3A_553, %swap3A_554], %swap3A_557 {strides = array<i32>} : memref<32x64xf32, #tpu.memory_space<vmem>>, vector<1x16xf32>,
      %swap3A_558 = arith.index_cast %add3A_529 : i32 to index
      %swap3A_559 = arith.constant 48 : index
      %swap3A_560 = tpu.vector_load %arg18[%swap3A_558, %swap3A_559] {strides = array<i32>} : memref<32x64xf32, #tpu.memory_space<vmem>>, vector<1x16xf32>,
      %swap3A_561 = vector.shape_cast %swap3A_560 : vector<1x16xf32> to vector<16xf32>
      %swap3A_562 = vector.shape_cast %while3A_542#3 : vector<16xf32> to vector<1x16xf32>
      tpu.vector_store %arg18[%swap3A_558, %swap3A_559], %swap3A_562 {strides = array<i32>} : memref<32x64xf32, #tpu.memory_space<vmem>>, vector<1x16xf32>,
    }
    %scan3A_199 = arith.constant 4 : i32
    "tpu.region"() ({
      %run_scoped3A = tpu.sem_alloc : memref<!tpu.dma_semaphore, #tpu.memory_space<semaphore_mem>>
      %dma_start3A = arith.constant 0 : i32
      %dma_start3A_200 = tpu.memref_slice %arg11[%multiple_of3A, %dma_start3A] : memref<1024x64xf32, #tpu.memory_space<hbm>> -> memref<32x64xf32, #tpu.memory_space<hbm>>
      %dma_start3A_201 = arith.constant 0 : i32
      %dma_start3A_202 = tpu.memref_slice %arg11[%multiple_of3A, %dma_start3A_201] : memref<1024x64xf32, #tpu.memory_space<hbm>> -> memref<32x64xf32, #tpu.memory_space<hbm>>
      tpu.enqueue_dma source(%arg18 : memref<32x64xf32, #tpu.memory_space<vmem>>) target(%dma_start3A_202 : memref<32x64xf32, #tpu.memory_space<hbm>>) target_semaphore(%run_scoped3A : memref<!tpu.dma_semaphore, #tpu.memory_space<semaphore_mem>>)
      %dma_wait3A = arith.constant 0 : i32
      %dma_wait3A_203 = tpu.memref_slice %arg11[%multiple_of3A, %dma_wait3A] : memref<1024x64xf32, #tpu.memory_space<hbm>> -> memref<32x64xf32, #tpu.memory_space<hbm>>
      %dma_wait3A_204 = arith.constant 0 : i32
      %dma_wait3A_205 = tpu.memref_slice %arg11[%multiple_of3A, %dma_wait3A_204] : memref<1024x64xf32, #tpu.memory_space<hbm>> -> memref<32x64xf32, #tpu.memory_space<hbm>>
      tpu.wait_dma2 semaphore(%run_scoped3A : memref<!tpu.dma_semaphore, #tpu.memory_space<semaphore_mem>>) src(%arg18 : memref<32x64xf32, #tpu.memory_space<vmem>>) dst(%dma_wait3A_205 : memref<32x64xf32, #tpu.memory_space<hbm>>)
      tpu.yield
    }) : () -> ()
    return
  }
}

module attributes {stable_mosaic.version = 14 : i64} {
  func.func @_hops_body(%arg0: i32, %arg1: memref<128x50xi32, #tpu.memory_space<vmem>>, %arg2: memref<128x1xi32, #tpu.memory_space<vmem>>, %arg3: memref<64x64xf32, #tpu.memory_space<vmem>>, %arg4: memref<128x50x64xf32, #tpu.memory_space<vmem>>, %arg5: memref<128x50x64xf32, #tpu.memory_space<vmem>>, %arg6: memref<128x64xf32, #tpu.memory_space<vmem>>, %arg7: memref<128x64xf32, #tpu.memory_space<vmem>>) attributes {dimension_semantics = [#tpu.dimension_semantics<arbitrary>], iteration_bounds = array<i64: 8>, scalar_prefetch = 0 : i64, scratch_operands = 0 : i64, tpu.core_type = #tpu.core_type<tc>, window_params = [{transform_indices = @transform_0, window_bounds = array<i64: 128, 50>}, {transform_indices = @transform_1, window_bounds = array<i64: 128, 1>}, {pipeline_mode = #tpu.pipeline_mode<synchronous>, transform_indices = @transform_2, window_bounds = array<i64: 64, 64>}, {transform_indices = @transform_3, window_bounds = array<i64: 128, 50, 64>}, {transform_indices = @transform_4, window_bounds = array<i64: 128, 50, 64>}, {transform_indices = @transform_5, window_bounds = array<i64: 128, 64>}, {transform_indices = @transform_6, window_bounds = array<i64: 128, 64>}]} {
    %get3A = arith.constant 0 : index
    %get3A_0 = arith.constant 0 : index
    %get3A_1 = vector.load %arg1[%get3A, %get3A_0] : memref<128x50xi32, #tpu.memory_space<vmem>>, vector<128x50xi32>
    %max3A = arith.constant 1 : i32
    %max3A_2 = vector.broadcast %max3A : i32 to vector<128x50xi32>
    %max3A_3 = arith.maxsi %get3A_1, %max3A_2 : vector<128x50xi32>
    %convert_element_type3A = arith.sitofp %max3A_3 : vector<128x50xi32> to vector<128x50xf32>
    %div3A = arith.constant 1.000000e+00 : f32
    %div3A_4 = vector.broadcast %div3A : f32 to vector<128x50xf32>
    %div3A_5 = arith.divf %div3A_4, %convert_element_type3A : vector<128x50xf32>
    %get3A_6 = arith.constant 0 : index
    %get3A_7 = arith.constant 0 : index
    %get3A_8 = arith.constant 0 : index
    %get3A_9 = vector.load %arg4[%get3A_6, %get3A_7, %get3A_8] : memref<128x50x64xf32, #tpu.memory_space<vmem>>, vector<128x50x64xf32>
    %broadcast_in_dim3A = vector.shape_cast %div3A_5 : vector<128x50xf32> to vector<128x50x1xf32>
    %mul3A = vector.broadcast %broadcast_in_dim3A : vector<128x50x1xf32> to vector<128x50x64xf32>
    %mul3A_10 = arith.mulf %get3A_9, %mul3A : vector<128x50x64xf32>
    %get3A_11 = arith.constant 0 : index
    %get3A_12 = arith.constant 0 : index
    %get3A_13 = arith.constant 0 : index
    %get3A_14 = vector.load %arg5[%get3A_11, %get3A_12, %get3A_13] : memref<128x50x64xf32, #tpu.memory_space<vmem>>, vector<128x50x64xf32>
    %broadcast_in_dim3A_15 = vector.shape_cast %div3A_5 : vector<128x50xf32> to vector<128x50x1xf32>
    %mul3A_16 = vector.broadcast %broadcast_in_dim3A_15 : vector<128x50x1xf32> to vector<128x50x64xf32>
    %mul3A_17 = arith.mulf %get3A_14, %mul3A_16 : vector<128x50x64xf32>
    %get3A_18 = arith.constant 0 : index
    %get3A_19 = arith.constant 0 : index
    %get3A_20 = vector.load %arg6[%get3A_18, %get3A_19] : memref<128x64xf32, #tpu.memory_space<vmem>>, vector<128x64xf32>
    %get3A_21 = arith.constant 0 : index
    %get3A_22 = arith.constant 0 : index
    %get3A_23 = vector.load %arg2[%get3A_21, %get3A_22] : memref<128x1xi32, #tpu.memory_space<vmem>>, vector<128x1xi32>
    %max3A_24 = arith.constant 1 : i32
    %max3A_25 = vector.broadcast %max3A_24 : i32 to vector<128x1xi32>
    %max3A_26 = arith.maxsi %get3A_23, %max3A_25 : vector<128x1xi32>
    %convert_element_type3A_27 = arith.sitofp %max3A_26 : vector<128x1xi32> to vector<128x1xf32>
    %div3A_28 = arith.constant 1.000000e+00 : f32
    %div3A_29 = vector.broadcast %div3A_28 : f32 to vector<128x1xf32>
    %div3A_30 = arith.divf %div3A_29, %convert_element_type3A_27 : vector<128x1xf32>
    %mul3A_31 = vector.broadcast %div3A_30 : vector<128x1xf32> to vector<128x64xf32>
    %mul3A_32 = arith.mulf %get3A_20, %mul3A_31 : vector<128x64xf32>
    %get3A_33 = arith.constant 0 : index
    %get3A_34 = arith.constant 0 : index
    %get3A_35 = vector.load %arg3[%get3A_33, %get3A_34] : memref<64x64xf32, #tpu.memory_space<vmem>>, vector<64x64xf32>
    %ne3A = arith.constant 0 : i32
    %ne3A_36 = vector.broadcast %ne3A : i32 to vector<128x50xi32>
    %ne3A_37 = arith.cmpi ne, %get3A_1, %ne3A_36 : vector<128x50xi32>
    %broadcast_in_dim3A_38 = vector.shape_cast %mul3A_32 : vector<128x64xf32> to vector<128x1x64xf32>
    %mul3A_39 = vector.broadcast %broadcast_in_dim3A_38 : vector<128x1x64xf32> to vector<128x50x64xf32>
    %mul3A_40 = arith.mulf %mul3A_10, %mul3A_39 : vector<128x50x64xf32>
    %reduce_sum3A = arith.constant dense<0.000000e+00> : vector<128x50xf32>
    %reduce_sum3A_41 = vector.multi_reduction <add>, %mul3A_40, %reduce_sum3A [2] : vector<128x50x64xf32> to vector<128x50xf32>
    %jit3A = arith.constant -1.000000e+20 : f32
    %broadcast_in_dim3A_42 = vector.broadcast %jit3A : f32 to vector<128x50xf32>
    %select_n3A = arith.select %ne3A_37, %reduce_sum3A_41, %broadcast_in_dim3A_42 : vector<128x50xi1>, vector<128x50xf32>
    %reduce_max3A = arith.constant dense<0xFF800000> : vector<128xf32>
    %reduce_max3A_43 = vector.multi_reduction <maximumf>, %select_n3A, %reduce_max3A [1] : vector<128x50xf32> to vector<128xf32>
    %broadcast_in_dim3A_44 = vector.shape_cast %reduce_max3A_43 : vector<128xf32> to vector<128x1xf32>
    %sub3A = vector.broadcast %broadcast_in_dim3A_44 : vector<128x1xf32> to vector<128x50xf32>
    %sub3A_45 = arith.subf %select_n3A, %sub3A : vector<128x50xf32>
    %exp3A = math.exp %sub3A_45 : vector<128x50xf32>
    %reduce_sum3A_46 = arith.constant dense<0.000000e+00> : vector<128xf32>
    %reduce_sum3A_47 = vector.multi_reduction <add>, %exp3A, %reduce_sum3A_46 [1] : vector<128x50xf32> to vector<128xf32>
    %broadcast_in_dim3A_48 = vector.shape_cast %reduce_sum3A_47 : vector<128xf32> to vector<128x1xf32>
    %div3A_49 = vector.broadcast %broadcast_in_dim3A_48 : vector<128x1xf32> to vector<128x50xf32>
    %div3A_50 = arith.divf %exp3A, %div3A_49 : vector<128x50xf32>
    %broadcast_in_dim3A_51 = vector.shape_cast %div3A_50 : vector<128x50xf32> to vector<128x50x1xf32>
    %mul3A_52 = vector.broadcast %broadcast_in_dim3A_51 : vector<128x50x1xf32> to vector<128x50x64xf32>
    %mul3A_53 = arith.mulf %mul3A_52, %mul3A_17 : vector<128x50x64xf32>
    %reduce_sum3A_54 = arith.constant dense<0.000000e+00> : vector<128x64xf32>
    %reduce_sum3A_55 = vector.multi_reduction <add>, %mul3A_53, %reduce_sum3A_54 [1] : vector<128x50x64xf32> to vector<128x64xf32>
    %dot_general3A = arith.constant dense<0.000000e+00> : vector<128x64xf32>
    %dot_general3A_56 = tpu.matmul %mul3A_32, %get3A_35, %dot_general3A {dimension_numbers = #tpu.dot_dimension_numbers<[1], [1], [0], [0], [0, 0, 1, 0], [], []>, transpose_lhs_hint = false} : vector<128x64xf32>, vector<64x64xf32>, vector<128x64xf32> -> vector<128x64xf32>
    %add3A = arith.addf %reduce_sum3A_55, %dot_general3A_56 : vector<128x64xf32>
    %broadcast_in_dim3A_57 = vector.shape_cast %add3A : vector<128x64xf32> to vector<128x1x64xf32>
    %mul3A_58 = vector.broadcast %broadcast_in_dim3A_57 : vector<128x1x64xf32> to vector<128x50x64xf32>
    %mul3A_59 = arith.mulf %mul3A_10, %mul3A_58 : vector<128x50x64xf32>
    %reduce_sum3A_60 = arith.constant dense<0.000000e+00> : vector<128x50xf32>
    %reduce_sum3A_61 = vector.multi_reduction <add>, %mul3A_59, %reduce_sum3A_60 [2] : vector<128x50x64xf32> to vector<128x50xf32>
    %jit3A_62 = arith.constant -1.000000e+20 : f32
    %broadcast_in_dim3A_63 = vector.broadcast %jit3A_62 : f32 to vector<128x50xf32>
    %select_n3A_64 = arith.select %ne3A_37, %reduce_sum3A_61, %broadcast_in_dim3A_63 : vector<128x50xi1>, vector<128x50xf32>
    %reduce_max3A_65 = arith.constant dense<0xFF800000> : vector<128xf32>
    %reduce_max3A_66 = vector.multi_reduction <maximumf>, %select_n3A_64, %reduce_max3A_65 [1] : vector<128x50xf32> to vector<128xf32>
    %broadcast_in_dim3A_67 = vector.shape_cast %reduce_max3A_66 : vector<128xf32> to vector<128x1xf32>
    %sub3A_68 = vector.broadcast %broadcast_in_dim3A_67 : vector<128x1xf32> to vector<128x50xf32>
    %sub3A_69 = arith.subf %select_n3A_64, %sub3A_68 : vector<128x50xf32>
    %exp3A_70 = math.exp %sub3A_69 : vector<128x50xf32>
    %reduce_sum3A_71 = arith.constant dense<0.000000e+00> : vector<128xf32>
    %reduce_sum3A_72 = vector.multi_reduction <add>, %exp3A_70, %reduce_sum3A_71 [1] : vector<128x50xf32> to vector<128xf32>
    %broadcast_in_dim3A_73 = vector.shape_cast %reduce_sum3A_72 : vector<128xf32> to vector<128x1xf32>
    %div3A_74 = vector.broadcast %broadcast_in_dim3A_73 : vector<128x1xf32> to vector<128x50xf32>
    %div3A_75 = arith.divf %exp3A_70, %div3A_74 : vector<128x50xf32>
    %broadcast_in_dim3A_76 = vector.shape_cast %div3A_75 : vector<128x50xf32> to vector<128x50x1xf32>
    %mul3A_77 = vector.broadcast %broadcast_in_dim3A_76 : vector<128x50x1xf32> to vector<128x50x64xf32>
    %mul3A_78 = arith.mulf %mul3A_77, %mul3A_17 : vector<128x50x64xf32>
    %reduce_sum3A_79 = arith.constant dense<0.000000e+00> : vector<128x64xf32>
    %reduce_sum3A_80 = vector.multi_reduction <add>, %mul3A_78, %reduce_sum3A_79 [1] : vector<128x50x64xf32> to vector<128x64xf32>
    %dot_general3A_81 = arith.constant dense<0.000000e+00> : vector<128x64xf32>
    %dot_general3A_82 = tpu.matmul %add3A, %get3A_35, %dot_general3A_81 {dimension_numbers = #tpu.dot_dimension_numbers<[1], [1], [0], [0], [0, 0, 1, 0], [], []>, transpose_lhs_hint = false} : vector<128x64xf32>, vector<64x64xf32>, vector<128x64xf32> -> vector<128x64xf32>
    %add3A_83 = arith.addf %reduce_sum3A_80, %dot_general3A_82 : vector<128x64xf32>
    %swap3A = arith.constant 0 : index
    %swap3A_84 = arith.constant 0 : index
    %swap3A_85 = vector.load %arg7[%swap3A, %swap3A_84] : memref<128x64xf32, #tpu.memory_space<vmem>>, vector<128x64xf32>
    tpu.vector_store %arg7[%swap3A, %swap3A_84], %add3A_83 {strides = array<i32>} : memref<128x64xf32, #tpu.memory_space<vmem>>, vector<128x64xf32>,
    return
  }
  func.func @transform_0(%arg0: i32) -> (i32, i32) {
    %c0_i32 = arith.constant 0 : i32
    %c0_i32_0 = arith.constant 0 : i32
    return %arg0, %c0_i32 : i32, i32
  }
  func.func @transform_1(%arg0: i32) -> (i32, i32) {
    %c0_i32 = arith.constant 0 : i32
    %c0_i32_0 = arith.constant 0 : i32
    return %arg0, %c0_i32 : i32, i32
  }
  func.func @transform_2(%arg0: i32) -> (i32, i32) {
    %c0_i32 = arith.constant 0 : i32
    %c0_i32_0 = arith.constant 0 : i32
    %c0_i32_1 = arith.constant 0 : i32
    return %c0_i32, %c0_i32_0 : i32, i32
  }
  func.func @transform_3(%arg0: i32) -> (i32, i32, i32) {
    %c0_i32 = arith.constant 0 : i32
    %c0_i32_0 = arith.constant 0 : i32
    %c0_i32_1 = arith.constant 0 : i32
    return %arg0, %c0_i32, %c0_i32_0 : i32, i32, i32
  }
  func.func @transform_4(%arg0: i32) -> (i32, i32, i32) {
    %c0_i32 = arith.constant 0 : i32
    %c0_i32_0 = arith.constant 0 : i32
    %c0_i32_1 = arith.constant 0 : i32
    return %arg0, %c0_i32, %c0_i32_0 : i32, i32, i32
  }
  func.func @transform_5(%arg0: i32) -> (i32, i32) {
    %c0_i32 = arith.constant 0 : i32
    %c0_i32_0 = arith.constant 0 : i32
    return %arg0, %c0_i32 : i32, i32
  }
  func.func @transform_6(%arg0: i32) -> (i32, i32) {
    %c0_i32 = arith.constant 0 : i32
    %c0_i32_0 = arith.constant 0 : i32
    return %arg0, %c0_i32 : i32, i32
  }
}

</mosaic_0001>

<sc_bundles>
// kernel: kernel.4.cloned.1.call-start
scs
__scs_entry_jumppad:
0x0: {  	(pc) =	sbr.rel $0x88, $3  }
0x1: {  	(tag) =	ssettag $0x0;
	lr =	simm.s32 $0x1  }
0x2: {  	[smem:$0x3F99] =	sst lr;
	_ =	strace $0xD0000000  }
0x3: {  	_ = 	snop  }
0x4: {  	_ = 	snop  }
0x5: {  	_ = 	snop  }
0x6: {  	_ = 	snop  }
0x7: {  	_ = 	snop  }
__scs_overlays_trampoline_lowered:
0x8: {  	[smem:$0x3FA8] =	sst s0  }
0x9: {  	[smem:$0x3FA9] =	sst s1  }
0xa: {  	[smem:$0x3FAA] =	sst s2  }
0xb: {  	[smem:$0x3FAB] =	sst s3  }
0xc: {  	[smem:$0x3FAC] =	sst s4  }
0xd: {  	[smem:$0x3FAD] =	sst s5  }
0xe: {  	[smem:$0x3FAE] =	sst s6  }
0xf: {  	[smem:$0x3FAF] =	sst s7  }
0x10: {  	[smem:$0x3FB0] =	sst s8  }
0x11: {  	[smem:$0x3FB1] =	sst s9;
	s0 =	simm.s32 @!p0 $0x0  }
0x12: {  	s1 =	sld [smem:$0x3F97];
	s0 =	simm.s32 @p0 $0x1  }
0x13: {  	[smem:$0x3FB2] =	sst s0;
	s0 =	simm.s32 @!p1 $0x0  }
0x14: {  	s2 =	sld [smem:$0x3F96];
	s0 =	simm.s32 @p1 $0x1  }
0x15: {  	[smem:$0x3FB3] =	sst s0;
	s0 =	simm.s32 @!p2 $0x0  }
0x16: {  	s3 =	sld [smem:$0x3FDB];
	s0 =	simm.s32 @p2 $0x1  }
0x17: {  	s4 =	simm.s32 $0x1BF5;
	[smem:$0x3FB5] =	sst s0  }
0x18: {  	s0 =	sld [smem:$0x3F98];
	_ =	swait.ge [sflag:s4], $0x0  }
0x19: {  	s7 =	sld [smem:$0x3F99]  }
0x1a: {  	s8 =	sadd.s32 $0xFFFFE003, lr  }
0x1b: {  	s9 =	sadd.s32 $0xFFFFFEF7, lr;
	s5 =	simm.s32 $0xFFFFFFFF;
	p2 =	slt.u32 s8, $0xFFFFF086  }
0x1c: {  	p1 =	slt.u32 s9, $0xF7A;
	s5 =	simm.s32 @!p2 $0x0  }
0x1d: {  	s5 =	simm.s32 @p1 $0x1;
	p0 =	seq.s32 s7, s2  }
0x1e: {  	s7 =	smul.u32 @!p0 $0xF7A, s2;
	p2 =	seq.s32 @!p0 s5, $0x0  }
0x1f: {  	s9 =	smul.u32 $0xF7A, s1;
	s8 =	simm.s32 @!p0 $0x1BF5;
	p2 =	por !p2, p0  }
0x20: {  	[sflag:s8] =	ssyncset.s32 @!p0 $0xFFFFF086;
	s6 =	sadd.s32 @!p0 s3, s7;
	s7 =	simm.s32 @!p0 $0x108  }
0x21: {  	s3 =	sadd.s32 s3, s9;
	s6 =	sadd.s32 @!p0 $0x88, s6;
	s7 =	simm.s32 @p2 $0x1082  }
0x22: {  	[simem:s7], [sflag:s8] =	dma.local @!p0 [hbm:s6], $0xF7A  }
0x23: {  	s9 =	sor.u32 $0xD0000000, s2;
	s6 =	simm.s32 $0x108;
	_ =	swait.ge @!p0 [sflag:s8], $0x0  }
0x24: {  	s3 =	sadd.s32 $0x88, s3;
	s6 =	simm.s32 @!p1 $0x1082;
	[sflag:s4] =	ssyncset.s32 $0xFFFFF086  }
0x25: {  	[simem:s6], [sflag:s4] =	dma.local [hbm:s3], $0xF7A  }
0x26: {  	[smem:$0x3F99] =	sst s1;
	(tag) =	ssettag s2;
	_ =	strace s9  }
0x27: {  	s1 =	sld [smem:$0x3FA9]  }
0x28: {  	s2 =	sld [smem:$0x3FAA]  }
0x29: {  	s4 =	sld [smem:$0x3FAC]  }
0x2a: {  	p0 =	seq.s32 s5, $0x0;
	s5 =	sld [smem:$0x3FAD]  }
0x2b: {  	s6 =	sld [smem:$0x3FAE]  }
0x2c: {  	s7 =	sld [smem:$0x3FAF]  }
0x2d: {  	s3 =	simm.s32 $0x108;
	s8 =	sld [smem:$0x3FB0]  }
0x2e: {  	s3 =	simm.s32 @!p0 $0x1082;
	s9 =	sld [smem:$0x3FB1]  }
0x2f: {  	lr =	sadd.s32 s0, s3;
	s0 =	sld [smem:$0x3FA8]  }
0x30: {  	s3 =	sld [smem:$0x3FAB]  }
0x31: {  	[smem:$0x3FB4] =	sst s10  }
0x32: {  	s10 =	sld [smem:$0x3FB2];
	_ =	sdelay $0x3  }
0x33: {  	p0 =	seq.s32 s10, $0x1;
	s10 =	sld [smem:$0x3FB4];
	_ =	sdelay $0x3  }
0x34: {  	[smem:$0x3FB4] =	sst s10  }
0x35: {  	s10 =	sld [smem:$0x3FB3];
	_ =	sdelay $0x3  }
0x36: {  	p1 =	seq.s32 s10, $0x1;
	s10 =	sld [smem:$0x3FB4];
	_ =	sdelay $0x3  }
0x37: {  	[smem:$0x3FB4] =	sst s10  }
0x38: {  	s10 =	sld [smem:$0x3FB5]  }
0x39: {  	_ = 	snop;
	(pc) =	sbr.ind lr, $3  }
0x3a: {  	_ = 	snop  }
0x3b: {  	_ = 	snop  }
0x3c: {  	p2 =	seq.s32 s10, $0x1;
	s10 =	sld [smem:$0x3FB4]  }
0x3d: {  	_ =	shalt  }
0x3e: {  	_ =	shalt  }
0x3f: {  	_ =	shalt  }
0x40: {  	_ =	shalt  }
0x41: {  	_ =	shalt  }
0x42: {  	_ =	shalt  }
0x43: {  	_ =	shalt  }
0x44: {  	_ =	shalt  }
0x45: {  	_ =	shalt  }
0x46: {  	_ =	shalt  }
0x47: {  	_ =	shalt  }
0x48: {  	_ =	shalt  }
0x49: {  	_ =	shalt  }
0x4a: {  	_ =	shalt  }
0x4b: {  	_ =	shalt  }
0x4c: {  	_ =	shalt  }
0x4d: {  	_ =	shalt  }
0x4e: {  	_ =	shalt  }
0x4f: {  	_ =	shalt  }
0x50: {  	_ =	shalt  }
0x51: {  	_ =	shalt  }
0x52: {  	_ =	shalt  }
0x53: {  	_ =	shalt  }
0x54: {  	_ =	shalt  }
0x55: {  	_ =	shalt  }
0x56: {  	_ =	shalt  }
0x57: {  	_ =	shalt  }
0x58: {  	_ =	shalt  }
0x59: {  	_ =	shalt  }
0x5a: {  	_ =	shalt  }
0x5b: {  	_ =	shalt  }
0x5c: {  	_ =	shalt  }
0x5d: {  	_ =	shalt  }
0x5e: {  	_ =	shalt  }
0x5f: {  	_ =	shalt  }
0x60: {  	_ =	shalt  }
0x61: {  	_ =	shalt  }
0x62: {  	_ =	shalt  }
0x63: {  	_ =	shalt  }
0x64: {  	_ =	shalt  }
0x65: {  	_ =	shalt  }
0x66: {  	_ =	shalt  }
0x67: {  	_ =	shalt  }
0x68: {  	_ =	shalt  }
0x69: {  	_ =	shalt  }
0x6a: {  	_ =	shalt  }
0x6b: {  	_ =	shalt  }
0x6c: {  	_ =	shalt  }
0x6d: {  	_ =	shalt  }
0x6e: {  	_ =	shalt  }
0x6f: {  	_ =	shalt  }
0x70: {  	_ =	shalt  }
0x71: {  	_ =	shalt  }
0x72: {  	_ =	shalt  }
0x73: {  	_ =	shalt  }
0x74: {  	_ =	shalt  }
0x75: {  	_ =	shalt  }
0x76: {  	_ =	shalt  }
0x77: {  	_ =	shalt  }
0x78: {  	_ =	shalt  }
0x79: {  	_ =	shalt  }
0x7a: {  	_ =	shalt  }
0x7b: {  	_ =	shalt  }
0x7c: {  	_ =	shalt  }
0x7d: {  	_ =	shalt  }
0x7e: {  	_ =	shalt  }
0x7f: {  	_ =	shalt  }
0x80: {  	_ =	shalt  }
0x81: {  	_ =	shalt  }
0x82: {  	_ =	shalt  }
0x83: {  	_ =	shalt  }
0x84: {  	_ =	shalt  }
0x85: {  	_ =	shalt  }
0x86: {  	_ =	shalt  }
0x87: {  	_ =	shalt  }
.Lfunc_end0:
.L_simem_size_0:
called_computation_lowered:
.L_overlay_start_0:
0x88: {  	s2 =	sld [smem:$0x3FD9]  }
0x89: {  	s3 =	sld [smem:$0x3FFE];
	_ =	sdelay $0x1  }
0x8a: {  	s1 =	srdreg.scid  }
0x8b: {  	s0 =	sand.u32 $0x1, s1  }
0x8c: {  	s17 =	sshll.u32 s0, $0xA;
	s2 =	sadd.s32 s3, s2  }
0x8d: {  	s2 =	sadd.s32 s2, s17  }
0x8e: {  	[smem:$0x3FC0] =	sst s2  }
0x8f: {  	_ = 	snop  }
0x90: {  	s2 =	sld [smem:$0x3FD0];
	(tm) =	ssettm $0x1  }
0x91: {  	s18 =	sld [smem:$0x3FFB];
	_ =	sdelay $0x3  }
0x92: {  	_ =	strace s18  }
0x93: {  	s3 =	sld [smem:$0x3FFC];
	_ =	sdelay $0x3  }
0x94: {  	_ =	strace s3  }
0x95: {  	s3 =	sld [smem:$0x3FFD];
	_ =	sdelay $0x3  }
0x96: {  	_ =	strace s3  }
0x97: {  	_ =	strace $0x8FFFFFFF  }
0x98: {  	s19 =	sld [smem:$0x3FDB];
	_ =	sdelay $0x1  }
0x99: {  	s4 =	simm.s32 $_scs_section_size  }
0x9a: {  	s5 =	simm.s32 $_size__tile_overlayer_lowered;
	s6 =	simm.s32 $_tile_overlayer_lowered  }
0x9b: {  	s22 =	simm.s32 $0x1BFF;
	s21 =	sshll.u32 s6, $0x1;
	s3 =	sadd.s32 s4, s19  }
0x9c: {  	s7 =	simm.s32 $0x0;
	s20 =	sshll.u32 s5, $0x1;
	s5 =	sadd.s32 s21, s3  }
0x9d: {  	[timem:s7], [sflag:s22] =	dma.local [hbm:s5], s20  }
0x9e: {  	_ =	swait.ge [sflag:s22], s20  }
0x9f: {  	s4 =	ssub.s32 $0x0, s20;
	[sflag:s22] =	ssyncset.done $0x0  }
0xa0: {  	[sflag:s22] =	ssyncadd.s32 s4;
	_ =	sdelay $0x1  }
0xa1: {  	s23 =	simm.s32 $0x1B8B  }
0xa2: {  	_ =	swait.ge [sflag:s23], $0x1  }
0xa3: {  	[sflag:s23] =	ssyncset.done $0x0  }
0xa4: {  	s25 =	simm.s32 $0x1B8E;
	s24 =	sld [smem:$0x3FFE];
	[sflag:s23] =	ssyncadd.s32 $0xFFFFFFFF  }
0xa5: {  	s26 =	simm.s32 $execute0_lowered;
	[smem:$0x3FD2] =	sst s25  }
0xa6: {  	s5 =	sshll.u32 s26, $0x1;
	_ =	strace $0x80000046;
	[dreg:$0x1] =	wrdreg $0xFFFFFFFF  }
0xa7: {  	s28 =	simm.s32 $_size_execute0_lowered;
	s3 =	sadd.s32 s3, s5;
	[dreg:$0x0] =	wrdreg $0x0  }
0xa8: {  	s5 =	sshll.u32 s28, $0x1;
	[dreg:$0x2] =	wrdreg s3  }
0xa9: {  	[dreg:$0x3] =	wrdreg s5  }
0xaa: {  	[dreg:$0x4] =	wrdreg $0xC0  }
0xab: {  	_ =	task [dreg:s7], $0x5FFFF  }
0xac: {  	[dreg:$0x1] =	wrdreg $0xFFFFFFFF  }
0xad: {  	[dreg:$0x0] =	wrdreg $0x60  }
0xae: {  	[dreg:$0x2] =	wrdreg s24  }
0xaf: {  	[dreg:$0x3] =	wrdreg s2  }
0xb0: {  	[dreg:$0x4] =	wrdreg $0x9  }
0xb1: {  	_ =	task.clear_ibuf [dreg:s7], $0x5FFFF;
	_ =	strace $0x90000046  }
0xb2: {  	s29 =	simm.s32 $0x9;
	_ =	strace $0x80000048  }
0xb3: {  	_ =	swait.ge [sflag:s29], $0x1  }
0xb4: {  	[sflag:s29] =	ssyncadd.s32 $0xFFFFFFFF  }
0xb5: {  	_ =	strace $0x90000048  }
0xb6: {  	_ =	sfence  }
0xb7: {  	s30 =	sld [smem:$0x0];
	_ =	sdelay $0x2  }
0xb8: {  	s31 =	sshll.u32 s1, $0xD;
	s1 =	sshrl.u32 s1, $0x2  }
0xb9: {  	s3 =	sand.u32 $0x4000, s31;
	s1 =	sadd.s32 s1, s30  }
0xba: {  	s0 =	sor.u32 s3, s0;
	s1 =	sshll.u32 s1, $0x11  }
0xbb: {  	s0 =	sor.u32 s1, s0  }
0xbc: {  	s0 =	sadd.s32 $0x8F2B, s0  }
0xbd: {  	[sflag:s0] =	ssyncadd.remote.s32 $0x1  }
0xbe: {  	_ =	sfence.sel $0xFFFF  }
0xbf: {  	[dreg:$0x0] =	wrdreg $0xFFFFFFFF;
	(pc) =	sbr.abs _section_cstart, $3  }
0xc0: {  	[dreg:$0x1] =	wrdreg $0xFFFFFFFF  }
0xc1: {  	_ =	task.clear_ibuf [dreg:s7], $0x2FFFF;
	_ =	strace $0x9FFFFFFF  }
0xc2: {  	(tm) =	ssettm $0x7FFFFFFF  }
0xc3: {  	_ =	shalt  }
tec
execute0_lowered:
.L_overlay_start_1:
0x0: {  	(tag) =	ssettag $0x1  }
0x1: {  	s0 =	rddreg [dreg:$0x0]  }
0x2: {  	s1 =	rddreg [dreg:$0x1]  }
0x3: {  	s2 =	simm.s32 $0x0;
	s4 =	srdreg.scid;
	s6 =	stileid.u32  }
0x4: {  	s15 =	simm.s32 $0x3;
	s16 =	simm.s32 $0x1;
	s17 =	simm.s32 $0x68  }
0x5: {  	s18 =	simm.s32 $0x28;
	s19 =	simm.s32 $0x2F0;
	s20 =	simm.s32 $0xA4F0  }
0x6: {  	s21 =	simm.s32 $0x248;
	s22 =	simm.s32 $0x7AF0;
	s23 =	simm.s32 $0x11CF0  }
0x7: {  	s24 =	simm.s32 $0x2;
	s25 =	simm.s32 $0x13CF0;
	[smem:$0x7FF] =	sst s2  }
0x8: {  	s3 =	sadd.s32 $0x314000, s0;
	s5 =	sand.u32 $0x1, s4;
	s4 =	sadd.s32 $0x250A00, s0  }
0x9: {  	s6 =	sshll.u32 s6, $0x1;
	s14 =	sadd.s32 $0x18D400, s0;
	s7 =	sadd.s32 $0x4E00, s0  }
0xa: {  	s10 =	sadd.s32 $0x11A00, s0;
	_ =	strace $0x80000047;
	s8 =	sor.u32 s5, s6  }
0xb: {  	s6 =	sadd.s32 $0x6A00, s0;
	[dreg:$0x4] =	wrdreg s10;
	s5 =	ssub.s32 $0x2, s5  }
0xc: {  	s10 =	sadd.s32 $0x76600, s0;
	[dreg:$0x3] =	wrdreg s14;
	s9 =	sshll.u32 s8, $0x2  }
.Ltmp0:
0xd: {  	s29 =	sshrl.u32 s5, $0x1;
	s30 =	sshll.u32 s8, $0x8;
	(pc) =	sbr.rel .LBB2_1-.Ltmp0, $4  }
0xe: {  	s12 =	sadd.s32 s9, s0;
	s9 =	sadd.s32 $0x12600, s0;
	s1 =	sadd.s32 s1, s30  }
0xf: {  	s0 =	ssub.s32 s5, s29;
	s31 =	sadd.s32 $0x6800, s12;
	[dreg:$0x6] =	wrdreg s1  }
0x10: {  	s26 =	simm.s32 $0x150F0;
	s0 =	smax.u32 s0, $0x1;
	[dreg:$0x5] =	wrdreg s31  }
0x11: {  	s11 =	smul.u32 $0x640, s8;
	s1 =	simm.s32 $0x0;
	[dreg:$0x7] =	wrdreg s0  }
.LBB2_158:
0x12: {  	s0 =	rddreg [dreg:$0x6];
	s5 =	simm.s32 $0x164F0  }
0x13: {  	[hbm4b:s0+s2] =	stream.linear.scatter [tilespmem:s5], [sflag:$0x3], $0x800, $0x38;
	[tilespmem:$0x16CF0] =	vst v63  }
0x14: {  	_ =	swait.ge [sflag:s15], $0x800  }
0x15: {  	s1 =	sadd.s32 $0x1, s1;
	s31 =	rddreg [dreg:$0x7]  }
0x16: {  	p0 =	sne.s32 s1, s31  }
.Ltmp1:
0x17: {  	_ = 	snop;
	(pc) =	sbr.rel @!p0 .LBB2_159-.Ltmp1, $3  }
0x18: {  	_ =	sdelay $0x1  }
0x19: {  	[sflag:s15] =	ssyncset.done $0x0  }
0x1a: {  	[sflag:s15] =	ssyncadd.s32 $0xFFFFF800  }
.LBB2_1:
.Ltmp2:
0x1b: {  	(pc) =	sbr.rel .LBB2_2-.Ltmp2, $2  }
0x1c: {  	_ =	sdelay $0x2  }
0x1d: {  	s30 =	simm.s32 $0x0  }
.LBB2_92:
0x1e: {  	s0 =	sshll.u32 s31, $0x3  }
0x1f: {  	s5 =	sadd.s32 s9, s0  }
0x20: {  	[hbm4b:s5+s2] =	stream.linear.scatter [tilespmem:s25], [sflag:$0x3], $0x1400, $0x38;
	[tilespmem:$0x16CF0] =	vst v63  }
0x21: {  	s30 =	sadd.s32 $0x1, s30;
	_ =	swait.ge [sflag:s15], $0x1400  }
0x22: {  	p0 =	sne.s32 s30, $0x14;
	[sflag:s15] =	ssyncset.done $0x0  }
.Ltmp3:
0x23: {  	s0 =	sadd.s32 s10, s0;
	[sflag:s15] =	ssyncadd.s32 $0xFFFFEC00;
	(pc) =	sbr.rel @!p0 .LBB2_93-.Ltmp3, $4  }
0x24: {  	[hbm4b:s0+s2] =	stream.linear.scatter [tilespmem:s26], [sflag:$0x3], $0x1400, $0x38;
	[tilespmem:$0x16CF0] =	vst v63  }
0x25: {  	_ =	swait.ge [sflag:s15], $0x1400  }
0x26: {  	[sflag:s15] =	ssyncset.done $0x0  }
0x27: {  	[sflag:s15] =	ssyncadd.s32 $0xFFFFEC00  }
.LBB2_2:
0x28: {  	s0 =	smul.u32 $0x50, s30;
	_ =	sdelay $0x1  }
0x29: {  	s31 =	sadd.s32 s11, s0  }
0x2a: {  	s0 =	sshrl.u32 s31, $0x3  }
0x2b: {  	s0 =	sadd.s32 s7, s0  }
0x2c: {  	[tilespmem:s2], [sflag:$0x3] =	stream.linear.gather [hbm4b:s0+s2], $0x58, $0x38;
	[tilespmem:$0x16CF0] =	vst v63  }
0x2d: {  	_ =	swait.ge [sflag:s15], $0x58  }
0x2e: {  	[sflag:s15] =	ssyncset.done $0x0  }
0x2f: {  	[sflag:s15] =	ssyncadd.s32 $0xFFFFFFA8  }
0x30: {  	v0 =	vld [tilespmem:$0x0];
	_ =	sdelay $0x4  }
0x31: {  	(v2sf) =	vpush v0, $0x0;
	_ =	sdelay $0xe  }
0x32: {  	s13 =	spop (v2sf)  }
0x33: {  	s5 =	sand.u32 $0x7, s13  }
0x34: {  	s8 =	sshra.s32 s13, $0x1F;
	p0 =	slt.s32 s13, $0x1;
	p1 =	sne.s32 s5, $0x0  }
0x35: {  	s14 =	sshrl.u32 s8, $0x1D;
	p0 =	por !p0, !p1  }
0x36: {  	s5 =	simm.s32 $0x1;
	s0 =	sadd.s32 s14, s13;
	p0 =	por !p0, !p0  }
0x37: {  	s0 =	sshra.s32 s0, $0x3;
	s5 =	simm.s32 @!p0 $0x0  }
0x38: {  	s0 =	ssub.s32 s0, s5  }
0x39: {  	s5 =	sand.u32 $0x1FFFFFFF, s0  }
0x3a: {  	s5 =	sadd.s32 s6, s5  }
0x3b: {  	[tilespmem:s17], [sflag:$0x3] =	stream.linear.gather [hbm4b:s5+s2], $0x288, $0x38;
	[tilespmem:$0x16CF0] =	vst v63  }
0x3c: {  	_ =	swait.ge [sflag:s15], $0x288  }
0x3d: {  	[sflag:s15] =	ssyncset.done $0x0  }
0x3e: {  	[sflag:s15] =	ssyncadd.s32 $0xFFFFFD78  }
0x3f: {  	v63 =	vld [tilespmem:$0x48];
	_ =	sdelay $0x4  }
0x40: {  	(v2sf) =	vpush v63, $0x8;
	_ =	sdelay $0xe  }
0x41: {  	s28 =	sshll.u32 s0, $0x3;
	s29 =	spop (v2sf)  }
0x42: {  	s8 =	ssub.s32 s29, s28  }
0x43: {  	p0 =	slt.s32 s8, $0x1  }
.Ltmp4:
0x44: {  	_ = 	snop;
	(pc) =	sbr.rel @p0 .LBB2_34-.Ltmp4, $1  }
0x45: {  	_ =	sdelay $0x3  }
0x46: {  	[tilespmem:s19], [sflag:$0x1] =	stream.indirect.gather [hbm4b:s3+s18], $0x40, s17, s18, $0xb8;
	[tilespmem:$0x16CF0] =	vst v63  }
0x47: {  	p1 =	slt.u32 s8, $0x29  }
0x48: {  	[tilespmem:s20], [sflag:$0x2] =	stream.indirect.gather [hbm4b:s4+s18], $0x40, s17, s18, $0xb8;
	[tilespmem:$0x16CF0] =	vst v63  }
0x49: {  	s5 =	simm.s32 @!p1 $0x28;
	s12 =	simm.s32 @!p1 $0x90;
	s13 =	simm.s32 @!p1 $0xCF0  }
0x4a: {  	[tilespmem:s13], [sflag:$0x1] =	stream.indirect.gather @!p1 [hbm4b:s3+s5], $0x40, s12, s5, $0xb8;
	[tilespmem:$0x16CF0] =	vst v63  }
0x4b: {  	s13 =	simm.s32 @!p1 $0xAEF0  }
0x4c: {  	[tilespmem:s13], [sflag:$0x2] =	stream.indirect.gather @!p1 [hbm4b:s4+s5], $0x40, s12, s5, $0xb8;
	[tilespmem:$0x16CF0] =	vst v63  }
0x4d: {  	s5 =	simm.s32 @!p1 $0x0  }
0x4e: {  	p0 =	slt.u32 @!p1 s8, $0x51;
	s5 =	simm.s32 @p1 $0x1  }
0x4f: {  	p1 =	por p1, p0;
	[smem:$0x7F7] =	sst s5  }
0x50: {  	s5 =	simm.s32 @!p1 $0x28;
	s12 =	simm.s32 @!p1 $0xB8;
	s13 =	simm.s32 @!p1 $0x16F0  }
0x51: {  	[tilespmem:s13], [sflag:$0x1] =	stream.indirect.gather @!p1 [hbm4b:s3+s5], $0x40, s12, s5, $0xb8;
	[tilespmem:$0x16CF0] =	vst v63  }
0x52: {  	s13 =	simm.s32 @!p1 $0xB8F0  }
0x53: {  	[tilespmem:s13], [sflag:$0x2] =	stream.indirect.gather @!p1 [hbm4b:s4+s5], $0x40, s12, s5, $0xb8;
	[tilespmem:$0x16CF0] =	vst v63  }
0x54: {  	s5 =	simm.s32 @!p1 $0x0  }
0x55: {  	p0 =	slt.u32 @!p1 s8, $0x79;
	s5 =	simm.s32 @p1 $0x1  }
0x56: {  	p1 =	por p1, p0;
	[smem:$0x7F8] =	sst s5  }
0x57: {  	s5 =	simm.s32 @!p1 $0x28;
	s12 =	simm.s32 @!p1 $0xE0;
	s13 =	simm.s32 @!p1 $0x20F0  }
0x58: {  	[tilespmem:s13], [sflag:$0x1] =	stream.indirect.gather @!p1 [hbm4b:s3+s5], $0x40, s12, s5, $0xb8;
	[tilespmem:$0x16CF0] =	vst v63  }
0x59: {  	s13 =	simm.s32 @!p1 $0xC2F0  }
0x5a: {  	[tilespmem:s13], [sflag:$0x2] =	stream.indirect.gather @!p1 [hbm4b:s4+s5], $0x40, s12, s5, $0xb8;
	[tilespmem:$0x16CF0] =	vst v63  }
0x5b: {  	s5 =	simm.s32 @!p1 $0x0  }
0x5c: {  	p0 =	slt.u32 @!p1 s8, $0xA1;
	s5 =	simm.s32 @p1 $0x1  }
0x5d: {  	p1 =	por p1, p0;
	[smem:$0x7F9] =	sst s5  }
0x5e: {  	s5 =	simm.s32 @!p1 $0x28;
	s12 =	simm.s32 @!p1 $0x108;
	s13 =	simm.s32 @!p1 $0x2AF0  }
0x5f: {  	[tilespmem:s13], [sflag:$0x1] =	stream.indirect.gather @!p1 [hbm4b:s3+s5], $0x40, s12, s5, $0xb8;
	[tilespmem:$0x16CF0] =	vst v63  }
0x60: {  	s13 =	simm.s32 @!p1 $0xCCF0  }
0x61: {  	[tilespmem:s13], [sflag:$0x2] =	stream.indirect.gather @!p1 [hbm4b:s4+s5], $0x40, s12, s5, $0xb8;
	[tilespmem:$0x16CF0] =	vst v63  }
0x62: {  	s5 =	simm.s32 @!p1 $0x0  }
0x63: {  	p0 =	slt.u32 @!p1 s8, $0xC9;
	s5 =	simm.s32 @p1 $0x1  }
0x64: {  	p1 =	por p1, p0;
	[smem:$0x7FA] =	sst s5  }
0x65: {  	s5 =	simm.s32 @!p1 $0x28;
	s12 =	simm.s32 @!p1 $0x130;
	s13 =	simm.s32 @!p1 $0x34F0  }
0x66: {  	[tilespmem:s13], [sflag:$0x1] =	stream.indirect.gather @!p1 [hbm4b:s3+s5], $0x40, s12, s5, $0xb8;
	[tilespmem:$0x16CF0] =	vst v63  }
0x67: {  	s13 =	simm.s32 @!p1 $0xD6F0  }
0x68: {  	[tilespmem:s13], [sflag:$0x2] =	stream.indirect.gather @!p1 [hbm4b:s4+s5], $0x40, s12, s5, $0xb8;
	[tilespmem:$0x16CF0] =	vst v63  }
0x69: {  	s5 =	simm.s32 @!p1 $0x0  }
0x6a: {  	p0 =	slt.u32 @!p1 s8, $0xF1;
	s5 =	simm.s32 @p1 $0x1  }
0x6b: {  	p1 =	por p1, p0;
	[smem:$0x7FB] =	sst s5  }
0x6c: {  	s5 =	simm.s32 @!p1 $0x28;
	s12 =	simm.s32 @!p1 $0x158;
	s13 =	simm.s32 @!p1 $0x3EF0  }
0x6d: {  	[tilespmem:s13], [sflag:$0x1] =	stream.indirect.gather @!p1 [hbm4b:s3+s5], $0x40, s12, s5, $0xb8;
	[tilespmem:$0x16CF0] =	vst v63  }
0x6e: {  	s13 =	simm.s32 @!p1 $0xE0F0  }
0x6f: {  	[tilespmem:s13], [sflag:$0x2] =	stream.indirect.gather @!p1 [hbm4b:s4+s5], $0x40, s12, s5, $0xb8;
	[tilespmem:$0x16CF0] =	vst v63  }
0x70: {  	p0 =	slt.u32 @!p1 s8, $0x119;
	s5 =	simm.s32 @!p1 $0x0  }
0x71: {  	s5 =	simm.s32 @p1 $0x1;
	p1 =	por p1, p0  }
0x72: {  	[smem:$0x7FC] =	sst s5;
	s5 =	simm.s32 @!p1 $0x28  }
0x73: {  	s12 =	simm.s32 @!p1 $0x180;
	s13 =	simm.s32 @!p1 $0x48F0;
	p0 =	slt.u32 @!p1 s8, $0x141  }
0x74: {  	[tilespmem:s13], [sflag:$0x1] =	stream.indirect.gather @!p1 [hbm4b:s3+s5], $0x40, s12, s5, $0xb8;
	[tilespmem:$0x16CF0] =	vst v63  }
0x75: {  	s13 =	simm.s32 @!p1 $0xEAF0;
	p6 =	por p1, p0  }
0x76: {  	[tilespmem:s13], [sflag:$0x2] =	stream.indirect.gather @!p1 [hbm4b:s4+s5], $0x40, s12, s5, $0xb8;
	[tilespmem:$0x16CF0] =	vst v63  }
0x77: {  	p0 =	slt.u32 @!p6 s8, $0x169;
	s5 =	simm.s32 @!p1 $0x0;
	s12 =	simm.s32 @!p6 $0x1A8  }
0x78: {  	s13 =	simm.s32 @!p6 $0x52F0;
	s5 =	simm.s32 @p1 $0x1;
	p1 =	por p6, p0  }
0x79: {  	[smem:$0x7FD] =	sst s5;
	s5 =	simm.s32 @!p6 $0x28;
	p0 =	slt.u32 @!p1 s8, $0x191  }
0x7a: {  	[tilespmem:s13], [sflag:$0x1] =	stream.indirect.gather @!p6 [hbm4b:s3+s5], $0x40, s12, s5, $0xb8;
	[tilespmem:$0x16CF0] =	vst v63  }
0x7b: {  	s13 =	simm.s32 @!p6 $0xF4F0;
	p2 =	por p1, p0  }
0x7c: {  	[tilespmem:s13], [sflag:$0x2] =	stream.indirect.gather @!p6 [hbm4b:s4+s5], $0x40, s12, s5, $0xb8;
	[tilespmem:$0x16CF0] =	vst v63  }
0x7d: {  	p0 =	slt.u32 @!p2 s8, $0x1B9;
	s5 =	simm.s32 @!p1 $0x28  }
0x7e: {  	s12 =	simm.s32 @!p1 $0x1D0;
	s13 =	simm.s32 @!p1 $0x5CF0;
	p0 =	por p2, p0  }
0x7f: {  	[tilespmem:s13], [sflag:$0x1] =	stream.indirect.gather @!p1 [hbm4b:s3+s5], $0x40, s12, s5, $0xb8;
	[tilespmem:$0x16CF0] =	vst v63  }
0x80: {  	p3 =	slt.u32 @!p0 s8, $0x1E1;
	s13 =	simm.s32 @!p1 $0xFEF0  }
0x81: {  	[tilespmem:s13], [sflag:$0x2] =	stream.indirect.gather @!p1 [hbm4b:s4+s5], $0x40, s12, s5, $0xb8;
	[tilespmem:$0x16CF0] =	vst v63  }
0x82: {  	s5 =	simm.s32 @!p2 $0x28;
	s12 =	simm.s32 @!p2 $0x1F8;
	s13 =	simm.s32 @!p2 $0x66F0  }
0x83: {  	[tilespmem:s13], [sflag:$0x1] =	stream.indirect.gather @!p2 [hbm4b:s3+s5], $0x40, s12, s5, $0xb8;
	[tilespmem:$0x16CF0] =	vst v63  }
0x84: {  	p3 =	por p0, p3;
	s13 =	simm.s32 @!p2 $0x108F0  }
0x85: {  	[tilespmem:s13], [sflag:$0x2] =	stream.indirect.gather @!p2 [hbm4b:s4+s5], $0x40, s12, s5, $0xb8;
	[tilespmem:$0x16CF0] =	vst v63  }
.Ltmp5:
0x86: {  	_ = 	snop;
	(pc) =	sbr.rel @p3 .LBB2_4-.Ltmp5, $4  }
0x87: {  	s5 =	simm.s32 @!p0 $0x28;
	s12 =	simm.s32 @!p0 $0x220;
	s13 =	simm.s32 @!p0 $0x70F0  }
0x88: {  	[tilespmem:s13], [sflag:$0x1] =	stream.indirect.gather @!p0 [hbm4b:s3+s5], $0x40, s12, s5, $0xb8;
	[tilespmem:$0x16CF0] =	vst v63  }
0x89: {  	s13 =	simm.s32 @!p0 $0x112F0  }
0x8a: {  	[tilespmem:s13], [sflag:$0x2] =	stream.indirect.gather @!p0 [hbm4b:s4+s5], $0x40, s12, s5, $0xb8;
	[tilespmem:$0x16CF0] =	vst v63  }
0x8b: {  	[tilespmem:s22], [sflag:$0x1] =	stream.indirect.gather [hbm4b:s3+s18], $0x40, s21, s18, $0xb8;
	[tilespmem:$0x16CF0] =	vst v63  }
0x8c: {  	p0 =	slt.u32 s8, $0x209  }
0x8d: {  	s5 =	simm.s32 @!p0 $0x28;
	p2 =	slt.u32 @!p0 s8, $0x231  }
0x8e: {  	[tilespmem:s23], [sflag:$0x2] =	stream.indirect.gather [hbm4b:s4+s18], $0x40, s21, s18, $0xb8;
	[tilespmem:$0x16CF0] =	vst v63  }
0x8f: {  	s12 =	simm.s32 @!p0 $0x270;
	s13 =	simm.s32 @!p0 $0x84F0;
	p1 =	por p2, p0  }
0x90: {  	[tilespmem:s13], [sflag:$0x1] =	stream.indirect.gather @!p0 [hbm4b:s3+s5], $0x40, s12, s5, $0xb8;
	[tilespmem:$0x16CF0] =	vst v63  }
0x91: {  	p3 =	por @!p0 $0x1, $0x1;
	s8 =	simm.s32 @!p1 $0x298;
	s13 =	simm.s32 @!p0 $0x126F0  }
0x92: {  	[tilespmem:s13], [sflag:$0x2] =	stream.indirect.gather @!p0 [hbm4b:s4+s5], $0x40, s12, s5, $0xb8;
	[tilespmem:$0x16CF0] =	vst v63  }
0x93: {  	p5 =	por @!p1 $0x1, $0x1;
	s5 =	simm.s32 @!p1 $0x28;
	s12 =	simm.s32 @!p1 $0x8EF0  }
0x94: {  	[tilespmem:s12], [sflag:$0x1] =	stream.indirect.gather @!p1 [hbm4b:s3+s5], $0x40, s8, s5, $0xb8;
	[tilespmem:$0x16CF0] =	vst v63  }
0x95: {  	p4 =	por !p2, p0;
	p2 =	por p5, p5;
	s12 =	simm.s32 @!p1 $0x130F0  }
0x96: {  	[tilespmem:s12], [sflag:$0x2] =	stream.indirect.gather @!p1 [hbm4b:s4+s5], $0x40, s8, s5, $0xb8;
	[tilespmem:$0x16CF0] =	vst v63  }
0x97: {  	p2 =	por @!p4 p3, p3;
	p1 =	por $0x0, $0x0  }
0x98: {  	p1 =	por @!p0 p2, p2  }
0x99: {  	p6 =	por @!p0 $0x0, $0x0;
	p3 =	por $0x1, $0x1;
	s5 =	simm.s32 @!p1 $0x0  }
0x9a: {  	p5 =	por @!p4 p6, p6;
	p3 =	por @!p0 p2, p2;
	s5 =	simm.s32 @p1 $0x1  }
0x9b: {  	p4 =	por $0x1, $0x1;
	[smem:$0x7F6] =	sst s5;
	s5 =	simm.s32 @!p3 $0x0  }
0x9c: {  	p4 =	por @!p0 p2, p2;
	s5 =	simm.s32 @p3 $0x1  }
0x9d: {  	p1 =	por $0x1, $0x1;
	[smem:$0x7EB] =	sst s5;
	s5 =	simm.s32 @!p4 $0x0  }
0x9e: {  	p1 =	por @!p0 p2, p2;
	s5 =	simm.s32 @p4 $0x1  }
0x9f: {  	[smem:$0x7EC] =	sst s5;
	s5 =	simm.s32 @!p1 $0x0  }
0xa0: {  	s5 =	simm.s32 @p1 $0x1;
	p1 =	por $0x1, $0x1  }
0xa1: {  	p1 =	por @!p0 p2, p2  }
0xa2: {  	p3 =	por $0x1, $0x1;
	[smem:$0x7EE] =	sst s5;
	s5 =	simm.s32 @!p1 $0x0  }
0xa3: {  	p3 =	por @!p0 p2, p2;
	s5 =	simm.s32 @p1 $0x1  }
0xa4: {  	p1 =	por $0x1, $0x1;
	[smem:$0x7EF] =	sst s5;
	s5 =	simm.s32 @!p3 $0x0  }
0xa5: {  	p1 =	por @!p0 p2, p2;
	s5 =	simm.s32 @p3 $0x1  }
0xa6: {  	[smem:$0x7F0] =	sst s5;
	s5 =	simm.s32 @!p1 $0x0  }
0xa7: {  	s5 =	simm.s32 @p1 $0x1;
	p1 =	por $0x1, $0x1  }
0xa8: {  	p1 =	por @!p0 p2, p2  }
0xa9: {  	p4 =	por $0x1, $0x1;
	[smem:$0x7F1] =	sst s5;
	s5 =	simm.s32 @!p1 $0x0  }
0xaa: {  	p4 =	por @!p0 p2, p2;
	s5 =	simm.s32 @p1 $0x1  }
0xab: {  	p1 =	por $0x1, $0x1;
	[smem:$0x7F2] =	sst s5;
	s5 =	simm.s32 @!p4 $0x0  }
.Ltmp6:
0xac: {  	p1 =	por @!p0 p2, p2;
	s5 =	simm.s32 @p4 $0x1;
	(pc) =	sbr.rel .LBB2_6-.Ltmp6, $4  }
0xad: {  	[smem:$0x7F3] =	sst s5;
	s5 =	simm.s32 @!p1 $0x0  }
0xae: {  	p6 =	por $0x1, $0x1;
	s5 =	simm.s32 @p1 $0x1;
	p1 =	por $0x0, $0x0  }
0xaf: {  	p6 =	por @!p0 p2, p2;
	p4 =	por $0x1, $0x1;
	p1 =	por @!p0 p5, p5  }
0xb0: {  	p4 =	por @!p0 p2, p2;
	[smem:$0x7F5] =	sst s5;
	p5 =	por p1, p1  }
.LBB2_4:
0xb1: {  	s5 =	sld [smem:$0x7F7];
	_ =	sdelay $0x2  }
0xb2: {  	p4 =	seq.s32 s5, $0x1  }
0xb3: {  	p3 =	por $0x0, $0x0;
	p5 =	por @!p4 $0x0, $0x0  }
0xb4: {  	p3 =	por @!p4 p5, p5  }
0xb5: {  	s5 =	simm.s32 @!p3 $0x0  }
0xb6: {  	s5 =	simm.s32 @p3 $0x1  }
0xb7: {  	[smem:$0x7F0] =	sst s5;
	s5 =	simm.s32 @!p3 $0x0  }
0xb8: {  	s12 =	sld [smem:$0x7F8];
	s5 =	simm.s32 @p3 $0x1  }
0xb9: {  	[smem:$0x7EF] =	sst s5  }
0xba: {  	s5 =	sld [smem:$0x7EF];
	_ =	sdelay $0x1  }
0xbb: {  	p4 =	seq.s32 s12, $0x1  }
0xbc: {  	p5 =	por @!p4 $0x0, $0x0;
	p3 =	seq.s32 s5, $0x1  }
0xbd: {  	p3 =	por @!p4 p5, p5  }
0xbe: {  	s5 =	simm.s32 @!p3 $0x0  }
0xbf: {  	s5 =	simm.s32 @p3 $0x1  }
0xc0: {  	[smem:$0x7EF] =	sst s5  }
0xc1: {  	s14 =	sld [smem:$0x7EF];
	_ =	sdelay $0x2  }
0xc2: {  	p3 =	seq.s32 s14, $0x1  }
0xc3: {  	s5 =	simm.s32 @!p3 $0x0  }
0xc4: {  	s13 =	sld [smem:$0x7F9];
	s5 =	simm.s32 @p3 $0x1  }
0xc5: {  	[smem:$0x7F1] =	sst s5  }
0xc6: {  	s5 =	sld [smem:$0x7F1];
	_ =	sdelay $0x1  }
0xc7: {  	p4 =	seq.s32 s13, $0x1  }
0xc8: {  	s28 =	sld [smem:$0x7F8];
	p5 =	por @!p4 $0x0, $0x0;
	p3 =	seq.s32 s5, $0x1  }
0xc9: {  	s29 =	sld [smem:$0x7F0];
	p3 =	por @!p4 p5, p5  }
0xca: {  	s12 =	sld [smem:$0x7F9];
	s5 =	simm.s32 @!p3 $0x0  }
0xcb: {  	s13 =	sld [smem:$0x7F9];
	s5 =	simm.s32 @p3 $0x1;
	p3 =	seq.s32 s28, $0x1  }
0xcc: {  	s8 =	sld [smem:$0x7EF];
	p4 =	seq.s32 s29, $0x1;
	p5 =	por @!p3 $0x1, $0x1  }
0xcd: {  	s14 =	sld [smem:$0x7F9];
	p4 =	por @!p3 p5, p5  }
0xce: {  	[smem:$0x7F1] =	sst s5;
	s5 =	simm.s32 @!p4 $0x0  }
0xcf: {  	s5 =	simm.s32 @p4 $0x1;
	p4 =	seq.s32 s12, $0x1  }
0xd0: {  	p3 =	seq.s32 s8, $0x1;
	p5 =	seq.s32 s13, $0x1;
	p4 =	por @!p4 $0x1, $0x1  }
0xd1: {  	s28 =	sld [smem:$0x7F1];
	p3 =	por @!p5 p4, p4;
	p4 =	seq.s32 s14, $0x1  }
0xd2: {  	s8 =	sld [smem:$0x7F9];
	p4 =	por @!p4 $0x1, $0x1  }
0xd3: {  	[smem:$0x7F0] =	sst s5;
	s5 =	simm.s32 @!p4 $0x0  }
0xd4: {  	s12 =	sld [smem:$0x7F0];
	s5 =	simm.s32 @p4 $0x1  }
0xd5: {  	[smem:$0x7E7] =	sst s5;
	s5 =	simm.s32 @!p3 $0x0  }
0xd6: {  	p4 =	seq.s32 s28, $0x1;
	s5 =	simm.s32 @p3 $0x1;
	s29 =	sld [smem:$0x7E7]  }
0xd7: {  	[smem:$0x7EF] =	sst s5;
	s5 =	simm.s32 @!p4 $0x0  }
0xd8: {  	s14 =	sld [smem:$0x7FA];
	s5 =	simm.s32 @p4 $0x1  }
0xd9: {  	p5 =	seq.s32 s12, $0x1;
	[smem:$0x7EE] =	sst s5  }
0xda: {  	p3 =	seq.s32 s8, $0x1;
	p4 =	seq.s32 s29, $0x1;
	s13 =	sld [smem:$0x7EE]  }
0xdb: {  	p5 =	por @!p3 p4, p4  }
0xdc: {  	s28 =	sld [smem:$0x7EF];
	p3 =	seq.s32 s14, $0x1;
	s5 =	simm.s32 @!p5 $0x0  }
0xdd: {  	p4 =	por @!p3 $0x0, $0x0;
	s5 =	simm.s32 @p5 $0x1;
	p5 =	seq.s32 s13, $0x1  }
0xde: {  	p5 =	por @!p3 p4, p4  }
0xdf: {  	[smem:$0x7F0] =	sst s5;
	p4 =	por @!p3 $0x1, $0x1;
	s5 =	simm.s32 @!p5 $0x0  }
0xe0: {  	s29 =	sld [smem:$0x7F0];
	s5 =	simm.s32 @p5 $0x1;
	p5 =	seq.s32 s28, $0x1  }
0xe1: {  	p5 =	por @!p3 p4, p4  }
0xe2: {  	[smem:$0x7EE] =	sst s5;
	s5 =	simm.s32 @!p5 $0x0  }
0xe3: {  	s8 =	sld [smem:$0x7F1];
	s5 =	simm.s32 @p5 $0x1;
	p5 =	seq.s32 s29, $0x1  }
0xe4: {  	p5 =	por @!p3 p4, p4  }
0xe5: {  	[smem:$0x7EF] =	sst s5;
	s5 =	simm.s32 @!p5 $0x0  }
0xe6: {  	s13 =	sld [smem:$0x7EE];
	s5 =	simm.s32 @p5 $0x1;
	p5 =	seq.s32 s8, $0x1  }
0xe7: {  	p5 =	por @!p3 p4, p4  }
0xe8: {  	[smem:$0x7F0] =	sst s5;
	s5 =	simm.s32 @!p5 $0x0  }
0xe9: {  	p3 =	seq.s32 s13, $0x1;
	s5 =	simm.s32 @p5 $0x1  }
0xea: {  	[smem:$0x7F1] =	sst s5;
	s5 =	simm.s32 @!p3 $0x0  }
0xeb: {  	s12 =	sld [smem:$0x7FB];
	s5 =	simm.s32 @p3 $0x1  }
0xec: {  	[smem:$0x7F2] =	sst s5  }
0xed: {  	s5 =	sld [smem:$0x7F2];
	_ =	sdelay $0x1  }
0xee: {  	p5 =	seq.s32 s12, $0x1  }
0xef: {  	s14 =	sld [smem:$0x7EE];
	p4 =	por @!p5 $0x0, $0x0;
	p3 =	seq.s32 s5, $0x1  }
0xf0: {  	p3 =	por @!p5 p4, p4  }
0xf1: {  	s28 =	sld [smem:$0x7EF];
	s5 =	simm.s32 @!p3 $0x0  }
0xf2: {  	p4 =	seq.s32 s14, $0x1;
	s5 =	simm.s32 @p3 $0x1;
	p3 =	por @!p5 $0x1, $0x1  }
0xf3: {  	p4 =	por @!p5 p3, p3  }
0xf4: {  	[smem:$0x7F2] =	sst s5;
	s5 =	simm.s32 @!p4 $0x0  }
0xf5: {  	s8 =	sld [smem:$0x7F0];
	p3 =	seq.s32 s28, $0x1;
	s5 =	simm.s32 @p4 $0x1  }
0xf6: {  	p4 =	por @!p5 $0x1, $0x1;
	[smem:$0x7EE] =	sst s5;
	s5 =	simm.s32 @!p2 $0x0  }
0xf7: {  	s12 =	sld [smem:$0x7FC];
	p3 =	por @!p5 p4, p4;
	s5 =	simm.s32 @p2 $0x1  }
0xf8: {  	[smem:$0x7E9] =	sst s5;
	s5 =	simm.s32 @!p3 $0x0  }
0xf9: {  	p4 =	por @!p5 $0x1, $0x1;
	s5 =	simm.s32 @p3 $0x1;
	p3 =	seq.s32 s8, $0x1  }
0xfa: {  	s29 =	sld [smem:$0x7FD];
	p3 =	por @!p5 p4, p4  }
0xfb: {  	[smem:$0x7EF] =	sst s5;
	s5 =	simm.s32 @!p3 $0x0  }
0xfc: {  	s13 =	sld [smem:$0x7F2];
	s5 =	simm.s32 @p3 $0x1;
	p3 =	seq.s32 s12, $0x1  }
0xfd: {  	s14 =	sld [smem:$0x7F1];
	p3 =	por @!p3 $0x0, $0x0  }
0xfe: {  	[smem:$0x7F0] =	sst s5;
	s5 =	simm.s32 @!p3 $0x0  }
0xff: {  	s28 =	sld [smem:$0x7FC];
	s5 =	simm.s32 @p3 $0x1;
	p3 =	seq.s32 s13, $0x1  }
0x100: {  	[smem:$0x7E8] =	sst s5;
	s5 =	simm.s32 @!p3 $0x0  }
0x101: {  	s5 =	simm.s32 @p3 $0x1;
	s8 =	sld [smem:$0x7E8]  }
0x102: {  	p2 =	seq.s32 s29, $0x1;
	[smem:$0x7ED] =	sst s5  }
0x103: {  	p4 =	por @!p5 $0x1, $0x1;
	p3 =	seq.s32 s14, $0x1;
	s29 =	sld [smem:$0x7ED]  }
0x104: {  	p3 =	por @!p5 p4, p4  }
0x105: {  	s12 =	sld [smem:$0x7EE];
	p5 =	seq.s32 s28, $0x1;
	s5 =	simm.s32 @!p3 $0x0  }
0x106: {  	s5 =	simm.s32 @p3 $0x1;
	p4 =	seq.s32 s8, $0x1;
	p3 =	seq.s32 s29, $0x1  }
0x107: {  	s13 =	sld [smem:$0x7EF];
	p3 =	por @!p5 p4, p4  }
0x108: {  	[smem:$0x7F1] =	sst s5;
	s5 =	simm.s32 @!p3 $0x0  }
0x109: {  	p4 =	por @!p5 $0x1, $0x1;
	s5 =	simm.s32 @p3 $0x1;
	p3 =	seq.s32 s12, $0x1  }
0x10a: {  	p3 =	por @!p5 p4, p4  }
0x10b: {  	[smem:$0x7ED] =	sst s5;
	s5 =	simm.s32 @!p3 $0x0  }
0x10c: {  	s14 =	sld [smem:$0x7F0];
	s5 =	simm.s32 @p3 $0x1;
	p3 =	seq.s32 s13, $0x1  }
0x10d: {  	p3 =	por @!p5 p4, p4  }
0x10e: {  	[smem:$0x7EE] =	sst s5;
	s5 =	simm.s32 @!p3 $0x0  }
0x10f: {  	s28 =	sld [smem:$0x7F1];
	s5 =	simm.s32 @p3 $0x1;
	p3 =	seq.s32 s14, $0x1  }
0x110: {  	p3 =	por @!p5 p4, p4  }
0x111: {  	[smem:$0x7EF] =	sst s5;
	s5 =	simm.s32 @!p3 $0x0  }
0x112: {  	s29 =	sld [smem:$0x7F2];
	s5 =	simm.s32 @p3 $0x1;
	p3 =	seq.s32 s28, $0x1  }
0x113: {  	p3 =	por @!p5 p4, p4  }
0x114: {  	[smem:$0x7F0] =	sst s5;
	s5 =	simm.s32 @!p3 $0x0  }
0x115: {  	s8 =	sld [smem:$0x7ED];
	s5 =	simm.s32 @p3 $0x1;
	p3 =	seq.s32 s29, $0x1  }
0x116: {  	p3 =	por @!p5 p4, p4  }
0x117: {  	[smem:$0x7F1] =	sst s5;
	s5 =	simm.s32 @!p3 $0x0  }
0x118: {  	s5 =	simm.s32 @p3 $0x1;
	p3 =	seq.s32 s8, $0x1  }
0x119: {  	p4 =	por @!p2 $0x0, $0x0;
	p5 =	por p3, p3  }
0x11a: {  	p5 =	por @!p2 p4, p4  }
0x11b: {  	[smem:$0x7F2] =	sst s5;
	s5 =	simm.s32 @!p5 $0x0  }
0x11c: {  	s12 =	sld [smem:$0x7EE];
	s5 =	simm.s32 @p5 $0x1;
	p5 =	por @!p2 $0x1, $0x1  }
0x11d: {  	s13 =	sld [smem:$0x7EF];
	p3 =	por @!p2 p5, p5  }
0x11e: {  	[smem:$0x7F3] =	sst s5;
	s5 =	simm.s32 @!p3 $0x0  }
0x11f: {  	p5 =	por @!p2 $0x1, $0x1;
	s5 =	simm.s32 @p3 $0x1;
	p3 =	seq.s32 s12, $0x1  }
0x120: {  	s14 =	sld [smem:$0x7F0];
	p3 =	por @!p2 p5, p5  }
0x121: {  	[smem:$0x7ED] =	sst s5;
	s5 =	simm.s32 @!p3 $0x0  }
0x122: {  	p5 =	por @!p2 $0x1, $0x1;
	s5 =	simm.s32 @p3 $0x1;
	p3 =	seq.s32 s13, $0x1  }
0x123: {  	s28 =	sld [smem:$0x7F1];
	p3 =	por @!p2 p5, p5  }
0x124: {  	[smem:$0x7EE] =	sst s5;
	s5 =	simm.s32 @!p3 $0x0  }
0x125: {  	p5 =	por @!p2 $0x1, $0x1;
	s5 =	simm.s32 @p3 $0x1;
	p3 =	seq.s32 s14, $0x1  }
0x126: {  	s29 =	sld [smem:$0x7F3];
	p3 =	por @!p2 p5, p5  }
0x127: {  	[smem:$0x7EF] =	sst s5;
	s5 =	simm.s32 @!p3 $0x0  }
0x128: {  	p5 =	por @!p2 $0x1, $0x1;
	s5 =	simm.s32 @p3 $0x1;
	p3 =	seq.s32 s28, $0x1  }
0x129: {  	p3 =	por @!p2 p5, p5  }
0x12a: {  	[smem:$0x7F0] =	sst s5;
	s5 =	simm.s32 @!p3 $0x0  }
0x12b: {  	s8 =	sld [smem:$0x7F2];
	s5 =	simm.s32 @p3 $0x1;
	p3 =	seq.s32 s29, $0x1  }
0x12c: {  	[smem:$0x7F1] =	sst s5;
	s5 =	simm.s32 @!p3 $0x0  }
0x12d: {  	s5 =	simm.s32 @p3 $0x1  }
0x12e: {  	[smem:$0x7EC] =	sst s5  }
0x12f: {  	p5 =	por @!p2 $0x1, $0x1;
	p3 =	seq.s32 s8, $0x1;
	s12 =	sld [smem:$0x7EC]  }
0x130: {  	p3 =	por @!p2 p5, p5  }
0x131: {  	p4 =	por @!p6 $0x0, $0x0;
	s5 =	simm.s32 @!p3 $0x0  }
0x132: {  	s13 =	sld [smem:$0x7ED];
	s5 =	simm.s32 @p3 $0x1;
	p3 =	seq.s32 s12, $0x1  }
0x133: {  	s14 =	sld [smem:$0x7EE];
	p3 =	por @!p6 p4, p4  }
0x134: {  	[smem:$0x7F2] =	sst s5;
	s5 =	simm.s32 @!p3 $0x0  }
0x135: {  	p4 =	por @!p6 $0x1, $0x1;
	s5 =	simm.s32 @p3 $0x1;
	p3 =	seq.s32 s13, $0x1  }
0x136: {  	p3 =	por @!p6 p4, p4  }
0x137: {  	[smem:$0x7EC] =	sst s5;
	s5 =	simm.s32 @!p3 $0x0  }
0x138: {  	s28 =	sld [smem:$0x7EF];
	s5 =	simm.s32 @p3 $0x1;
	p3 =	seq.s32 s14, $0x1  }
0x139: {  	p3 =	por @!p6 p4, p4  }
0x13a: {  	[smem:$0x7ED] =	sst s5;
	s5 =	simm.s32 @!p3 $0x0  }
0x13b: {  	s29 =	sld [smem:$0x7F0];
	s5 =	simm.s32 @p3 $0x1;
	p3 =	seq.s32 s28, $0x1  }
0x13c: {  	p3 =	por @!p6 p4, p4  }
0x13d: {  	[smem:$0x7EE] =	sst s5;
	s5 =	simm.s32 @!p3 $0x0  }
0x13e: {  	s8 =	sld [smem:$0x7F1];
	s5 =	simm.s32 @p3 $0x1;
	p3 =	seq.s32 s29, $0x1  }
0x13f: {  	s12 =	sld [smem:$0x7F2];
	p3 =	por @!p6 p4, p4  }
0x140: {  	[smem:$0x7EF] =	sst s5;
	s5 =	simm.s32 @!p3 $0x0  }
0x141: {  	s13 =	sld [smem:$0x7F3];
	s5 =	simm.s32 @p3 $0x1;
	p3 =	seq.s32 s8, $0x1  }
0x142: {  	s14 =	sld [smem:$0x7EC];
	p3 =	por @!p6 p4, p4  }
0x143: {  	[smem:$0x7F0] =	sst s5;
	s5 =	simm.s32 @!p3 $0x0  }
0x144: {  	p5 =	seq.s32 s13, $0x1;
	s5 =	simm.s32 @p3 $0x1;
	p3 =	seq.s32 s12, $0x1  }
0x145: {  	p5 =	por @!p6 p4, p4;
	p3 =	por @!p6 p4, p4  }
0x146: {  	[smem:$0x7F1] =	sst s5;
	p4 =	seq.s32 s14, $0x1;
	s5 =	simm.s32 @!p3 $0x0  }
0x147: {  	p2 =	por @!p1 $0x0, $0x0;
	s5 =	simm.s32 @p3 $0x1;
	p3 =	por p4, p4  }
0x148: {  	s28 =	sld [smem:$0x7ED];
	p3 =	por @!p1 p2, p2  }
0x149: {  	p6 =	por @!p1 $0x1, $0x1;
	[smem:$0x7F2] =	sst s5;
	s5 =	simm.s32 @!p3 $0x0  }
0x14a: {  	s29 =	sld [smem:$0x7EE];
	p4 =	por @!p1 p6, p6;
	s5 =	simm.s32 @p3 $0x1  }
0x14b: {  	p3 =	seq.s32 s28, $0x1;
	[smem:$0x7F5] =	sst s5;
	s5 =	simm.s32 @!p4 $0x0  }
0x14c: {  	p3 =	por @!p1 p6, p6;
	s5 =	simm.s32 @p4 $0x1  }
0x14d: {  	[smem:$0x7EC] =	sst s5;
	s5 =	simm.s32 @!p3 $0x0  }
0x14e: {  	s8 =	sld [smem:$0x7EF];
	s5 =	simm.s32 @p3 $0x1;
	p3 =	seq.s32 s29, $0x1  }
0x14f: {  	p3 =	por @!p1 p6, p6  }
0x150: {  	[smem:$0x7ED] =	sst s5;
	s5 =	simm.s32 @!p3 $0x0  }
0x151: {  	s12 =	sld [smem:$0x7F0];
	s5 =	simm.s32 @p3 $0x1;
	p3 =	seq.s32 s8, $0x1  }
0x152: {  	s13 =	sld [smem:$0x7F1];
	p3 =	por @!p1 p6, p6  }
0x153: {  	[smem:$0x7EE] =	sst s5;
	s5 =	simm.s32 @!p3 $0x0  }
0x154: {  	s14 =	sld [smem:$0x7F2];
	s5 =	simm.s32 @p3 $0x1;
	p3 =	seq.s32 s12, $0x1  }
0x155: {  	p5 =	por @!p1 p6, p6;
	s28 =	sld [smem:$0x7E9];
	p3 =	por @!p1 p6, p6  }
0x156: {  	p4 =	seq.s32 s13, $0x1;
	[smem:$0x7EF] =	sst s5;
	s5 =	simm.s32 @!p3 $0x0  }
0x157: {  	s29 =	sld [smem:$0x7F5];
	s5 =	simm.s32 @p3 $0x1;
	p3 =	seq.s32 s14, $0x1  }
0x158: {  	p4 =	por @!p1 p6, p6;
	s12 =	sld [smem:$0x7ED];
	p3 =	por @!p1 p6, p6  }
0x159: {  	p2 =	seq.s32 s28, $0x1;
	[smem:$0x7F0] =	sst s5;
	s5 =	simm.s32 @!p3 $0x0  }
0x15a: {  	p1 =	por @!p2 $0x0, $0x0;
	s5 =	simm.s32 @p3 $0x1;
	p3 =	seq.s32 s29, $0x1  }
0x15b: {  	s13 =	sld [smem:$0x7EE];
	p3 =	por @!p2 p1, p1  }
0x15c: {  	[smem:$0x7F2] =	sst s5;
	s5 =	simm.s32 @!p3 $0x0  }
0x15d: {  	p6 =	por @!p2 $0x1, $0x1;
	s5 =	simm.s32 @p3 $0x1;
	p3 =	seq.s32 s12, $0x1  }
0x15e: {  	p3 =	por @!p2 p6, p6  }
0x15f: {  	[smem:$0x7F4] =	sst s5;
	s5 =	simm.s32 @!p3 $0x0  }
0x160: {  	s14 =	sld [smem:$0x7EF];
	s5 =	simm.s32 @p3 $0x1;
	p3 =	seq.s32 s13, $0x1  }
0x161: {  	p3 =	por @!p2 p6, p6  }
0x162: {  	[smem:$0x7ED] =	sst s5;
	s5 =	simm.s32 @!p3 $0x0  }
0x163: {  	s28 =	sld [smem:$0x7F0];
	s5 =	simm.s32 @p3 $0x1;
	p3 =	seq.s32 s14, $0x1  }
0x164: {  	p3 =	por @!p2 p6, p6  }
0x165: {  	[smem:$0x7EE] =	sst s5;
	s5 =	simm.s32 @!p3 $0x0  }
0x166: {  	s5 =	simm.s32 @p3 $0x1;
	p3 =	seq.s32 s28, $0x1  }
0x167: {  	s29 =	sld [smem:$0x7F2];
	p3 =	por @!p2 p6, p6  }
0x168: {  	[smem:$0x7EF] =	sst s5;
	s5 =	simm.s32 @!p3 $0x0  }
0x169: {  	p4 =	por @!p2 p6, p6;
	s5 =	simm.s32 @p3 $0x1  }
0x16a: {  	[smem:$0x7F0] =	sst s5;
	s5 =	simm.s32 @!p4 $0x0  }
0x16b: {  	s5 =	simm.s32 @p4 $0x1;
	p4 =	seq.s32 s29, $0x1  }
0x16c: {  	p4 =	por @!p2 p6, p6  }
0x16d: {  	[smem:$0x7F1] =	sst s5;
	s5 =	simm.s32 @!p4 $0x0  }
0x16e: {  	p5 =	por @!p2 p6, p6;
	s5 =	simm.s32 @p4 $0x1  }
0x16f: {  	[smem:$0x7F2] =	sst s5;
	s5 =	simm.s32 @!p5 $0x0  }
0x170: {  	s8 =	sld [smem:$0x7EC];
	p3 =	por @!p2 $0x1, $0x1;
	s5 =	simm.s32 @p5 $0x1  }
0x171: {  	[smem:$0x7F3] =	sst s5;
	s5 =	simm.s32 @!p3 $0x0  }
0x172: {  	s12 =	sld [smem:$0x7F5];
	s5 =	simm.s32 @p3 $0x1  }
0x173: {  	[smem:$0x7EA] =	sst s5  }
0x174: {  	s13 =	sld [smem:$0x7EA];
	_ =	sdelay $0x1  }
0x175: {  	p1 =	seq.s32 s8, $0x1;
	s8 =	sld [smem:$0x7F4]  }
0x176: {  	p3 =	seq.s32 s12, $0x1;
	p5 =	seq.s32 s13, $0x1  }
0x177: {  	p1 =	por @!p2 p6, p6;
	p3 =	por @!p2 p5, p5  }
0x178: {  	p6 =	seq.s32 s8, $0x1;
	p4 =	por @!p0 $0x1, $0x1;
	s5 =	simm.s32 @!p3 $0x0  }
0x179: {  	s29 =	sld [smem:$0x7EE];
	p6 =	por @!p0 p4, p4;
	s5 =	simm.s32 @p3 $0x1  }
0x17a: {  	[smem:$0x7F5] =	sst s5;
	s5 =	simm.s32 @!p6 $0x0  }
0x17b: {  	p1 =	por @!p0 p4, p4;
	s5 =	simm.s32 @p6 $0x1  }
0x17c: {  	[smem:$0x7EB] =	sst s5;
	s5 =	simm.s32 @!p1 $0x0  }
0x17d: {  	s8 =	sld [smem:$0x7EF];
	s5 =	simm.s32 @p1 $0x1;
	p1 =	seq.s32 s29, $0x1  }
0x17e: {  	p1 =	por @!p0 p4, p4  }
0x17f: {  	[smem:$0x7EC] =	sst s5;
	s5 =	simm.s32 @!p1 $0x0  }
0x180: {  	s12 =	sld [smem:$0x7F0];
	s5 =	simm.s32 @p1 $0x1;
	p1 =	seq.s32 s8, $0x1  }
0x181: {  	s14 =	sld [smem:$0x7F5];
	p1 =	por @!p0 p4, p4  }
0x182: {  	[smem:$0x7EE] =	sst s5;
	s5 =	simm.s32 @!p1 $0x0  }
0x183: {  	s13 =	sld [smem:$0x7F1];
	s5 =	simm.s32 @p1 $0x1;
	p1 =	seq.s32 s12, $0x1  }
0x184: {  	s28 =	sld [smem:$0x7ED];
	p1 =	por @!p0 p4, p4  }
0x185: {  	p6 =	seq.s32 s14, $0x1;
	[smem:$0x7EF] =	sst s5;
	s5 =	simm.s32 @!p1 $0x0  }
0x186: {  	s14 =	sld [smem:$0x7F2];
	s5 =	simm.s32 @p1 $0x1;
	p1 =	seq.s32 s13, $0x1  }
0x187: {  	p1 =	por @!p0 p4, p4  }
0x188: {  	p2 =	seq.s32 s28, $0x1;
	[smem:$0x7F0] =	sst s5;
	s5 =	simm.s32 @!p1 $0x0  }
0x189: {  	s28 =	sld [smem:$0x7F3];
	s5 =	simm.s32 @p1 $0x1;
	p1 =	seq.s32 s14, $0x1  }
0x18a: {  	p1 =	por @!p0 p4, p4  }
0x18b: {  	[smem:$0x7F1] =	sst s5;
	s5 =	simm.s32 @!p1 $0x0  }
0x18c: {  	s29 =	sld [smem:$0x7F4];
	s5 =	simm.s32 @p1 $0x1;
	p1 =	seq.s32 s28, $0x1  }
0x18d: {  	p1 =	por @!p0 p4, p4  }
0x18e: {  	p3 =	por @!p0 $0x0, $0x0;
	[smem:$0x7F2] =	sst s5;
	s5 =	simm.s32 @!p1 $0x0  }
0x18f: {  	p6 =	por @!p0 p4, p4;
	p5 =	seq.s32 s29, $0x1;
	s5 =	simm.s32 @p1 $0x1  }
0x190: {  	p1 =	por p5, p5;
	[smem:$0x7F3] =	sst s5;
	s5 =	simm.s32 @!p6 $0x0  }
0x191: {  	p2 =	por @!p0 p4, p4;
	p1 =	por @!p0 p3, p3;
	s5 =	simm.s32 @p6 $0x1  }
0x192: {  	p4 =	por p5, p5;
	[smem:$0x7F5] =	sst s5;
	s5 =	simm.s32 @!p1 $0x0  }
0x193: {  	p4 =	por @!p0 p3, p3;
	s5 =	simm.s32 @p1 $0x1  }
0x194: {  	p5 =	por @!p0 p3, p3;
	p6 =	por p2, p2;
	[smem:$0x7F6] =	sst s5  }
.LBB2_6:
0x195: {  	_ =	swait.ge [sflag:s16], $0xA00  }
0x196: {  	[sflag:s16] =	ssyncset.done $0x0  }
0x197: {  	[sflag:s16] =	ssyncadd.s32 $0xFFFFF600  }
0x198: {  	_ =	swait.ge [sflag:s24], $0xA00  }
0x199: {  	s5 =	sld [smem:$0x7F7];
	_ =	sdelay $0x2  }
0x19a: {  	p0 =	seq.s32 s5, $0x1  }
.Ltmp7:
0x19b: {  	_ = 	snop;
	(pc) =	sbr.rel @p0 .LBB2_20-.Ltmp7, $3  }
0x19c: {  	_ =	sdelay $0x1  }
0x19d: {  	[sflag:s24] =	ssyncset.done $0x0  }
0x19e: {  	[sflag:s24] =	ssyncadd.s32 $0xFFFFF600  }
0x19f: {  	_ =	swait.ge [sflag:s16], $0xA00  }
0x1a0: {  	[sflag:s16] =	ssyncset.done $0x0  }
0x1a1: {  	[sflag:s16] =	ssyncadd.s32 $0xFFFFF600  }
0x1a2: {  	_ =	swait.ge [sflag:s24], $0xA00  }
0x1a3: {  	s5 =	sld [smem:$0x7F0];
	_ =	sdelay $0x2  }
0x1a4: {  	p0 =	seq.s32 s5, $0x1  }
.Ltmp8:
0x1a5: {  	_ = 	snop;
	(pc) =	sbr.rel @p0 .LBB2_21-.Ltmp8, $3  }
0x1a6: {  	_ =	sdelay $0x1  }
0x1a7: {  	[sflag:s24] =	ssyncset.done $0x0  }
0x1a8: {  	[sflag:s24] =	ssyncadd.s32 $0xFFFFF600  }
.LBB2_8:
0x1a9: {  	s5 =	sld [smem:$0x7EF];
	_ =	sdelay $0x2  }
0x1aa: {  	p0 =	seq.s32 s5, $0x1  }
.Ltmp9:
0x1ab: {  	_ = 	snop;
	(pc) =	sbr.rel @!p0 .LBB2_9-.Ltmp9, $1  }
0x1ac: {  	_ =	sdelay $0x3  }
.LBB2_22:
0x1ad: {  	_ =	swait.ge [sflag:s16], $0xA00  }
0x1ae: {  	[sflag:s16] =	ssyncset.done $0x0  }
0x1af: {  	[sflag:s16] =	ssyncadd.s32 $0xFFFFF600  }
0x1b0: {  	_ =	swait.ge [sflag:s24], $0xA00  }
0x1b1: {  	s5 =	sld [smem:$0x7F1];
	_ =	sdelay $0x2  }
0x1b2: {  	p0 =	seq.s32 s5, $0x1  }
.Ltmp10:
0x1b3: {  	_ = 	snop;
	(pc) =	sbr.rel @p0 .LBB2_23-.Ltmp10, $3  }
0x1b4: {  	_ =	sdelay $0x1  }
0x1b5: {  	[sflag:s24] =	ssyncset.done $0x0  }
0x1b6: {  	[sflag:s24] =	ssyncadd.s32 $0xFFFFF600  }
.LBB2_10:
0x1b7: {  	s5 =	sld [smem:$0x7EE];
	_ =	sdelay $0x2  }
0x1b8: {  	p0 =	seq.s32 s5, $0x1  }
.Ltmp11:
0x1b9: {  	_ = 	snop;
	(pc) =	sbr.rel @!p0 .LBB2_11-.Ltmp11, $1  }
0x1ba: {  	_ =	sdelay $0x3  }
.LBB2_24:
0x1bb: {  	_ =	swait.ge [sflag:s16], $0xA00  }
0x1bc: {  	[sflag:s16] =	ssyncset.done $0x0  }
0x1bd: {  	[sflag:s16] =	ssyncadd.s32 $0xFFFFF600  }
0x1be: {  	_ =	swait.ge [sflag:s24], $0xA00  }
0x1bf: {  	s5 =	sld [smem:$0x7F2];
	_ =	sdelay $0x2  }
0x1c0: {  	p0 =	seq.s32 s5, $0x1  }
.Ltmp12:
0x1c1: {  	_ = 	snop;
	(pc) =	sbr.rel @p0 .LBB2_25-.Ltmp12, $3  }
0x1c2: {  	_ =	sdelay $0x1  }
0x1c3: {  	[sflag:s24] =	ssyncset.done $0x0  }
0x1c4: {  	[sflag:s24] =	ssyncadd.s32 $0xFFFFF600  }
.LBB2_12:
.Ltmp13:
0x1c5: {  	(pc) =	sbr.rel @!p6 .LBB2_13-.Ltmp13, $1  }
0x1c6: {  	_ =	sdelay $0x3  }
.LBB2_26:
0x1c7: {  	_ =	swait.ge [sflag:s16], $0xA00  }
0x1c8: {  	[sflag:s16] =	ssyncset.done $0x0  }
0x1c9: {  	[sflag:s16] =	ssyncadd.s32 $0xFFFFF600  }
0x1ca: {  	_ =	swait.ge [sflag:s24], $0xA00  }
0x1cb: {  	s5 =	sld [smem:$0x7F3];
	_ =	sdelay $0x2  }
0x1cc: {  	p0 =	seq.s32 s5, $0x1  }
.Ltmp14:
0x1cd: {  	_ = 	snop;
	(pc) =	sbr.rel @p0 .LBB2_27-.Ltmp14, $3  }
0x1ce: {  	_ =	sdelay $0x1  }
0x1cf: {  	[sflag:s24] =	ssyncset.done $0x0  }
0x1d0: {  	[sflag:s24] =	ssyncadd.s32 $0xFFFFF600  }
.LBB2_14:
0x1d1: {  	s5 =	sld [smem:$0x7EC];
	_ =	sdelay $0x2  }
0x1d2: {  	p0 =	seq.s32 s5, $0x1  }
.Ltmp15:
0x1d3: {  	_ = 	snop;
	(pc) =	sbr.rel @!p0 .LBB2_15-.Ltmp15, $1  }
0x1d4: {  	_ =	sdelay $0x3  }
.LBB2_28:
0x1d5: {  	_ =	swait.ge [sflag:s16], $0xA00  }
0x1d6: {  	[sflag:s16] =	ssyncset.done $0x0  }
0x1d7: {  	[sflag:s16] =	ssyncadd.s32 $0xFFFFF600  }
0x1d8: {  	_ =	swait.ge [sflag:s24], $0xA00  }
0x1d9: {  	s5 =	sld [smem:$0x7F5];
	_ =	sdelay $0x2  }
0x1da: {  	p0 =	seq.s32 s5, $0x1  }
.Ltmp16:
0x1db: {  	_ = 	snop;
	(pc) =	sbr.rel @p0 .LBB2_29-.Ltmp16, $3  }
0x1dc: {  	_ =	sdelay $0x1  }
0x1dd: {  	[sflag:s24] =	ssyncset.done $0x0  }
0x1de: {  	[sflag:s24] =	ssyncadd.s32 $0xFFFFF600  }
.LBB2_16:
0x1df: {  	s5 =	sld [smem:$0x7EB];
	_ =	sdelay $0x2  }
0x1e0: {  	p0 =	seq.s32 s5, $0x1  }
.Ltmp17:
0x1e1: {  	_ = 	snop;
	(pc) =	sbr.rel @!p0 .LBB2_17-.Ltmp17, $1  }
0x1e2: {  	_ =	sdelay $0x3  }
.LBB2_30:
0x1e3: {  	_ =	swait.ge [sflag:s16], $0xA00  }
.Ltmp18:
0x1e4: {  	[sflag:s16] =	ssyncset.done $0x0;
	(pc) =	sbr.rel @p4 .LBB2_31-.Ltmp18, $4  }
0x1e5: {  	[sflag:s16] =	ssyncadd.s32 $0xFFFFF600  }
0x1e6: {  	_ =	swait.ge [sflag:s24], $0xA00  }
0x1e7: {  	[sflag:s24] =	ssyncset.done $0x0  }
0x1e8: {  	[sflag:s24] =	ssyncadd.s32 $0xFFFFF600  }
.LBB2_18:
0x1e9: {  	s5 =	sld [smem:$0x7F6];
	_ =	sdelay $0x2  }
0x1ea: {  	p0 =	seq.s32 s5, $0x1  }
.Ltmp19:
0x1eb: {  	_ = 	snop;
	(pc) =	sbr.rel @!p0 .LBB2_19-.Ltmp19, $1  }
0x1ec: {  	_ =	sdelay $0x3  }
.LBB2_32:
0x1ed: {  	_ =	swait.ge [sflag:s16], $0xA00  }
.Ltmp20:
0x1ee: {  	[sflag:s16] =	ssyncset.done $0x0;
	(pc) =	sbr.rel @!p5 .LBB2_34-.Ltmp20, $4  }
.Ltmp21:
0x1ef: {  	[sflag:s16] =	ssyncadd.s32 $0xFFFFF600;
	(pc) =	sbr.rel @p5 .LBB2_33-.Ltmp21, $4  }
0x1f0: {  	_ =	swait.ge [sflag:s24], $0xA00  }
0x1f1: {  	[sflag:s24] =	ssyncset.done $0x0  }
0x1f2: {  	[sflag:s24] =	ssyncadd.s32 $0xFFFFF600  }
0x1f3: {  	_ = 	snop  }
.LBB2_20:
0x1f4: {  	s5 =	sld [smem:$0x7F0];
	_ =	sdelay $0x2  }
0x1f5: {  	p0 =	seq.s32 s5, $0x1  }
.Ltmp22:
0x1f6: {  	_ = 	snop;
	(pc) =	sbr.rel @!p0 .LBB2_8-.Ltmp22, $1  }
0x1f7: {  	_ =	sdelay $0x3  }
.LBB2_21:
0x1f8: {  	_ =	swait.ge [sflag:s16], $0xA00  }
0x1f9: {  	[sflag:s16] =	ssyncset.done $0x0  }
0x1fa: {  	[sflag:s16] =	ssyncadd.s32 $0xFFFFF600  }
0x1fb: {  	_ =	swait.ge [sflag:s24], $0xA00  }
0x1fc: {  	s5 =	sld [smem:$0x7EF];
	_ =	sdelay $0x2  }
0x1fd: {  	p0 =	seq.s32 s5, $0x1  }
.Ltmp23:
0x1fe: {  	_ = 	snop;
	(pc) =	sbr.rel @p0 .LBB2_22-.Ltmp23, $3  }
0x1ff: {  	_ =	sdelay $0x1  }
0x200: {  	[sflag:s24] =	ssyncset.done $0x0  }
0x201: {  	[sflag:s24] =	ssyncadd.s32 $0xFFFFF600  }
.LBB2_9:
0x202: {  	s5 =	sld [smem:$0x7F1];
	_ =	sdelay $0x2  }
0x203: {  	p0 =	seq.s32 s5, $0x1  }
.Ltmp24:
0x204: {  	_ = 	snop;
	(pc) =	sbr.rel @!p0 .LBB2_10-.Ltmp24, $1  }
0x205: {  	_ =	sdelay $0x3  }
.LBB2_23:
0x206: {  	_ =	swait.ge [sflag:s16], $0xA00  }
0x207: {  	[sflag:s16] =	ssyncset.done $0x0  }
0x208: {  	[sflag:s16] =	ssyncadd.s32 $0xFFFFF600  }
0x209: {  	_ =	swait.ge [sflag:s24], $0xA00  }
0x20a: {  	s5 =	sld [smem:$0x7EE];
	_ =	sdelay $0x2  }
0x20b: {  	p0 =	seq.s32 s5, $0x1  }
.Ltmp25:
0x20c: {  	_ = 	snop;
	(pc) =	sbr.rel @p0 .LBB2_24-.Ltmp25, $3  }
0x20d: {  	_ =	sdelay $0x1  }
0x20e: {  	[sflag:s24] =	ssyncset.done $0x0  }
0x20f: {  	[sflag:s24] =	ssyncadd.s32 $0xFFFFF600  }
.LBB2_11:
0x210: {  	s5 =	sld [smem:$0x7F2];
	_ =	sdelay $0x2  }
0x211: {  	p0 =	seq.s32 s5, $0x1  }
.Ltmp26:
0x212: {  	_ = 	snop;
	(pc) =	sbr.rel @!p0 .LBB2_12-.Ltmp26, $1  }
0x213: {  	_ =	sdelay $0x3  }
.LBB2_25:
0x214: {  	_ =	swait.ge [sflag:s16], $0xA00  }
.Ltmp27:
0x215: {  	[sflag:s16] =	ssyncset.done $0x0;
	(pc) =	sbr.rel @p6 .LBB2_26-.Ltmp27, $4  }
0x216: {  	[sflag:s16] =	ssyncadd.s32 $0xFFFFF600  }
0x217: {  	_ =	swait.ge [sflag:s24], $0xA00  }
0x218: {  	[sflag:s24] =	ssyncset.done $0x0  }
0x219: {  	[sflag:s24] =	ssyncadd.s32 $0xFFFFF600  }
.LBB2_13:
0x21a: {  	s5 =	sld [smem:$0x7F3];
	_ =	sdelay $0x2  }
0x21b: {  	p0 =	seq.s32 s5, $0x1  }
.Ltmp28:
0x21c: {  	_ = 	snop;
	(pc) =	sbr.rel @!p0 .LBB2_14-.Ltmp28, $1  }
0x21d: {  	_ =	sdelay $0x3  }
.LBB2_27:
0x21e: {  	_ =	swait.ge [sflag:s16], $0xA00  }
0x21f: {  	[sflag:s16] =	ssyncset.done $0x0  }
0x220: {  	[sflag:s16] =	ssyncadd.s32 $0xFFFFF600  }
0x221: {  	_ =	swait.ge [sflag:s24], $0xA00  }
0x222: {  	s5 =	sld [smem:$0x7EC];
	_ =	sdelay $0x2  }
0x223: {  	p0 =	seq.s32 s5, $0x1  }
.Ltmp29:
0x224: {  	_ = 	snop;
	(pc) =	sbr.rel @p0 .LBB2_28-.Ltmp29, $3  }
0x225: {  	_ =	sdelay $0x1  }
0x226: {  	[sflag:s24] =	ssyncset.done $0x0  }
0x227: {  	[sflag:s24] =	ssyncadd.s32 $0xFFFFF600  }
.LBB2_15:
0x228: {  	s5 =	sld [smem:$0x7F5];
	_ =	sdelay $0x2  }
0x229: {  	p0 =	seq.s32 s5, $0x1  }
.Ltmp30:
0x22a: {  	_ = 	snop;
	(pc) =	sbr.rel @!p0 .LBB2_16-.Ltmp30, $1  }
0x22b: {  	_ =	sdelay $0x3  }
.LBB2_29:
0x22c: {  	_ =	swait.ge [sflag:s16], $0xA00  }
0x22d: {  	[sflag:s16] =	ssyncset.done $0x0  }
0x22e: {  	[sflag:s16] =	ssyncadd.s32 $0xFFFFF600  }
0x22f: {  	_ =	swait.ge [sflag:s24], $0xA00  }
0x230: {  	s5 =	sld [smem:$0x7EB];
	_ =	sdelay $0x2  }
0x231: {  	p0 =	seq.s32 s5, $0x1  }
.Ltmp31:
0x232: {  	_ = 	snop;
	(pc) =	sbr.rel @p0 .LBB2_30-.Ltmp31, $3  }
0x233: {  	_ =	sdelay $0x1  }
0x234: {  	[sflag:s24] =	ssyncset.done $0x0  }
0x235: {  	[sflag:s24] =	ssyncadd.s32 $0xFFFFF600  }
.LBB2_17:
.Ltmp32:
0x236: {  	(pc) =	sbr.rel @!p4 .LBB2_18-.Ltmp32, $1  }
0x237: {  	_ =	sdelay $0x3  }
.LBB2_31:
0x238: {  	_ =	swait.ge [sflag:s16], $0xA00  }
0x239: {  	[sflag:s16] =	ssyncset.done $0x0  }
0x23a: {  	[sflag:s16] =	ssyncadd.s32 $0xFFFFF600  }
0x23b: {  	_ =	swait.ge [sflag:s24], $0xA00  }
0x23c: {  	s5 =	sld [smem:$0x7F6];
	_ =	sdelay $0x2  }
0x23d: {  	p0 =	seq.s32 s5, $0x1  }
.Ltmp33:
0x23e: {  	_ = 	snop;
	(pc) =	sbr.rel @p0 .LBB2_32-.Ltmp33, $3  }
0x23f: {  	_ =	sdelay $0x1  }
0x240: {  	[sflag:s24] =	ssyncset.done $0x0  }
0x241: {  	[sflag:s24] =	ssyncadd.s32 $0xFFFFF600  }
.LBB2_19:
.Ltmp34:
0x242: {  	(pc) =	sbr.rel @!p5 .LBB2_34-.Ltmp34, $1  }
0x243: {  	_ =	sdelay $0x3  }
.LBB2_33:
0x244: {  	_ =	swait.ge [sflag:s16], $0xA00  }
0x245: {  	[sflag:s16] =	ssyncset.done $0x0  }
0x246: {  	[sflag:s16] =	ssyncadd.s32 $0xFFFFF600  }
0x247: {  	_ =	swait.ge [sflag:s24], $0xA00  }
0x248: {  	[sflag:s24] =	ssyncset.done $0x0  }
0x249: {  	[sflag:s24] =	ssyncadd.s32 $0xFFFFF600  }
.LBB2_34:
.Ltmp35:
0x24a: {  	(pc) =	sbr.rel .LBB2_35-.Ltmp35, $4  }
0x24b: {  	s0 =	sshll.u32 s0, $0xB  }
0x24c: {  	s0 =	ssub.s32 $0x0, s0  }
0x24d: {  	s0 =	sshra.s32 s0, $0x2  }
0x24e: {  	s28 =	sadd.s32 $0x310, s0;
	s29 =	sadd.s32 $0xA510, s0;
	s0 =	simm.s32 $0x0  }
.LBB2_86:
0x24f: {  	v11 =	vimm.f32 $0.0e+00;
	v12 =	vimm.f32 $0.0e+00  }
0x250: {  	v13 =	vimm.f32 $0.0e+00;
	v2 =	vimm.f32 $0.0e+00;
	v3 =	vimm.f32 $0.0e+00  }
0x251: {  	v4 =	vimm.f32 $0.0e+00;
	v6 =	vimm.f32 $0.0e+00;
	v8 =	vimm.f32 $0.0e+00  }
.LBB2_90:
0x252: {  	v14 =	vld [tilespmem:s13+$0xFFFFFFF0]  }
0x253: {  	v15 =	vld [tilespmem:s13+$0x0]  }
0x254: {  	v16 =	vld [tilespmem:s13+$0xFFFFFFE0]  }
0x255: {  	v17 =	vld [tilespmem:s12+$0xFFFFFFE0]  }
0x256: {  	v18 =	vld [tilespmem:s12+$0xFFFFFFF0]  }
0x257: {  	v7 =	vadd.f32 @p0 v7, v11;
	v9 =	vadd.f32 @p0 v9, v12;
	v63 =	vld [tilespmem:s12+$0x0]  }
0x258: {  	v10 =	vadd.f32 @p0 v10, v13;
	v2 =	vadd.f32 v5, v2  }
0x259: {  	v3 =	vadd.f32 v1, v3;
	v4 =	vadd.f32 v14, v4  }
0x25a: {  	v5 =	vadd.f32 v15, v6;
	v1 =	vadd.f32 v16, v8;
	v6 =	vpsel p0, v7, v0  }
0x25b: {  	v7 =	vpsel p0, v9, v0;
	v8 =	vpsel p0, v10, v0;
	v0 =	vadd.f32 v17, v6  }
0x25c: {  	v6 =	vadd.f32 v18, v7;
	v7 =	vadd.f32 v63, v8  }
.LBB2_91:
0x25d: {  	s5 =	sor.u32 $0x1C0, s8  }
0x25e: {  	[tilespmem:s5+$0x13CF0] =	vst v1  }
0x25f: {  	s0 =	sadd.s32 $0x1, s0;
	[tilespmem:s5+$0x150F0] =	vst v0  }
0x260: {  	p0 =	sne.s32 s0, $0xA;
	[tilespmem:s8+$0x13EC0] =	vst v4  }
.Ltmp36:
0x261: {  	[tilespmem:s8+$0x152C0] =	vst v6;
	(pc) =	sbr.rel @!p0 .LBB2_92-.Ltmp36, $4  }
0x262: {  	[tilespmem:s8+$0x13ED0] =	vst v5  }
0x263: {  	[tilespmem:s8+$0x152D0] =	vst v7  }
0x264: {  	[tilespmem:s8+$0x13EE0] =	vst v2  }
0x265: {  	[tilespmem:s8+$0x152E0] =	vst v3  }
.LBB2_35:
0x266: {  	s5 =	sshll.u32 s0, $0x3  }
0x267: {  	s5 =	sand.u32 $0x3FFFFFF8, s5  }
0x268: {  	v0 =	vld [tilespmem:s5+$0x0];
	_ =	sdelay $0x4  }
0x269: {  	(v2sf) =	vpush v0, $0x0  }
0x26a: {  	(v2sf) =	vpush v0, $0x1;
	_ =	sdelay $0xd  }
0x26b: {  	s8 =	spop (v2sf)  }
0x26c: {  	s13 =	spop (v2sf)  }
0x26d: {  	s5 =	ssub.s32 s13, s8  }
0x26e: {  	p0 =	slt.s32 s5, $0x1  }
.Ltmp37:
0x26f: {  	_ = 	snop;
	(pc) =	sbr.rel @p0 .LBB2_42-.Ltmp37, $4  }
0x270: {  	_ = 	snop  }
0x271: {  	v1 =	vimm.f32 $0.0e+00;
	v7 =	vimm.f32 $0.0e+00;
	v3 =	vimm.f32 $0.0e+00  }
0x272: {  	v6 =	vimm.f32 $0.0e+00;
	v4 =	vimm.f32 $0.0e+00;
	v8 =	vimm.f32 $0.0e+00  }
0x273: {  	v9 =	vimm.f32 $0.0e+00;
	v2 =	vimm.f32 $0.0e+00;
	v5 =	vimm.f32 $0.0e+00  }
0x274: {  	p1 =	sne.s32 s5, $0x1  }
.Ltmp38:
0x275: {  	s8 =	sshll.u32 s8, $0x8;
	(pc) =	sbr.rel @!p1 .LBB2_37-.Ltmp38, $4  }
0x276: {  	s12 =	sshra.s32 s8, $0x2  }
0x277: {  	s8 =	sadd.s32 s12, s29  }
0x278: {  	s12 =	sadd.s32 s12, s28;
	v3 =	vld [tilespmem:s8+$0x10]  }
0x279: {  	v2 =	vimm.f32 $0.0e+00;
	s5 =	sadd.s32 $0xFFFFFFFF, s5;
	p0 =	por $0x0, $0x0;
	v7 =	vld [tilespmem:s12+$0x10]  }
0x27a: {  	v6 =	vld [tilespmem:s12+$0xFFFFFFF0]  }
0x27b: {  	v8 =	vld [tilespmem:s12+$0x0]  }
0x27c: {  	v10 =	vld [tilespmem:s12+$0xFFFFFFE0];
	p1 =	sne.s32 s5, $0x1  }
.Ltmp39:
0x27d: {  	v9 =	vld [tilespmem:s8+$0xFFFFFFE0];
	(pc) =	sbr.rel @!p1 .LBB2_39-.Ltmp39, $4  }
0x27e: {  	v11 =	vld [tilespmem:s8+$0xFFFFFFF0]  }
0x27f: {  	v12 =	vld [tilespmem:s8+$0x0];
	s8 =	sadd.s32 $0x40, s8;
	v13 =	vimm.f32 $0.0e+00;
	v5 =	vadd.f32 v3, v2  }
0x280: {  	s12 =	sadd.s32 $0x40, s12;
	v14 =	vimm.f32 $0.0e+00;
	v3 =	vld [tilespmem:s8+$0x10];
	v4 =	vadd.f32 v7, v2;
	v6 =	vadd.f32 v6, v2  }
0x281: {  	s14 =	sadd.s32 $0xFFFFFFFF, s5;
	p0 =	por $0x1, $0x1;
	v15 =	vimm.f32 $0.0e+00;
	v7 =	vld [tilespmem:s12+$0x10];
	v8 =	vadd.f32 v8, v2;
	v10 =	vadd.f32 v10, v2  }
.LBB2_40:
0x282: {  	p1 =	sne.s32 s14, $0x1;
	v16 =	vld [tilespmem:s12+$0xFFFFFFF0];
	v13 =	vadd.f32 v9, v13  }
0x283: {  	v17 =	vld [tilespmem:s12+$0x0];
	v14 =	vadd.f32 v11, v14  }
0x284: {  	v18 =	vld [tilespmem:s12+$0xFFFFFFE0];
	v15 =	vadd.f32 v12, v15  }
.Ltmp40:
0x285: {  	v9 =	vld [tilespmem:s8+$0xFFFFFFE0];
	(pc) =	sbr.rel @p1 .LBB2_40-.Ltmp40, $4  }
0x286: {  	v5 =	vadd.f32 v3, v5;
	v4 =	vadd.f32 v7, v4;
	v11 =	vld [tilespmem:s8+$0xFFFFFFF0]  }
0x287: {  	v6 =	vadd.f32 v16, v6;
	v12 =	vld [tilespmem:s8+$0x0];
	s8 =	sadd.s32 $0x40, s8  }
0x288: {  	s12 =	sadd.s32 $0x40, s12;
	v3 =	vld [tilespmem:s8+$0x10];
	v8 =	vadd.f32 v17, v8  }
0x289: {  	s14 =	sadd.s32 $0xFFFFFFFF, s14;
	v7 =	vld [tilespmem:s12+$0x10];
	v10 =	vadd.f32 v18, v10  }
.LBB2_41:
0x28a: {  	v16 =	vld [tilespmem:s12+$0xFFFFFFF0]  }
0x28b: {  	v17 =	vld [tilespmem:s12+$0x0]  }
0x28c: {  	v18 =	vld [tilespmem:s12+$0xFFFFFFE0]  }
0x28d: {  	v19 =	vld [tilespmem:s8+$0xFFFFFFE0]  }
0x28e: {  	v20 =	vld [tilespmem:s8+$0xFFFFFFF0]  }
0x28f: {  	v9 =	vadd.f32 @p0 v9, v13;
	v63 =	vld [tilespmem:s8+$0x0];
	v11 =	vadd.f32 @p0 v11, v14  }
0x290: {  	v12 =	vadd.f32 @p0 v12, v15;
	v5 =	vadd.f32 v3, v5  }
0x291: {  	v4 =	vadd.f32 v7, v4;
	v3 =	vadd.f32 v16, v6  }
0x292: {  	v6 =	vadd.f32 v17, v8;
	v7 =	vadd.f32 v18, v10;
	v8 =	vpsel p0, v9, v2  }
0x293: {  	v9 =	vpsel p0, v11, v2;
	v2 =	vpsel p0, v12, v2;
	v8 =	vadd.f32 v19, v8  }
0x294: {  	v9 =	vadd.f32 v20, v9;
	v2 =	vadd.f32 v63, v2  }
.LBB2_42:
0x295: {  	(v2sf) =	vpush v0, $0x2;
	_ =	sdelay $0xd  }
0x296: {  	s8 =	sshll.u32 s0, $0x9  }
0x297: {  	[tilespmem:s8+$0x13CF0] =	vst v7;
	s12 =	spop (v2sf)  }
0x298: {  	[tilespmem:s8+$0x150F0] =	vst v8;
	s5 =	ssub.s32 s12, s13  }
0x299: {  	[tilespmem:s8+$0x13D00] =	vst v3;
	p0 =	slt.s32 s5, $0x1  }
.Ltmp41:
0x29a: {  	[tilespmem:s8+$0x15100] =	vst v9;
	(pc) =	sbr.rel @p0 .LBB2_49-.Ltmp41, $4  }
0x29b: {  	[tilespmem:s8+$0x13D10] =	vst v6  }
0x29c: {  	[tilespmem:s8+$0x15110] =	vst v2;
	v6 =	vimm.f32 $0.0e+00  }
0x29d: {  	[tilespmem:s8+$0x13D20] =	vst v4;
	v7 =	vimm.f32 $0.0e+00;
	v3 =	vimm.f32 $0.0e+00;
	v2 =	vimm.f32 $0.0e+00  }
0x29e: {  	[tilespmem:s8+$0x15120] =	vst v5;
	v8 =	vimm.f32 $0.0e+00;
	v5 =	vimm.f32 $0.0e+00;
	v4 =	vimm.f32 $0.0e+00  }
0x29f: {  	p1 =	sne.s32 s5, $0x1  }
.Ltmp42:
0x2a0: {  	s13 =	sshll.u32 s13, $0x8;
	(pc) =	sbr.rel @!p1 .LBB2_44-.Ltmp42, $4  }
0x2a1: {  	s14 =	sshra.s32 s13, $0x2  }
0x2a2: {  	s13 =	sadd.s32 s14, s29  }
0x2a3: {  	s14 =	sadd.s32 s14, s28;
	v1 =	vld [tilespmem:s13+$0x10]  }
0x2a4: {  	v2 =	vimm.f32 $0.0e+00;
	s5 =	sadd.s32 $0xFFFFFFFF, s5;
	p0 =	por $0x0, $0x0;
	v6 =	vld [tilespmem:s14+$0x10]  }
0x2a5: {  	v5 =	vld [tilespmem:s14+$0xFFFFFFF0]  }
0x2a6: {  	v7 =	vld [tilespmem:s14+$0x0]  }
0x2a7: {  	v9 =	vld [tilespmem:s14+$0xFFFFFFE0];
	p1 =	sne.s32 s5, $0x1  }
.Ltmp43:
0x2a8: {  	v8 =	vld [tilespmem:s13+$0xFFFFFFE0];
	(pc) =	sbr.rel @!p1 .LBB2_46-.Ltmp43, $4  }
0x2a9: {  	v10 =	vld [tilespmem:s13+$0xFFFFFFF0]  }
0x2aa: {  	v11 =	vld [tilespmem:s13+$0x0];
	s13 =	sadd.s32 $0x40, s13;
	v12 =	vimm.f32 $0.0e+00;
	v4 =	vadd.f32 v1, v2  }
0x2ab: {  	s14 =	sadd.s32 $0x40, s14;
	v13 =	vimm.f32 $0.0e+00;
	v1 =	vld [tilespmem:s13+$0x10];
	v3 =	vadd.f32 v6, v2;
	v5 =	vadd.f32 v5, v2  }
0x2ac: {  	s5 =	sadd.s32 $0xFFFFFFFF, s5;
	p0 =	por $0x1, $0x1;
	v14 =	vimm.f32 $0.0e+00;
	v6 =	vld [tilespmem:s14+$0x10];
	v7 =	vadd.f32 v7, v2;
	v9 =	vadd.f32 v9, v2  }
.LBB2_47:
0x2ad: {  	p1 =	sne.s32 s5, $0x1;
	v15 =	vld [tilespmem:s14+$0xFFFFFFF0];
	v12 =	vadd.f32 v8, v12  }
0x2ae: {  	v16 =	vld [tilespmem:s14+$0x0];
	v13 =	vadd.f32 v10, v13  }
0x2af: {  	v17 =	vld [tilespmem:s14+$0xFFFFFFE0];
	v14 =	vadd.f32 v11, v14  }
.Ltmp44:
0x2b0: {  	v8 =	vld [tilespmem:s13+$0xFFFFFFE0];
	(pc) =	sbr.rel @p1 .LBB2_47-.Ltmp44, $4  }
0x2b1: {  	v4 =	vadd.f32 v1, v4;
	v3 =	vadd.f32 v6, v3;
	v10 =	vld [tilespmem:s13+$0xFFFFFFF0]  }
0x2b2: {  	v5 =	vadd.f32 v15, v5;
	v11 =	vld [tilespmem:s13+$0x0];
	s13 =	sadd.s32 $0x40, s13  }
0x2b3: {  	s14 =	sadd.s32 $0x40, s14;
	v1 =	vld [tilespmem:s13+$0x10];
	v7 =	vadd.f32 v16, v7  }
0x2b4: {  	s5 =	sadd.s32 $0xFFFFFFFF, s5;
	v6 =	vld [tilespmem:s14+$0x10];
	v9 =	vadd.f32 v17, v9  }
.LBB2_48:
0x2b5: {  	v15 =	vld [tilespmem:s14+$0xFFFFFFF0]  }
0x2b6: {  	v16 =	vld [tilespmem:s14+$0x0]  }
0x2b7: {  	v17 =	vld [tilespmem:s14+$0xFFFFFFE0]  }
0x2b8: {  	v18 =	vld [tilespmem:s13+$0xFFFFFFE0]  }
0x2b9: {  	v19 =	vld [tilespmem:s13+$0xFFFFFFF0]  }
0x2ba: {  	v8 =	vadd.f32 @p0 v8, v12;
	v63 =	vld [tilespmem:s13+$0x0];
	v10 =	vadd.f32 @p0 v10, v13  }
0x2bb: {  	v11 =	vadd.f32 @p0 v11, v14;
	v4 =	vadd.f32 v1, v4  }
0x2bc: {  	v3 =	vadd.f32 v6, v3;
	v6 =	vadd.f32 v15, v5  }
0x2bd: {  	v7 =	vadd.f32 v16, v7;
	v1 =	vadd.f32 v17, v9;
	v5 =	vpsel p0, v8, v2  }
0x2be: {  	v8 =	vpsel p0, v10, v2;
	v9 =	vpsel p0, v11, v2;
	v2 =	vadd.f32 v18, v5  }
0x2bf: {  	v8 =	vadd.f32 v19, v8;
	v5 =	vadd.f32 v63, v9  }
.LBB2_49:
0x2c0: {  	(v2sf) =	vpush v0, $0x3;
	_ =	sdelay $0xe  }
0x2c1: {  	[tilespmem:s8+$0x13D30] =	vst v1;
	s13 =	spop (v2sf)  }
0x2c2: {  	[tilespmem:s8+$0x15130] =	vst v2;
	s5 =	ssub.s32 s13, s12  }
0x2c3: {  	[tilespmem:s8+$0x13D40] =	vst v6;
	p0 =	slt.s32 s5, $0x1  }
.Ltmp45:
0x2c4: {  	[tilespmem:s8+$0x13D50] =	vst v7;
	(pc) =	sbr.rel @p0 .LBB2_56-.Ltmp45, $4  }
0x2c5: {  	[tilespmem:s8+$0x13D60] =	vst v3  }
0x2c6: {  	v1 =	vimm.f32 $0.0e+00;
	v6 =	vimm.f32 $0.0e+00;
	v3 =	vimm.f32 $0.0e+00;
	[tilespmem:s8+$0x15160] =	vst v4  }
0x2c7: {  	v7 =	vimm.f32 $0.0e+00;
	v2 =	vimm.f32 $0.0e+00;
	v9 =	vimm.f32 $0.0e+00;
	[tilespmem:s8+$0x15140] =	vst v8  }
0x2c8: {  	v4 =	vimm.f32 $0.0e+00;
	[tilespmem:s8+$0x15150] =	vst v5;
	v5 =	vimm.f32 $0.0e+00;
	v8 =	vimm.f32 $0.0e+00  }
0x2c9: {  	p1 =	sne.s32 s5, $0x1  }
.Ltmp46:
0x2ca: {  	s12 =	sshll.u32 s12, $0x8;
	(pc) =	sbr.rel @!p1 .LBB2_51-.Ltmp46, $4  }
0x2cb: {  	s14 =	sshra.s32 s12, $0x2  }
0x2cc: {  	s12 =	sadd.s32 s14, s29  }
0x2cd: {  	s14 =	sadd.s32 s14, s28;
	v3 =	vld [tilespmem:s12+$0x10]  }
0x2ce: {  	v2 =	vimm.f32 $0.0e+00;
	s5 =	sadd.s32 $0xFFFFFFFF, s5;
	p0 =	por $0x0, $0x0;
	v7 =	vld [tilespmem:s14+$0x10]  }
0x2cf: {  	v6 =	vld [tilespmem:s14+$0xFFFFFFF0]  }
0x2d0: {  	v8 =	vld [tilespmem:s14+$0x0]  }
0x2d1: {  	v10 =	vld [tilespmem:s14+$0xFFFFFFE0];
	p1 =	sne.s32 s5, $0x1  }
.Ltmp47:
0x2d2: {  	v9 =	vld [tilespmem:s12+$0xFFFFFFE0];
	(pc) =	sbr.rel @!p1 .LBB2_53-.Ltmp47, $4  }
0x2d3: {  	v11 =	vld [tilespmem:s12+$0xFFFFFFF0]  }
0x2d4: {  	v12 =	vld [tilespmem:s12+$0x0];
	s12 =	sadd.s32 $0x40, s12;
	v13 =	vimm.f32 $0.0e+00;
	v5 =	vadd.f32 v3, v2  }
0x2d5: {  	s14 =	sadd.s32 $0x40, s14;
	v14 =	vimm.f32 $0.0e+00;
	v3 =	vld [tilespmem:s12+$0x10];
	v4 =	vadd.f32 v7, v2;
	v6 =	vadd.f32 v6, v2  }
0x2d6: {  	s5 =	sadd.s32 $0xFFFFFFFF, s5;
	p0 =	por $0x1, $0x1;
	v15 =	vimm.f32 $0.0e+00;
	v7 =	vld [tilespmem:s14+$0x10];
	v8 =	vadd.f32 v8, v2;
	v10 =	vadd.f32 v10, v2  }
.LBB2_54:
0x2d7: {  	p1 =	sne.s32 s5, $0x1;
	v16 =	vld [tilespmem:s14+$0xFFFFFFF0];
	v13 =	vadd.f32 v9, v13  }
0x2d8: {  	v17 =	vld [tilespmem:s14+$0x0];
	v14 =	vadd.f32 v11, v14  }
0x2d9: {  	v18 =	vld [tilespmem:s14+$0xFFFFFFE0];
	v15 =	vadd.f32 v12, v15  }
.Ltmp48:
0x2da: {  	v9 =	vld [tilespmem:s12+$0xFFFFFFE0];
	(pc) =	sbr.rel @p1 .LBB2_54-.Ltmp48, $4  }
0x2db: {  	v5 =	vadd.f32 v3, v5;
	v4 =	vadd.f32 v7, v4;
	v11 =	vld [tilespmem:s12+$0xFFFFFFF0]  }
0x2dc: {  	v6 =	vadd.f32 v16, v6;
	v12 =	vld [tilespmem:s12+$0x0];
	s12 =	sadd.s32 $0x40, s12  }
0x2dd: {  	s14 =	sadd.s32 $0x40, s14;
	v3 =	vld [tilespmem:s12+$0x10];
	v8 =	vadd.f32 v17, v8  }
0x2de: {  	s5 =	sadd.s32 $0xFFFFFFFF, s5;
	v7 =	vld [tilespmem:s14+$0x10];
	v10 =	vadd.f32 v18, v10  }
.LBB2_55:
0x2df: {  	v16 =	vld [tilespmem:s14+$0xFFFFFFF0]  }
0x2e0: {  	v17 =	vld [tilespmem:s14+$0x0]  }
0x2e1: {  	v18 =	vld [tilespmem:s14+$0xFFFFFFE0]  }
0x2e2: {  	v19 =	vld [tilespmem:s12+$0xFFFFFFE0]  }
0x2e3: {  	v20 =	vld [tilespmem:s12+$0xFFFFFFF0]  }
0x2e4: {  	v9 =	vadd.f32 @p0 v9, v13;
	v63 =	vld [tilespmem:s12+$0x0];
	v11 =	vadd.f32 @p0 v11, v14  }
0x2e5: {  	v12 =	vadd.f32 @p0 v12, v15;
	v7 =	vadd.f32 v7, v4  }
0x2e6: {  	v4 =	vadd.f32 v3, v5;
	v5 =	vadd.f32 v16, v6  }
0x2e7: {  	v3 =	vadd.f32 v17, v8;
	v6 =	vadd.f32 v18, v10;
	v8 =	vpsel p0, v9, v2  }
0x2e8: {  	v9 =	vpsel p0, v11, v2;
	v10 =	vpsel p0, v12, v2;
	v2 =	vadd.f32 v19, v8  }
0x2e9: {  	v9 =	vadd.f32 v20, v9;
	v8 =	vadd.f32 v63, v10  }
.LBB2_56:
0x2ea: {  	(v2sf) =	vpush v0, $0x4;
	_ =	sdelay $0xe  }
0x2eb: {  	[tilespmem:s8+$0x13D70] =	vst v6;
	s12 =	spop (v2sf)  }
0x2ec: {  	[tilespmem:s8+$0x15170] =	vst v2;
	s5 =	ssub.s32 s12, s13  }
0x2ed: {  	[tilespmem:s8+$0x13D80] =	vst v5;
	p0 =	slt.s32 s5, $0x1  }
.Ltmp49:
0x2ee: {  	[tilespmem:s8+$0x13D90] =	vst v3;
	(pc) =	sbr.rel @p0 .LBB2_63-.Ltmp49, $4  }
0x2ef: {  	[tilespmem:s8+$0x13DA0] =	vst v7  }
0x2f0: {  	v5 =	vimm.f32 $0.0e+00;
	[tilespmem:s8+$0x151A0] =	vst v4  }
0x2f1: {  	v6 =	vimm.f32 $0.0e+00;
	v3 =	vimm.f32 $0.0e+00;
	v2 =	vimm.f32 $0.0e+00;
	[tilespmem:s8+$0x15180] =	vst v9  }
0x2f2: {  	v7 =	vimm.f32 $0.0e+00;
	v4 =	vimm.f32 $0.0e+00;
	[tilespmem:s8+$0x15190] =	vst v8;
	v8 =	vimm.f32 $0.0e+00  }
0x2f3: {  	p1 =	sne.s32 s5, $0x1  }
.Ltmp50:
0x2f4: {  	s13 =	sshll.u32 s13, $0x8;
	(pc) =	sbr.rel @!p1 .LBB2_58-.Ltmp50, $4  }
0x2f5: {  	s14 =	sshra.s32 s13, $0x2  }
0x2f6: {  	s13 =	sadd.s32 s14, s29  }
0x2f7: {  	s14 =	sadd.s32 s14, s28;
	v1 =	vld [tilespmem:s13+$0x10]  }
0x2f8: {  	v2 =	vimm.f32 $0.0e+00;
	s5 =	sadd.s32 $0xFFFFFFFF, s5;
	p0 =	por $0x0, $0x0;
	v6 =	vld [tilespmem:s14+$0x10]  }
0x2f9: {  	v5 =	vld [tilespmem:s14+$0xFFFFFFF0]  }
0x2fa: {  	v7 =	vld [tilespmem:s14+$0x0]  }
0x2fb: {  	v9 =	vld [tilespmem:s14+$0xFFFFFFE0];
	p1 =	sne.s32 s5, $0x1  }
.Ltmp51:
0x2fc: {  	v8 =	vld [tilespmem:s13+$0xFFFFFFE0];
	(pc) =	sbr.rel @!p1 .LBB2_60-.Ltmp51, $4  }
0x2fd: {  	v10 =	vld [tilespmem:s13+$0xFFFFFFF0]  }
0x2fe: {  	v11 =	vld [tilespmem:s13+$0x0];
	s13 =	sadd.s32 $0x40, s13;
	v12 =	vimm.f32 $0.0e+00;
	v4 =	vadd.f32 v1, v2  }
0x2ff: {  	s14 =	sadd.s32 $0x40, s14;
	v13 =	vimm.f32 $0.0e+00;
	v1 =	vld [tilespmem:s13+$0x10];
	v3 =	vadd.f32 v6, v2;
	v5 =	vadd.f32 v5, v2  }
0x300: {  	s5 =	sadd.s32 $0xFFFFFFFF, s5;
	p0 =	por $0x1, $0x1;
	v14 =	vimm.f32 $0.0e+00;
	v6 =	vld [tilespmem:s14+$0x10];
	v7 =	vadd.f32 v7, v2;
	v9 =	vadd.f32 v9, v2  }
.LBB2_61:
0x301: {  	p1 =	sne.s32 s5, $0x1;
	v15 =	vld [tilespmem:s14+$0xFFFFFFF0];
	v12 =	vadd.f32 v8, v12  }
0x302: {  	v16 =	vld [tilespmem:s14+$0x0];
	v13 =	vadd.f32 v10, v13  }
0x303: {  	v17 =	vld [tilespmem:s14+$0xFFFFFFE0];
	v14 =	vadd.f32 v11, v14  }
.Ltmp52:
0x304: {  	v8 =	vld [tilespmem:s13+$0xFFFFFFE0];
	(pc) =	sbr.rel @p1 .LBB2_61-.Ltmp52, $4  }
0x305: {  	v4 =	vadd.f32 v1, v4;
	v3 =	vadd.f32 v6, v3;
	v10 =	vld [tilespmem:s13+$0xFFFFFFF0]  }
0x306: {  	v5 =	vadd.f32 v15, v5;
	v11 =	vld [tilespmem:s13+$0x0];
	s13 =	sadd.s32 $0x40, s13  }
0x307: {  	s14 =	sadd.s32 $0x40, s14;
	v1 =	vld [tilespmem:s13+$0x10];
	v7 =	vadd.f32 v16, v7  }
0x308: {  	s5 =	sadd.s32 $0xFFFFFFFF, s5;
	v6 =	vld [tilespmem:s14+$0x10];
	v9 =	vadd.f32 v17, v9  }
.LBB2_62:
0x309: {  	v15 =	vld [tilespmem:s14+$0xFFFFFFF0]  }
0x30a: {  	v16 =	vld [tilespmem:s14+$0x0]  }
0x30b: {  	v17 =	vld [tilespmem:s14+$0xFFFFFFE0]  }
0x30c: {  	v18 =	vld [tilespmem:s13+$0xFFFFFFE0]  }
0x30d: {  	v19 =	vld [tilespmem:s13+$0xFFFFFFF0]  }
0x30e: {  	v8 =	vadd.f32 @p0 v8, v12;
	v63 =	vld [tilespmem:s13+$0x0];
	v10 =	vadd.f32 @p0 v10, v13  }
0x30f: {  	v11 =	vadd.f32 @p0 v11, v14;
	v4 =	vadd.f32 v1, v4  }
0x310: {  	v3 =	vadd.f32 v6, v3;
	v5 =	vadd.f32 v15, v5  }
0x311: {  	v6 =	vadd.f32 v16, v7;
	v1 =	vadd.f32 v17, v9;
	v7 =	vpsel p0, v8, v2  }
0x312: {  	v8 =	vpsel p0, v10, v2;
	v9 =	vpsel p0, v11, v2;
	v2 =	vadd.f32 v18, v7  }
0x313: {  	v8 =	vadd.f32 v19, v8;
	v7 =	vadd.f32 v63, v9  }
.LBB2_63:
0x314: {  	(v2sf) =	vpush v0, $0x5;
	_ =	sdelay $0xe  }
0x315: {  	[tilespmem:s8+$0x13DB0] =	vst v1;
	s13 =	spop (v2sf)  }
0x316: {  	[tilespmem:s8+$0x151B0] =	vst v2;
	s5 =	ssub.s32 s13, s12  }
0x317: {  	[tilespmem:s8+$0x13DC0] =	vst v5;
	p0 =	slt.s32 s5, $0x1  }
.Ltmp53:
0x318: {  	[tilespmem:s8+$0x13DD0] =	vst v6;
	(pc) =	sbr.rel @p0 .LBB2_70-.Ltmp53, $4  }
0x319: {  	[tilespmem:s8+$0x13DE0] =	vst v3  }
0x31a: {  	v1 =	vimm.f32 $0.0e+00;
	v6 =	vimm.f32 $0.0e+00;
	v5 =	vimm.f32 $0.0e+00;
	[tilespmem:s8+$0x151E0] =	vst v4  }
0x31b: {  	v3 =	vimm.f32 $0.0e+00;
	v2 =	vimm.f32 $0.0e+00;
	v9 =	vimm.f32 $0.0e+00;
	[tilespmem:s8+$0x151C0] =	vst v8  }
0x31c: {  	v4 =	vimm.f32 $0.0e+00;
	[tilespmem:s8+$0x151D0] =	vst v7;
	v7 =	vimm.f32 $0.0e+00;
	v8 =	vimm.f32 $0.0e+00  }
0x31d: {  	p1 =	sne.s32 s5, $0x1  }
.Ltmp54:
0x31e: {  	s12 =	sshll.u32 s12, $0x8;
	(pc) =	sbr.rel @!p1 .LBB2_65-.Ltmp54, $4  }
0x31f: {  	s14 =	sshra.s32 s12, $0x2  }
0x320: {  	s12 =	sadd.s32 s14, s29  }
0x321: {  	s14 =	sadd.s32 s14, s28;
	v3 =	vld [tilespmem:s12+$0x10]  }
0x322: {  	v2 =	vimm.f32 $0.0e+00;
	s5 =	sadd.s32 $0xFFFFFFFF, s5;
	p0 =	por $0x0, $0x0;
	v7 =	vld [tilespmem:s14+$0x10]  }
0x323: {  	v6 =	vld [tilespmem:s14+$0xFFFFFFF0]  }
0x324: {  	v8 =	vld [tilespmem:s14+$0x0]  }
0x325: {  	v10 =	vld [tilespmem:s14+$0xFFFFFFE0];
	p1 =	sne.s32 s5, $0x1  }
.Ltmp55:
0x326: {  	v9 =	vld [tilespmem:s12+$0xFFFFFFE0];
	(pc) =	sbr.rel @!p1 .LBB2_67-.Ltmp55, $4  }
0x327: {  	v11 =	vld [tilespmem:s12+$0xFFFFFFF0]  }
0x328: {  	v12 =	vld [tilespmem:s12+$0x0];
	s12 =	sadd.s32 $0x40, s12;
	v13 =	vimm.f32 $0.0e+00;
	v5 =	vadd.f32 v3, v2  }
0x329: {  	s14 =	sadd.s32 $0x40, s14;
	v14 =	vimm.f32 $0.0e+00;
	v3 =	vld [tilespmem:s12+$0x10];
	v4 =	vadd.f32 v7, v2;
	v6 =	vadd.f32 v6, v2  }
0x32a: {  	s5 =	sadd.s32 $0xFFFFFFFF, s5;
	p0 =	por $0x1, $0x1;
	v15 =	vimm.f32 $0.0e+00;
	v7 =	vld [tilespmem:s14+$0x10];
	v8 =	vadd.f32 v8, v2;
	v10 =	vadd.f32 v10, v2  }
.LBB2_68:
0x32b: {  	p1 =	sne.s32 s5, $0x1;
	v16 =	vld [tilespmem:s14+$0xFFFFFFF0];
	v13 =	vadd.f32 v9, v13  }
0x32c: {  	v17 =	vld [tilespmem:s14+$0x0];
	v14 =	vadd.f32 v11, v14  }
0x32d: {  	v18 =	vld [tilespmem:s14+$0xFFFFFFE0];
	v15 =	vadd.f32 v12, v15  }
.Ltmp56:
0x32e: {  	v9 =	vld [tilespmem:s12+$0xFFFFFFE0];
	(pc) =	sbr.rel @p1 .LBB2_68-.Ltmp56, $4  }
0x32f: {  	v5 =	vadd.f32 v3, v5;
	v4 =	vadd.f32 v7, v4;
	v11 =	vld [tilespmem:s12+$0xFFFFFFF0]  }
0x330: {  	v6 =	vadd.f32 v16, v6;
	v12 =	vld [tilespmem:s12+$0x0];
	s12 =	sadd.s32 $0x40, s12  }
0x331: {  	s14 =	sadd.s32 $0x40, s14;
	v3 =	vld [tilespmem:s12+$0x10];
	v8 =	vadd.f32 v17, v8  }
0x332: {  	s5 =	sadd.s32 $0xFFFFFFFF, s5;
	v7 =	vld [tilespmem:s14+$0x10];
	v10 =	vadd.f32 v18, v10  }
.LBB2_69:
0x333: {  	v16 =	vld [tilespmem:s14+$0xFFFFFFF0]  }
0x334: {  	v17 =	vld [tilespmem:s14+$0x0]  }
0x335: {  	v18 =	vld [tilespmem:s14+$0xFFFFFFE0]  }
0x336: {  	v19 =	vld [tilespmem:s12+$0xFFFFFFE0]  }
0x337: {  	v20 =	vld [tilespmem:s12+$0xFFFFFFF0]  }
0x338: {  	v9 =	vadd.f32 @p0 v9, v13;
	v63 =	vld [tilespmem:s12+$0x0];
	v11 =	vadd.f32 @p0 v11, v14  }
0x339: {  	v12 =	vadd.f32 @p0 v12, v15;
	v7 =	vadd.f32 v7, v4  }
0x33a: {  	v4 =	vadd.f32 v3, v5;
	v5 =	vadd.f32 v16, v6  }
0x33b: {  	v3 =	vadd.f32 v17, v8;
	v6 =	vadd.f32 v18, v10;
	v8 =	vpsel p0, v9, v2  }
0x33c: {  	v9 =	vpsel p0, v11, v2;
	v10 =	vpsel p0, v12, v2;
	v2 =	vadd.f32 v19, v8  }
0x33d: {  	v9 =	vadd.f32 v20, v9;
	v8 =	vadd.f32 v63, v10  }
.LBB2_70:
0x33e: {  	(v2sf) =	vpush v0, $0x6;
	_ =	sdelay $0xe  }
0x33f: {  	[tilespmem:s8+$0x13DF0] =	vst v6;
	s12 =	spop (v2sf)  }
0x340: {  	[tilespmem:s8+$0x151F0] =	vst v2;
	s5 =	ssub.s32 s12, s13  }
0x341: {  	[tilespmem:s8+$0x13E00] =	vst v5;
	p0 =	slt.s32 s5, $0x1  }
.Ltmp57:
0x342: {  	[tilespmem:s8+$0x13E10] =	vst v3;
	(pc) =	sbr.rel @p0 .LBB2_77-.Ltmp57, $4  }
0x343: {  	[tilespmem:s8+$0x13E20] =	vst v7  }
0x344: {  	v5 =	vimm.f32 $0.0e+00;
	[tilespmem:s8+$0x15220] =	vst v4  }
0x345: {  	v6 =	vimm.f32 $0.0e+00;
	v3 =	vimm.f32 $0.0e+00;
	v2 =	vimm.f32 $0.0e+00;
	[tilespmem:s8+$0x15200] =	vst v9  }
0x346: {  	v7 =	vimm.f32 $0.0e+00;
	v4 =	vimm.f32 $0.0e+00;
	[tilespmem:s8+$0x15210] =	vst v8;
	v8 =	vimm.f32 $0.0e+00  }
0x347: {  	p1 =	sne.s32 s5, $0x1  }
.Ltmp58:
0x348: {  	s13 =	sshll.u32 s13, $0x8;
	(pc) =	sbr.rel @!p1 .LBB2_72-.Ltmp58, $4  }
0x349: {  	s14 =	sshra.s32 s13, $0x2  }
0x34a: {  	s13 =	sadd.s32 s14, s29  }
0x34b: {  	s14 =	sadd.s32 s14, s28;
	v1 =	vld [tilespmem:s13+$0x10]  }
0x34c: {  	v2 =	vimm.f32 $0.0e+00;
	s5 =	sadd.s32 $0xFFFFFFFF, s5;
	p0 =	por $0x0, $0x0;
	v6 =	vld [tilespmem:s14+$0x10]  }
0x34d: {  	v5 =	vld [tilespmem:s14+$0xFFFFFFF0]  }
0x34e: {  	v7 =	vld [tilespmem:s14+$0x0]  }
0x34f: {  	v9 =	vld [tilespmem:s14+$0xFFFFFFE0];
	p1 =	sne.s32 s5, $0x1  }
.Ltmp59:
0x350: {  	v8 =	vld [tilespmem:s13+$0xFFFFFFE0];
	(pc) =	sbr.rel @!p1 .LBB2_74-.Ltmp59, $4  }
0x351: {  	v10 =	vld [tilespmem:s13+$0xFFFFFFF0]  }
0x352: {  	v11 =	vld [tilespmem:s13+$0x0];
	s13 =	sadd.s32 $0x40, s13;
	v12 =	vimm.f32 $0.0e+00;
	v4 =	vadd.f32 v1, v2  }
0x353: {  	s14 =	sadd.s32 $0x40, s14;
	v13 =	vimm.f32 $0.0e+00;
	v1 =	vld [tilespmem:s13+$0x10];
	v3 =	vadd.f32 v6, v2;
	v5 =	vadd.f32 v5, v2  }
0x354: {  	s5 =	sadd.s32 $0xFFFFFFFF, s5;
	p0 =	por $0x1, $0x1;
	v14 =	vimm.f32 $0.0e+00;
	v6 =	vld [tilespmem:s14+$0x10];
	v7 =	vadd.f32 v7, v2;
	v9 =	vadd.f32 v9, v2  }
.LBB2_75:
0x355: {  	p1 =	sne.s32 s5, $0x1;
	v15 =	vld [tilespmem:s14+$0xFFFFFFF0];
	v12 =	vadd.f32 v8, v12  }
0x356: {  	v16 =	vld [tilespmem:s14+$0x0];
	v13 =	vadd.f32 v10, v13  }
0x357: {  	v17 =	vld [tilespmem:s14+$0xFFFFFFE0];
	v14 =	vadd.f32 v11, v14  }
.Ltmp60:
0x358: {  	v8 =	vld [tilespmem:s13+$0xFFFFFFE0];
	(pc) =	sbr.rel @p1 .LBB2_75-.Ltmp60, $4  }
0x359: {  	v4 =	vadd.f32 v1, v4;
	v3 =	vadd.f32 v6, v3;
	v10 =	vld [tilespmem:s13+$0xFFFFFFF0]  }
0x35a: {  	v5 =	vadd.f32 v15, v5;
	v11 =	vld [tilespmem:s13+$0x0];
	s13 =	sadd.s32 $0x40, s13  }
0x35b: {  	s14 =	sadd.s32 $0x40, s14;
	v1 =	vld [tilespmem:s13+$0x10];
	v7 =	vadd.f32 v16, v7  }
0x35c: {  	s5 =	sadd.s32 $0xFFFFFFFF, s5;
	v6 =	vld [tilespmem:s14+$0x10];
	v9 =	vadd.f32 v17, v9  }
.LBB2_76:
0x35d: {  	v15 =	vld [tilespmem:s14+$0xFFFFFFF0]  }
0x35e: {  	v16 =	vld [tilespmem:s14+$0x0]  }
0x35f: {  	v17 =	vld [tilespmem:s14+$0xFFFFFFE0]  }
0x360: {  	v18 =	vld [tilespmem:s13+$0xFFFFFFE0]  }
0x361: {  	v19 =	vld [tilespmem:s13+$0xFFFFFFF0]  }
0x362: {  	v8 =	vadd.f32 @p0 v8, v12;
	v63 =	vld [tilespmem:s13+$0x0];
	v10 =	vadd.f32 @p0 v10, v13  }
0x363: {  	v11 =	vadd.f32 @p0 v11, v14;
	v4 =	vadd.f32 v1, v4  }
0x364: {  	v3 =	vadd.f32 v6, v3;
	v5 =	vadd.f32 v15, v5  }
0x365: {  	v6 =	vadd.f32 v16, v7;
	v1 =	vadd.f32 v17, v9;
	v7 =	vpsel p0, v8, v2  }
0x366: {  	v8 =	vpsel p0, v10, v2;
	v9 =	vpsel p0, v11, v2;
	v2 =	vadd.f32 v18, v7  }
0x367: {  	v8 =	vadd.f32 v19, v8;
	v7 =	vadd.f32 v63, v9  }
.LBB2_77:
0x368: {  	(v2sf) =	vpush v0, $0x7;
	_ =	sdelay $0xe  }
0x369: {  	[tilespmem:s8+$0x13E30] =	vst v1;
	s13 =	spop (v2sf)  }
0x36a: {  	[tilespmem:s8+$0x15230] =	vst v2;
	s5 =	ssub.s32 s13, s12  }
0x36b: {  	[tilespmem:s8+$0x13E40] =	vst v5;
	p0 =	slt.s32 s5, $0x1  }
.Ltmp61:
0x36c: {  	[tilespmem:s8+$0x13E50] =	vst v6;
	(pc) =	sbr.rel @p0 .LBB2_84-.Ltmp61, $4  }
0x36d: {  	[tilespmem:s8+$0x13E60] =	vst v3  }
0x36e: {  	v1 =	vimm.f32 $0.0e+00;
	v5 =	vimm.f32 $0.0e+00;
	v6 =	vimm.f32 $0.0e+00;
	[tilespmem:s8+$0x15260] =	vst v4  }
0x36f: {  	v2 =	vimm.f32 $0.0e+00;
	v9 =	vimm.f32 $0.0e+00;
	v4 =	vimm.f32 $0.0e+00;
	[tilespmem:s8+$0x15240] =	vst v8  }
0x370: {  	v3 =	vimm.f32 $0.0e+00;
	[tilespmem:s8+$0x15250] =	vst v7;
	v8 =	vimm.f32 $0.0e+00;
	v7 =	vimm.f32 $0.0e+00  }
0x371: {  	p1 =	sne.s32 s5, $0x1  }
.Ltmp62:
0x372: {  	s12 =	sshll.u32 s12, $0x8;
	(pc) =	sbr.rel @!p1 .LBB2_79-.Ltmp62, $4  }
0x373: {  	s14 =	sshra.s32 s12, $0x2  }
0x374: {  	s12 =	sadd.s32 s14, s29  }
0x375: {  	s14 =	sadd.s32 s14, s28;
	v3 =	vld [tilespmem:s12+$0x10]  }
0x376: {  	v2 =	vimm.f32 $0.0e+00;
	s5 =	sadd.s32 $0xFFFFFFFF, s5;
	p0 =	por $0x0, $0x0;
	v7 =	vld [tilespmem:s14+$0x10]  }
0x377: {  	v6 =	vld [tilespmem:s14+$0xFFFFFFF0]  }
0x378: {  	v8 =	vld [tilespmem:s14+$0x0]  }
0x379: {  	v10 =	vld [tilespmem:s14+$0xFFFFFFE0];
	p1 =	sne.s32 s5, $0x1  }
.Ltmp63:
0x37a: {  	v9 =	vld [tilespmem:s12+$0xFFFFFFE0];
	(pc) =	sbr.rel @!p1 .LBB2_81-.Ltmp63, $4  }
0x37b: {  	v11 =	vld [tilespmem:s12+$0xFFFFFFF0]  }
0x37c: {  	v12 =	vld [tilespmem:s12+$0x0];
	s12 =	sadd.s32 $0x40, s12;
	v13 =	vimm.f32 $0.0e+00;
	v5 =	vadd.f32 v3, v2  }
0x37d: {  	s14 =	sadd.s32 $0x40, s14;
	v14 =	vimm.f32 $0.0e+00;
	v3 =	vld [tilespmem:s12+$0x10];
	v4 =	vadd.f32 v7, v2;
	v6 =	vadd.f32 v6, v2  }
0x37e: {  	s5 =	sadd.s32 $0xFFFFFFFF, s5;
	p0 =	por $0x1, $0x1;
	v15 =	vimm.f32 $0.0e+00;
	v7 =	vld [tilespmem:s14+$0x10];
	v8 =	vadd.f32 v8, v2;
	v10 =	vadd.f32 v10, v2  }
.LBB2_82:
0x37f: {  	p1 =	sne.s32 s5, $0x1;
	v16 =	vld [tilespmem:s14+$0xFFFFFFF0];
	v13 =	vadd.f32 v9, v13  }
0x380: {  	v17 =	vld [tilespmem:s14+$0x0];
	v14 =	vadd.f32 v11, v14  }
0x381: {  	v18 =	vld [tilespmem:s14+$0xFFFFFFE0];
	v15 =	vadd.f32 v12, v15  }
.Ltmp64:
0x382: {  	v9 =	vld [tilespmem:s12+$0xFFFFFFE0];
	(pc) =	sbr.rel @p1 .LBB2_82-.Ltmp64, $4  }
0x383: {  	v5 =	vadd.f32 v3, v5;
	v4 =	vadd.f32 v7, v4;
	v11 =	vld [tilespmem:s12+$0xFFFFFFF0]  }
0x384: {  	v6 =	vadd.f32 v16, v6;
	v12 =	vld [tilespmem:s12+$0x0];
	s12 =	sadd.s32 $0x40, s12  }
0x385: {  	s14 =	sadd.s32 $0x40, s14;
	v3 =	vld [tilespmem:s12+$0x10];
	v8 =	vadd.f32 v17, v8  }
0x386: {  	s5 =	sadd.s32 $0xFFFFFFFF, s5;
	v7 =	vld [tilespmem:s14+$0x10];
	v10 =	vadd.f32 v18, v10  }
.LBB2_83:
0x387: {  	v16 =	vld [tilespmem:s14+$0xFFFFFFF0]  }
0x388: {  	v17 =	vld [tilespmem:s14+$0x0]  }
0x389: {  	v18 =	vld [tilespmem:s14+$0xFFFFFFE0]  }
0x38a: {  	v19 =	vld [tilespmem:s12+$0xFFFFFFE0]  }
0x38b: {  	v20 =	vld [tilespmem:s12+$0xFFFFFFF0]  }
0x38c: {  	v9 =	vadd.f32 @p0 v9, v13;
	v63 =	vld [tilespmem:s12+$0x0]  }
0x38d: {  	v11 =	vadd.f32 @p0 v11, v14;
	v12 =	vadd.f32 @p0 v12, v15  }
0x38e: {  	v3 =	vadd.f32 v3, v5;
	v7 =	vadd.f32 v7, v4;
	v4 =	vpsel p0, v9, v2  }
0x38f: {  	v9 =	vpsel p0, v11, v2;
	v5 =	vadd.f32 v16, v6;
	v6 =	vadd.f32 v17, v8  }
0x390: {  	v8 =	vadd.f32 v18, v10;
	v10 =	vpsel p0, v12, v2;
	v2 =	vadd.f32 v19, v4  }
0x391: {  	v9 =	vadd.f32 v20, v9;
	v4 =	vadd.f32 v63, v10  }
.LBB2_84:
0x392: {  	(v2sf) =	vpush v0, $0x8;
	_ =	sdelay $0xe  }
0x393: {  	[tilespmem:s8+$0x13E70] =	vst v8;
	s5 =	spop (v2sf)  }
0x394: {  	[tilespmem:s8+$0x15270] =	vst v2;
	s5 =	ssub.s32 s5, s13  }
0x395: {  	[tilespmem:s8+$0x13E80] =	vst v5;
	p0 =	slt.s32 s5, $0x1  }
.Ltmp65:
0x396: {  	[tilespmem:s8+$0x13E90] =	vst v6;
	(pc) =	sbr.rel @p0 .LBB2_91-.Ltmp65, $4  }
0x397: {  	[tilespmem:s8+$0x13EA0] =	vst v7  }
0x398: {  	v5 =	vimm.f32 $0.0e+00;
	[tilespmem:s8+$0x152A0] =	vst v3  }
0x399: {  	v2 =	vimm.f32 $0.0e+00;
	v0 =	vimm.f32 $0.0e+00;
	v6 =	vimm.f32 $0.0e+00;
	[tilespmem:s8+$0x15280] =	vst v9  }
0x39a: {  	v7 =	vimm.f32 $0.0e+00;
	v3 =	vimm.f32 $0.0e+00;
	[tilespmem:s8+$0x15290] =	vst v4;
	v4 =	vimm.f32 $0.0e+00  }
0x39b: {  	p1 =	sne.s32 s5, $0x1  }
.Ltmp66:
0x39c: {  	s12 =	sshll.u32 s13, $0x8;
	(pc) =	sbr.rel @!p1 .LBB2_86-.Ltmp66, $4  }
0x39d: {  	s13 =	sshra.s32 s12, $0x2  }
0x39e: {  	s12 =	sadd.s32 s13, s29  }
0x39f: {  	s13 =	sadd.s32 s13, s28;
	v1 =	vld [tilespmem:s12+$0x10]  }
0x3a0: {  	v0 =	vimm.f32 $0.0e+00;
	s5 =	sadd.s32 $0xFFFFFFFF, s5;
	p0 =	por $0x0, $0x0;
	v5 =	vld [tilespmem:s13+$0x10]  }
0x3a1: {  	v4 =	vld [tilespmem:s13+$0xFFFFFFF0]  }
0x3a2: {  	v6 =	vld [tilespmem:s13+$0x0]  }
0x3a3: {  	v8 =	vld [tilespmem:s13+$0xFFFFFFE0];
	p1 =	sne.s32 s5, $0x1  }
.Ltmp67:
0x3a4: {  	v7 =	vld [tilespmem:s12+$0xFFFFFFE0];
	(pc) =	sbr.rel @!p1 .LBB2_88-.Ltmp67, $4  }
0x3a5: {  	v9 =	vld [tilespmem:s12+$0xFFFFFFF0]  }
0x3a6: {  	v10 =	vld [tilespmem:s12+$0x0];
	s12 =	sadd.s32 $0x40, s12;
	v11 =	vimm.f32 $0.0e+00;
	v3 =	vadd.f32 v1, v0  }
0x3a7: {  	s13 =	sadd.s32 $0x40, s13;
	v12 =	vimm.f32 $0.0e+00;
	v1 =	vld [tilespmem:s12+$0x10];
	v2 =	vadd.f32 v5, v0;
	v4 =	vadd.f32 v4, v0  }
0x3a8: {  	s5 =	sadd.s32 $0xFFFFFFFF, s5;
	p0 =	por $0x1, $0x1;
	v13 =	vimm.f32 $0.0e+00;
	v5 =	vld [tilespmem:s13+$0x10];
	v6 =	vadd.f32 v6, v0;
	v8 =	vadd.f32 v8, v0  }
.LBB2_89:
0x3a9: {  	p1 =	sne.s32 s5, $0x1;
	v14 =	vld [tilespmem:s13+$0xFFFFFFF0];
	v11 =	vadd.f32 v7, v11  }
0x3aa: {  	v12 =	vadd.f32 v9, v12;
	v15 =	vld [tilespmem:s13+$0x0]  }
0x3ab: {  	v13 =	vadd.f32 v10, v13;
	v16 =	vld [tilespmem:s13+$0xFFFFFFE0]  }
.Ltmp68:
0x3ac: {  	v7 =	vld [tilespmem:s12+$0xFFFFFFE0];
	(pc) =	sbr.rel @p1 .LBB2_89-.Ltmp68, $4  }
0x3ad: {  	v2 =	vadd.f32 v5, v2;
	v3 =	vadd.f32 v1, v3;
	v9 =	vld [tilespmem:s12+$0xFFFFFFF0]  }
0x3ae: {  	v4 =	vadd.f32 v14, v4;
	v10 =	vld [tilespmem:s12+$0x0];
	s12 =	sadd.s32 $0x40, s12  }
0x3af: {  	s13 =	sadd.s32 $0x40, s13;
	v1 =	vld [tilespmem:s12+$0x10];
	v6 =	vadd.f32 v15, v6  }
0x3b0: {  	s5 =	sadd.s32 $0xFFFFFFFF, s5;
	v5 =	vld [tilespmem:s13+$0x10];
	v8 =	vadd.f32 v16, v8  }
.Ltmp69:
0x3b1: {  	_ = 	snop;
	(pc) =	sbr.rel .LBB2_90-.Ltmp69, $1  }
0x3b2: {  	_ =	sdelay $0x3  }
.LBB2_37:
.Ltmp70:
0x3b3: {  	(pc) =	sbr.rel .LBB2_41-.Ltmp70, $4  }
0x3b4: {  	_ = 	snop  }
0x3b5: {  	v13 =	vimm.f32 $0.0e+00;
	v14 =	vimm.f32 $0.0e+00  }
0x3b6: {  	v15 =	vimm.f32 $0.0e+00;
	v4 =	vimm.f32 $0.0e+00;
	v5 =	vimm.f32 $0.0e+00  }
0x3b7: {  	v6 =	vimm.f32 $0.0e+00;
	v8 =	vimm.f32 $0.0e+00;
	v10 =	vimm.f32 $0.0e+00  }
.LBB2_44:
.Ltmp71:
0x3b8: {  	(pc) =	sbr.rel .LBB2_48-.Ltmp71, $4  }
0x3b9: {  	_ = 	snop  }
0x3ba: {  	v12 =	vimm.f32 $0.0e+00;
	v13 =	vimm.f32 $0.0e+00  }
0x3bb: {  	v14 =	vimm.f32 $0.0e+00;
	v3 =	vimm.f32 $0.0e+00;
	v4 =	vimm.f32 $0.0e+00  }
0x3bc: {  	v5 =	vimm.f32 $0.0e+00;
	v7 =	vimm.f32 $0.0e+00;
	v9 =	vimm.f32 $0.0e+00  }
.LBB2_51:
.Ltmp72:
0x3bd: {  	(pc) =	sbr.rel .LBB2_55-.Ltmp72, $4  }
0x3be: {  	_ = 	snop  }
0x3bf: {  	v13 =	vimm.f32 $0.0e+00;
	v14 =	vimm.f32 $0.0e+00  }
0x3c0: {  	v15 =	vimm.f32 $0.0e+00;
	v4 =	vimm.f32 $0.0e+00;
	v5 =	vimm.f32 $0.0e+00  }
0x3c1: {  	v6 =	vimm.f32 $0.0e+00;
	v8 =	vimm.f32 $0.0e+00;
	v10 =	vimm.f32 $0.0e+00  }
.LBB2_58:
.Ltmp73:
0x3c2: {  	(pc) =	sbr.rel .LBB2_62-.Ltmp73, $4  }
0x3c3: {  	_ = 	snop  }
0x3c4: {  	v12 =	vimm.f32 $0.0e+00;
	v13 =	vimm.f32 $0.0e+00  }
0x3c5: {  	v14 =	vimm.f32 $0.0e+00;
	v3 =	vimm.f32 $0.0e+00;
	v4 =	vimm.f32 $0.0e+00  }
0x3c6: {  	v5 =	vimm.f32 $0.0e+00;
	v7 =	vimm.f32 $0.0e+00;
	v9 =	vimm.f32 $0.0e+00  }
.LBB2_65:
.Ltmp74:
0x3c7: {  	(pc) =	sbr.rel .LBB2_69-.Ltmp74, $4  }
0x3c8: {  	_ = 	snop  }
0x3c9: {  	v13 =	vimm.f32 $0.0e+00;
	v14 =	vimm.f32 $0.0e+00  }
0x3ca: {  	v15 =	vimm.f32 $0.0e+00;
	v4 =	vimm.f32 $0.0e+00;
	v5 =	vimm.f32 $0.0e+00  }
0x3cb: {  	v6 =	vimm.f32 $0.0e+00;
	v8 =	vimm.f32 $0.0e+00;
	v10 =	vimm.f32 $0.0e+00  }
.LBB2_72:
.Ltmp75:
0x3cc: {  	(pc) =	sbr.rel .LBB2_76-.Ltmp75, $4  }
0x3cd: {  	_ = 	snop  }
0x3ce: {  	v12 =	vimm.f32 $0.0e+00;
	v13 =	vimm.f32 $0.0e+00  }
0x3cf: {  	v14 =	vimm.f32 $0.0e+00;
	v3 =	vimm.f32 $0.0e+00;
	v4 =	vimm.f32 $0.0e+00  }
0x3d0: {  	v5 =	vimm.f32 $0.0e+00;
	v7 =	vimm.f32 $0.0e+00;
	v9 =	vimm.f32 $0.0e+00  }
.LBB2_79:
.Ltmp76:
0x3d1: {  	(pc) =	sbr.rel .LBB2_83-.Ltmp76, $4  }
0x3d2: {  	_ = 	snop  }
0x3d3: {  	v13 =	vimm.f32 $0.0e+00;
	v14 =	vimm.f32 $0.0e+00  }
0x3d4: {  	v15 =	vimm.f32 $0.0e+00;
	v4 =	vimm.f32 $0.0e+00;
	v5 =	vimm.f32 $0.0e+00  }
0x3d5: {  	v6 =	vimm.f32 $0.0e+00;
	v8 =	vimm.f32 $0.0e+00;
	v10 =	vimm.f32 $0.0e+00  }
.LBB2_39:
.Ltmp77:
0x3d6: {  	(pc) =	sbr.rel .LBB2_41-.Ltmp77, $2  }
0x3d7: {  	_ =	sdelay $0x2  }
0x3d8: {  	v13 =	vimm.f32 $0.0e+00;
	v14 =	vimm.f32 $0.0e+00;
	v15 =	vimm.f32 $0.0e+00  }
.LBB2_46:
.Ltmp78:
0x3d9: {  	(pc) =	sbr.rel .LBB2_48-.Ltmp78, $2  }
0x3da: {  	_ =	sdelay $0x2  }
0x3db: {  	v12 =	vimm.f32 $0.0e+00;
	v13 =	vimm.f32 $0.0e+00;
	v14 =	vimm.f32 $0.0e+00  }
.LBB2_53:
.Ltmp79:
0x3dc: {  	(pc) =	sbr.rel .LBB2_55-.Ltmp79, $2  }
0x3dd: {  	_ =	sdelay $0x2  }
0x3de: {  	v13 =	vimm.f32 $0.0e+00;
	v14 =	vimm.f32 $0.0e+00;
	v15 =	vimm.f32 $0.0e+00  }
.LBB2_60:
.Ltmp80:
0x3df: {  	(pc) =	sbr.rel .LBB2_62-.Ltmp80, $2  }
0x3e0: {  	_ =	sdelay $0x2  }
0x3e1: {  	v12 =	vimm.f32 $0.0e+00;
	v13 =	vimm.f32 $0.0e+00;
	v14 =	vimm.f32 $0.0e+00  }
.LBB2_67:
.Ltmp81:
0x3e2: {  	(pc) =	sbr.rel .LBB2_69-.Ltmp81, $2  }
0x3e3: {  	_ =	sdelay $0x2  }
0x3e4: {  	v13 =	vimm.f32 $0.0e+00;
	v14 =	vimm.f32 $0.0e+00;
	v15 =	vimm.f32 $0.0e+00  }
.LBB2_74:
.Ltmp82:
0x3e5: {  	(pc) =	sbr.rel .LBB2_76-.Ltmp82, $2  }
0x3e6: {  	_ =	sdelay $0x2  }
0x3e7: {  	v12 =	vimm.f32 $0.0e+00;
	v13 =	vimm.f32 $0.0e+00;
	v14 =	vimm.f32 $0.0e+00  }
.LBB2_81:
.Ltmp83:
0x3e8: {  	(pc) =	sbr.rel .LBB2_83-.Ltmp83, $2  }
0x3e9: {  	_ =	sdelay $0x2  }
0x3ea: {  	v13 =	vimm.f32 $0.0e+00;
	v14 =	vimm.f32 $0.0e+00;
	v15 =	vimm.f32 $0.0e+00  }
.LBB2_88:
.Ltmp84:
0x3eb: {  	(pc) =	sbr.rel .LBB2_90-.Ltmp84, $2  }
0x3ec: {  	_ =	sdelay $0x2  }
0x3ed: {  	v11 =	vimm.f32 $0.0e+00;
	v12 =	vimm.f32 $0.0e+00;
	v13 =	vimm.f32 $0.0e+00  }
.LBB2_93:
0x3ee: {  	s0 =	rddreg [dreg:$0x5]  }
0x3ef: {  	[tilespmem:s2], [sflag:$0x3] =	stream.linear.gather [hbm4b:s0+s2], $0x28, $0x38;
	[tilespmem:$0x16CF0] =	vst v63  }
0x3f0: {  	_ =	swait.ge [sflag:s15], $0x28  }
0x3f1: {  	[sflag:s15] =	ssyncset.done $0x0  }
0x3f2: {  	[sflag:s15] =	ssyncadd.s32 $0xFFFFFFD8  }
0x3f3: {  	v0 =	vld [tilespmem:$0x0];
	_ =	sdelay $0x4  }
0x3f4: {  	(v2sf) =	vpush v0, $0x0;
	_ =	sdelay $0xe  }
0x3f5: {  	s14 =	spop (v2sf)  }
0x3f6: {  	s5 =	sand.u32 $0x7, s14  }
0x3f7: {  	s8 =	sshra.s32 s14, $0x1F;
	p0 =	slt.s32 s14, $0x1;
	p1 =	sne.s32 s5, $0x0  }
0x3f8: {  	s28 =	sshrl.u32 s8, $0x1D;
	p0 =	por !p0, !p1  }
0x3f9: {  	s5 =	simm.s32 $0x1;
	s0 =	sadd.s32 s28, s14;
	p0 =	por !p0, !p0  }
0x3fa: {  	s0 =	sshra.s32 s0, $0x3;
	s5 =	simm.s32 @!p0 $0x0  }
0x3fb: {  	s0 =	ssub.s32 s0, s5  }
0x3fc: {  	s29 =	rddreg [dreg:$0x4];
	s5 =	sand.u32 $0x1FFFFFFF, s0  }
0x3fd: {  	s5 =	sadd.s32 s29, s5  }
0x3fe: {  	[tilespmem:s17], [sflag:$0x3] =	stream.linear.gather [hbm4b:s5+s2], $0x288, $0x38;
	[tilespmem:$0x16CF0] =	vst v63  }
0x3ff: {  	_ =	swait.ge [sflag:s15], $0x288  }
0x400: {  	[sflag:s15] =	ssyncset.done $0x0  }
0x401: {  	[sflag:s15] =	ssyncadd.s32 $0xFFFFFD78  }
0x402: {  	v63 =	vld [tilespmem:$0x18];
	_ =	sdelay $0x4  }
0x403: {  	(v2sf) =	vpush v63, $0x8;
	_ =	sdelay $0xe  }
0x404: {  	s30 =	sshll.u32 s0, $0x3;
	s31 =	spop (v2sf)  }
0x405: {  	s8 =	ssub.s32 s31, s30  }
0x406: {  	p0 =	slt.s32 s8, $0x1  }
.Ltmp85:
0x407: {  	_ = 	snop;
	(pc) =	sbr.rel @p0 .LBB2_124-.Ltmp85, $2  }
0x408: {  	_ =	sdelay $0x2  }
0x409: {  	s14 =	rddreg [dreg:$0x3]  }
0x40a: {  	p0 =	slt.u32 s8, $0x29  }
.Ltmp86:
0x40b: {  	_ = 	snop;
	(pc) =	sbr.rel @p0 .LBB2_123-.Ltmp86, $2  }
0x40c: {  	_ =	sdelay $0x2  }
0x40d: {  	[tilespmem:s19], [sflag:$0x1] =	stream.indirect.gather [hbm4b:s14+s18], $0x40, s17, s18, $0xb8;
	[tilespmem:$0x16CF0] =	vst v63  }
0x40e: {  	s5 =	simm.s32 $0x90;
	s12 =	simm.s32 $0xCF0;
	p3 =	slt.u32 s8, $0x51  }
0x40f: {  	[tilespmem:s12], [sflag:$0x1] =	stream.indirect.gather [hbm4b:s14+s18], $0x40, s5, s18, $0xb8;
	[tilespmem:$0x16CF0] =	vst v63  }
0x410: {  	s5 =	simm.s32 @!p3 $0x28;
	p0 =	slt.u32 @!p3 s8, $0x79  }
0x411: {  	s12 =	simm.s32 @!p3 $0xB8;
	s13 =	simm.s32 @!p3 $0x16F0;
	p1 =	por p3, p0  }
0x412: {  	[tilespmem:s13], [sflag:$0x1] =	stream.indirect.gather @!p3 [hbm4b:s14+s5], $0x40, s12, s5, $0xb8;
	[tilespmem:$0x16CF0] =	vst v63  }
0x413: {  	s5 =	simm.s32 @!p1 $0x28;
	p0 =	slt.u32 @!p1 s8, $0xA1  }
0x414: {  	s12 =	simm.s32 @!p1 $0xE0;
	s13 =	simm.s32 @!p1 $0x20F0;
	p0 =	por p1, p0  }
0x415: {  	[tilespmem:s13], [sflag:$0x1] =	stream.indirect.gather @!p1 [hbm4b:s14+s5], $0x40, s12, s5, $0xb8;
	[tilespmem:$0x16CF0] =	vst v63  }
0x416: {  	s5 =	simm.s32 @!p0 $0x28;
	p2 =	slt.u32 @!p0 s8, $0xC9  }
0x417: {  	s12 =	simm.s32 @!p0 $0x108;
	s13 =	simm.s32 @!p0 $0x2AF0;
	p4 =	por p0, p2  }
0x418: {  	[tilespmem:s13], [sflag:$0x1] =	stream.indirect.gather @!p0 [hbm4b:s14+s5], $0x40, s12, s5, $0xb8;
	[tilespmem:$0x16CF0] =	vst v63  }
0x419: {  	s5 =	simm.s32 @!p4 $0x28;
	p2 =	slt.u32 @!p4 s8, $0xF1  }
0x41a: {  	s12 =	simm.s32 @!p4 $0x130;
	s13 =	simm.s32 @!p4 $0x34F0;
	p6 =	por p4, p2  }
0x41b: {  	[tilespmem:s13], [sflag:$0x1] =	stream.indirect.gather @!p4 [hbm4b:s14+s5], $0x40, s12, s5, $0xb8;
	[tilespmem:$0x16CF0] =	vst v63  }
0x41c: {  	p2 =	slt.u32 @!p6 s8, $0x119  }
0x41d: {  	p5 =	por p6, p2  }
0x41e: {  	p2 =	slt.u32 @!p5 s8, $0x141  }
0x41f: {  	p2 =	por p5, p2  }
.Ltmp87:
0x420: {  	_ = 	snop;
	(pc) =	sbr.rel @p2 .LBB2_106-.Ltmp87, $4  }
0x421: {  	s5 =	simm.s32 @!p6 $0x28;
	s12 =	simm.s32 @!p6 $0x158;
	s13 =	simm.s32 @!p6 $0x3EF0  }
0x422: {  	[tilespmem:s13], [sflag:$0x1] =	stream.indirect.gather @!p6 [hbm4b:s14+s5], $0x40, s12, s5, $0xb8;
	[tilespmem:$0x16CF0] =	vst v63  }
0x423: {  	s5 =	simm.s32 @!p5 $0x28;
	s12 =	simm.s32 @!p5 $0x180;
	s13 =	simm.s32 @!p5 $0x48F0  }
0x424: {  	[tilespmem:s13], [sflag:$0x1] =	stream.indirect.gather @!p5 [hbm4b:s14+s5], $0x40, s12, s5, $0xb8;
	[tilespmem:$0x16CF0] =	vst v63  }
0x425: {  	s5 =	simm.s32 $0x1A8;
	s12 =	simm.s32 $0x52F0;
	p0 =	slt.u32 s8, $0x169  }
0x426: {  	[tilespmem:s12], [sflag:$0x1] =	stream.indirect.gather [hbm4b:s14+s18], $0x40, s5, s18, $0xb8;
	[tilespmem:$0x16CF0] =	vst v63  }
0x427: {  	s5 =	simm.s32 @!p0 $0x28;
	p1 =	slt.u32 @!p0 s8, $0x191  }
0x428: {  	s12 =	simm.s32 @!p0 $0x1D0;
	s13 =	simm.s32 @!p0 $0x5CF0;
	p1 =	por p0, p1  }
0x429: {  	[tilespmem:s13], [sflag:$0x1] =	stream.indirect.gather @!p0 [hbm4b:s14+s5], $0x40, s12, s5, $0xb8;
	[tilespmem:$0x16CF0] =	vst v63  }
0x42a: {  	p2 =	slt.u32 @!p1 s8, $0x1B9  }
0x42b: {  	p6 =	por p1, p2  }
0x42c: {  	p2 =	slt.u32 @!p6 s8, $0x1E1  }
0x42d: {  	p2 =	por p6, p2  }
.Ltmp88:
0x42e: {  	_ = 	snop;
	(pc) =	sbr.rel @p2 .LBB2_97-.Ltmp88, $4  }
0x42f: {  	s5 =	simm.s32 @!p1 $0x28;
	s12 =	simm.s32 @!p1 $0x1F8;
	s13 =	simm.s32 @!p1 $0x66F0  }
0x430: {  	[tilespmem:s13], [sflag:$0x1] =	stream.indirect.gather @!p1 [hbm4b:s14+s5], $0x40, s12, s5, $0xb8;
	[tilespmem:$0x16CF0] =	vst v63  }
0x431: {  	s5 =	simm.s32 @!p6 $0x28;
	s12 =	simm.s32 @!p6 $0x220;
	s13 =	simm.s32 @!p6 $0x70F0  }
0x432: {  	[tilespmem:s13], [sflag:$0x1] =	stream.indirect.gather @!p6 [hbm4b:s14+s5], $0x40, s12, s5, $0xb8;
	[tilespmem:$0x16CF0] =	vst v63  }
0x433: {  	[tilespmem:s22], [sflag:$0x1] =	stream.indirect.gather [hbm4b:s14+s18], $0x40, s21, s18, $0xb8;
	[tilespmem:$0x16CF0] =	vst v63  }
0x434: {  	p6 =	slt.u32 s8, $0x209  }
0x435: {  	s5 =	simm.s32 @!p6 $0x28  }
0x436: {  	s12 =	simm.s32 @!p6 $0x270;
	s13 =	simm.s32 @!p6 $0x84F0;
	p0 =	slt.u32 @!p6 s8, $0x231  }
0x437: {  	[tilespmem:s13], [sflag:$0x1] =	stream.indirect.gather @!p6 [hbm4b:s14+s5], $0x40, s12, s5, $0xb8;
	[tilespmem:$0x16CF0] =	vst v63  }
0x438: {  	p2 =	por p0, p6  }
0x439: {  	s5 =	simm.s32 @!p2 $0x28  }
0x43a: {  	s12 =	simm.s32 @!p2 $0x298;
	s13 =	simm.s32 @!p2 $0x8EF0;
	p1 =	slt.u32 @!p2 s8, $0x259  }
0x43b: {  	[tilespmem:s13], [sflag:$0x1] =	stream.indirect.gather @!p2 [hbm4b:s14+s5], $0x40, s12, s5, $0xb8;
	[tilespmem:$0x16CF0] =	vst v63  }
0x43c: {  	p3 =	por @!p6 p1, p0;
	p4 =	por @!p6 !p1, p0  }
0x43d: {  	p1 =	por @!p2 $0x1, $0x1;
	p2 =	por @!p2 $0x0, $0x0;
	p3 =	por p3, p6  }
0x43e: {  	p0 =	por !p0, p6;
	p4 =	por !p4, p6;
	s5 =	simm.s32 @!p3 $0x28  }
0x43f: {  	s12 =	simm.s32 @!p3 $0x2C0;
	s13 =	simm.s32 @!p3 $0x98F0;
	p5 =	por @!p3 $0x1, $0x1  }
0x440: {  	[tilespmem:s13], [sflag:$0x1] =	stream.indirect.gather @!p3 [hbm4b:s14+s5], $0x40, s12, s5, $0xb8;
	[tilespmem:$0x16CF0] =	vst v63  }
0x441: {  	p1 =	por @!p4 p5, p5;
	p2 =	por @!p4 p5, p5;
	p4 =	por @!p6 $0x1, $0x1  }
0x442: {  	p5 =	por @!p6 $0x0, $0x0;
	p3 =	por p1, p1;
	p1 =	por @!p0 p4, p4  }
0x443: {  	p2 =	por @!p0 p5, p5;
	p3 =	por @!p0 p5, p5;
	p0 =	por $0x0, $0x0  }
0x444: {  	p0 =	por @!p6 p3, p3  }
0x445: {  	p4 =	por $0x1, $0x1;
	s5 =	simm.s32 @!p0 $0x0  }
.Ltmp89:
0x446: {  	s5 =	simm.s32 @p0 $0x1;
	p0 =	por $0x1, $0x1;
	(pc) =	sbr.rel .LBB2_99-.Ltmp89, $4  }
0x447: {  	p4 =	por @!p6 p1, p1;
	p5 =	por $0x1, $0x1;
	p0 =	por @!p6 p1, p1  }
0x448: {  	p5 =	por @!p6 p1, p1;
	[smem:$0x7E5] =	sst s5;
	s5 =	simm.s32 @!p0 $0x0  }
0x449: {  	p3 =	por $0x0, $0x0;
	s5 =	simm.s32 @p0 $0x1;
	p0 =	por $0x0, $0x0  }
0x44a: {  	p3 =	por @!p6 p1, p1;
	[smem:$0x7E6] =	sst s5;
	p0 =	por @!p6 p2, p2  }
.LBB2_106:
0x44b: {  	p2 =	por @!p3 $0x0, $0x0  }
0x44c: {  	s5 =	simm.s32 @!p2 $0x0  }
0x44d: {  	s5 =	simm.s32 @p2 $0x1  }
0x44e: {  	[smem:$0x7DD] =	sst s5;
	s5 =	simm.s32 @!p3 $0x0  }
0x44f: {  	p2 =	por $0x0, $0x0;
	s5 =	simm.s32 @p3 $0x1;
	s30 =	sld [smem:$0x7DD]  }
0x450: {  	[smem:$0x7E4] =	sst s5;
	s5 =	simm.s32 @!p2 $0x0  }
0x451: {  	s5 =	simm.s32 @p2 $0x1;
	s31 =	sld [smem:$0x7E4]  }
0x452: {  	[smem:$0x7DE] =	sst s5  }
0x453: {  	s8 =	sld [smem:$0x7DE];
	_ =	sdelay $0x1  }
0x454: {  	p2 =	seq.s32 s30, $0x1;
	s5 =	simm.s32 @!p5 $0x0  }
0x455: {  	s5 =	simm.s32 @p5 $0x1;
	p3 =	seq.s32 s31, $0x1;
	p5 =	seq.s32 s8, $0x1  }
0x456: {  	p5 =	por @!p3 p2, p2  }
0x457: {  	[smem:$0x7E1] =	sst s5;
	s5 =	simm.s32 @!p5 $0x0  }
0x458: {  	s5 =	simm.s32 @p5 $0x1  }
0x459: {  	[smem:$0x7DE] =	sst s5  }
0x45a: {  	s5 =	sld [smem:$0x7DE];
	_ =	sdelay $0x2  }
0x45b: {  	p3 =	seq.s32 s5, $0x1  }
0x45c: {  	p5 =	por @!p1 $0x0, $0x0;
	p2 =	por p3, p3  }
0x45d: {  	p2 =	por @!p1 p5, p5  }
0x45e: {  	s5 =	simm.s32 @!p2 $0x0  }
0x45f: {  	s5 =	simm.s32 @p2 $0x1  }
0x460: {  	[smem:$0x7E2] =	sst s5  }
0x461: {  	s5 =	sld [smem:$0x7E2];
	_ =	sdelay $0x1  }
0x462: {  	p2 =	por @!p1 $0x1, $0x1  }
0x463: {  	p3 =	por @!p1 p2, p2;
	p2 =	seq.s32 s5, $0x1  }
0x464: {  	p5 =	por @!p0 $0x0, $0x0;
	p1 =	por p2, p2  }
0x465: {  	p1 =	por @!p0 p5, p5  }
0x466: {  	p5 =	por p1, p1;
	p1 =	por @!p0 $0x1, $0x1  }
0x467: {  	p2 =	por @!p0 p1, p1  }
0x468: {  	s5 =	simm.s32 @!p2 $0x0  }
0x469: {  	s5 =	simm.s32 @p2 $0x1;
	p2 =	por @!p0 $0x1, $0x1  }
0x46a: {  	[smem:$0x7E2] =	sst s5;
	p3 =	por @!p0 p2, p2  }
0x46b: {  	p2 =	por @!p4 $0x0, $0x0;
	p0 =	por p5, p5;
	s12 =	sld [smem:$0x7E2]  }
0x46c: {  	p0 =	por @!p4 p2, p2  }
0x46d: {  	p1 =	por p5, p5;
	s5 =	simm.s32 @!p0 $0x0  }
0x46e: {  	p2 =	por @!p4 $0x1, $0x1;
	s5 =	simm.s32 @p0 $0x1;
	p0 =	seq.s32 s12, $0x1  }
0x46f: {  	[smem:$0x7DF] =	sst s5;
	p0 =	por @!p4 p2, p2;
	p2 =	por @!p4 $0x1, $0x1  }
0x470: {  	s13 =	sld [smem:$0x7DF];
	p3 =	por @!p4 p2, p2;
	p2 =	por @!p4 $0x1, $0x1  }
0x471: {  	p1 =	por @!p4 p2, p2  }
0x472: {  	s5 =	simm.s32 @!p1 $0x0  }
0x473: {  	p2 =	seq.s32 s13, $0x1;
	s5 =	simm.s32 @p1 $0x1  }
0x474: {  	[smem:$0x7E0] =	sst s5;
	s5 =	simm.s32 @!p2 $0x0  }
0x475: {  	s5 =	simm.s32 @p2 $0x1  }
0x476: {  	[smem:$0x7E3] =	sst s5  }
0x477: {  	s5 =	sld [smem:$0x7E3];
	_ =	sdelay $0x2  }
0x478: {  	p4 =	por @!p6 $0x1, $0x1;
	p1 =	seq.s32 s5, $0x1  }
0x479: {  	p1 =	por @!p6 p4, p4  }
0x47a: {  	p4 =	por @!p6 $0x1, $0x1;
	s5 =	simm.s32 @!p1 $0x0  }
0x47b: {  	p0 =	por @!p6 p4, p4;
	s5 =	simm.s32 @p1 $0x1  }
0x47c: {  	[smem:$0x7E3] =	sst s5;
	s5 =	simm.s32 @!p0 $0x0  }
0x47d: {  	s5 =	simm.s32 @p0 $0x1  }
0x47e: {  	[smem:$0x7E2] =	sst s5  }
0x47f: {  	_ =	swait.ge [sflag:s16], $0xA00  }
0x480: {  	s14 =	sld [smem:$0x7E0]  }
0x481: {  	s28 =	sld [smem:$0x7E1]  }
0x482: {  	p4 =	por @!p6 $0x0, $0x0;
	s29 =	sld [smem:$0x7E3]  }
0x483: {  	p2 =	por @!p6 p4, p4;
	p0 =	por @!p6 $0x1, $0x1  }
0x484: {  	p3 =	por @!p6 p0, p0;
	p1 =	seq.s32 s14, $0x1;
	p5 =	seq.s32 s28, $0x1  }
0x485: {  	p4 =	seq.s32 s29, $0x1;
	p1 =	por @!p6 p0, p0;
	p0 =	por @!p5 $0x1, $0x1  }
0x486: {  	p4 =	por @!p5 p0, p0  }
0x487: {  	s5 =	simm.s32 @!p4 $0x0  }
0x488: {  	[sflag:s16] =	ssyncset.done $0x0;
	s5 =	simm.s32 @p4 $0x1  }
0x489: {  	[sflag:s16] =	ssyncadd.s32 $0xFFFFF600;
	[smem:$0x7E3] =	sst s5  }
0x48a: {  	s30 =	sld [smem:$0x7E2];
	_ =	swait.ge [sflag:s16], $0xA00  }
0x48b: {  	s31 =	sld [smem:$0x7E4];
	_ =	sdelay $0x2  }
0x48c: {  	p4 =	seq.s32 s31, $0x1  }
.Ltmp90:
0x48d: {  	_ = 	snop;
	(pc) =	sbr.rel @p4 .LBB2_112-.Ltmp90, $4  }
0x48e: {  	_ = 	snop  }
0x48f: {  	p6 =	seq.s32 s30, $0x1  }
0x490: {  	p6 =	por @!p5 p0, p0;
	p3 =	por @!p5 p0, p0;
	[sflag:s16] =	ssyncset.done $0x0  }
0x491: {  	p1 =	por @!p5 p0, p0;
	p2 =	por @!p5 p0, p0;
	[sflag:s16] =	ssyncadd.s32 $0xFFFFF600  }
.Ltmp91:
0x492: {  	(pc) =	sbr.rel @p3 .LBB2_113-.Ltmp91, $4  }
0x493: {  	_ = 	snop  }
0x494: {  	_ =	swait.ge [sflag:s16], $0xA00  }
0x495: {  	[sflag:s16] =	ssyncset.done $0x0  }
0x496: {  	[sflag:s16] =	ssyncadd.s32 $0xFFFFF600  }
.LBB2_108:
.Ltmp92:
0x497: {  	(pc) =	sbr.rel @!p6 .LBB2_109-.Ltmp92, $1  }
0x498: {  	_ =	sdelay $0x3  }
.LBB2_114:
.Ltmp93:
0x499: {  	(pc) =	sbr.rel @p1 .LBB2_115-.Ltmp93, $4  }
0x49a: {  	_ = 	snop  }
0x49b: {  	_ =	swait.ge [sflag:s16], $0xA00  }
0x49c: {  	[sflag:s16] =	ssyncset.done $0x0  }
0x49d: {  	[sflag:s16] =	ssyncadd.s32 $0xFFFFF600  }
.LBB2_110:
0x49e: {  	s5 =	sld [smem:$0x7E3];
	_ =	sdelay $0x2  }
0x49f: {  	p0 =	seq.s32 s5, $0x1  }
.Ltmp94:
0x4a0: {  	_ = 	snop;
	(pc) =	sbr.rel @!p0 .LBB2_111-.Ltmp94, $1  }
0x4a1: {  	_ =	sdelay $0x3  }
.LBB2_116:
.Ltmp95:
0x4a2: {  	(pc) =	sbr.rel @p2 .LBB2_123-.Ltmp95, $4  }
.Ltmp96:
0x4a3: {  	(pc) =	sbr.rel @!p2 .LBB2_124-.Ltmp96, $4  }
0x4a4: {  	_ =	swait.ge [sflag:s16], $0xA00  }
0x4a5: {  	[sflag:s16] =	ssyncset.done $0x0  }
0x4a6: {  	[sflag:s16] =	ssyncadd.s32 $0xFFFFF600  }
0x4a7: {  	_ = 	snop  }
.LBB2_97:
0x4a8: {  	p2 =	por @!p0 $0x0, $0x0;
	p4 =	por $0x0, $0x0  }
0x4a9: {  	p4 =	por @!p0 p2, p2  }
0x4aa: {  	p3 =	por @!p1 $0x1, $0x1;
	p2 =	por @!p1 $0x0, $0x0;
	p0 =	por p4, p4  }
0x4ab: {  	p4 =	por @!p1 p3, p3;
	p0 =	por @!p1 p2, p2  }
0x4ac: {  	p1 =	por @!p6 $0x1, $0x1;
	p2 =	por @!p6 $0x0, $0x0;
	p3 =	por p0, p0  }
0x4ad: {  	p5 =	por p0, p0;
	p4 =	por @!p6 p1, p1;
	p3 =	por @!p6 p2, p2  }
0x4ae: {  	p5 =	por @!p6 p1, p1;
	p1 =	por p0, p0;
	s5 =	simm.s32 @!p3 $0x0  }
0x4af: {  	p1 =	por @!p6 p2, p2;
	s5 =	simm.s32 @p3 $0x1  }
0x4b0: {  	[smem:$0x7E5] =	sst s5;
	s5 =	simm.s32 @!p1 $0x0  }
0x4b1: {  	p3 =	por p0, p0;
	s5 =	simm.s32 @p1 $0x1  }
0x4b2: {  	p0 =	por @!p6 p2, p2;
	p3 =	por @!p6 p2, p2;
	[smem:$0x7E6] =	sst s5  }
.LBB2_99:
0x4b3: {  	_ =	swait.ge [sflag:s16], $0xA00  }
0x4b4: {  	[sflag:s16] =	ssyncset.done $0x0  }
0x4b5: {  	[sflag:s16] =	ssyncadd.s32 $0xFFFFF600  }
0x4b6: {  	_ =	swait.ge [sflag:s16], $0xA00  }
0x4b7: {  	[sflag:s16] =	ssyncset.done $0x0  }
0x4b8: {  	[sflag:s16] =	ssyncadd.s32 $0xFFFFF600  }
0x4b9: {  	_ =	swait.ge [sflag:s16], $0xA00  }
0x4ba: {  	[sflag:s16] =	ssyncset.done $0x0  }
0x4bb: {  	[sflag:s16] =	ssyncadd.s32 $0xFFFFF600  }
0x4bc: {  	_ =	swait.ge [sflag:s16], $0xA00  }
0x4bd: {  	[sflag:s16] =	ssyncset.done $0x0  }
0x4be: {  	[sflag:s16] =	ssyncadd.s32 $0xFFFFF600  }
0x4bf: {  	_ =	swait.ge [sflag:s16], $0xA00  }
0x4c0: {  	[sflag:s16] =	ssyncset.done $0x0  }
0x4c1: {  	[sflag:s16] =	ssyncadd.s32 $0xFFFFF600  }
0x4c2: {  	_ =	swait.ge [sflag:s16], $0xA00  }
0x4c3: {  	[sflag:s16] =	ssyncset.done $0x0  }
0x4c4: {  	[sflag:s16] =	ssyncadd.s32 $0xFFFFF600  }
0x4c5: {  	_ =	swait.ge [sflag:s16], $0xA00  }
0x4c6: {  	[sflag:s16] =	ssyncset.done $0x0  }
0x4c7: {  	[sflag:s16] =	ssyncadd.s32 $0xFFFFF600  }
0x4c8: {  	p1 =	sgt.u32 s8, $0x168;
	_ =	swait.ge [sflag:s16], $0xA00  }
.Ltmp97:
0x4c9: {  	[sflag:s16] =	ssyncset.done $0x0;
	(pc) =	sbr.rel @!p1 .LBB2_117-.Ltmp97, $4  }
0x4ca: {  	[sflag:s16] =	ssyncadd.s32 $0xFFFFF600  }
0x4cb: {  	_ =	swait.ge [sflag:s16], $0xA00  }
0x4cc: {  	[sflag:s16] =	ssyncset.done $0x0  }
0x4cd: {  	[sflag:s16] =	ssyncadd.s32 $0xFFFFF600  }
.Ltmp98:
0x4ce: {  	(pc) =	sbr.rel @p4 .LBB2_118-.Ltmp98, $4  }
0x4cf: {  	_ = 	snop  }
0x4d0: {  	_ =	swait.ge [sflag:s16], $0xA00  }
0x4d1: {  	[sflag:s16] =	ssyncset.done $0x0  }
0x4d2: {  	[sflag:s16] =	ssyncadd.s32 $0xFFFFF600  }
.LBB2_101:
.Ltmp99:
0x4d3: {  	(pc) =	sbr.rel @!p5 .LBB2_102-.Ltmp99, $1  }
0x4d4: {  	_ =	sdelay $0x3  }
.LBB2_119:
0x4d5: {  	_ =	swait.ge [sflag:s16], $0xA00  }
0x4d6: {  	s5 =	sld [smem:$0x7E6];
	_ =	sdelay $0x2  }
0x4d7: {  	p1 =	seq.s32 s5, $0x1  }
.Ltmp100:
0x4d8: {  	_ = 	snop;
	(pc) =	sbr.rel @p1 .LBB2_120-.Ltmp100, $3  }
0x4d9: {  	_ =	sdelay $0x1  }
0x4da: {  	[sflag:s16] =	ssyncset.done $0x0  }
0x4db: {  	[sflag:s16] =	ssyncadd.s32 $0xFFFFF600  }
.LBB2_103:
.Ltmp101:
0x4dc: {  	(pc) =	sbr.rel @!p3 .LBB2_104-.Ltmp101, $1  }
0x4dd: {  	_ =	sdelay $0x3  }
.LBB2_121:
0x4de: {  	_ =	swait.ge [sflag:s16], $0xA00  }
0x4df: {  	s5 =	sld [smem:$0x7E5];
	_ =	sdelay $0x2  }
0x4e0: {  	p1 =	seq.s32 s5, $0x1  }
.Ltmp102:
0x4e1: {  	_ = 	snop;
	(pc) =	sbr.rel @p1 .LBB2_122-.Ltmp102, $3  }
0x4e2: {  	_ =	sdelay $0x1  }
0x4e3: {  	[sflag:s16] =	ssyncset.done $0x0  }
0x4e4: {  	[sflag:s16] =	ssyncadd.s32 $0xFFFFF600  }
.LBB2_105:
.Ltmp103:
0x4e5: {  	(pc) =	sbr.rel @!p0 .LBB2_124-.Ltmp103, $4  }
.Ltmp104:
0x4e6: {  	(pc) =	sbr.rel @p0 .LBB2_123-.Ltmp104, $4  }
0x4e7: {  	_ = 	snop  }
0x4e8: {  	_ = 	snop  }
0x4e9: {  	_ = 	snop  }
0x4ea: {  	_ = 	snop  }
.LBB2_112:
.Ltmp105:
0x4eb: {  	(pc) =	sbr.rel @!p3 .LBB2_108-.Ltmp105, $1  }
0x4ec: {  	_ =	sdelay $0x3  }
.LBB2_113:
.Ltmp106:
0x4ed: {  	(pc) =	sbr.rel @p6 .LBB2_114-.Ltmp106, $4  }
0x4ee: {  	_ = 	snop  }
0x4ef: {  	_ =	swait.ge [sflag:s16], $0xA00  }
0x4f0: {  	[sflag:s16] =	ssyncset.done $0x0  }
0x4f1: {  	[sflag:s16] =	ssyncadd.s32 $0xFFFFF600  }
.LBB2_109:
.Ltmp107:
0x4f2: {  	(pc) =	sbr.rel @!p1 .LBB2_110-.Ltmp107, $1  }
0x4f3: {  	_ =	sdelay $0x3  }
.LBB2_115:
0x4f4: {  	_ =	swait.ge [sflag:s16], $0xA00  }
0x4f5: {  	s5 =	sld [smem:$0x7E3];
	_ =	sdelay $0x2  }
0x4f6: {  	p0 =	seq.s32 s5, $0x1  }
.Ltmp108:
0x4f7: {  	_ = 	snop;
	(pc) =	sbr.rel @p0 .LBB2_116-.Ltmp108, $3  }
0x4f8: {  	_ =	sdelay $0x1  }
0x4f9: {  	[sflag:s16] =	ssyncset.done $0x0  }
0x4fa: {  	[sflag:s16] =	ssyncadd.s32 $0xFFFFF600  }
.LBB2_111:
.Ltmp109:
0x4fb: {  	(pc) =	sbr.rel @!p2 .LBB2_124-.Ltmp109, $1  }
0x4fc: {  	_ =	sdelay $0x3  }
.LBB2_123:
0x4fd: {  	_ =	swait.ge [sflag:s16], $0xA00  }
0x4fe: {  	[sflag:s16] =	ssyncset.done $0x0  }
0x4ff: {  	[sflag:s16] =	ssyncadd.s32 $0xFFFFF600  }
.LBB2_124:
.Ltmp110:
0x500: {  	(pc) =	sbr.rel .LBB2_125-.Ltmp110, $4  }
0x501: {  	s0 =	sshll.u32 s0, $0xB  }
0x502: {  	s0 =	ssub.s32 $0x0, s0  }
0x503: {  	s0 =	sshra.s32 s0, $0x2  }
0x504: {  	s8 =	simm.s32 $0x0;
	s0 =	sadd.s32 $0x310, s0  }
.LBB2_156:
0x505: {  	v2 =	vadd.f32 v2, v1  }
0x506: {  	v3 =	vadd.f32 v3, v5;
	v1 =	vadd.f32 v4, v6  }
.LBB2_157:
0x507: {  	s8 =	sadd.s32 $0x1, s8  }
0x508: {  	p0 =	sne.s32 s8, $0x4  }
.Ltmp111:
0x509: {  	_ = 	snop;
	(pc) =	sbr.rel @!p0 .LBB2_158-.Ltmp111, $4  }
0x50a: {  	[tilespmem:s28+$0x166C0] =	vst v2  }
0x50b: {  	[tilespmem:s28+$0x166E0] =	vst v0  }
0x50c: {  	[tilespmem:s28+$0x166B0] =	vst v1  }
0x50d: {  	[tilespmem:s28+$0x166D0] =	vst v3  }
.LBB2_125:
0x50e: {  	s5 =	sshll.u32 s8, $0x3  }
0x50f: {  	s5 =	sand.u32 $0x3FFFFFF8, s5  }
0x510: {  	v0 =	vld [tilespmem:s5+$0x0];
	_ =	sdelay $0x4  }
0x511: {  	(v2sf) =	vpush v0, $0x0  }
0x512: {  	(v2sf) =	vpush v0, $0x1;
	_ =	sdelay $0xd  }
0x513: {  	s12 =	spop (v2sf)  }
0x514: {  	s13 =	spop (v2sf)  }
0x515: {  	s5 =	ssub.s32 s13, s12  }
0x516: {  	p0 =	slt.s32 s5, $0x1  }
.Ltmp112:
0x517: {  	_ = 	snop;
	(pc) =	sbr.rel @p0 .LBB2_129-.Ltmp112, $3  }
0x518: {  	_ =	sdelay $0x1  }
0x519: {  	v1 =	vimm.f32 $0.0e+00;
	v5 =	vimm.f32 $0.0e+00  }
0x51a: {  	v3 =	vimm.f32 $0.0e+00;
	v4 =	vimm.f32 $0.0e+00;
	v2 =	vimm.f32 $0.0e+00  }
0x51b: {  	s12 =	sshll.u32 s12, $0x8  }
0x51c: {  	s12 =	sshra.s32 s12, $0x2  }
0x51d: {  	s12 =	sadd.s32 s12, s0  }
0x51e: {  	p0 =	sne.s32 s5, $0x1;
	v2 =	vld [tilespmem:s12+$0x10]  }
.Ltmp113:
0x51f: {  	v4 =	vld [tilespmem:s12+$0xFFFFFFF0];
	(pc) =	sbr.rel @!p0 .LBB2_128-.Ltmp113, $4  }
0x520: {  	v5 =	vld [tilespmem:s12+$0x0]  }
0x521: {  	v6 =	vld [tilespmem:s12+$0xFFFFFFE0]  }
0x522: {  	v3 =	vimm.f32 $0.0e+00  }
0x523: {  	s5 =	sadd.s32 $0xFFFFFFFF, s5;
	v7 =	vimm.f32 $0.0e+00;
	v8 =	vimm.f32 $0.0e+00;
	s12 =	sadd.s32 $0x40, s12;
	v2 =	vadd.f32 v2, v3  }
.LBB2_127:
0x524: {  	v9 =	vld [tilespmem:s12+$0x10];
	p0 =	sne.s32 s5, $0x1;
	s5 =	sadd.s32 $0xFFFFFFFF, s5;
	v3 =	vadd.f32 v4, v3  }
.Ltmp114:
0x525: {  	v4 =	vld [tilespmem:s12+$0xFFFFFFF0];
	v7 =	vadd.f32 v5, v7;
	(pc) =	sbr.rel @p0 .LBB2_127-.Ltmp114, $3  }
0x526: {  	v5 =	vld [tilespmem:s12+$0x0];
	v8 =	vadd.f32 v6, v8  }
0x527: {  	v6 =	vld [tilespmem:s12+$0xFFFFFFE0];
	_ =	sdelay $0x1  }
0x528: {  	s12 =	sadd.s32 $0x40, s12;
	v2 =	vadd.f32 v9, v2  }
.LBB2_128:
0x529: {  	_ = 	snop  }
0x52a: {  	v3 =	vadd.f32 v4, v3  }
0x52b: {  	v4 =	vadd.f32 v5, v7;
	v5 =	vadd.f32 v6, v8  }
.LBB2_129:
0x52c: {  	(v2sf) =	vpush v0, $0x2;
	_ =	sdelay $0xe  }
0x52d: {  	s5 =	sshll.u32 s8, $0x9;
	s12 =	spop (v2sf)  }
0x52e: {  	s28 =	sand.u32 $0x3FFFFE00, s5;
	s5 =	ssub.s32 s12, s13  }
0x52f: {  	p0 =	slt.s32 s5, $0x1  }
.Ltmp115:
0x530: {  	_ = 	snop;
	(pc) =	sbr.rel @p0 .LBB2_133-.Ltmp115, $4  }
0x531: {  	[tilespmem:s28+$0x164F0] =	vst v5  }
0x532: {  	[tilespmem:s28+$0x16500] =	vst v3  }
0x533: {  	[tilespmem:s28+$0x16510] =	vst v4  }
0x534: {  	[tilespmem:s28+$0x16520] =	vst v2;
	v3 =	vimm.f32 $0.0e+00;
	v4 =	vimm.f32 $0.0e+00;
	v2 =	vimm.f32 $0.0e+00  }
0x535: {  	s13 =	sshll.u32 s13, $0x8  }
0x536: {  	s13 =	sshra.s32 s13, $0x2  }
0x537: {  	s13 =	sadd.s32 s13, s0  }
0x538: {  	p0 =	sne.s32 s5, $0x1;
	v2 =	vld [tilespmem:s13+$0x10]  }
.Ltmp116:
0x539: {  	v3 =	vld [tilespmem:s13+$0xFFFFFFF0];
	(pc) =	sbr.rel @!p0 .LBB2_132-.Ltmp116, $4  }
0x53a: {  	v4 =	vld [tilespmem:s13+$0x0]  }
0x53b: {  	v5 =	vld [tilespmem:s13+$0xFFFFFFE0]  }
0x53c: {  	v1 =	vimm.f32 $0.0e+00  }
0x53d: {  	s5 =	sadd.s32 $0xFFFFFFFF, s5;
	v6 =	vimm.f32 $0.0e+00;
	v7 =	vimm.f32 $0.0e+00;
	s13 =	sadd.s32 $0x40, s13;
	v2 =	vadd.f32 v2, v1  }
.LBB2_131:
0x53e: {  	v8 =	vld [tilespmem:s13+$0x10];
	p0 =	sne.s32 s5, $0x1;
	s5 =	sadd.s32 $0xFFFFFFFF, s5;
	v1 =	vadd.f32 v3, v1  }
.Ltmp117:
0x53f: {  	v3 =	vld [tilespmem:s13+$0xFFFFFFF0];
	v6 =	vadd.f32 v4, v6;
	(pc) =	sbr.rel @p0 .LBB2_131-.Ltmp117, $3  }
0x540: {  	v4 =	vld [tilespmem:s13+$0x0];
	v7 =	vadd.f32 v5, v7  }
0x541: {  	v5 =	vld [tilespmem:s13+$0xFFFFFFE0];
	_ =	sdelay $0x1  }
0x542: {  	s13 =	sadd.s32 $0x40, s13;
	v2 =	vadd.f32 v8, v2  }
.LBB2_132:
0x543: {  	_ = 	snop  }
0x544: {  	v3 =	vadd.f32 v3, v1  }
0x545: {  	v4 =	vadd.f32 v4, v6;
	v1 =	vadd.f32 v5, v7  }
.LBB2_133:
0x546: {  	(v2sf) =	vpush v0, $0x3;
	_ =	sdelay $0xe  }
0x547: {  	s13 =	spop (v2sf)  }
0x548: {  	s5 =	ssub.s32 s13, s12  }
0x549: {  	p0 =	slt.s32 s5, $0x1  }
.Ltmp118:
0x54a: {  	_ = 	snop;
	(pc) =	sbr.rel @p0 .LBB2_137-.Ltmp118, $4  }
0x54b: {  	[tilespmem:s28+$0x16540] =	vst v3  }
0x54c: {  	[tilespmem:s28+$0x16560] =	vst v2  }
0x54d: {  	v5 =	vimm.f32 $0.0e+00;
	v3 =	vimm.f32 $0.0e+00;
	[tilespmem:s28+$0x16530] =	vst v1  }
0x54e: {  	v2 =	vimm.f32 $0.0e+00;
	[tilespmem:s28+$0x16550] =	vst v4;
	v1 =	vimm.f32 $0.0e+00;
	v4 =	vimm.f32 $0.0e+00  }
0x54f: {  	s12 =	sshll.u32 s12, $0x8  }
0x550: {  	s12 =	sshra.s32 s12, $0x2  }
0x551: {  	s12 =	sadd.s32 s12, s0  }
0x552: {  	p0 =	sne.s32 s5, $0x1;
	v2 =	vld [tilespmem:s12+$0x10]  }
.Ltmp119:
0x553: {  	v4 =	vld [tilespmem:s12+$0xFFFFFFF0];
	(pc) =	sbr.rel @!p0 .LBB2_136-.Ltmp119, $4  }
0x554: {  	v5 =	vld [tilespmem:s12+$0x0]  }
0x555: {  	v6 =	vld [tilespmem:s12+$0xFFFFFFE0]  }
0x556: {  	v3 =	vimm.f32 $0.0e+00  }
0x557: {  	s5 =	sadd.s32 $0xFFFFFFFF, s5;
	v7 =	vimm.f32 $0.0e+00;
	v8 =	vimm.f32 $0.0e+00;
	s12 =	sadd.s32 $0x40, s12;
	v2 =	vadd.f32 v2, v3  }
.LBB2_135:
0x558: {  	v9 =	vld [tilespmem:s12+$0x10];
	p0 =	sne.s32 s5, $0x1;
	s5 =	sadd.s32 $0xFFFFFFFF, s5;
	v3 =	vadd.f32 v4, v3  }
.Ltmp120:
0x559: {  	v4 =	vld [tilespmem:s12+$0xFFFFFFF0];
	v7 =	vadd.f32 v5, v7;
	(pc) =	sbr.rel @p0 .LBB2_135-.Ltmp120, $3  }
0x55a: {  	v5 =	vld [tilespmem:s12+$0x0];
	v8 =	vadd.f32 v6, v8  }
0x55b: {  	v6 =	vld [tilespmem:s12+$0xFFFFFFE0];
	_ =	sdelay $0x1  }
0x55c: {  	s12 =	sadd.s32 $0x40, s12;
	v2 =	vadd.f32 v9, v2  }
.LBB2_136:
0x55d: {  	_ = 	snop  }
0x55e: {  	v3 =	vadd.f32 v4, v3  }
0x55f: {  	v4 =	vadd.f32 v5, v7;
	v5 =	vadd.f32 v6, v8  }
.LBB2_137:
0x560: {  	(v2sf) =	vpush v0, $0x4;
	_ =	sdelay $0xe  }
0x561: {  	s12 =	spop (v2sf)  }
0x562: {  	s5 =	ssub.s32 s12, s13  }
0x563: {  	p0 =	slt.s32 s5, $0x1  }
.Ltmp121:
0x564: {  	_ = 	snop;
	(pc) =	sbr.rel @p0 .LBB2_141-.Ltmp121, $4  }
0x565: {  	[tilespmem:s28+$0x16580] =	vst v3  }
0x566: {  	[tilespmem:s28+$0x165A0] =	vst v2  }
0x567: {  	[tilespmem:s28+$0x16570] =	vst v5  }
0x568: {  	v3 =	vimm.f32 $0.0e+00;
	v2 =	vimm.f32 $0.0e+00;
	[tilespmem:s28+$0x16590] =	vst v4;
	v4 =	vimm.f32 $0.0e+00  }
0x569: {  	s13 =	sshll.u32 s13, $0x8  }
0x56a: {  	s13 =	sshra.s32 s13, $0x2  }
0x56b: {  	s13 =	sadd.s32 s13, s0  }
0x56c: {  	p0 =	sne.s32 s5, $0x1;
	v2 =	vld [tilespmem:s13+$0x10]  }
.Ltmp122:
0x56d: {  	v3 =	vld [tilespmem:s13+$0xFFFFFFF0];
	(pc) =	sbr.rel @!p0 .LBB2_140-.Ltmp122, $4  }
0x56e: {  	v4 =	vld [tilespmem:s13+$0x0]  }
0x56f: {  	v5 =	vld [tilespmem:s13+$0xFFFFFFE0]  }
0x570: {  	v1 =	vimm.f32 $0.0e+00  }
0x571: {  	s5 =	sadd.s32 $0xFFFFFFFF, s5;
	v6 =	vimm.f32 $0.0e+00;
	v7 =	vimm.f32 $0.0e+00;
	s13 =	sadd.s32 $0x40, s13;
	v2 =	vadd.f32 v2, v1  }
.LBB2_139:
0x572: {  	v8 =	vld [tilespmem:s13+$0x10];
	p0 =	sne.s32 s5, $0x1;
	s5 =	sadd.s32 $0xFFFFFFFF, s5;
	v1 =	vadd.f32 v3, v1  }
.Ltmp123:
0x573: {  	v3 =	vld [tilespmem:s13+$0xFFFFFFF0];
	v6 =	vadd.f32 v4, v6;
	(pc) =	sbr.rel @p0 .LBB2_139-.Ltmp123, $3  }
0x574: {  	v4 =	vld [tilespmem:s13+$0x0];
	v7 =	vadd.f32 v5, v7  }
0x575: {  	v5 =	vld [tilespmem:s13+$0xFFFFFFE0];
	_ =	sdelay $0x1  }
0x576: {  	s13 =	sadd.s32 $0x40, s13;
	v2 =	vadd.f32 v8, v2  }
.LBB2_140:
0x577: {  	_ = 	snop  }
0x578: {  	v3 =	vadd.f32 v3, v1  }
0x579: {  	v4 =	vadd.f32 v4, v6;
	v1 =	vadd.f32 v5, v7  }
.LBB2_141:
0x57a: {  	(v2sf) =	vpush v0, $0x5;
	_ =	sdelay $0xe  }
0x57b: {  	s13 =	spop (v2sf)  }
0x57c: {  	s5 =	ssub.s32 s13, s12  }
0x57d: {  	p0 =	slt.s32 s5, $0x1  }
.Ltmp124:
0x57e: {  	_ = 	snop;
	(pc) =	sbr.rel @p0 .LBB2_145-.Ltmp124, $4  }
0x57f: {  	[tilespmem:s28+$0x165C0] =	vst v3  }
0x580: {  	[tilespmem:s28+$0x165E0] =	vst v2  }
0x581: {  	v5 =	vimm.f32 $0.0e+00;
	v3 =	vimm.f32 $0.0e+00;
	[tilespmem:s28+$0x165B0] =	vst v1  }
0x582: {  	v2 =	vimm.f32 $0.0e+00;
	[tilespmem:s28+$0x165D0] =	vst v4;
	v1 =	vimm.f32 $0.0e+00;
	v4 =	vimm.f32 $0.0e+00  }
0x583: {  	s12 =	sshll.u32 s12, $0x8  }
0x584: {  	s12 =	sshra.s32 s12, $0x2  }
0x585: {  	s12 =	sadd.s32 s12, s0  }
0x586: {  	p0 =	sne.s32 s5, $0x1;
	v2 =	vld [tilespmem:s12+$0x10]  }
.Ltmp125:
0x587: {  	v4 =	vld [tilespmem:s12+$0xFFFFFFF0];
	(pc) =	sbr.rel @!p0 .LBB2_144-.Ltmp125, $4  }
0x588: {  	v5 =	vld [tilespmem:s12+$0x0]  }
0x589: {  	v6 =	vld [tilespmem:s12+$0xFFFFFFE0]  }
0x58a: {  	v3 =	vimm.f32 $0.0e+00  }
0x58b: {  	s5 =	sadd.s32 $0xFFFFFFFF, s5;
	v7 =	vimm.f32 $0.0e+00;
	v8 =	vimm.f32 $0.0e+00;
	s12 =	sadd.s32 $0x40, s12;
	v2 =	vadd.f32 v2, v3  }
.LBB2_143:
0x58c: {  	v9 =	vld [tilespmem:s12+$0x10];
	p0 =	sne.s32 s5, $0x1;
	s5 =	sadd.s32 $0xFFFFFFFF, s5;
	v3 =	vadd.f32 v4, v3  }
.Ltmp126:
0x58d: {  	v4 =	vld [tilespmem:s12+$0xFFFFFFF0];
	v7 =	vadd.f32 v5, v7;
	(pc) =	sbr.rel @p0 .LBB2_143-.Ltmp126, $3  }
0x58e: {  	v5 =	vld [tilespmem:s12+$0x0];
	v8 =	vadd.f32 v6, v8  }
0x58f: {  	v6 =	vld [tilespmem:s12+$0xFFFFFFE0];
	_ =	sdelay $0x1  }
0x590: {  	s12 =	sadd.s32 $0x40, s12;
	v2 =	vadd.f32 v9, v2  }
.LBB2_144:
0x591: {  	_ = 	snop  }
0x592: {  	v3 =	vadd.f32 v4, v3  }
0x593: {  	v4 =	vadd.f32 v5, v7;
	v5 =	vadd.f32 v6, v8  }
.LBB2_145:
0x594: {  	(v2sf) =	vpush v0, $0x6;
	_ =	sdelay $0xe  }
0x595: {  	s12 =	spop (v2sf)  }
0x596: {  	s5 =	ssub.s32 s12, s13  }
0x597: {  	p0 =	slt.s32 s5, $0x1  }
.Ltmp127:
0x598: {  	_ = 	snop;
	(pc) =	sbr.rel @p0 .LBB2_149-.Ltmp127, $4  }
0x599: {  	[tilespmem:s28+$0x16600] =	vst v3  }
0x59a: {  	[tilespmem:s28+$0x16620] =	vst v2  }
0x59b: {  	[tilespmem:s28+$0x165F0] =	vst v5  }
0x59c: {  	v3 =	vimm.f32 $0.0e+00;
	v2 =	vimm.f32 $0.0e+00;
	[tilespmem:s28+$0x16610] =	vst v4;
	v4 =	vimm.f32 $0.0e+00  }
0x59d: {  	s13 =	sshll.u32 s13, $0x8  }
0x59e: {  	s13 =	sshra.s32 s13, $0x2  }
0x59f: {  	s13 =	sadd.s32 s13, s0  }
0x5a0: {  	p0 =	sne.s32 s5, $0x1;
	v2 =	vld [tilespmem:s13+$0x10]  }
.Ltmp128:
0x5a1: {  	v3 =	vld [tilespmem:s13+$0xFFFFFFF0];
	(pc) =	sbr.rel @!p0 .LBB2_148-.Ltmp128, $4  }
0x5a2: {  	v4 =	vld [tilespmem:s13+$0x0]  }
0x5a3: {  	v5 =	vld [tilespmem:s13+$0xFFFFFFE0]  }
0x5a4: {  	v1 =	vimm.f32 $0.0e+00  }
0x5a5: {  	s5 =	sadd.s32 $0xFFFFFFFF, s5;
	v6 =	vimm.f32 $0.0e+00;
	v7 =	vimm.f32 $0.0e+00;
	s13 =	sadd.s32 $0x40, s13;
	v2 =	vadd.f32 v2, v1  }
.LBB2_147:
0x5a6: {  	v8 =	vld [tilespmem:s13+$0x10];
	p0 =	sne.s32 s5, $0x1;
	s5 =	sadd.s32 $0xFFFFFFFF, s5;
	v1 =	vadd.f32 v3, v1  }
.Ltmp129:
0x5a7: {  	v3 =	vld [tilespmem:s13+$0xFFFFFFF0];
	v6 =	vadd.f32 v4, v6;
	(pc) =	sbr.rel @p0 .LBB2_147-.Ltmp129, $3  }
0x5a8: {  	v4 =	vld [tilespmem:s13+$0x0];
	v7 =	vadd.f32 v5, v7  }
0x5a9: {  	v5 =	vld [tilespmem:s13+$0xFFFFFFE0];
	_ =	sdelay $0x1  }
0x5aa: {  	s13 =	sadd.s32 $0x40, s13;
	v2 =	vadd.f32 v8, v2  }
.LBB2_148:
0x5ab: {  	_ = 	snop  }
0x5ac: {  	v3 =	vadd.f32 v3, v1  }
0x5ad: {  	v4 =	vadd.f32 v4, v6;
	v1 =	vadd.f32 v5, v7  }
.LBB2_149:
0x5ae: {  	(v2sf) =	vpush v0, $0x7;
	_ =	sdelay $0xe  }
0x5af: {  	s13 =	spop (v2sf)  }
0x5b0: {  	s5 =	ssub.s32 s13, s12  }
0x5b1: {  	p0 =	slt.s32 s5, $0x1  }
.Ltmp130:
0x5b2: {  	_ = 	snop;
	(pc) =	sbr.rel @p0 .LBB2_153-.Ltmp130, $4  }
0x5b3: {  	[tilespmem:s28+$0x16640] =	vst v3  }
0x5b4: {  	[tilespmem:s28+$0x16660] =	vst v2  }
0x5b5: {  	v5 =	vimm.f32 $0.0e+00;
	v3 =	vimm.f32 $0.0e+00;
	[tilespmem:s28+$0x16630] =	vst v1  }
0x5b6: {  	v2 =	vimm.f32 $0.0e+00;
	[tilespmem:s28+$0x16650] =	vst v4;
	v1 =	vimm.f32 $0.0e+00;
	v4 =	vimm.f32 $0.0e+00  }
0x5b7: {  	s12 =	sshll.u32 s12, $0x8  }
0x5b8: {  	s12 =	sshra.s32 s12, $0x2  }
0x5b9: {  	s12 =	sadd.s32 s12, s0  }
0x5ba: {  	p0 =	sne.s32 s5, $0x1;
	v2 =	vld [tilespmem:s12+$0x10]  }
.Ltmp131:
0x5bb: {  	v4 =	vld [tilespmem:s12+$0xFFFFFFF0];
	(pc) =	sbr.rel @!p0 .LBB2_152-.Ltmp131, $4  }
0x5bc: {  	v5 =	vld [tilespmem:s12+$0x0]  }
0x5bd: {  	v6 =	vld [tilespmem:s12+$0xFFFFFFE0]  }
0x5be: {  	v3 =	vimm.f32 $0.0e+00  }
0x5bf: {  	s5 =	sadd.s32 $0xFFFFFFFF, s5;
	v7 =	vimm.f32 $0.0e+00;
	v8 =	vimm.f32 $0.0e+00;
	s12 =	sadd.s32 $0x40, s12;
	v2 =	vadd.f32 v2, v3  }
.LBB2_151:
0x5c0: {  	v9 =	vld [tilespmem:s12+$0x10];
	p0 =	sne.s32 s5, $0x1;
	s5 =	sadd.s32 $0xFFFFFFFF, s5;
	v3 =	vadd.f32 v4, v3  }
.Ltmp132:
0x5c1: {  	v4 =	vld [tilespmem:s12+$0xFFFFFFF0];
	v7 =	vadd.f32 v5, v7;
	(pc) =	sbr.rel @p0 .LBB2_151-.Ltmp132, $3  }
0x5c2: {  	v5 =	vld [tilespmem:s12+$0x0];
	v8 =	vadd.f32 v6, v8  }
0x5c3: {  	v6 =	vld [tilespmem:s12+$0xFFFFFFE0];
	_ =	sdelay $0x1  }
0x5c4: {  	s12 =	sadd.s32 $0x40, s12;
	v2 =	vadd.f32 v9, v2  }
.LBB2_152:
0x5c5: {  	_ = 	snop  }
0x5c6: {  	v3 =	vadd.f32 v4, v3  }
0x5c7: {  	v4 =	vadd.f32 v5, v7;
	v5 =	vadd.f32 v6, v8  }
.LBB2_153:
0x5c8: {  	(v2sf) =	vpush v0, $0x8;
	_ =	sdelay $0xe  }
0x5c9: {  	s5 =	spop (v2sf)  }
0x5ca: {  	s5 =	ssub.s32 s5, s13  }
0x5cb: {  	p0 =	slt.s32 s5, $0x1  }
.Ltmp133:
0x5cc: {  	_ = 	snop;
	(pc) =	sbr.rel @p0 .LBB2_157-.Ltmp133, $4  }
0x5cd: {  	[tilespmem:s28+$0x16680] =	vst v3  }
0x5ce: {  	[tilespmem:s28+$0x166A0] =	vst v2  }
0x5cf: {  	[tilespmem:s28+$0x16670] =	vst v5  }
0x5d0: {  	v2 =	vimm.f32 $0.0e+00;
	v3 =	vimm.f32 $0.0e+00;
	v0 =	vimm.f32 $0.0e+00;
	[tilespmem:s28+$0x16690] =	vst v4  }
0x5d1: {  	s12 =	sshll.u32 s13, $0x8  }
0x5d2: {  	s12 =	sshra.s32 s12, $0x2  }
0x5d3: {  	s12 =	sadd.s32 s12, s0  }
0x5d4: {  	v0 =	vld [tilespmem:s12+$0x10]  }
0x5d5: {  	p0 =	sne.s32 s5, $0x1;
	v2 =	vld [tilespmem:s12+$0xFFFFFFF0]  }
.Ltmp134:
0x5d6: {  	v3 =	vld [tilespmem:s12+$0x0];
	(pc) =	sbr.rel @!p0 .LBB2_156-.Ltmp134, $3  }
0x5d7: {  	v4 =	vld [tilespmem:s12+$0xFFFFFFE0];
	_ =	sdelay $0x1  }
0x5d8: {  	v1 =	vimm.f32 $0.0e+00  }
0x5d9: {  	s5 =	sadd.s32 $0xFFFFFFFF, s5;
	v5 =	vimm.f32 $0.0e+00;
	v6 =	vimm.f32 $0.0e+00;
	s12 =	sadd.s32 $0x40, s12;
	v0 =	vadd.f32 v0, v1  }
.LBB2_155:
0x5da: {  	v7 =	vld [tilespmem:s12+$0x10];
	p0 =	sne.s32 s5, $0x1;
	s5 =	sadd.s32 $0xFFFFFFFF, s5;
	v1 =	vadd.f32 v2, v1  }
.Ltmp135:
0x5db: {  	v5 =	vadd.f32 v3, v5;
	v2 =	vld [tilespmem:s12+$0xFFFFFFF0];
	(pc) =	sbr.rel @p0 .LBB2_155-.Ltmp135, $3  }
0x5dc: {  	v6 =	vadd.f32 v4, v6;
	v3 =	vld [tilespmem:s12+$0x0]  }
0x5dd: {  	v4 =	vld [tilespmem:s12+$0xFFFFFFE0];
	_ =	sdelay $0x1  }
0x5de: {  	s12 =	sadd.s32 $0x40, s12;
	v0 =	vadd.f32 v7, v0  }
.Ltmp136:
0x5df: {  	_ = 	snop;
	(pc) =	sbr.rel .LBB2_156-.Ltmp136, $1  }
0x5e0: {  	_ =	sdelay $0x3  }
.LBB2_117:
.Ltmp137:
0x5e1: {  	(pc) =	sbr.rel @!p4 .LBB2_101-.Ltmp137, $1  }
0x5e2: {  	_ =	sdelay $0x3  }
.LBB2_118:
.Ltmp138:
0x5e3: {  	(pc) =	sbr.rel @p5 .LBB2_119-.Ltmp138, $4  }
0x5e4: {  	_ = 	snop  }
0x5e5: {  	_ =	swait.ge [sflag:s16], $0xA00  }
0x5e6: {  	[sflag:s16] =	ssyncset.done $0x0  }
0x5e7: {  	[sflag:s16] =	ssyncadd.s32 $0xFFFFF600  }
.LBB2_102:
0x5e8: {  	s5 =	sld [smem:$0x7E6];
	_ =	sdelay $0x2  }
0x5e9: {  	p1 =	seq.s32 s5, $0x1  }
.Ltmp139:
0x5ea: {  	_ = 	snop;
	(pc) =	sbr.rel @!p1 .LBB2_103-.Ltmp139, $1  }
0x5eb: {  	_ =	sdelay $0x3  }
.LBB2_120:
.Ltmp140:
0x5ec: {  	(pc) =	sbr.rel @p3 .LBB2_121-.Ltmp140, $4  }
0x5ed: {  	_ = 	snop  }
0x5ee: {  	_ =	swait.ge [sflag:s16], $0xA00  }
0x5ef: {  	[sflag:s16] =	ssyncset.done $0x0  }
0x5f0: {  	[sflag:s16] =	ssyncadd.s32 $0xFFFFF600  }
.LBB2_104:
0x5f1: {  	s5 =	sld [smem:$0x7E5];
	_ =	sdelay $0x2  }
0x5f2: {  	p1 =	seq.s32 s5, $0x1  }
.Ltmp141:
0x5f3: {  	_ = 	snop;
	(pc) =	sbr.rel @!p1 .LBB2_105-.Ltmp141, $1  }
0x5f4: {  	_ =	sdelay $0x3  }
.LBB2_122:
.Ltmp142:
0x5f5: {  	(pc) =	sbr.rel @!p0 .LBB2_124-.Ltmp142, $4  }
.Ltmp143:
0x5f6: {  	(pc) =	sbr.rel @p0 .LBB2_123-.Ltmp143, $4  }
0x5f7: {  	_ =	swait.ge [sflag:s16], $0xA00  }
0x5f8: {  	[sflag:s16] =	ssyncset.done $0x0  }
0x5f9: {  	[sflag:s16] =	ssyncadd.s32 $0xFFFFF600  }
0x5fa: {  	_ = 	snop  }
.LBB2_159:
0x5fb: {  	_ =	sfence.sel $0x180000  }
0x5fc: {  	[bflag:$0x0] =	sbarrier.arrive $0xFFFF  }
0x5fd: {  	_ =	strace $0x90000047  }
0x5fe: {  	s0 =	stileid.u32;
	[bflag:$0x2] =	sbarrier.arrive $0xFFFF  }
0x5ff: {  	p0 =	sne.s32 s0, $0x0;
	s0 =	rddreg [dreg:$0x2]  }
0x600: {  	s0 =	sadd.s32 @!p0 $0x100000, s0  }
0x601: {  	[sflag:s0] =	ssyncadd.tile.s32 @!p0 $0x1;
	_ =	shalt  }
.Lfunc_end2:
_tile_overlayer_lowered:
.L_overlay_start_2:
0x602: {  	(tag) =	ssettag $0x2  }
0x603: {  	s0 =	rddreg [dreg:$0x0];
	s2 =	stileid.u32  }
0x604: {  	s1 =	rddreg [dreg:$0x1];
	p0 =	sne.s32 s2, $0x0  }
0x605: {  	s3 =	rddreg [dreg:$0x2];
	[bflag:$0x3] =	sbarrier.arrive $0xFFFF;
	s2 =	simm.s32 @!p0 $0x1C03  }
0x606: {  	[timem:s3], [sflag:s2] =	dma.local @!p0 [hbm:s0], s1  }
0x607: {  	s0 =	simm.s32 @!p0 $0x3  }
0x608: {  	_ =	swait.ge @!p0 [sflag:s0], s1  }
0x609: {  	s1 =	ssub.s32 @!p0 $0x0, s1;
	[sflag:s0] =	ssyncset.done @!p0 $0x0  }
0x60a: {  	[sflag:s0] =	ssyncadd.s32 @!p0 s1  }
0x60b: {  	[bflag:$0x3] =	sbarrier.arrive $0xFFFF  }
0x60c: {  	_ =	shalt  }

</sc_bundles>
